<compile_context>
chip_gen: v7x
topology: tpu7x:2x2x1
jax: 0.10.2.dev20260603
libtpu: 0.0.44.dev20260713+nightly
codegen_flags: <defaults>
</compile_context>

<pallas_src>
import jax
import jax.numpy as jnp
from jax import lax
from jax.experimental import pallas as pl
from jax.experimental.pallas import tpu as pltpu
from jax.experimental.pallas import tpu_sc as plsc

B = 16384
NC, NS = 2, 16
NW = NC * NS
BPW = B // NW
GRP = 16
NG = BPW // GRP
CHUNK = 2048
NCHUNK = B // CHUNK
EPS = 1e-5


def _sc_user_body(t_user, i_user, o_user, ivu, gbu, ob32, sem):
    wid = lax.axis_index("s") * NC + lax.axis_index("c")
    base = wid * BPW
    i32 = jnp.int32
    pltpu.sync_copy(i_user.at[pl.ds(base, BPW)], ivu)

    def ugrp(g, carry):
        j0 = g * GRP
        v16 = ivu[pl.ds(j0, GRP)]
        c16 = lax.bitwise_and(v16, jnp.int32(-128))
        cps = []
        for k in range(GRP):
            c0 = pl.multiple_of(c16[k], 128)
            cps.append(pltpu.async_copy(
                t_user.at[pl.ds(0, 32), pl.ds(c0, 128)],
                gbu.at[pl.ds(0, 32), pl.ds(k * 128, 128)], sem))
        for cp in cps:
            cp.wait()
        sub16 = lax.bitwise_and(v16, 127)
        lane16 = lax.iota(i32, GRP) * 128 + sub16
        col16 = lax.iota(i32, GRP) + j0
        for f in range(32):
            f16 = jnp.full((GRP,), f, i32)
            vals = plsc.load_gather(gbu, [f16, lane16])
            plsc.store_scatter(ob32, [f16, col16], vals)
        return carry

    lax.fori_loop(0, NG, ugrp, 0)
    pltpu.sync_copy(ob32, o_user.at[pl.ds(0, 32), pl.ds(base, BPW)])


def _sc_packed_body(t_country, t_device, t_interest,
                    i_country, i_device, i_interest,
                    o_country, o_device, o_interest,
                    ivx, pv, gbi, ob32, ob16, semi):
    wid = lax.axis_index("s") * NC + lax.axis_index("c")
    base = wid * BPW
    i32 = jnp.int32

    def stage_packed(ih, shift):
        pltpu.sync_copy(ih.at[pl.ds(base, BPW)], ivx)
        for j in range(BPW // 16):
            pv[pl.ds(j * 16, 16)] = lax.shift_right_logical(
                ivx[pl.ds(j * 16, 16)], shift)

    def do_packed(tp, d, mask, ob, oh):
        cp = pltpu.async_copy(tp.at[pv], gbi, semi)
        cp.wait()

        def grp(g, carry):
            jr = g * GRP
            v16 = ivx[pl.ds(jr, GRP)]
            sub16 = lax.bitwise_and(v16, mask)
            row16 = lax.iota(i32, GRP) + jr
            col16 = lax.iota(i32, GRP) + jr
            for f in range(d):
                f16 = jnp.full((GRP,), f, i32)
                vals = plsc.load_gather(gbi, [row16, sub16 * d + f])
                plsc.store_scatter(ob, [f16, col16], vals)
            return carry

        lax.fori_loop(0, NG, grp, 0)
        pltpu.sync_copy(ob, oh.at[pl.ds(0, d), pl.ds(base, BPW)])

    stage_packed(i_interest, 2)
    do_packed(t_interest, 32, 3, ob32, o_interest)
    stage_packed(i_country, 3)
    do_packed(t_country, 16, 7, ob16, o_country)
    stage_packed(i_device, 3)
    do_packed(t_device, 16, 7, ob16, o_device)


def _sc_gather(tables, idxs):
    mesh = plsc.VectorSubcoreMesh(core_axis_name="c", subcore_axis_name="s")
    cp = pltpu.CompilerParams(needs_layout_passes=False)
    user_fn = pl.kernel(
        _sc_user_body,
        out_type=[jax.ShapeDtypeStruct((32, B), jnp.float32)],
        mesh=mesh,
        scratch_types=[pltpu.VMEM((BPW,), jnp.int32),
                       pltpu.VMEM((32, GRP * 128), jnp.float32),
                       pltpu.VMEM((32, BPW), jnp.float32),
                       pltpu.SemaphoreType.DMA],
        compiler_params=cp)
    packed_fn = pl.kernel(
        _sc_packed_body,
        out_type=[jax.ShapeDtypeStruct((16, B), jnp.float32),
                  jax.ShapeDtypeStruct((16, B), jnp.float32),
                  jax.ShapeDtypeStruct((32, B), jnp.float32)],
        mesh=mesh,
        scratch_types=[pltpu.VMEM((BPW,), jnp.int32),
                       pltpu.VMEM((BPW,), jnp.int32),
                       pltpu.VMEM((BPW, 128), jnp.float32),
                       pltpu.VMEM((32, BPW), jnp.float32),
                       pltpu.VMEM((16, BPW), jnp.float32),
                       pltpu.SemaphoreType.DMA],
        compiler_params=cp)
    (euT,) = user_fn(tables[0], idxs[0])
    ecT, edT, eiT = packed_fn(tables[1], tables[2], tables[3],
                              idxs[1], idxs[2], idxs[3])
    return euT, ecT, edT, eiT


def _mlp_body(euT, ecT, edT, eiT, nmT,
              W1r, b1r, g1r, bt1r, W2r, b2r, g2r, bt2r, W3r, b3r,
              out_ref, h1s, h2s, s1, q1, s2, q2):
    f32 = jnp.float32
    p = pl.program_id(0)
    c = pl.program_id(1)
    sl = pl.ds(c * CHUNK, CHUNK)
    dn = (((0,), (0,)), ((), ()))

    @pl.when(p == 0)
    def _phase0():
        h = (lax.dot_general(euT[...], W1r[0:32, :], dn,
                             preferred_element_type=f32)
             + lax.dot_general(ecT[...], W1r[32:48, :], dn,
                               preferred_element_type=f32)
             + lax.dot_general(edT[...], W1r[48:64, :], dn,
                               preferred_element_type=f32)
             + lax.dot_general(eiT[...], W1r[64:96, :], dn,
                               preferred_element_type=f32)
             + lax.dot_general(nmT[...], W1r[96:112, :], dn,
                               preferred_element_type=f32)
             + b1r[...])
        h = jnp.maximum(h, 0.0)
        h1s[sl, :] = h
        hs = jnp.sum(h, axis=0, keepdims=True)
        hq = jnp.sum(h * h, axis=0, keepdims=True)

        @pl.when(c == 0)
        def _():
            s1[...] = hs
            q1[...] = hq

        @pl.when(c != 0)
        def _():
            s1[...] += hs
            q1[...] += hq

    @pl.when(p == 1)
    def _phase1():
        m1 = s1[...] * (1.0 / B)
        v1 = jnp.maximum(q1[...] * (1.0 / B) - m1 * m1, 0.0)
        a1 = lax.rsqrt(v1 + EPS) * g1r[...]
        c1 = bt1r[...] - m1 * a1
        hn = h1s[sl, :] * a1 + c1
        h2 = jnp.maximum(jnp.dot(hn, W2r[...], preferred_element_type=f32)
                         + b2r[...], 0.0)
        h2s[sl, :] = h2
        hs = jnp.sum(h2, axis=0, keepdims=True)
        hq = jnp.sum(h2 * h2, axis=0, keepdims=True)

        @pl.when(c == 0)
        def _():
            s2[...] = hs
            q2[...] = hq

        @pl.when(c != 0)
        def _():
            s2[...] += hs
            q2[...] += hq

    @pl.when(p == 2)
    def _phase2():
        m2 = s2[...] * (1.0 / B)
        v2 = jnp.maximum(q2[...] * (1.0 / B) - m2 * m2, 0.0)
        a2 = lax.rsqrt(v2 + EPS) * g2r[...]
        c2 = bt2r[...] - m2 * a2
        hn = h2s[sl, :] * a2 + c2
        out_ref[...] = (lax.dot_general(W3r[...], hn, (((0,), (1,)), ((), ())),
                                        preferred_element_type=f32)
                        + b3r[...])


def _mlp_tc(euT, ecT, edT, eiT, nmT, W1, b1, g1, bt1, W2, b2, g2, bt2,
            W3, b3):
    def chunk_specT(d):
        return pl.BlockSpec((d, CHUNK),
                            lambda p, c: (0, jnp.where(p == 0, c, 0)))

    def full_spec(shape):
        return pl.BlockSpec(shape, lambda p, c: (0, 0))

    return pl.pallas_call(
        _mlp_body,
        grid=(3, NCHUNK),
        in_specs=[
            chunk_specT(32), chunk_specT(16), chunk_specT(16),
            chunk_specT(32), chunk_specT(16),
            full_spec((112, 256)), full_spec((1, 256)), full_spec((1, 256)),
            full_spec((1, 256)),
            full_spec((256, 128)), full_spec((1, 128)), full_spec((1, 128)),
            full_spec((1, 128)),
            full_spec((128, 64)), full_spec((64, 1)),
        ],
        out_specs=pl.BlockSpec((64, CHUNK),
                               lambda p, c: (0, jnp.where(p == 2, c, 0))),
        out_shape=jax.ShapeDtypeStruct((64, B), jnp.float32),
        scratch_shapes=[
            pltpu.VMEM((B, 256), jnp.float32),
            pltpu.VMEM((B, 128), jnp.float32),
            pltpu.VMEM((1, 256), jnp.float32),
            pltpu.VMEM((1, 256), jnp.float32),
            pltpu.VMEM((1, 128), jnp.float32),
            pltpu.VMEM((1, 128), jnp.float32),
        ],
    )(euT, ecT, edT, eiT, nmT, W1, b1, g1, bt1, W2, b2, g2, bt2, W3, b3)


def kernel(cat_user_id, cat_country, cat_device, cat_interest,
           numerical_inputs,
           T_user, T_country, T_device, T_interest,
           W1, b1, g1, bt1, W2, b2, g2, bt2, W3, b3):
    idxs = (cat_user_id[:, 0], cat_country[:, 0], cat_device[:, 0],
            cat_interest[:, 0])
    tables = (T_user.T, T_country.reshape(-1, 128),
              T_device.reshape(-1, 128), T_interest.reshape(-1, 128))
    euT, ecT, edT, eiT = _sc_gather(tables, idxs)
    outT = _mlp_tc(euT, ecT, edT, eiT, numerical_inputs.T,
                   W1, b1.reshape(1, 256), g1.reshape(1, 256),
                   bt1.reshape(1, 256), W2, b2.reshape(1, 128),
                   g2.reshape(1, 128), bt2.reshape(1, 128),
                   W3, b3.reshape(64, 1))
    return outT.T

# --- scband reference (transcript-rebuilt; emitter-appended) ---
"""Pipeline reference for scband-user-tower-89696097010071 (READ-ONLY COPY).

The authoritative reference and input builder live on the scoring server;
editing this copy changes nothing except your own understanding.
"""

import jax, jax.numpy as jnp
import numpy as np

B = 16384

def setup_inputs(seed: int = 0) -> dict:
    key = jax.random.key(seed)
    ks = jax.random.split(key, 24)
    inp = {}
    inp['cat_user_id'] = jax.random.randint(ks[0], (B, 1), 0, 1000000)
    inp['cat_country'] = jax.random.randint(ks[1], (B, 1), 0, 1000)
    inp['cat_device'] = jax.random.randint(ks[2], (B, 1), 0, 1000)
    inp['cat_interest'] = jax.random.randint(ks[3], (B, 1), 0, 100000)
    inp['numerical_inputs'] = jax.random.normal(ks[4], (B, 16), dtype=jnp.float32)
    # learned parameters
    inp['T_user'] = jax.random.normal(ks[5], (1000000, 32), dtype=jnp.float32) * 0.01
    inp['T_country'] = jax.random.normal(ks[6], (1000, 16), dtype=jnp.float32) * 0.01
    inp['T_device'] = jax.random.normal(ks[7], (1000, 16), dtype=jnp.float32) * 0.01
    inp['T_interest'] = jax.random.normal(ks[8], (100000, 32), dtype=jnp.float32) * 0.01
    d_in = 32 + 16 + 16 + 32 + 16  # 112
    inp['W1'] = jax.random.normal(ks[9], (d_in, 256), dtype=jnp.float32) * (1.0 / np.sqrt(d_in))
    inp['b1'] = jnp.zeros((256,), dtype=jnp.float32)
    inp['g1'] = jnp.ones((256,), dtype=jnp.float32)
    inp['bt1'] = jnp.zeros((256,), dtype=jnp.float32)
    inp['W2'] = jax.random.normal(ks[10], (256, 128), dtype=jnp.float32) * (1.0 / np.sqrt(256))
    inp['b2'] = jnp.zeros((128,), dtype=jnp.float32)
    inp['g2'] = jnp.ones((128,), dtype=jnp.float32)
    inp['bt2'] = jnp.zeros((128,), dtype=jnp.float32)
    inp['W3'] = jax.random.normal(ks[11], (128, 64), dtype=jnp.float32) * (1.0 / np.sqrt(128))
    inp['b3'] = jnp.zeros((64,), dtype=jnp.float32)
    return inp

def _batchnorm(h, g, b, eps=1e-5):
    m = jnp.mean(h, axis=0, keepdims=True)
    v = jnp.var(h, axis=0, keepdims=True)
    return (h - m) / jnp.sqrt(v + eps) * g + b

def reference(cat_user_id, cat_country, cat_device, cat_interest, numerical_inputs,
              T_user, T_country, T_device, T_interest,
              W1, b1, g1, bt1, W2, b2, g2, bt2, W3, b3):
    e_user = jnp.take(T_user, cat_user_id[:, 0], axis=0)
    e_country = jnp.take(T_country, cat_country[:, 0], axis=0)
    e_device = jnp.take(T_device, cat_device[:, 0], axis=0)
    e_interest = jnp.take(T_interest, cat_interest[:, 0], axis=0)
    x = jnp.concatenate([e_user, e_country, e_device, e_interest, numerical_inputs], axis=1)
    h = x @ W1 + b1
    h = jax.nn.relu(h)
    h = _batchnorm(h, g1, bt1)
    h = h @ W2 + b2
    h = jax.nn.relu(h)
    h = _batchnorm(h, g2, bt2)
    out = h @ W3 + b3
    return out

if __name__ == "__main__":
    import jax
    _d = setup_inputs()
    print(jax.jit(kernel)(*tuple(_d.values())))

</pallas_src>

<mosaic_0001>
#map = affine_map<(d0, d1) -> (0, 0)>
#map1 = affine_map<(d0, d1) -> (0)>
module attributes {stable_mosaic.version = 14 : i64} {
  func.func @_sc_user_body(%arg0: i32, %arg1: i32, %arg2: memref<32x1000000xf32, #tpu.memory_space<hbm>>, %arg3: memref<16384xi32, #tpu.memory_space<hbm>>, %arg4: memref<32x16384xf32, #tpu.memory_space<hbm>>, %arg5: memref<512xi32, #tpu.memory_space<vmem>>, %arg6: memref<32x2048xf32, #tpu.memory_space<vmem>>, %arg7: memref<32x512xf32, #tpu.memory_space<vmem>>, %arg8: memref<!tpu.dma_semaphore, #tpu.memory_space<semaphore_mem>>) attributes {dimension_semantics = [#tpu.dimension_semantics<core_parallel>, #tpu.dimension_semantics<subcore_parallel>], iteration_bounds = array<i64: 2, 16>, scalar_prefetch = 0 : i64, scratch_operands = 4 : i64, tpu.core_type = #tpu.core_type<sc_vector_subcore>, window_params = [{transform_indices = #map}, {transform_indices = #map1}, {transform_indices = #map}]} {
    %mul3A = arith.constant 2 : i32
    %mul3A_0 = arith.muli %arg1, %mul3A : i32
    %add3A = arith.addi %mul3A_0, %arg0 : i32
    %mul3A_1 = arith.constant 512 : i32
    %mul3A_2 = arith.muli %add3A, %mul3A_1 : i32
    "tpu.region"() ({
      %run_scoped3A = tpu.sem_alloc : memref<!tpu.dma_semaphore, #tpu.memory_space<semaphore_mem>>
      %dma_start3A = tpu.memref_slice %arg3[%mul3A_2] : memref<16384xi32, #tpu.memory_space<hbm>> -> memref<512xi32, #tpu.memory_space<hbm>>
      %dma_start3A_8 = tpu.memref_slice %arg3[%mul3A_2] : memref<16384xi32, #tpu.memory_space<hbm>> -> memref<512xi32, #tpu.memory_space<hbm>>
      tpu.enqueue_dma source(%dma_start3A_8 : memref<512xi32, #tpu.memory_space<hbm>>) target(%arg5 : memref<512xi32, #tpu.memory_space<vmem>>) target_semaphore(%run_scoped3A : memref<!tpu.dma_semaphore, #tpu.memory_space<semaphore_mem>>)
      %dma_wait3A = tpu.memref_slice %arg3[%mul3A_2] : memref<16384xi32, #tpu.memory_space<hbm>> -> memref<512xi32, #tpu.memory_space<hbm>>
      %dma_wait3A_9 = tpu.memref_slice %arg3[%mul3A_2] : memref<16384xi32, #tpu.memory_space<hbm>> -> memref<512xi32, #tpu.memory_space<hbm>>
      tpu.wait_dma2 semaphore(%run_scoped3A : memref<!tpu.dma_semaphore, #tpu.memory_space<semaphore_mem>>) src(%dma_wait3A_9 : memref<512xi32, #tpu.memory_space<hbm>>) dst(%arg5 : memref<512xi32, #tpu.memory_space<vmem>>)
      tpu.yield
    }) : () -> ()
    %scan3A = arith.constant 0 : i32
    %scan3A_3 = arith.constant 0 : i32
    %scan3A_4 = arith.constant 32 : i32
    %scan3A_5 = arith.addi %scan3A_3, %scan3A_4 : i32
    %scan3A_6 = arith.constant 1 : i32
    scf.for %scan3A_8 = %scan3A_3 to %scan3A_5 step %scan3A_6  : i32 {
      %mul3A_9 = arith.constant 16 : i32
      %mul3A_10 = arith.muli %scan3A_8, %mul3A_9 : i32
      %get3A = arith.index_cast %mul3A_10 : i32 to index
      %get3A_11 = tpu.vector_load %arg5[%get3A] {strides = array<i32>} : memref<512xi32, #tpu.memory_space<vmem>>, vector<16xi32>,
      %and3A = arith.constant -128 : i32
      %and3A_12 = vector.broadcast %and3A : i32 to vector<16xi32>
      %and3A_13 = arith.andi %get3A_11, %and3A_12 : vector<16xi32>
      %slice3A = vector.extract_strided_slice %and3A_13 {offsets = [0], sizes = [1], strides = [1]} : vector<16xi32> to vector<1xi32>
      %squeeze3A = vector.extract %slice3A[0] : i32 from vector<1xi32>
      %multiple_of3A = tpu.assume_multiple %squeeze3A, 128 : i32
      %dma_start3A = arith.constant 0 : i32
      %dma_start3A_14 = arith.constant 0 : i32
      %dma_start3A_15 = tpu.memref_slice %arg6[%dma_start3A, %dma_start3A_14] : memref<32x2048xf32, #tpu.memory_space<vmem>> -> memref<32x128xf32, #tpu.memory_space<vmem>>
      %dma_start3A_16 = arith.constant 0 : i32
      %dma_start3A_17 = tpu.memref_slice %arg2[%dma_start3A_16, %multiple_of3A] : memref<32x1000000xf32, #tpu.memory_space<hbm>> -> memref<32x128xf32, #tpu.memory_space<hbm>>
      %dma_start3A_18 = arith.constant 0 : i32
      %dma_start3A_19 = arith.constant 0 : i32
      %dma_start3A_20 = tpu.memref_slice %arg6[%dma_start3A_18, %dma_start3A_19] : memref<32x2048xf32, #tpu.memory_space<vmem>> -> memref<32x128xf32, #tpu.memory_space<vmem>>
      %dma_start3A_21 = arith.constant 0 : i32
      %dma_start3A_22 = tpu.memref_slice %arg2[%dma_start3A_21, %multiple_of3A] : memref<32x1000000xf32, #tpu.memory_space<hbm>> -> memref<32x128xf32, #tpu.memory_space<hbm>>
      tpu.enqueue_dma source(%dma_start3A_22 : memref<32x128xf32, #tpu.memory_space<hbm>>) target(%dma_start3A_20 : memref<32x128xf32, #tpu.memory_space<vmem>>) target_semaphore(%arg8 : memref<!tpu.dma_semaphore, #tpu.memory_space<semaphore_mem>>)
      %slice3A_23 = vector.extract_strided_slice %and3A_13 {offsets = [1], sizes = [1], strides = [1]} : vector<16xi32> to vector<1xi32>
      %squeeze3A_24 = vector.extract %slice3A_23[0] : i32 from vector<1xi32>
      %multiple_of3A_25 = tpu.assume_multiple %squeeze3A_24, 128 : i32
      %dma_start3A_26 = arith.constant 0 : i32
      %dma_start3A_27 = arith.constant 128 : i32
      %dma_start3A_28 = tpu.memref_slice %arg6[%dma_start3A_26, %dma_start3A_27] : memref<32x2048xf32, #tpu.memory_space<vmem>> -> memref<32x128xf32, #tpu.memory_space<vmem>>
      %dma_start3A_29 = arith.constant 0 : i32
      %dma_start3A_30 = tpu.memref_slice %arg2[%dma_start3A_29, %multiple_of3A_25] : memref<32x1000000xf32, #tpu.memory_space<hbm>> -> memref<32x128xf32, #tpu.memory_space<hbm>>
      %dma_start3A_31 = arith.constant 0 : i32
      %dma_start3A_32 = arith.constant 128 : i32
      %dma_start3A_33 = tpu.memref_slice %arg6[%dma_start3A_31, %dma_start3A_32] : memref<32x2048xf32, #tpu.memory_space<vmem>> -> memref<32x128xf32, #tpu.memory_space<vmem>>
      %dma_start3A_34 = arith.constant 0 : i32
      %dma_start3A_35 = tpu.memref_slice %arg2[%dma_start3A_34, %multiple_of3A_25] : memref<32x1000000xf32, #tpu.memory_space<hbm>> -> memref<32x128xf32, #tpu.memory_space<hbm>>
      tpu.enqueue_dma source(%dma_start3A_35 : memref<32x128xf32, #tpu.memory_space<hbm>>) target(%dma_start3A_33 : memref<32x128xf32, #tpu.memory_space<vmem>>) target_semaphore(%arg8 : memref<!tpu.dma_semaphore, #tpu.memory_space<semaphore_mem>>)
      %slice3A_36 = vector.extract_strided_slice %and3A_13 {offsets = [2], sizes = [1], strides = [1]} : vector<16xi32> to vector<1xi32>
      %squeeze3A_37 = vector.extract %slice3A_36[0] : i32 from vector<1xi32>
      %multiple_of3A_38 = tpu.assume_multiple %squeeze3A_37, 128 : i32
      %dma_start3A_39 = arith.constant 0 : i32
      %dma_start3A_40 = arith.constant 256 : i32
      %dma_start3A_41 = tpu.memref_slice %arg6[%dma_start3A_39, %dma_start3A_40] : memref<32x2048xf32, #tpu.memory_space<vmem>> -> memref<32x128xf32, #tpu.memory_space<vmem>>
      %dma_start3A_42 = arith.constant 0 : i32
      %dma_start3A_43 = tpu.memref_slice %arg2[%dma_start3A_42, %multiple_of3A_38] : memref<32x1000000xf32, #tpu.memory_space<hbm>> -> memref<32x128xf32, #tpu.memory_space<hbm>>
      %dma_start3A_44 = arith.constant 0 : i32
      %dma_start3A_45 = arith.constant 256 : i32
      %dma_start3A_46 = tpu.memref_slice %arg6[%dma_start3A_44, %dma_start3A_45] : memref<32x2048xf32, #tpu.memory_space<vmem>> -> memref<32x128xf32, #tpu.memory_space<vmem>>
      %dma_start3A_47 = arith.constant 0 : i32
      %dma_start3A_48 = tpu.memref_slice %arg2[%dma_start3A_47, %multiple_of3A_38] : memref<32x1000000xf32, #tpu.memory_space<hbm>> -> memref<32x128xf32, #tpu.memory_space<hbm>>
      tpu.enqueue_dma source(%dma_start3A_48 : memref<32x128xf32, #tpu.memory_space<hbm>>) target(%dma_start3A_46 : memref<32x128xf32, #tpu.memory_space<vmem>>) target_semaphore(%arg8 : memref<!tpu.dma_semaphore, #tpu.memory_space<semaphore_mem>>)
      %slice3A_49 = vector.extract_strided_slice %and3A_13 {offsets = [3], sizes = [1], strides = [1]} : vector<16xi32> to vector<1xi32>
      %squeeze3A_50 = vector.extract %slice3A_49[0] : i32 from vector<1xi32>
      %multiple_of3A_51 = tpu.assume_multiple %squeeze3A_50, 128 : i32
      %dma_start3A_52 = arith.constant 0 : i32
      %dma_start3A_53 = arith.constant 384 : i32
      %dma_start3A_54 = tpu.memref_slice %arg6[%dma_start3A_52, %dma_start3A_53] : memref<32x2048xf32, #tpu.memory_space<vmem>> -> memref<32x128xf32, #tpu.memory_space<vmem>>
      %dma_start3A_55 = arith.constant 0 : i32
      %dma_start3A_56 = tpu.memref_slice %arg2[%dma_start3A_55, %multiple_of3A_51] : memref<32x1000000xf32, #tpu.memory_space<hbm>> -> memref<32x128xf32, #tpu.memory_space<hbm>>
      %dma_start3A_57 = arith.constant 0 : i32
      %dma_start3A_58 = arith.constant 384 : i32
      %dma_start3A_59 = tpu.memref_slice %arg6[%dma_start3A_57, %dma_start3A_58] : memref<32x2048xf32, #tpu.memory_space<vmem>> -> memref<32x128xf32, #tpu.memory_space<vmem>>
      %dma_start3A_60 = arith.constant 0 : i32
      %dma_start3A_61 = tpu.memref_slice %arg2[%dma_start3A_60, %multiple_of3A_51] : memref<32x1000000xf32, #tpu.memory_space<hbm>> -> memref<32x128xf32, #tpu.memory_space<hbm>>
      tpu.enqueue_dma source(%dma_start3A_61 : memref<32x128xf32, #tpu.memory_space<hbm>>) target(%dma_start3A_59 : memref<32x128xf32, #tpu.memory_space<vmem>>) target_semaphore(%arg8 : memref<!tpu.dma_semaphore, #tpu.memory_space<semaphore_mem>>)
      %slice3A_62 = vector.extract_strided_slice %and3A_13 {offsets = [4], sizes = [1], strides = [1]} : vector<16xi32> to vector<1xi32>
      %squeeze3A_63 = vector.extract %slice3A_62[0] : i32 from vector<1xi32>
      %multiple_of3A_64 = tpu.assume_multiple %squeeze3A_63, 128 : i32
      %dma_start3A_65 = arith.constant 0 : i32
      %dma_start3A_66 = arith.constant 512 : i32
      %dma_start3A_67 = tpu.memref_slice %arg6[%dma_start3A_65, %dma_start3A_66] : memref<32x2048xf32, #tpu.memory_space<vmem>> -> memref<32x128xf32, #tpu.memory_space<vmem>>
      %dma_start3A_68 = arith.constant 0 : i32
      %dma_start3A_69 = tpu.memref_slice %arg2[%dma_start3A_68, %multiple_of3A_64] : memref<32x1000000xf32, #tpu.memory_space<hbm>> -> memref<32x128xf32, #tpu.memory_space<hbm>>
      %dma_start3A_70 = arith.constant 0 : i32
      %dma_start3A_71 = arith.constant 512 : i32
      %dma_start3A_72 = tpu.memref_slice %arg6[%dma_start3A_70, %dma_start3A_71] : memref<32x2048xf32, #tpu.memory_space<vmem>> -> memref<32x128xf32, #tpu.memory_space<vmem>>
      %dma_start3A_73 = arith.constant 0 : i32
      %dma_start3A_74 = tpu.memref_slice %arg2[%dma_start3A_73, %multiple_of3A_64] : memref<32x1000000xf32, #tpu.memory_space<hbm>> -> memref<32x128xf32, #tpu.memory_space<hbm>>
      tpu.enqueue_dma source(%dma_start3A_74 : memref<32x128xf32, #tpu.memory_space<hbm>>) target(%dma_start3A_72 : memref<32x128xf32, #tpu.memory_space<vmem>>) target_semaphore(%arg8 : memref<!tpu.dma_semaphore, #tpu.memory_space<semaphore_mem>>)
      %slice3A_75 = vector.extract_strided_slice %and3A_13 {offsets = [5], sizes = [1], strides = [1]} : vector<16xi32> to vector<1xi32>
      %squeeze3A_76 = vector.extract %slice3A_75[0] : i32 from vector<1xi32>
      %multiple_of3A_77 = tpu.assume_multiple %squeeze3A_76, 128 : i32
      %dma_start3A_78 = arith.constant 0 : i32
      %dma_start3A_79 = arith.constant 640 : i32
      %dma_start3A_80 = tpu.memref_slice %arg6[%dma_start3A_78, %dma_start3A_79] : memref<32x2048xf32, #tpu.memory_space<vmem>> -> memref<32x128xf32, #tpu.memory_space<vmem>>
      %dma_start3A_81 = arith.constant 0 : i32
      %dma_start3A_82 = tpu.memref_slice %arg2[%dma_start3A_81, %multiple_of3A_77] : memref<32x1000000xf32, #tpu.memory_space<hbm>> -> memref<32x128xf32, #tpu.memory_space<hbm>>
      %dma_start3A_83 = arith.constant 0 : i32
      %dma_start3A_84 = arith.constant 640 : i32
      %dma_start3A_85 = tpu.memref_slice %arg6[%dma_start3A_83, %dma_start3A_84] : memref<32x2048xf32, #tpu.memory_space<vmem>> -> memref<32x128xf32, #tpu.memory_space<vmem>>
      %dma_start3A_86 = arith.constant 0 : i32
      %dma_start3A_87 = tpu.memref_slice %arg2[%dma_start3A_86, %multiple_of3A_77] : memref<32x1000000xf32, #tpu.memory_space<hbm>> -> memref<32x128xf32, #tpu.memory_space<hbm>>
      tpu.enqueue_dma source(%dma_start3A_87 : memref<32x128xf32, #tpu.memory_space<hbm>>) target(%dma_start3A_85 : memref<32x128xf32, #tpu.memory_space<vmem>>) target_semaphore(%arg8 : memref<!tpu.dma_semaphore, #tpu.memory_space<semaphore_mem>>)
      %slice3A_88 = vector.extract_strided_slice %and3A_13 {offsets = [6], sizes = [1], strides = [1]} : vector<16xi32> to vector<1xi32>
      %squeeze3A_89 = vector.extract %slice3A_88[0] : i32 from vector<1xi32>
      %multiple_of3A_90 = tpu.assume_multiple %squeeze3A_89, 128 : i32
      %dma_start3A_91 = arith.constant 0 : i32
      %dma_start3A_92 = arith.constant 768 : i32
      %dma_start3A_93 = tpu.memref_slice %arg6[%dma_start3A_91, %dma_start3A_92] : memref<32x2048xf32, #tpu.memory_space<vmem>> -> memref<32x128xf32, #tpu.memory_space<vmem>>
      %dma_start3A_94 = arith.constant 0 : i32
      %dma_start3A_95 = tpu.memref_slice %arg2[%dma_start3A_94, %multiple_of3A_90] : memref<32x1000000xf32, #tpu.memory_space<hbm>> -> memref<32x128xf32, #tpu.memory_space<hbm>>
      %dma_start3A_96 = arith.constant 0 : i32
      %dma_start3A_97 = arith.constant 768 : i32
      %dma_start3A_98 = tpu.memref_slice %arg6[%dma_start3A_96, %dma_start3A_97] : memref<32x2048xf32, #tpu.memory_space<vmem>> -> memref<32x128xf32, #tpu.memory_space<vmem>>
      %dma_start3A_99 = arith.constant 0 : i32
      %dma_start3A_100 = tpu.memref_slice %arg2[%dma_start3A_99, %multiple_of3A_90] : memref<32x1000000xf32, #tpu.memory_space<hbm>> -> memref<32x128xf32, #tpu.memory_space<hbm>>
      tpu.enqueue_dma source(%dma_start3A_100 : memref<32x128xf32, #tpu.memory_space<hbm>>) target(%dma_start3A_98 : memref<32x128xf32, #tpu.memory_space<vmem>>) target_semaphore(%arg8 : memref<!tpu.dma_semaphore, #tpu.memory_space<semaphore_mem>>)
      %slice3A_101 = vector.extract_strided_slice %and3A_13 {offsets = [7], sizes = [1], strides = [1]} : vector<16xi32> to vector<1xi32>
      %squeeze3A_102 = vector.extract %slice3A_101[0] : i32 from vector<1xi32>
      %multiple_of3A_103 = tpu.assume_multiple %squeeze3A_102, 128 : i32
      %dma_start3A_104 = arith.constant 0 : i32
      %dma_start3A_105 = arith.constant 896 : i32
      %dma_start3A_106 = tpu.memref_slice %arg6[%dma_start3A_104, %dma_start3A_105] : memref<32x2048xf32, #tpu.memory_space<vmem>> -> memref<32x128xf32, #tpu.memory_space<vmem>>
      %dma_start3A_107 = arith.constant 0 : i32
      %dma_start3A_108 = tpu.memref_slice %arg2[%dma_start3A_107, %multiple_of3A_103] : memref<32x1000000xf32, #tpu.memory_space<hbm>> -> memref<32x128xf32, #tpu.memory_space<hbm>>
      %dma_start3A_109 = arith.constant 0 : i32
      %dma_start3A_110 = arith.constant 896 : i32
      %dma_start3A_111 = tpu.memref_slice %arg6[%dma_start3A_109, %dma_start3A_110] : memref<32x2048xf32, #tpu.memory_space<vmem>> -> memref<32x128xf32, #tpu.memory_space<vmem>>
      %dma_start3A_112 = arith.constant 0 : i32
      %dma_start3A_113 = tpu.memref_slice %arg2[%dma_start3A_112, %multiple_of3A_103] : memref<32x1000000xf32, #tpu.memory_space<hbm>> -> memref<32x128xf32, #tpu.memory_space<hbm>>
      tpu.enqueue_dma source(%dma_start3A_113 : memref<32x128xf32, #tpu.memory_space<hbm>>) target(%dma_start3A_111 : memref<32x128xf32, #tpu.memory_space<vmem>>) target_semaphore(%arg8 : memref<!tpu.dma_semaphore, #tpu.memory_space<semaphore_mem>>)
      %slice3A_114 = vector.extract_strided_slice %and3A_13 {offsets = [8], sizes = [1], strides = [1]} : vector<16xi32> to vector<1xi32>
      %squeeze3A_115 = vector.extract %slice3A_114[0] : i32 from vector<1xi32>
      %multiple_of3A_116 = tpu.assume_multiple %squeeze3A_115, 128 : i32
      %dma_start3A_117 = arith.constant 0 : i32
      %dma_start3A_118 = arith.constant 1024 : i32
      %dma_start3A_119 = tpu.memref_slice %arg6[%dma_start3A_117, %dma_start3A_118] : memref<32x2048xf32, #tpu.memory_space<vmem>> -> memref<32x128xf32, #tpu.memory_space<vmem>>
      %dma_start3A_120 = arith.constant 0 : i32
      %dma_start3A_121 = tpu.memref_slice %arg2[%dma_start3A_120, %multiple_of3A_116] : memref<32x1000000xf32, #tpu.memory_space<hbm>> -> memref<32x128xf32, #tpu.memory_space<hbm>>
      %dma_start3A_122 = arith.constant 0 : i32
      %dma_start3A_123 = arith.constant 1024 : i32
      %dma_start3A_124 = tpu.memref_slice %arg6[%dma_start3A_122, %dma_start3A_123] : memref<32x2048xf32, #tpu.memory_space<vmem>> -> memref<32x128xf32, #tpu.memory_space<vmem>>
      %dma_start3A_125 = arith.constant 0 : i32
      %dma_start3A_126 = tpu.memref_slice %arg2[%dma_start3A_125, %multiple_of3A_116] : memref<32x1000000xf32, #tpu.memory_space<hbm>> -> memref<32x128xf32, #tpu.memory_space<hbm>>
      tpu.enqueue_dma source(%dma_start3A_126 : memref<32x128xf32, #tpu.memory_space<hbm>>) target(%dma_start3A_124 : memref<32x128xf32, #tpu.memory_space<vmem>>) target_semaphore(%arg8 : memref<!tpu.dma_semaphore, #tpu.memory_space<semaphore_mem>>)
      %slice3A_127 = vector.extract_strided_slice %and3A_13 {offsets = [9], sizes = [1], strides = [1]} : vector<16xi32> to vector<1xi32>
      %squeeze3A_128 = vector.extract %slice3A_127[0] : i32 from vector<1xi32>
      %multiple_of3A_129 = tpu.assume_multiple %squeeze3A_128, 128 : i32
      %dma_start3A_130 = arith.constant 0 : i32
      %dma_start3A_131 = arith.constant 1152 : i32
      %dma_start3A_132 = tpu.memref_slice %arg6[%dma_start3A_130, %dma_start3A_131] : memref<32x2048xf32, #tpu.memory_space<vmem>> -> memref<32x128xf32, #tpu.memory_space<vmem>>
      %dma_start3A_133 = arith.constant 0 : i32
      %dma_start3A_134 = tpu.memref_slice %arg2[%dma_start3A_133, %multiple_of3A_129] : memref<32x1000000xf32, #tpu.memory_space<hbm>> -> memref<32x128xf32, #tpu.memory_space<hbm>>
      %dma_start3A_135 = arith.constant 0 : i32
      %dma_start3A_136 = arith.constant 1152 : i32
      %dma_start3A_137 = tpu.memref_slice %arg6[%dma_start3A_135, %dma_start3A_136] : memref<32x2048xf32, #tpu.memory_space<vmem>> -> memref<32x128xf32, #tpu.memory_space<vmem>>
      %dma_start3A_138 = arith.constant 0 : i32
      %dma_start3A_139 = tpu.memref_slice %arg2[%dma_start3A_138, %multiple_of3A_129] : memref<32x1000000xf32, #tpu.memory_space<hbm>> -> memref<32x128xf32, #tpu.memory_space<hbm>>
      tpu.enqueue_dma source(%dma_start3A_139 : memref<32x128xf32, #tpu.memory_space<hbm>>) target(%dma_start3A_137 : memref<32x128xf32, #tpu.memory_space<vmem>>) target_semaphore(%arg8 : memref<!tpu.dma_semaphore, #tpu.memory_space<semaphore_mem>>)
      %slice3A_140 = vector.extract_strided_slice %and3A_13 {offsets = [10], sizes = [1], strides = [1]} : vector<16xi32> to vector<1xi32>
      %squeeze3A_141 = vector.extract %slice3A_140[0] : i32 from vector<1xi32>
      %multiple_of3A_142 = tpu.assume_multiple %squeeze3A_141, 128 : i32
      %dma_start3A_143 = arith.constant 0 : i32
      %dma_start3A_144 = arith.constant 1280 : i32
      %dma_start3A_145 = tpu.memref_slice %arg6[%dma_start3A_143, %dma_start3A_144] : memref<32x2048xf32, #tpu.memory_space<vmem>> -> memref<32x128xf32, #tpu.memory_space<vmem>>
      %dma_start3A_146 = arith.constant 0 : i32
      %dma_start3A_147 = tpu.memref_slice %arg2[%dma_start3A_146, %multiple_of3A_142] : memref<32x1000000xf32, #tpu.memory_space<hbm>> -> memref<32x128xf32, #tpu.memory_space<hbm>>
      %dma_start3A_148 = arith.constant 0 : i32
      %dma_start3A_149 = arith.constant 1280 : i32
      %dma_start3A_150 = tpu.memref_slice %arg6[%dma_start3A_148, %dma_start3A_149] : memref<32x2048xf32, #tpu.memory_space<vmem>> -> memref<32x128xf32, #tpu.memory_space<vmem>>
      %dma_start3A_151 = arith.constant 0 : i32
      %dma_start3A_152 = tpu.memref_slice %arg2[%dma_start3A_151, %multiple_of3A_142] : memref<32x1000000xf32, #tpu.memory_space<hbm>> -> memref<32x128xf32, #tpu.memory_space<hbm>>
      tpu.enqueue_dma source(%dma_start3A_152 : memref<32x128xf32, #tpu.memory_space<hbm>>) target(%dma_start3A_150 : memref<32x128xf32, #tpu.memory_space<vmem>>) target_semaphore(%arg8 : memref<!tpu.dma_semaphore, #tpu.memory_space<semaphore_mem>>)
      %slice3A_153 = vector.extract_strided_slice %and3A_13 {offsets = [11], sizes = [1], strides = [1]} : vector<16xi32> to vector<1xi32>
      %squeeze3A_154 = vector.extract %slice3A_153[0] : i32 from vector<1xi32>
      %multiple_of3A_155 = tpu.assume_multiple %squeeze3A_154, 128 : i32
      %dma_start3A_156 = arith.constant 0 : i32
      %dma_start3A_157 = arith.constant 1408 : i32
      %dma_start3A_158 = tpu.memref_slice %arg6[%dma_start3A_156, %dma_start3A_157] : memref<32x2048xf32, #tpu.memory_space<vmem>> -> memref<32x128xf32, #tpu.memory_space<vmem>>
      %dma_start3A_159 = arith.constant 0 : i32
      %dma_start3A_160 = tpu.memref_slice %arg2[%dma_start3A_159, %multiple_of3A_155] : memref<32x1000000xf32, #tpu.memory_space<hbm>> -> memref<32x128xf32, #tpu.memory_space<hbm>>
      %dma_start3A_161 = arith.constant 0 : i32
      %dma_start3A_162 = arith.constant 1408 : i32
      %dma_start3A_163 = tpu.memref_slice %arg6[%dma_start3A_161, %dma_start3A_162] : memref<32x2048xf32, #tpu.memory_space<vmem>> -> memref<32x128xf32, #tpu.memory_space<vmem>>
      %dma_start3A_164 = arith.constant 0 : i32
      %dma_start3A_165 = tpu.memref_slice %arg2[%dma_start3A_164, %multiple_of3A_155] : memref<32x1000000xf32, #tpu.memory_space<hbm>> -> memref<32x128xf32, #tpu.memory_space<hbm>>
      tpu.enqueue_dma source(%dma_start3A_165 : memref<32x128xf32, #tpu.memory_space<hbm>>) target(%dma_start3A_163 : memref<32x128xf32, #tpu.memory_space<vmem>>) target_semaphore(%arg8 : memref<!tpu.dma_semaphore, #tpu.memory_space<semaphore_mem>>)
      %slice3A_166 = vector.extract_strided_slice %and3A_13 {offsets = [12], sizes = [1], strides = [1]} : vector<16xi32> to vector<1xi32>
      %squeeze3A_167 = vector.extract %slice3A_166[0] : i32 from vector<1xi32>
      %multiple_of3A_168 = tpu.assume_multiple %squeeze3A_167, 128 : i32
      %dma_start3A_169 = arith.constant 0 : i32
      %dma_start3A_170 = arith.constant 1536 : i32
      %dma_start3A_171 = tpu.memref_slice %arg6[%dma_start3A_169, %dma_start3A_170] : memref<32x2048xf32, #tpu.memory_space<vmem>> -> memref<32x128xf32, #tpu.memory_space<vmem>>
      %dma_start3A_172 = arith.constant 0 : i32
      %dma_start3A_173 = tpu.memref_slice %arg2[%dma_start3A_172, %multiple_of3A_168] : memref<32x1000000xf32, #tpu.memory_space<hbm>> -> memref<32x128xf32, #tpu.memory_space<hbm>>
      %dma_start3A_174 = arith.constant 0 : i32
      %dma_start3A_175 = arith.constant 1536 : i32
      %dma_start3A_176 = tpu.memref_slice %arg6[%dma_start3A_174, %dma_start3A_175] : memref<32x2048xf32, #tpu.memory_space<vmem>> -> memref<32x128xf32, #tpu.memory_space<vmem>>
      %dma_start3A_177 = arith.constant 0 : i32
      %dma_start3A_178 = tpu.memref_slice %arg2[%dma_start3A_177, %multiple_of3A_168] : memref<32x1000000xf32, #tpu.memory_space<hbm>> -> memref<32x128xf32, #tpu.memory_space<hbm>>
      tpu.enqueue_dma source(%dma_start3A_178 : memref<32x128xf32, #tpu.memory_space<hbm>>) target(%dma_start3A_176 : memref<32x128xf32, #tpu.memory_space<vmem>>) target_semaphore(%arg8 : memref<!tpu.dma_semaphore, #tpu.memory_space<semaphore_mem>>)
      %slice3A_179 = vector.extract_strided_slice %and3A_13 {offsets = [13], sizes = [1], strides = [1]} : vector<16xi32> to vector<1xi32>
      %squeeze3A_180 = vector.extract %slice3A_179[0] : i32 from vector<1xi32>
      %multiple_of3A_181 = tpu.assume_multiple %squeeze3A_180, 128 : i32
      %dma_start3A_182 = arith.constant 0 : i32
      %dma_start3A_183 = arith.constant 1664 : i32
      %dma_start3A_184 = tpu.memref_slice %arg6[%dma_start3A_182, %dma_start3A_183] : memref<32x2048xf32, #tpu.memory_space<vmem>> -> memref<32x128xf32, #tpu.memory_space<vmem>>
      %dma_start3A_185 = arith.constant 0 : i32
      %dma_start3A_186 = tpu.memref_slice %arg2[%dma_start3A_185, %multiple_of3A_181] : memref<32x1000000xf32, #tpu.memory_space<hbm>> -> memref<32x128xf32, #tpu.memory_space<hbm>>
      %dma_start3A_187 = arith.constant 0 : i32
      %dma_start3A_188 = arith.constant 1664 : i32
      %dma_start3A_189 = tpu.memref_slice %arg6[%dma_start3A_187, %dma_start3A_188] : memref<32x2048xf32, #tpu.memory_space<vmem>> -> memref<32x128xf32, #tpu.memory_space<vmem>>
      %dma_start3A_190 = arith.constant 0 : i32
      %dma_start3A_191 = tpu.memref_slice %arg2[%dma_start3A_190, %multiple_of3A_181] : memref<32x1000000xf32, #tpu.memory_space<hbm>> -> memref<32x128xf32, #tpu.memory_space<hbm>>
      tpu.enqueue_dma source(%dma_start3A_191 : memref<32x128xf32, #tpu.memory_space<hbm>>) target(%dma_start3A_189 : memref<32x128xf32, #tpu.memory_space<vmem>>) target_semaphore(%arg8 : memref<!tpu.dma_semaphore, #tpu.memory_space<semaphore_mem>>)
      %slice3A_192 = vector.extract_strided_slice %and3A_13 {offsets = [14], sizes = [1], strides = [1]} : vector<16xi32> to vector<1xi32>
      %squeeze3A_193 = vector.extract %slice3A_192[0] : i32 from vector<1xi32>
      %multiple_of3A_194 = tpu.assume_multiple %squeeze3A_193, 128 : i32
      %dma_start3A_195 = arith.constant 0 : i32
      %dma_start3A_196 = arith.constant 1792 : i32
      %dma_start3A_197 = tpu.memref_slice %arg6[%dma_start3A_195, %dma_start3A_196] : memref<32x2048xf32, #tpu.memory_space<vmem>> -> memref<32x128xf32, #tpu.memory_space<vmem>>
      %dma_start3A_198 = arith.constant 0 : i32
      %dma_start3A_199 = tpu.memref_slice %arg2[%dma_start3A_198, %multiple_of3A_194] : memref<32x1000000xf32, #tpu.memory_space<hbm>> -> memref<32x128xf32, #tpu.memory_space<hbm>>
      %dma_start3A_200 = arith.constant 0 : i32
      %dma_start3A_201 = arith.constant 1792 : i32
      %dma_start3A_202 = tpu.memref_slice %arg6[%dma_start3A_200, %dma_start3A_201] : memref<32x2048xf32, #tpu.memory_space<vmem>> -> memref<32x128xf32, #tpu.memory_space<vmem>>
      %dma_start3A_203 = arith.constant 0 : i32
      %dma_start3A_204 = tpu.memref_slice %arg2[%dma_start3A_203, %multiple_of3A_194] : memref<32x1000000xf32, #tpu.memory_space<hbm>> -> memref<32x128xf32, #tpu.memory_space<hbm>>
      tpu.enqueue_dma source(%dma_start3A_204 : memref<32x128xf32, #tpu.memory_space<hbm>>) target(%dma_start3A_202 : memref<32x128xf32, #tpu.memory_space<vmem>>) target_semaphore(%arg8 : memref<!tpu.dma_semaphore, #tpu.memory_space<semaphore_mem>>)
      %slice3A_205 = vector.extract_strided_slice %and3A_13 {offsets = [15], sizes = [1], strides = [1]} : vector<16xi32> to vector<1xi32>
      %squeeze3A_206 = vector.extract %slice3A_205[0] : i32 from vector<1xi32>
      %multiple_of3A_207 = tpu.assume_multiple %squeeze3A_206, 128 : i32
      %dma_start3A_208 = arith.constant 0 : i32
      %dma_start3A_209 = arith.constant 1920 : i32
      %dma_start3A_210 = tpu.memref_slice %arg6[%dma_start3A_208, %dma_start3A_209] : memref<32x2048xf32, #tpu.memory_space<vmem>> -> memref<32x128xf32, #tpu.memory_space<vmem>>
      %dma_start3A_211 = arith.constant 0 : i32
      %dma_start3A_212 = tpu.memref_slice %arg2[%dma_start3A_211, %multiple_of3A_207] : memref<32x1000000xf32, #tpu.memory_space<hbm>> -> memref<32x128xf32, #tpu.memory_space<hbm>>
      %dma_start3A_213 = arith.constant 0 : i32
      %dma_start3A_214 = arith.constant 1920 : i32
      %dma_start3A_215 = tpu.memref_slice %arg6[%dma_start3A_213, %dma_start3A_214] : memref<32x2048xf32, #tpu.memory_space<vmem>> -> memref<32x128xf32, #tpu.memory_space<vmem>>
      %dma_start3A_216 = arith.constant 0 : i32
      %dma_start3A_217 = tpu.memref_slice %arg2[%dma_start3A_216, %multiple_of3A_207] : memref<32x1000000xf32, #tpu.memory_space<hbm>> -> memref<32x128xf32, #tpu.memory_space<hbm>>
      tpu.enqueue_dma source(%dma_start3A_217 : memref<32x128xf32, #tpu.memory_space<hbm>>) target(%dma_start3A_215 : memref<32x128xf32, #tpu.memory_space<vmem>>) target_semaphore(%arg8 : memref<!tpu.dma_semaphore, #tpu.memory_space<semaphore_mem>>)
      %dma_wait3A = arith.constant 0 : i32
      %dma_wait3A_218 = arith.constant 0 : i32
      %dma_wait3A_219 = tpu.memref_slice %arg6[%dma_wait3A, %dma_wait3A_218] : memref<32x2048xf32, #tpu.memory_space<vmem>> -> memref<32x128xf32, #tpu.memory_space<vmem>>
      %dma_wait3A_220 = arith.constant 0 : i32
      %dma_wait3A_221 = tpu.memref_slice %arg2[%dma_wait3A_220, %multiple_of3A] : memref<32x1000000xf32, #tpu.memory_space<hbm>> -> memref<32x128xf32, #tpu.memory_space<hbm>>
      %dma_wait3A_222 = arith.constant 0 : i32
      %dma_wait3A_223 = arith.constant 0 : i32
      %dma_wait3A_224 = tpu.memref_slice %arg6[%dma_wait3A_222, %dma_wait3A_223] : memref<32x2048xf32, #tpu.memory_space<vmem>> -> memref<32x128xf32, #tpu.memory_space<vmem>>
      %dma_wait3A_225 = arith.constant 0 : i32
      %dma_wait3A_226 = tpu.memref_slice %arg2[%dma_wait3A_225, %multiple_of3A] : memref<32x1000000xf32, #tpu.memory_space<hbm>> -> memref<32x128xf32, #tpu.memory_space<hbm>>
      tpu.wait_dma2 semaphore(%arg8 : memref<!tpu.dma_semaphore, #tpu.memory_space<semaphore_mem>>) src(%dma_wait3A_226 : memref<32x128xf32, #tpu.memory_space<hbm>>) dst(%dma_wait3A_224 : memref<32x128xf32, #tpu.memory_space<vmem>>)
      %dma_wait3A_227 = arith.constant 0 : i32
      %dma_wait3A_228 = arith.constant 128 : i32
      %dma_wait3A_229 = tpu.memref_slice %arg6[%dma_wait3A_227, %dma_wait3A_228] : memref<32x2048xf32, #tpu.memory_space<vmem>> -> memref<32x128xf32, #tpu.memory_space<vmem>>
      %dma_wait3A_230 = arith.constant 0 : i32
      %dma_wait3A_231 = tpu.memref_slice %arg2[%dma_wait3A_230, %multiple_of3A_25] : memref<32x1000000xf32, #tpu.memory_space<hbm>> -> memref<32x128xf32, #tpu.memory_space<hbm>>
      %dma_wait3A_232 = arith.constant 0 : i32
      %dma_wait3A_233 = arith.constant 128 : i32
      %dma_wait3A_234 = tpu.memref_slice %arg6[%dma_wait3A_232, %dma_wait3A_233] : memref<32x2048xf32, #tpu.memory_space<vmem>> -> memref<32x128xf32, #tpu.memory_space<vmem>>
      %dma_wait3A_235 = arith.constant 0 : i32
      %dma_wait3A_236 = tpu.memref_slice %arg2[%dma_wait3A_235, %multiple_of3A_25] : memref<32x1000000xf32, #tpu.memory_space<hbm>> -> memref<32x128xf32, #tpu.memory_space<hbm>>
      tpu.wait_dma2 semaphore(%arg8 : memref<!tpu.dma_semaphore, #tpu.memory_space<semaphore_mem>>) src(%dma_wait3A_236 : memref<32x128xf32, #tpu.memory_space<hbm>>) dst(%dma_wait3A_234 : memref<32x128xf32, #tpu.memory_space<vmem>>)
      %dma_wait3A_237 = arith.constant 0 : i32
      %dma_wait3A_238 = arith.constant 256 : i32
      %dma_wait3A_239 = tpu.memref_slice %arg6[%dma_wait3A_237, %dma_wait3A_238] : memref<32x2048xf32, #tpu.memory_space<vmem>> -> memref<32x128xf32, #tpu.memory_space<vmem>>
      %dma_wait3A_240 = arith.constant 0 : i32
      %dma_wait3A_241 = tpu.memref_slice %arg2[%dma_wait3A_240, %multiple_of3A_38] : memref<32x1000000xf32, #tpu.memory_space<hbm>> -> memref<32x128xf32, #tpu.memory_space<hbm>>
      %dma_wait3A_242 = arith.constant 0 : i32
      %dma_wait3A_243 = arith.constant 256 : i32
      %dma_wait3A_244 = tpu.memref_slice %arg6[%dma_wait3A_242, %dma_wait3A_243] : memref<32x2048xf32, #tpu.memory_space<vmem>> -> memref<32x128xf32, #tpu.memory_space<vmem>>
      %dma_wait3A_245 = arith.constant 0 : i32
      %dma_wait3A_246 = tpu.memref_slice %arg2[%dma_wait3A_245, %multiple_of3A_38] : memref<32x1000000xf32, #tpu.memory_space<hbm>> -> memref<32x128xf32, #tpu.memory_space<hbm>>
      tpu.wait_dma2 semaphore(%arg8 : memref<!tpu.dma_semaphore, #tpu.memory_space<semaphore_mem>>) src(%dma_wait3A_246 : memref<32x128xf32, #tpu.memory_space<hbm>>) dst(%dma_wait3A_244 : memref<32x128xf32, #tpu.memory_space<vmem>>)
      %dma_wait3A_247 = arith.constant 0 : i32
      %dma_wait3A_248 = arith.constant 384 : i32
      %dma_wait3A_249 = tpu.memref_slice %arg6[%dma_wait3A_247, %dma_wait3A_248] : memref<32x2048xf32, #tpu.memory_space<vmem>> -> memref<32x128xf32, #tpu.memory_space<vmem>>
      %dma_wait3A_250 = arith.constant 0 : i32
      %dma_wait3A_251 = tpu.memref_slice %arg2[%dma_wait3A_250, %multiple_of3A_51] : memref<32x1000000xf32, #tpu.memory_space<hbm>> -> memref<32x128xf32, #tpu.memory_space<hbm>>
      %dma_wait3A_252 = arith.constant 0 : i32
      %dma_wait3A_253 = arith.constant 384 : i32
      %dma_wait3A_254 = tpu.memref_slice %arg6[%dma_wait3A_252, %dma_wait3A_253] : memref<32x2048xf32, #tpu.memory_space<vmem>> -> memref<32x128xf32, #tpu.memory_space<vmem>>
      %dma_wait3A_255 = arith.constant 0 : i32
      %dma_wait3A_256 = tpu.memref_slice %arg2[%dma_wait3A_255, %multiple_of3A_51] : memref<32x1000000xf32, #tpu.memory_space<hbm>> -> memref<32x128xf32, #tpu.memory_space<hbm>>
      tpu.wait_dma2 semaphore(%arg8 : memref<!tpu.dma_semaphore, #tpu.memory_space<semaphore_mem>>) src(%dma_wait3A_256 : memref<32x128xf32, #tpu.memory_space<hbm>>) dst(%dma_wait3A_254 : memref<32x128xf32, #tpu.memory_space<vmem>>)
      %dma_wait3A_257 = arith.constant 0 : i32
      %dma_wait3A_258 = arith.constant 512 : i32
      %dma_wait3A_259 = tpu.memref_slice %arg6[%dma_wait3A_257, %dma_wait3A_258] : memref<32x2048xf32, #tpu.memory_space<vmem>> -> memref<32x128xf32, #tpu.memory_space<vmem>>
      %dma_wait3A_260 = arith.constant 0 : i32
      %dma_wait3A_261 = tpu.memref_slice %arg2[%dma_wait3A_260, %multiple_of3A_64] : memref<32x1000000xf32, #tpu.memory_space<hbm>> -> memref<32x128xf32, #tpu.memory_space<hbm>>
      %dma_wait3A_262 = arith.constant 0 : i32
      %dma_wait3A_263 = arith.constant 512 : i32
      %dma_wait3A_264 = tpu.memref_slice %arg6[%dma_wait3A_262, %dma_wait3A_263] : memref<32x2048xf32, #tpu.memory_space<vmem>> -> memref<32x128xf32, #tpu.memory_space<vmem>>
      %dma_wait3A_265 = arith.constant 0 : i32
      %dma_wait3A_266 = tpu.memref_slice %arg2[%dma_wait3A_265, %multiple_of3A_64] : memref<32x1000000xf32, #tpu.memory_space<hbm>> -> memref<32x128xf32, #tpu.memory_space<hbm>>
      tpu.wait_dma2 semaphore(%arg8 : memref<!tpu.dma_semaphore, #tpu.memory_space<semaphore_mem>>) src(%dma_wait3A_266 : memref<32x128xf32, #tpu.memory_space<hbm>>) dst(%dma_wait3A_264 : memref<32x128xf32, #tpu.memory_space<vmem>>)
      %dma_wait3A_267 = arith.constant 0 : i32
      %dma_wait3A_268 = arith.constant 640 : i32
      %dma_wait3A_269 = tpu.memref_slice %arg6[%dma_wait3A_267, %dma_wait3A_268] : memref<32x2048xf32, #tpu.memory_space<vmem>> -> memref<32x128xf32, #tpu.memory_space<vmem>>
      %dma_wait3A_270 = arith.constant 0 : i32
      %dma_wait3A_271 = tpu.memref_slice %arg2[%dma_wait3A_270, %multiple_of3A_77] : memref<32x1000000xf32, #tpu.memory_space<hbm>> -> memref<32x128xf32, #tpu.memory_space<hbm>>
      %dma_wait3A_272 = arith.constant 0 : i32
      %dma_wait3A_273 = arith.constant 640 : i32
      %dma_wait3A_274 = tpu.memref_slice %arg6[%dma_wait3A_272, %dma_wait3A_273] : memref<32x2048xf32, #tpu.memory_space<vmem>> -> memref<32x128xf32, #tpu.memory_space<vmem>>
      %dma_wait3A_275 = arith.constant 0 : i32
      %dma_wait3A_276 = tpu.memref_slice %arg2[%dma_wait3A_275, %multiple_of3A_77] : memref<32x1000000xf32, #tpu.memory_space<hbm>> -> memref<32x128xf32, #tpu.memory_space<hbm>>
      tpu.wait_dma2 semaphore(%arg8 : memref<!tpu.dma_semaphore, #tpu.memory_space<semaphore_mem>>) src(%dma_wait3A_276 : memref<32x128xf32, #tpu.memory_space<hbm>>) dst(%dma_wait3A_274 : memref<32x128xf32, #tpu.memory_space<vmem>>)
      %dma_wait3A_277 = arith.constant 0 : i32
      %dma_wait3A_278 = arith.constant 768 : i32
      %dma_wait3A_279 = tpu.memref_slice %arg6[%dma_wait3A_277, %dma_wait3A_278] : memref<32x2048xf32, #tpu.memory_space<vmem>> -> memref<32x128xf32, #tpu.memory_space<vmem>>
      %dma_wait3A_280 = arith.constant 0 : i32
      %dma_wait3A_281 = tpu.memref_slice %arg2[%dma_wait3A_280, %multiple_of3A_90] : memref<32x1000000xf32, #tpu.memory_space<hbm>> -> memref<32x128xf32, #tpu.memory_space<hbm>>
      %dma_wait3A_282 = arith.constant 0 : i32
      %dma_wait3A_283 = arith.constant 768 : i32
      %dma_wait3A_284 = tpu.memref_slice %arg6[%dma_wait3A_282, %dma_wait3A_283] : memref<32x2048xf32, #tpu.memory_space<vmem>> -> memref<32x128xf32, #tpu.memory_space<vmem>>
      %dma_wait3A_285 = arith.constant 0 : i32
      %dma_wait3A_286 = tpu.memref_slice %arg2[%dma_wait3A_285, %multiple_of3A_90] : memref<32x1000000xf32, #tpu.memory_space<hbm>> -> memref<32x128xf32, #tpu.memory_space<hbm>>
      tpu.wait_dma2 semaphore(%arg8 : memref<!tpu.dma_semaphore, #tpu.memory_space<semaphore_mem>>) src(%dma_wait3A_286 : memref<32x128xf32, #tpu.memory_space<hbm>>) dst(%dma_wait3A_284 : memref<32x128xf32, #tpu.memory_space<vmem>>)
      %dma_wait3A_287 = arith.constant 0 : i32
      %dma_wait3A_288 = arith.constant 896 : i32
      %dma_wait3A_289 = tpu.memref_slice %arg6[%dma_wait3A_287, %dma_wait3A_288] : memref<32x2048xf32, #tpu.memory_space<vmem>> -> memref<32x128xf32, #tpu.memory_space<vmem>>
      %dma_wait3A_290 = arith.constant 0 : i32
      %dma_wait3A_291 = tpu.memref_slice %arg2[%dma_wait3A_290, %multiple_of3A_103] : memref<32x1000000xf32, #tpu.memory_space<hbm>> -> memref<32x128xf32, #tpu.memory_space<hbm>>
      %dma_wait3A_292 = arith.constant 0 : i32
      %dma_wait3A_293 = arith.constant 896 : i32
      %dma_wait3A_294 = tpu.memref_slice %arg6[%dma_wait3A_292, %dma_wait3A_293] : memref<32x2048xf32, #tpu.memory_space<vmem>> -> memref<32x128xf32, #tpu.memory_space<vmem>>
      %dma_wait3A_295 = arith.constant 0 : i32
      %dma_wait3A_296 = tpu.memref_slice %arg2[%dma_wait3A_295, %multiple_of3A_103] : memref<32x1000000xf32, #tpu.memory_space<hbm>> -> memref<32x128xf32, #tpu.memory_space<hbm>>
      tpu.wait_dma2 semaphore(%arg8 : memref<!tpu.dma_semaphore, #tpu.memory_space<semaphore_mem>>) src(%dma_wait3A_296 : memref<32x128xf32, #tpu.memory_space<hbm>>) dst(%dma_wait3A_294 : memref<32x128xf32, #tpu.memory_space<vmem>>)
      %dma_wait3A_297 = arith.constant 0 : i32
      %dma_wait3A_298 = arith.constant 1024 : i32
      %dma_wait3A_299 = tpu.memref_slice %arg6[%dma_wait3A_297, %dma_wait3A_298] : memref<32x2048xf32, #tpu.memory_space<vmem>> -> memref<32x128xf32, #tpu.memory_space<vmem>>
      %dma_wait3A_300 = arith.constant 0 : i32
      %dma_wait3A_301 = tpu.memref_slice %arg2[%dma_wait3A_300, %multiple_of3A_116] : memref<32x1000000xf32, #tpu.memory_space<hbm>> -> memref<32x128xf32, #tpu.memory_space<hbm>>
      %dma_wait3A_302 = arith.constant 0 : i32
      %dma_wait3A_303 = arith.constant 1024 : i32
      %dma_wait3A_304 = tpu.memref_slice %arg6[%dma_wait3A_302, %dma_wait3A_303] : memref<32x2048xf32, #tpu.memory_space<vmem>> -> memref<32x128xf32, #tpu.memory_space<vmem>>
      %dma_wait3A_305 = arith.constant 0 : i32
      %dma_wait3A_306 = tpu.memref_slice %arg2[%dma_wait3A_305, %multiple_of3A_116] : memref<32x1000000xf32, #tpu.memory_space<hbm>> -> memref<32x128xf32, #tpu.memory_space<hbm>>
      tpu.wait_dma2 semaphore(%arg8 : memref<!tpu.dma_semaphore, #tpu.memory_space<semaphore_mem>>) src(%dma_wait3A_306 : memref<32x128xf32, #tpu.memory_space<hbm>>) dst(%dma_wait3A_304 : memref<32x128xf32, #tpu.memory_space<vmem>>)
      %dma_wait3A_307 = arith.constant 0 : i32
      %dma_wait3A_308 = arith.constant 1152 : i32
      %dma_wait3A_309 = tpu.memref_slice %arg6[%dma_wait3A_307, %dma_wait3A_308] : memref<32x2048xf32, #tpu.memory_space<vmem>> -> memref<32x128xf32, #tpu.memory_space<vmem>>
      %dma_wait3A_310 = arith.constant 0 : i32
      %dma_wait3A_311 = tpu.memref_slice %arg2[%dma_wait3A_310, %multiple_of3A_129] : memref<32x1000000xf32, #tpu.memory_space<hbm>> -> memref<32x128xf32, #tpu.memory_space<hbm>>
      %dma_wait3A_312 = arith.constant 0 : i32
      %dma_wait3A_313 = arith.constant 1152 : i32
      %dma_wait3A_314 = tpu.memref_slice %arg6[%dma_wait3A_312, %dma_wait3A_313] : memref<32x2048xf32, #tpu.memory_space<vmem>> -> memref<32x128xf32, #tpu.memory_space<vmem>>
      %dma_wait3A_315 = arith.constant 0 : i32
      %dma_wait3A_316 = tpu.memref_slice %arg2[%dma_wait3A_315, %multiple_of3A_129] : memref<32x1000000xf32, #tpu.memory_space<hbm>> -> memref<32x128xf32, #tpu.memory_space<hbm>>
      tpu.wait_dma2 semaphore(%arg8 : memref<!tpu.dma_semaphore, #tpu.memory_space<semaphore_mem>>) src(%dma_wait3A_316 : memref<32x128xf32, #tpu.memory_space<hbm>>) dst(%dma_wait3A_314 : memref<32x128xf32, #tpu.memory_space<vmem>>)
      %dma_wait3A_317 = arith.constant 0 : i32
      %dma_wait3A_318 = arith.constant 1280 : i32
      %dma_wait3A_319 = tpu.memref_slice %arg6[%dma_wait3A_317, %dma_wait3A_318] : memref<32x2048xf32, #tpu.memory_space<vmem>> -> memref<32x128xf32, #tpu.memory_space<vmem>>
      %dma_wait3A_320 = arith.constant 0 : i32
      %dma_wait3A_321 = tpu.memref_slice %arg2[%dma_wait3A_320, %multiple_of3A_142] : memref<32x1000000xf32, #tpu.memory_space<hbm>> -> memref<32x128xf32, #tpu.memory_space<hbm>>
      %dma_wait3A_322 = arith.constant 0 : i32
      %dma_wait3A_323 = arith.constant 1280 : i32
      %dma_wait3A_324 = tpu.memref_slice %arg6[%dma_wait3A_322, %dma_wait3A_323] : memref<32x2048xf32, #tpu.memory_space<vmem>> -> memref<32x128xf32, #tpu.memory_space<vmem>>
      %dma_wait3A_325 = arith.constant 0 : i32
      %dma_wait3A_326 = tpu.memref_slice %arg2[%dma_wait3A_325, %multiple_of3A_142] : memref<32x1000000xf32, #tpu.memory_space<hbm>> -> memref<32x128xf32, #tpu.memory_space<hbm>>
      tpu.wait_dma2 semaphore(%arg8 : memref<!tpu.dma_semaphore, #tpu.memory_space<semaphore_mem>>) src(%dma_wait3A_326 : memref<32x128xf32, #tpu.memory_space<hbm>>) dst(%dma_wait3A_324 : memref<32x128xf32, #tpu.memory_space<vmem>>)
      %dma_wait3A_327 = arith.constant 0 : i32
      %dma_wait3A_328 = arith.constant 1408 : i32
      %dma_wait3A_329 = tpu.memref_slice %arg6[%dma_wait3A_327, %dma_wait3A_328] : memref<32x2048xf32, #tpu.memory_space<vmem>> -> memref<32x128xf32, #tpu.memory_space<vmem>>
      %dma_wait3A_330 = arith.constant 0 : i32
      %dma_wait3A_331 = tpu.memref_slice %arg2[%dma_wait3A_330, %multiple_of3A_155] : memref<32x1000000xf32, #tpu.memory_space<hbm>> -> memref<32x128xf32, #tpu.memory_space<hbm>>
      %dma_wait3A_332 = arith.constant 0 : i32
      %dma_wait3A_333 = arith.constant 1408 : i32
      %dma_wait3A_334 = tpu.memref_slice %arg6[%dma_wait3A_332, %dma_wait3A_333] : memref<32x2048xf32, #tpu.memory_space<vmem>> -> memref<32x128xf32, #tpu.memory_space<vmem>>
      %dma_wait3A_335 = arith.constant 0 : i32
      %dma_wait3A_336 = tpu.memref_slice %arg2[%dma_wait3A_335, %multiple_of3A_155] : memref<32x1000000xf32, #tpu.memory_space<hbm>> -> memref<32x128xf32, #tpu.memory_space<hbm>>
      tpu.wait_dma2 semaphore(%arg8 : memref<!tpu.dma_semaphore, #tpu.memory_space<semaphore_mem>>) src(%dma_wait3A_336 : memref<32x128xf32, #tpu.memory_space<hbm>>) dst(%dma_wait3A_334 : memref<32x128xf32, #tpu.memory_space<vmem>>)
      %dma_wait3A_337 = arith.constant 0 : i32
      %dma_wait3A_338 = arith.constant 1536 : i32
      %dma_wait3A_339 = tpu.memref_slice %arg6[%dma_wait3A_337, %dma_wait3A_338] : memref<32x2048xf32, #tpu.memory_space<vmem>> -> memref<32x128xf32, #tpu.memory_space<vmem>>
      %dma_wait3A_340 = arith.constant 0 : i32
      %dma_wait3A_341 = tpu.memref_slice %arg2[%dma_wait3A_340, %multiple_of3A_168] : memref<32x1000000xf32, #tpu.memory_space<hbm>> -> memref<32x128xf32, #tpu.memory_space<hbm>>
      %dma_wait3A_342 = arith.constant 0 : i32
      %dma_wait3A_343 = arith.constant 1536 : i32
      %dma_wait3A_344 = tpu.memref_slice %arg6[%dma_wait3A_342, %dma_wait3A_343] : memref<32x2048xf32, #tpu.memory_space<vmem>> -> memref<32x128xf32, #tpu.memory_space<vmem>>
      %dma_wait3A_345 = arith.constant 0 : i32
      %dma_wait3A_346 = tpu.memref_slice %arg2[%dma_wait3A_345, %multiple_of3A_168] : memref<32x1000000xf32, #tpu.memory_space<hbm>> -> memref<32x128xf32, #tpu.memory_space<hbm>>
      tpu.wait_dma2 semaphore(%arg8 : memref<!tpu.dma_semaphore, #tpu.memory_space<semaphore_mem>>) src(%dma_wait3A_346 : memref<32x128xf32, #tpu.memory_space<hbm>>) dst(%dma_wait3A_344 : memref<32x128xf32, #tpu.memory_space<vmem>>)
      %dma_wait3A_347 = arith.constant 0 : i32
      %dma_wait3A_348 = arith.constant 1664 : i32
      %dma_wait3A_349 = tpu.memref_slice %arg6[%dma_wait3A_347, %dma_wait3A_348] : memref<32x2048xf32, #tpu.memory_space<vmem>> -> memref<32x128xf32, #tpu.memory_space<vmem>>
      %dma_wait3A_350 = arith.constant 0 : i32
      %dma_wait3A_351 = tpu.memref_slice %arg2[%dma_wait3A_350, %multiple_of3A_181] : memref<32x1000000xf32, #tpu.memory_space<hbm>> -> memref<32x128xf32, #tpu.memory_space<hbm>>
      %dma_wait3A_352 = arith.constant 0 : i32
      %dma_wait3A_353 = arith.constant 1664 : i32
      %dma_wait3A_354 = tpu.memref_slice %arg6[%dma_wait3A_352, %dma_wait3A_353] : memref<32x2048xf32, #tpu.memory_space<vmem>> -> memref<32x128xf32, #tpu.memory_space<vmem>>
      %dma_wait3A_355 = arith.constant 0 : i32
      %dma_wait3A_356 = tpu.memref_slice %arg2[%dma_wait3A_355, %multiple_of3A_181] : memref<32x1000000xf32, #tpu.memory_space<hbm>> -> memref<32x128xf32, #tpu.memory_space<hbm>>
      tpu.wait_dma2 semaphore(%arg8 : memref<!tpu.dma_semaphore, #tpu.memory_space<semaphore_mem>>) src(%dma_wait3A_356 : memref<32x128xf32, #tpu.memory_space<hbm>>) dst(%dma_wait3A_354 : memref<32x128xf32, #tpu.memory_space<vmem>>)
      %dma_wait3A_357 = arith.constant 0 : i32
      %dma_wait3A_358 = arith.constant 1792 : i32
      %dma_wait3A_359 = tpu.memref_slice %arg6[%dma_wait3A_357, %dma_wait3A_358] : memref<32x2048xf32, #tpu.memory_space<vmem>> -> memref<32x128xf32, #tpu.memory_space<vmem>>
      %dma_wait3A_360 = arith.constant 0 : i32
      %dma_wait3A_361 = tpu.memref_slice %arg2[%dma_wait3A_360, %multiple_of3A_194] : memref<32x1000000xf32, #tpu.memory_space<hbm>> -> memref<32x128xf32, #tpu.memory_space<hbm>>
      %dma_wait3A_362 = arith.constant 0 : i32
      %dma_wait3A_363 = arith.constant 1792 : i32
      %dma_wait3A_364 = tpu.memref_slice %arg6[%dma_wait3A_362, %dma_wait3A_363] : memref<32x2048xf32, #tpu.memory_space<vmem>> -> memref<32x128xf32, #tpu.memory_space<vmem>>
      %dma_wait3A_365 = arith.constant 0 : i32
      %dma_wait3A_366 = tpu.memref_slice %arg2[%dma_wait3A_365, %multiple_of3A_194] : memref<32x1000000xf32, #tpu.memory_space<hbm>> -> memref<32x128xf32, #tpu.memory_space<hbm>>
      tpu.wait_dma2 semaphore(%arg8 : memref<!tpu.dma_semaphore, #tpu.memory_space<semaphore_mem>>) src(%dma_wait3A_366 : memref<32x128xf32, #tpu.memory_space<hbm>>) dst(%dma_wait3A_364 : memref<32x128xf32, #tpu.memory_space<vmem>>)
      %dma_wait3A_367 = arith.constant 0 : i32
      %dma_wait3A_368 = arith.constant 1920 : i32
      %dma_wait3A_369 = tpu.memref_slice %arg6[%dma_wait3A_367, %dma_wait3A_368] : memref<32x2048xf32, #tpu.memory_space<vmem>> -> memref<32x128xf32, #tpu.memory_space<vmem>>
      %dma_wait3A_370 = arith.constant 0 : i32
      %dma_wait3A_371 = tpu.memref_slice %arg2[%dma_wait3A_370, %multiple_of3A_207] : memref<32x1000000xf32, #tpu.memory_space<hbm>> -> memref<32x128xf32, #tpu.memory_space<hbm>>
      %dma_wait3A_372 = arith.constant 0 : i32
      %dma_wait3A_373 = arith.constant 1920 : i32
      %dma_wait3A_374 = tpu.memref_slice %arg6[%dma_wait3A_372, %dma_wait3A_373] : memref<32x2048xf32, #tpu.memory_space<vmem>> -> memref<32x128xf32, #tpu.memory_space<vmem>>
      %dma_wait3A_375 = arith.constant 0 : i32
      %dma_wait3A_376 = tpu.memref_slice %arg2[%dma_wait3A_375, %multiple_of3A_207] : memref<32x1000000xf32, #tpu.memory_space<hbm>> -> memref<32x128xf32, #tpu.memory_space<hbm>>
      tpu.wait_dma2 semaphore(%arg8 : memref<!tpu.dma_semaphore, #tpu.memory_space<semaphore_mem>>) src(%dma_wait3A_376 : memref<32x128xf32, #tpu.memory_space<hbm>>) dst(%dma_wait3A_374 : memref<32x128xf32, #tpu.memory_space<vmem>>)
      %and3A_377 = arith.constant 127 : i32
      %and3A_378 = vector.broadcast %and3A_377 : i32 to vector<16xi32>
      %and3A_379 = arith.andi %get3A_11, %and3A_378 : vector<16xi32>
      %iota3A = tpu.iota {dimensions = array<i32: 0>} : vector<16xi32>
      %mul3A_380 = arith.constant 128 : i32
      %mul3A_381 = vector.broadcast %mul3A_380 : i32 to vector<16xi32>
      %mul3A_382 = arith.muli %iota3A, %mul3A_381 : vector<16xi32>
      %add3A_383 = arith.addi %mul3A_382, %and3A_379 : vector<16xi32>
      %iota3A_384 = tpu.iota {dimensions = array<i32: 0>} : vector<16xi32>
      %add3A_385 = vector.broadcast %mul3A_10 : i32 to vector<16xi32>
      %add3A_386 = arith.addi %iota3A_384, %add3A_385 : vector<16xi32>
      %broadcast_in_dim3A = arith.constant 0 : i32
      %broadcast_in_dim3A_387 = vector.broadcast %broadcast_in_dim3A : i32 to vector<16xi32>
      %gather3A = tpu.vector_load_idx %arg6[%broadcast_in_dim3A_387, %add3A_383] : memref<32x2048xf32, #tpu.memory_space<vmem>>[vector<16xi32>, vector<16xi32>], vector<16xf32>,
      tpu.vector_store_idx %arg7[%broadcast_in_dim3A_387, %add3A_386], %gather3A : memref<32x512xf32, #tpu.memory_space<vmem>>[vector<16xi32>, vector<16xi32>], vector<16xf32>,
      %broadcast_in_dim3A_388 = arith.constant 1 : i32
      %broadcast_in_dim3A_389 = vector.broadcast %broadcast_in_dim3A_388 : i32 to vector<16xi32>
      %gather3A_390 = tpu.vector_load_idx %arg6[%broadcast_in_dim3A_389, %add3A_383] : memref<32x2048xf32, #tpu.memory_space<vmem>>[vector<16xi32>, vector<16xi32>], vector<16xf32>,
      tpu.vector_store_idx %arg7[%broadcast_in_dim3A_389, %add3A_386], %gather3A_390 : memref<32x512xf32, #tpu.memory_space<vmem>>[vector<16xi32>, vector<16xi32>], vector<16xf32>,
      %broadcast_in_dim3A_391 = arith.constant 2 : i32
      %broadcast_in_dim3A_392 = vector.broadcast %broadcast_in_dim3A_391 : i32 to vector<16xi32>
      %gather3A_393 = tpu.vector_load_idx %arg6[%broadcast_in_dim3A_392, %add3A_383] : memref<32x2048xf32, #tpu.memory_space<vmem>>[vector<16xi32>, vector<16xi32>], vector<16xf32>,
      tpu.vector_store_idx %arg7[%broadcast_in_dim3A_392, %add3A_386], %gather3A_393 : memref<32x512xf32, #tpu.memory_space<vmem>>[vector<16xi32>, vector<16xi32>], vector<16xf32>,
      %broadcast_in_dim3A_394 = arith.constant 3 : i32
      %broadcast_in_dim3A_395 = vector.broadcast %broadcast_in_dim3A_394 : i32 to vector<16xi32>
      %gather3A_396 = tpu.vector_load_idx %arg6[%broadcast_in_dim3A_395, %add3A_383] : memref<32x2048xf32, #tpu.memory_space<vmem>>[vector<16xi32>, vector<16xi32>], vector<16xf32>,
      tpu.vector_store_idx %arg7[%broadcast_in_dim3A_395, %add3A_386], %gather3A_396 : memref<32x512xf32, #tpu.memory_space<vmem>>[vector<16xi32>, vector<16xi32>], vector<16xf32>,
      %broadcast_in_dim3A_397 = arith.constant 4 : i32
      %broadcast_in_dim3A_398 = vector.broadcast %broadcast_in_dim3A_397 : i32 to vector<16xi32>
      %gather3A_399 = tpu.vector_load_idx %arg6[%broadcast_in_dim3A_398, %add3A_383] : memref<32x2048xf32, #tpu.memory_space<vmem>>[vector<16xi32>, vector<16xi32>], vector<16xf32>,
      tpu.vector_store_idx %arg7[%broadcast_in_dim3A_398, %add3A_386], %gather3A_399 : memref<32x512xf32, #tpu.memory_space<vmem>>[vector<16xi32>, vector<16xi32>], vector<16xf32>,
      %broadcast_in_dim3A_400 = arith.constant 5 : i32
      %broadcast_in_dim3A_401 = vector.broadcast %broadcast_in_dim3A_400 : i32 to vector<16xi32>
      %gather3A_402 = tpu.vector_load_idx %arg6[%broadcast_in_dim3A_401, %add3A_383] : memref<32x2048xf32, #tpu.memory_space<vmem>>[vector<16xi32>, vector<16xi32>], vector<16xf32>,
      tpu.vector_store_idx %arg7[%broadcast_in_dim3A_401, %add3A_386], %gather3A_402 : memref<32x512xf32, #tpu.memory_space<vmem>>[vector<16xi32>, vector<16xi32>], vector<16xf32>,
      %broadcast_in_dim3A_403 = arith.constant 6 : i32
      %broadcast_in_dim3A_404 = vector.broadcast %broadcast_in_dim3A_403 : i32 to vector<16xi32>
      %gather3A_405 = tpu.vector_load_idx %arg6[%broadcast_in_dim3A_404, %add3A_383] : memref<32x2048xf32, #tpu.memory_space<vmem>>[vector<16xi32>, vector<16xi32>], vector<16xf32>,
      tpu.vector_store_idx %arg7[%broadcast_in_dim3A_404, %add3A_386], %gather3A_405 : memref<32x512xf32, #tpu.memory_space<vmem>>[vector<16xi32>, vector<16xi32>], vector<16xf32>,
      %broadcast_in_dim3A_406 = arith.constant 7 : i32
      %broadcast_in_dim3A_407 = vector.broadcast %broadcast_in_dim3A_406 : i32 to vector<16xi32>
      %gather3A_408 = tpu.vector_load_idx %arg6[%broadcast_in_dim3A_407, %add3A_383] : memref<32x2048xf32, #tpu.memory_space<vmem>>[vector<16xi32>, vector<16xi32>], vector<16xf32>,
      tpu.vector_store_idx %arg7[%broadcast_in_dim3A_407, %add3A_386], %gather3A_408 : memref<32x512xf32, #tpu.memory_space<vmem>>[vector<16xi32>, vector<16xi32>], vector<16xf32>,
      %broadcast_in_dim3A_409 = arith.constant 8 : i32
      %broadcast_in_dim3A_410 = vector.broadcast %broadcast_in_dim3A_409 : i32 to vector<16xi32>
      %gather3A_411 = tpu.vector_load_idx %arg6[%broadcast_in_dim3A_410, %add3A_383] : memref<32x2048xf32, #tpu.memory_space<vmem>>[vector<16xi32>, vector<16xi32>], vector<16xf32>,
      tpu.vector_store_idx %arg7[%broadcast_in_dim3A_410, %add3A_386], %gather3A_411 : memref<32x512xf32, #tpu.memory_space<vmem>>[vector<16xi32>, vector<16xi32>], vector<16xf32>,
      %broadcast_in_dim3A_412 = arith.constant 9 : i32
      %broadcast_in_dim3A_413 = vector.broadcast %broadcast_in_dim3A_412 : i32 to vector<16xi32>
      %gather3A_414 = tpu.vector_load_idx %arg6[%broadcast_in_dim3A_413, %add3A_383] : memref<32x2048xf32, #tpu.memory_space<vmem>>[vector<16xi32>, vector<16xi32>], vector<16xf32>,
      tpu.vector_store_idx %arg7[%broadcast_in_dim3A_413, %add3A_386], %gather3A_414 : memref<32x512xf32, #tpu.memory_space<vmem>>[vector<16xi32>, vector<16xi32>], vector<16xf32>,
      %broadcast_in_dim3A_415 = arith.constant 10 : i32
      %broadcast_in_dim3A_416 = vector.broadcast %broadcast_in_dim3A_415 : i32 to vector<16xi32>
      %gather3A_417 = tpu.vector_load_idx %arg6[%broadcast_in_dim3A_416, %add3A_383] : memref<32x2048xf32, #tpu.memory_space<vmem>>[vector<16xi32>, vector<16xi32>], vector<16xf32>,
      tpu.vector_store_idx %arg7[%broadcast_in_dim3A_416, %add3A_386], %gather3A_417 : memref<32x512xf32, #tpu.memory_space<vmem>>[vector<16xi32>, vector<16xi32>], vector<16xf32>,
      %broadcast_in_dim3A_418 = arith.constant 11 : i32
      %broadcast_in_dim3A_419 = vector.broadcast %broadcast_in_dim3A_418 : i32 to vector<16xi32>
      %gather3A_420 = tpu.vector_load_idx %arg6[%broadcast_in_dim3A_419, %add3A_383] : memref<32x2048xf32, #tpu.memory_space<vmem>>[vector<16xi32>, vector<16xi32>], vector<16xf32>,
      tpu.vector_store_idx %arg7[%broadcast_in_dim3A_419, %add3A_386], %gather3A_420 : memref<32x512xf32, #tpu.memory_space<vmem>>[vector<16xi32>, vector<16xi32>], vector<16xf32>,
      %broadcast_in_dim3A_421 = arith.constant 12 : i32
      %broadcast_in_dim3A_422 = vector.broadcast %broadcast_in_dim3A_421 : i32 to vector<16xi32>
      %gather3A_423 = tpu.vector_load_idx %arg6[%broadcast_in_dim3A_422, %add3A_383] : memref<32x2048xf32, #tpu.memory_space<vmem>>[vector<16xi32>, vector<16xi32>], vector<16xf32>,
      tpu.vector_store_idx %arg7[%broadcast_in_dim3A_422, %add3A_386], %gather3A_423 : memref<32x512xf32, #tpu.memory_space<vmem>>[vector<16xi32>, vector<16xi32>], vector<16xf32>,
      %broadcast_in_dim3A_424 = arith.constant 13 : i32
      %broadcast_in_dim3A_425 = vector.broadcast %broadcast_in_dim3A_424 : i32 to vector<16xi32>
      %gather3A_426 = tpu.vector_load_idx %arg6[%broadcast_in_dim3A_425, %add3A_383] : memref<32x2048xf32, #tpu.memory_space<vmem>>[vector<16xi32>, vector<16xi32>], vector<16xf32>,
      tpu.vector_store_idx %arg7[%broadcast_in_dim3A_425, %add3A_386], %gather3A_426 : memref<32x512xf32, #tpu.memory_space<vmem>>[vector<16xi32>, vector<16xi32>], vector<16xf32>,
      %broadcast_in_dim3A_427 = arith.constant 14 : i32
      %broadcast_in_dim3A_428 = vector.broadcast %broadcast_in_dim3A_427 : i32 to vector<16xi32>
      %gather3A_429 = tpu.vector_load_idx %arg6[%broadcast_in_dim3A_428, %add3A_383] : memref<32x2048xf32, #tpu.memory_space<vmem>>[vector<16xi32>, vector<16xi32>], vector<16xf32>,
      tpu.vector_store_idx %arg7[%broadcast_in_dim3A_428, %add3A_386], %gather3A_429 : memref<32x512xf32, #tpu.memory_space<vmem>>[vector<16xi32>, vector<16xi32>], vector<16xf32>,
      %broadcast_in_dim3A_430 = arith.constant 15 : i32
      %broadcast_in_dim3A_431 = vector.broadcast %broadcast_in_dim3A_430 : i32 to vector<16xi32>
      %gather3A_432 = tpu.vector_load_idx %arg6[%broadcast_in_dim3A_431, %add3A_383] : memref<32x2048xf32, #tpu.memory_space<vmem>>[vector<16xi32>, vector<16xi32>], vector<16xf32>,
      tpu.vector_store_idx %arg7[%broadcast_in_dim3A_431, %add3A_386], %gather3A_432 : memref<32x512xf32, #tpu.memory_space<vmem>>[vector<16xi32>, vector<16xi32>], vector<16xf32>,
      %broadcast_in_dim3A_433 = arith.constant 16 : i32
      %broadcast_in_dim3A_434 = vector.broadcast %broadcast_in_dim3A_433 : i32 to vector<16xi32>
      %gather3A_435 = tpu.vector_load_idx %arg6[%broadcast_in_dim3A_434, %add3A_383] : memref<32x2048xf32, #tpu.memory_space<vmem>>[vector<16xi32>, vector<16xi32>], vector<16xf32>,
      tpu.vector_store_idx %arg7[%broadcast_in_dim3A_434, %add3A_386], %gather3A_435 : memref<32x512xf32, #tpu.memory_space<vmem>>[vector<16xi32>, vector<16xi32>], vector<16xf32>,
      %broadcast_in_dim3A_436 = arith.constant 17 : i32
      %broadcast_in_dim3A_437 = vector.broadcast %broadcast_in_dim3A_436 : i32 to vector<16xi32>
      %gather3A_438 = tpu.vector_load_idx %arg6[%broadcast_in_dim3A_437, %add3A_383] : memref<32x2048xf32, #tpu.memory_space<vmem>>[vector<16xi32>, vector<16xi32>], vector<16xf32>,
      tpu.vector_store_idx %arg7[%broadcast_in_dim3A_437, %add3A_386], %gather3A_438 : memref<32x512xf32, #tpu.memory_space<vmem>>[vector<16xi32>, vector<16xi32>], vector<16xf32>,
      %broadcast_in_dim3A_439 = arith.constant 18 : i32
      %broadcast_in_dim3A_440 = vector.broadcast %broadcast_in_dim3A_439 : i32 to vector<16xi32>
      %gather3A_441 = tpu.vector_load_idx %arg6[%broadcast_in_dim3A_440, %add3A_383] : memref<32x2048xf32, #tpu.memory_space<vmem>>[vector<16xi32>, vector<16xi32>], vector<16xf32>,
      tpu.vector_store_idx %arg7[%broadcast_in_dim3A_440, %add3A_386], %gather3A_441 : memref<32x512xf32, #tpu.memory_space<vmem>>[vector<16xi32>, vector<16xi32>], vector<16xf32>,
      %broadcast_in_dim3A_442 = arith.constant 19 : i32
      %broadcast_in_dim3A_443 = vector.broadcast %broadcast_in_dim3A_442 : i32 to vector<16xi32>
      %gather3A_444 = tpu.vector_load_idx %arg6[%broadcast_in_dim3A_443, %add3A_383] : memref<32x2048xf32, #tpu.memory_space<vmem>>[vector<16xi32>, vector<16xi32>], vector<16xf32>,
      tpu.vector_store_idx %arg7[%broadcast_in_dim3A_443, %add3A_386], %gather3A_444 : memref<32x512xf32, #tpu.memory_space<vmem>>[vector<16xi32>, vector<16xi32>], vector<16xf32>,
      %broadcast_in_dim3A_445 = arith.constant 20 : i32
      %broadcast_in_dim3A_446 = vector.broadcast %broadcast_in_dim3A_445 : i32 to vector<16xi32>
      %gather3A_447 = tpu.vector_load_idx %arg6[%broadcast_in_dim3A_446, %add3A_383] : memref<32x2048xf32, #tpu.memory_space<vmem>>[vector<16xi32>, vector<16xi32>], vector<16xf32>,
      tpu.vector_store_idx %arg7[%broadcast_in_dim3A_446, %add3A_386], %gather3A_447 : memref<32x512xf32, #tpu.memory_space<vmem>>[vector<16xi32>, vector<16xi32>], vector<16xf32>,
      %broadcast_in_dim3A_448 = arith.constant 21 : i32
      %broadcast_in_dim3A_449 = vector.broadcast %broadcast_in_dim3A_448 : i32 to vector<16xi32>
      %gather3A_450 = tpu.vector_load_idx %arg6[%broadcast_in_dim3A_449, %add3A_383] : memref<32x2048xf32, #tpu.memory_space<vmem>>[vector<16xi32>, vector<16xi32>], vector<16xf32>,
      tpu.vector_store_idx %arg7[%broadcast_in_dim3A_449, %add3A_386], %gather3A_450 : memref<32x512xf32, #tpu.memory_space<vmem>>[vector<16xi32>, vector<16xi32>], vector<16xf32>,
      %broadcast_in_dim3A_451 = arith.constant 22 : i32
      %broadcast_in_dim3A_452 = vector.broadcast %broadcast_in_dim3A_451 : i32 to vector<16xi32>
      %gather3A_453 = tpu.vector_load_idx %arg6[%broadcast_in_dim3A_452, %add3A_383] : memref<32x2048xf32, #tpu.memory_space<vmem>>[vector<16xi32>, vector<16xi32>], vector<16xf32>,
      tpu.vector_store_idx %arg7[%broadcast_in_dim3A_452, %add3A_386], %gather3A_453 : memref<32x512xf32, #tpu.memory_space<vmem>>[vector<16xi32>, vector<16xi32>], vector<16xf32>,
      %broadcast_in_dim3A_454 = arith.constant 23 : i32
      %broadcast_in_dim3A_455 = vector.broadcast %broadcast_in_dim3A_454 : i32 to vector<16xi32>
      %gather3A_456 = tpu.vector_load_idx %arg6[%broadcast_in_dim3A_455, %add3A_383] : memref<32x2048xf32, #tpu.memory_space<vmem>>[vector<16xi32>, vector<16xi32>], vector<16xf32>,
      tpu.vector_store_idx %arg7[%broadcast_in_dim3A_455, %add3A_386], %gather3A_456 : memref<32x512xf32, #tpu.memory_space<vmem>>[vector<16xi32>, vector<16xi32>], vector<16xf32>,
      %broadcast_in_dim3A_457 = arith.constant 24 : i32
      %broadcast_in_dim3A_458 = vector.broadcast %broadcast_in_dim3A_457 : i32 to vector<16xi32>
      %gather3A_459 = tpu.vector_load_idx %arg6[%broadcast_in_dim3A_458, %add3A_383] : memref<32x2048xf32, #tpu.memory_space<vmem>>[vector<16xi32>, vector<16xi32>], vector<16xf32>,
      tpu.vector_store_idx %arg7[%broadcast_in_dim3A_458, %add3A_386], %gather3A_459 : memref<32x512xf32, #tpu.memory_space<vmem>>[vector<16xi32>, vector<16xi32>], vector<16xf32>,
      %broadcast_in_dim3A_460 = arith.constant 25 : i32
      %broadcast_in_dim3A_461 = vector.broadcast %broadcast_in_dim3A_460 : i32 to vector<16xi32>
      %gather3A_462 = tpu.vector_load_idx %arg6[%broadcast_in_dim3A_461, %add3A_383] : memref<32x2048xf32, #tpu.memory_space<vmem>>[vector<16xi32>, vector<16xi32>], vector<16xf32>,
      tpu.vector_store_idx %arg7[%broadcast_in_dim3A_461, %add3A_386], %gather3A_462 : memref<32x512xf32, #tpu.memory_space<vmem>>[vector<16xi32>, vector<16xi32>], vector<16xf32>,
      %broadcast_in_dim3A_463 = arith.constant 26 : i32
      %broadcast_in_dim3A_464 = vector.broadcast %broadcast_in_dim3A_463 : i32 to vector<16xi32>
      %gather3A_465 = tpu.vector_load_idx %arg6[%broadcast_in_dim3A_464, %add3A_383] : memref<32x2048xf32, #tpu.memory_space<vmem>>[vector<16xi32>, vector<16xi32>], vector<16xf32>,
      tpu.vector_store_idx %arg7[%broadcast_in_dim3A_464, %add3A_386], %gather3A_465 : memref<32x512xf32, #tpu.memory_space<vmem>>[vector<16xi32>, vector<16xi32>], vector<16xf32>,
      %broadcast_in_dim3A_466 = arith.constant 27 : i32
      %broadcast_in_dim3A_467 = vector.broadcast %broadcast_in_dim3A_466 : i32 to vector<16xi32>
      %gather3A_468 = tpu.vector_load_idx %arg6[%broadcast_in_dim3A_467, %add3A_383] : memref<32x2048xf32, #tpu.memory_space<vmem>>[vector<16xi32>, vector<16xi32>], vector<16xf32>,
      tpu.vector_store_idx %arg7[%broadcast_in_dim3A_467, %add3A_386], %gather3A_468 : memref<32x512xf32, #tpu.memory_space<vmem>>[vector<16xi32>, vector<16xi32>], vector<16xf32>,
      %broadcast_in_dim3A_469 = arith.constant 28 : i32
      %broadcast_in_dim3A_470 = vector.broadcast %broadcast_in_dim3A_469 : i32 to vector<16xi32>
      %gather3A_471 = tpu.vector_load_idx %arg6[%broadcast_in_dim3A_470, %add3A_383] : memref<32x2048xf32, #tpu.memory_space<vmem>>[vector<16xi32>, vector<16xi32>], vector<16xf32>,
      tpu.vector_store_idx %arg7[%broadcast_in_dim3A_470, %add3A_386], %gather3A_471 : memref<32x512xf32, #tpu.memory_space<vmem>>[vector<16xi32>, vector<16xi32>], vector<16xf32>,
      %broadcast_in_dim3A_472 = arith.constant 29 : i32
      %broadcast_in_dim3A_473 = vector.broadcast %broadcast_in_dim3A_472 : i32 to vector<16xi32>
      %gather3A_474 = tpu.vector_load_idx %arg6[%broadcast_in_dim3A_473, %add3A_383] : memref<32x2048xf32, #tpu.memory_space<vmem>>[vector<16xi32>, vector<16xi32>], vector<16xf32>,
      tpu.vector_store_idx %arg7[%broadcast_in_dim3A_473, %add3A_386], %gather3A_474 : memref<32x512xf32, #tpu.memory_space<vmem>>[vector<16xi32>, vector<16xi32>], vector<16xf32>,
      %broadcast_in_dim3A_475 = arith.constant 30 : i32
      %broadcast_in_dim3A_476 = vector.broadcast %broadcast_in_dim3A_475 : i32 to vector<16xi32>
      %gather3A_477 = tpu.vector_load_idx %arg6[%broadcast_in_dim3A_476, %add3A_383] : memref<32x2048xf32, #tpu.memory_space<vmem>>[vector<16xi32>, vector<16xi32>], vector<16xf32>,
      tpu.vector_store_idx %arg7[%broadcast_in_dim3A_476, %add3A_386], %gather3A_477 : memref<32x512xf32, #tpu.memory_space<vmem>>[vector<16xi32>, vector<16xi32>], vector<16xf32>,
      %broadcast_in_dim3A_478 = arith.constant 31 : i32
      %broadcast_in_dim3A_479 = vector.broadcast %broadcast_in_dim3A_478 : i32 to vector<16xi32>
      %gather3A_480 = tpu.vector_load_idx %arg6[%broadcast_in_dim3A_479, %add3A_383] : memref<32x2048xf32, #tpu.memory_space<vmem>>[vector<16xi32>, vector<16xi32>], vector<16xf32>,
      tpu.vector_store_idx %arg7[%broadcast_in_dim3A_479, %add3A_386], %gather3A_480 : memref<32x512xf32, #tpu.memory_space<vmem>>[vector<16xi32>, vector<16xi32>], vector<16xf32>,
    }
    %scan3A_7 = arith.constant 32 : i32
    "tpu.region"() ({
      %run_scoped3A = tpu.sem_alloc : memref<!tpu.dma_semaphore, #tpu.memory_space<semaphore_mem>>
      %dma_start3A = arith.constant 0 : i32
      %dma_start3A_8 = tpu.memref_slice %arg4[%dma_start3A, %mul3A_2] : memref<32x16384xf32, #tpu.memory_space<hbm>> -> memref<32x512xf32, #tpu.memory_space<hbm>>
      %dma_start3A_9 = arith.constant 0 : i32
      %dma_start3A_10 = tpu.memref_slice %arg4[%dma_start3A_9, %mul3A_2] : memref<32x16384xf32, #tpu.memory_space<hbm>> -> memref<32x512xf32, #tpu.memory_space<hbm>>
      tpu.enqueue_dma source(%arg7 : memref<32x512xf32, #tpu.memory_space<vmem>>) target(%dma_start3A_10 : memref<32x512xf32, #tpu.memory_space<hbm>>) target_semaphore(%run_scoped3A : memref<!tpu.dma_semaphore, #tpu.memory_space<semaphore_mem>>)
      %dma_wait3A = arith.constant 0 : i32
      %dma_wait3A_11 = tpu.memref_slice %arg4[%dma_wait3A, %mul3A_2] : memref<32x16384xf32, #tpu.memory_space<hbm>> -> memref<32x512xf32, #tpu.memory_space<hbm>>
      %dma_wait3A_12 = arith.constant 0 : i32
      %dma_wait3A_13 = tpu.memref_slice %arg4[%dma_wait3A_12, %mul3A_2] : memref<32x16384xf32, #tpu.memory_space<hbm>> -> memref<32x512xf32, #tpu.memory_space<hbm>>
      tpu.wait_dma2 semaphore(%run_scoped3A : memref<!tpu.dma_semaphore, #tpu.memory_space<semaphore_mem>>) src(%arg7 : memref<32x512xf32, #tpu.memory_space<vmem>>) dst(%dma_wait3A_13 : memref<32x512xf32, #tpu.memory_space<hbm>>)
      tpu.yield
    }) : () -> ()
    return
  }
}

#map = affine_map<(d0, d1) -> (0, 0)>
#map1 = affine_map<(d0, d1) -> (0)>
module attributes {stable_mosaic.version = 14 : i64} {
  func.func @_sc_packed_body(%arg0: i32, %arg1: i32, %arg2: memref<125x128xf32, #tpu.memory_space<hbm>>, %arg3: memref<125x128xf32, #tpu.memory_space<hbm>>, %arg4: memref<25000x128xf32, #tpu.memory_space<hbm>>, %arg5: memref<16384xi32, #tpu.memory_space<hbm>>, %arg6: memref<16384xi32, #tpu.memory_space<hbm>>, %arg7: memref<16384xi32, #tpu.memory_space<hbm>>, %arg8: memref<16x16384xf32, #tpu.memory_space<hbm>>, %arg9: memref<16x16384xf32, #tpu.memory_space<hbm>>, %arg10: memref<32x16384xf32, #tpu.memory_space<hbm>>, %arg11: memref<512xi32, #tpu.memory_space<vmem>>, %arg12: memref<512xi32, #tpu.memory_space<vmem>>, %arg13: memref<512x128xf32, #tpu.memory_space<vmem>>, %arg14: memref<32x512xf32, #tpu.memory_space<vmem>>, %arg15: memref<16x512xf32, #tpu.memory_space<vmem>>, %arg16: memref<!tpu.dma_semaphore, #tpu.memory_space<semaphore_mem>>) attributes {dimension_semantics = [#tpu.dimension_semantics<core_parallel>, #tpu.dimension_semantics<subcore_parallel>], iteration_bounds = array<i64: 2, 16>, scalar_prefetch = 0 : i64, scratch_operands = 6 : i64, tpu.core_type = #tpu.core_type<sc_vector_subcore>, window_params = [{transform_indices = #map}, {transform_indices = #map}, {transform_indices = #map}, {transform_indices = #map1}, {transform_indices = #map1}, {transform_indices = #map1}, {transform_indices = #map}, {transform_indices = #map}, {transform_indices = #map}]} {
    %mul3A = arith.constant 2 : i32
    %mul3A_0 = arith.muli %arg1, %mul3A : i32
    %add3A = arith.addi %mul3A_0, %arg0 : i32
    %mul3A_1 = arith.constant 512 : i32
    %mul3A_2 = arith.muli %add3A, %mul3A_1 : i32
    "tpu.region"() ({
      %run_scoped3A = tpu.sem_alloc : memref<!tpu.dma_semaphore, #tpu.memory_space<semaphore_mem>>
      %dma_start3A_705 = tpu.memref_slice %arg7[%mul3A_2] : memref<16384xi32, #tpu.memory_space<hbm>> -> memref<512xi32, #tpu.memory_space<hbm>>
      %dma_start3A_706 = tpu.memref_slice %arg7[%mul3A_2] : memref<16384xi32, #tpu.memory_space<hbm>> -> memref<512xi32, #tpu.memory_space<hbm>>
      tpu.enqueue_dma source(%dma_start3A_706 : memref<512xi32, #tpu.memory_space<hbm>>) target(%arg11 : memref<512xi32, #tpu.memory_space<vmem>>) target_semaphore(%run_scoped3A : memref<!tpu.dma_semaphore, #tpu.memory_space<semaphore_mem>>)
      %dma_wait3A_707 = tpu.memref_slice %arg7[%mul3A_2] : memref<16384xi32, #tpu.memory_space<hbm>> -> memref<512xi32, #tpu.memory_space<hbm>>
      %dma_wait3A_708 = tpu.memref_slice %arg7[%mul3A_2] : memref<16384xi32, #tpu.memory_space<hbm>> -> memref<512xi32, #tpu.memory_space<hbm>>
      tpu.wait_dma2 semaphore(%run_scoped3A : memref<!tpu.dma_semaphore, #tpu.memory_space<semaphore_mem>>) src(%dma_wait3A_708 : memref<512xi32, #tpu.memory_space<hbm>>) dst(%arg11 : memref<512xi32, #tpu.memory_space<vmem>>)
      tpu.yield
    }) : () -> ()
    %get3A = arith.constant 0 : index
    %get3A_3 = tpu.vector_load %arg11[%get3A] {strides = array<i32>} : memref<512xi32, #tpu.memory_space<vmem>>, vector<16xi32>,
    %shift_right_logical3A = arith.constant 2 : i32
    %shift_right_logical3A_4 = vector.broadcast %shift_right_logical3A : i32 to vector<16xi32>
    %shift_right_logical3A_5 = arith.shrui %get3A_3, %shift_right_logical3A_4 : vector<16xi32>
    %swap3A = arith.constant 0 : index
    %swap3A_6 = tpu.vector_load %arg12[%swap3A] {strides = array<i32>} : memref<512xi32, #tpu.memory_space<vmem>>, vector<16xi32>,
    tpu.vector_store %arg12[%swap3A], %shift_right_logical3A_5 {strides = array<i32>} : memref<512xi32, #tpu.memory_space<vmem>>, vector<16xi32>,
    %get3A_7 = arith.constant 16 : index
    %get3A_8 = tpu.vector_load %arg11[%get3A_7] {strides = array<i32>} : memref<512xi32, #tpu.memory_space<vmem>>, vector<16xi32>,
    %shift_right_logical3A_9 = arith.constant 2 : i32
    %shift_right_logical3A_10 = vector.broadcast %shift_right_logical3A_9 : i32 to vector<16xi32>
    %shift_right_logical3A_11 = arith.shrui %get3A_8, %shift_right_logical3A_10 : vector<16xi32>
    %swap3A_12 = arith.constant 16 : index
    %swap3A_13 = tpu.vector_load %arg12[%swap3A_12] {strides = array<i32>} : memref<512xi32, #tpu.memory_space<vmem>>, vector<16xi32>,
    tpu.vector_store %arg12[%swap3A_12], %shift_right_logical3A_11 {strides = array<i32>} : memref<512xi32, #tpu.memory_space<vmem>>, vector<16xi32>,
    %get3A_14 = arith.constant 32 : index
    %get3A_15 = tpu.vector_load %arg11[%get3A_14] {strides = array<i32>} : memref<512xi32, #tpu.memory_space<vmem>>, vector<16xi32>,
    %shift_right_logical3A_16 = arith.constant 2 : i32
    %shift_right_logical3A_17 = vector.broadcast %shift_right_logical3A_16 : i32 to vector<16xi32>
    %shift_right_logical3A_18 = arith.shrui %get3A_15, %shift_right_logical3A_17 : vector<16xi32>
    %swap3A_19 = arith.constant 32 : index
    %swap3A_20 = tpu.vector_load %arg12[%swap3A_19] {strides = array<i32>} : memref<512xi32, #tpu.memory_space<vmem>>, vector<16xi32>,
    tpu.vector_store %arg12[%swap3A_19], %shift_right_logical3A_18 {strides = array<i32>} : memref<512xi32, #tpu.memory_space<vmem>>, vector<16xi32>,
    %get3A_21 = arith.constant 48 : index
    %get3A_22 = tpu.vector_load %arg11[%get3A_21] {strides = array<i32>} : memref<512xi32, #tpu.memory_space<vmem>>, vector<16xi32>,
    %shift_right_logical3A_23 = arith.constant 2 : i32
    %shift_right_logical3A_24 = vector.broadcast %shift_right_logical3A_23 : i32 to vector<16xi32>
    %shift_right_logical3A_25 = arith.shrui %get3A_22, %shift_right_logical3A_24 : vector<16xi32>
    %swap3A_26 = arith.constant 48 : index
    %swap3A_27 = tpu.vector_load %arg12[%swap3A_26] {strides = array<i32>} : memref<512xi32, #tpu.memory_space<vmem>>, vector<16xi32>,
    tpu.vector_store %arg12[%swap3A_26], %shift_right_logical3A_25 {strides = array<i32>} : memref<512xi32, #tpu.memory_space<vmem>>, vector<16xi32>,
    %get3A_28 = arith.constant 64 : index
    %get3A_29 = tpu.vector_load %arg11[%get3A_28] {strides = array<i32>} : memref<512xi32, #tpu.memory_space<vmem>>, vector<16xi32>,
    %shift_right_logical3A_30 = arith.constant 2 : i32
    %shift_right_logical3A_31 = vector.broadcast %shift_right_logical3A_30 : i32 to vector<16xi32>
    %shift_right_logical3A_32 = arith.shrui %get3A_29, %shift_right_logical3A_31 : vector<16xi32>
    %swap3A_33 = arith.constant 64 : index
    %swap3A_34 = tpu.vector_load %arg12[%swap3A_33] {strides = array<i32>} : memref<512xi32, #tpu.memory_space<vmem>>, vector<16xi32>,
    tpu.vector_store %arg12[%swap3A_33], %shift_right_logical3A_32 {strides = array<i32>} : memref<512xi32, #tpu.memory_space<vmem>>, vector<16xi32>,
    %get3A_35 = arith.constant 80 : index
    %get3A_36 = tpu.vector_load %arg11[%get3A_35] {strides = array<i32>} : memref<512xi32, #tpu.memory_space<vmem>>, vector<16xi32>,
    %shift_right_logical3A_37 = arith.constant 2 : i32
    %shift_right_logical3A_38 = vector.broadcast %shift_right_logical3A_37 : i32 to vector<16xi32>
    %shift_right_logical3A_39 = arith.shrui %get3A_36, %shift_right_logical3A_38 : vector<16xi32>
    %swap3A_40 = arith.constant 80 : index
    %swap3A_41 = tpu.vector_load %arg12[%swap3A_40] {strides = array<i32>} : memref<512xi32, #tpu.memory_space<vmem>>, vector<16xi32>,
    tpu.vector_store %arg12[%swap3A_40], %shift_right_logical3A_39 {strides = array<i32>} : memref<512xi32, #tpu.memory_space<vmem>>, vector<16xi32>,
    %get3A_42 = arith.constant 96 : index
    %get3A_43 = tpu.vector_load %arg11[%get3A_42] {strides = array<i32>} : memref<512xi32, #tpu.memory_space<vmem>>, vector<16xi32>,
    %shift_right_logical3A_44 = arith.constant 2 : i32
    %shift_right_logical3A_45 = vector.broadcast %shift_right_logical3A_44 : i32 to vector<16xi32>
    %shift_right_logical3A_46 = arith.shrui %get3A_43, %shift_right_logical3A_45 : vector<16xi32>
    %swap3A_47 = arith.constant 96 : index
    %swap3A_48 = tpu.vector_load %arg12[%swap3A_47] {strides = array<i32>} : memref<512xi32, #tpu.memory_space<vmem>>, vector<16xi32>,
    tpu.vector_store %arg12[%swap3A_47], %shift_right_logical3A_46 {strides = array<i32>} : memref<512xi32, #tpu.memory_space<vmem>>, vector<16xi32>,
    %get3A_49 = arith.constant 112 : index
    %get3A_50 = tpu.vector_load %arg11[%get3A_49] {strides = array<i32>} : memref<512xi32, #tpu.memory_space<vmem>>, vector<16xi32>,
    %shift_right_logical3A_51 = arith.constant 2 : i32
    %shift_right_logical3A_52 = vector.broadcast %shift_right_logical3A_51 : i32 to vector<16xi32>
    %shift_right_logical3A_53 = arith.shrui %get3A_50, %shift_right_logical3A_52 : vector<16xi32>
    %swap3A_54 = arith.constant 112 : index
    %swap3A_55 = tpu.vector_load %arg12[%swap3A_54] {strides = array<i32>} : memref<512xi32, #tpu.memory_space<vmem>>, vector<16xi32>,
    tpu.vector_store %arg12[%swap3A_54], %shift_right_logical3A_53 {strides = array<i32>} : memref<512xi32, #tpu.memory_space<vmem>>, vector<16xi32>,
    %get3A_56 = arith.constant 128 : index
    %get3A_57 = tpu.vector_load %arg11[%get3A_56] {strides = array<i32>} : memref<512xi32, #tpu.memory_space<vmem>>, vector<16xi32>,
    %shift_right_logical3A_58 = arith.constant 2 : i32
    %shift_right_logical3A_59 = vector.broadcast %shift_right_logical3A_58 : i32 to vector<16xi32>
    %shift_right_logical3A_60 = arith.shrui %get3A_57, %shift_right_logical3A_59 : vector<16xi32>
    %swap3A_61 = arith.constant 128 : index
    %swap3A_62 = tpu.vector_load %arg12[%swap3A_61] {strides = array<i32>} : memref<512xi32, #tpu.memory_space<vmem>>, vector<16xi32>,
    tpu.vector_store %arg12[%swap3A_61], %shift_right_logical3A_60 {strides = array<i32>} : memref<512xi32, #tpu.memory_space<vmem>>, vector<16xi32>,
    %get3A_63 = arith.constant 144 : index
    %get3A_64 = tpu.vector_load %arg11[%get3A_63] {strides = array<i32>} : memref<512xi32, #tpu.memory_space<vmem>>, vector<16xi32>,
    %shift_right_logical3A_65 = arith.constant 2 : i32
    %shift_right_logical3A_66 = vector.broadcast %shift_right_logical3A_65 : i32 to vector<16xi32>
    %shift_right_logical3A_67 = arith.shrui %get3A_64, %shift_right_logical3A_66 : vector<16xi32>
    %swap3A_68 = arith.constant 144 : index
    %swap3A_69 = tpu.vector_load %arg12[%swap3A_68] {strides = array<i32>} : memref<512xi32, #tpu.memory_space<vmem>>, vector<16xi32>,
    tpu.vector_store %arg12[%swap3A_68], %shift_right_logical3A_67 {strides = array<i32>} : memref<512xi32, #tpu.memory_space<vmem>>, vector<16xi32>,
    %get3A_70 = arith.constant 160 : index
    %get3A_71 = tpu.vector_load %arg11[%get3A_70] {strides = array<i32>} : memref<512xi32, #tpu.memory_space<vmem>>, vector<16xi32>,
    %shift_right_logical3A_72 = arith.constant 2 : i32
    %shift_right_logical3A_73 = vector.broadcast %shift_right_logical3A_72 : i32 to vector<16xi32>
    %shift_right_logical3A_74 = arith.shrui %get3A_71, %shift_right_logical3A_73 : vector<16xi32>
    %swap3A_75 = arith.constant 160 : index
    %swap3A_76 = tpu.vector_load %arg12[%swap3A_75] {strides = array<i32>} : memref<512xi32, #tpu.memory_space<vmem>>, vector<16xi32>,
    tpu.vector_store %arg12[%swap3A_75], %shift_right_logical3A_74 {strides = array<i32>} : memref<512xi32, #tpu.memory_space<vmem>>, vector<16xi32>,
    %get3A_77 = arith.constant 176 : index
    %get3A_78 = tpu.vector_load %arg11[%get3A_77] {strides = array<i32>} : memref<512xi32, #tpu.memory_space<vmem>>, vector<16xi32>,
    %shift_right_logical3A_79 = arith.constant 2 : i32
    %shift_right_logical3A_80 = vector.broadcast %shift_right_logical3A_79 : i32 to vector<16xi32>
    %shift_right_logical3A_81 = arith.shrui %get3A_78, %shift_right_logical3A_80 : vector<16xi32>
    %swap3A_82 = arith.constant 176 : index
    %swap3A_83 = tpu.vector_load %arg12[%swap3A_82] {strides = array<i32>} : memref<512xi32, #tpu.memory_space<vmem>>, vector<16xi32>,
    tpu.vector_store %arg12[%swap3A_82], %shift_right_logical3A_81 {strides = array<i32>} : memref<512xi32, #tpu.memory_space<vmem>>, vector<16xi32>,
    %get3A_84 = arith.constant 192 : index
    %get3A_85 = tpu.vector_load %arg11[%get3A_84] {strides = array<i32>} : memref<512xi32, #tpu.memory_space<vmem>>, vector<16xi32>,
    %shift_right_logical3A_86 = arith.constant 2 : i32
    %shift_right_logical3A_87 = vector.broadcast %shift_right_logical3A_86 : i32 to vector<16xi32>
    %shift_right_logical3A_88 = arith.shrui %get3A_85, %shift_right_logical3A_87 : vector<16xi32>
    %swap3A_89 = arith.constant 192 : index
    %swap3A_90 = tpu.vector_load %arg12[%swap3A_89] {strides = array<i32>} : memref<512xi32, #tpu.memory_space<vmem>>, vector<16xi32>,
    tpu.vector_store %arg12[%swap3A_89], %shift_right_logical3A_88 {strides = array<i32>} : memref<512xi32, #tpu.memory_space<vmem>>, vector<16xi32>,
    %get3A_91 = arith.constant 208 : index
    %get3A_92 = tpu.vector_load %arg11[%get3A_91] {strides = array<i32>} : memref<512xi32, #tpu.memory_space<vmem>>, vector<16xi32>,
    %shift_right_logical3A_93 = arith.constant 2 : i32
    %shift_right_logical3A_94 = vector.broadcast %shift_right_logical3A_93 : i32 to vector<16xi32>
    %shift_right_logical3A_95 = arith.shrui %get3A_92, %shift_right_logical3A_94 : vector<16xi32>
    %swap3A_96 = arith.constant 208 : index
    %swap3A_97 = tpu.vector_load %arg12[%swap3A_96] {strides = array<i32>} : memref<512xi32, #tpu.memory_space<vmem>>, vector<16xi32>,
    tpu.vector_store %arg12[%swap3A_96], %shift_right_logical3A_95 {strides = array<i32>} : memref<512xi32, #tpu.memory_space<vmem>>, vector<16xi32>,
    %get3A_98 = arith.constant 224 : index
    %get3A_99 = tpu.vector_load %arg11[%get3A_98] {strides = array<i32>} : memref<512xi32, #tpu.memory_space<vmem>>, vector<16xi32>,
    %shift_right_logical3A_100 = arith.constant 2 : i32
    %shift_right_logical3A_101 = vector.broadcast %shift_right_logical3A_100 : i32 to vector<16xi32>
    %shift_right_logical3A_102 = arith.shrui %get3A_99, %shift_right_logical3A_101 : vector<16xi32>
    %swap3A_103 = arith.constant 224 : index
    %swap3A_104 = tpu.vector_load %arg12[%swap3A_103] {strides = array<i32>} : memref<512xi32, #tpu.memory_space<vmem>>, vector<16xi32>,
    tpu.vector_store %arg12[%swap3A_103], %shift_right_logical3A_102 {strides = array<i32>} : memref<512xi32, #tpu.memory_space<vmem>>, vector<16xi32>,
    %get3A_105 = arith.constant 240 : index
    %get3A_106 = tpu.vector_load %arg11[%get3A_105] {strides = array<i32>} : memref<512xi32, #tpu.memory_space<vmem>>, vector<16xi32>,
    %shift_right_logical3A_107 = arith.constant 2 : i32
    %shift_right_logical3A_108 = vector.broadcast %shift_right_logical3A_107 : i32 to vector<16xi32>
    %shift_right_logical3A_109 = arith.shrui %get3A_106, %shift_right_logical3A_108 : vector<16xi32>
    %swap3A_110 = arith.constant 240 : index
    %swap3A_111 = tpu.vector_load %arg12[%swap3A_110] {strides = array<i32>} : memref<512xi32, #tpu.memory_space<vmem>>, vector<16xi32>,
    tpu.vector_store %arg12[%swap3A_110], %shift_right_logical3A_109 {strides = array<i32>} : memref<512xi32, #tpu.memory_space<vmem>>, vector<16xi32>,
    %get3A_112 = arith.constant 256 : index
    %get3A_113 = tpu.vector_load %arg11[%get3A_112] {strides = array<i32>} : memref<512xi32, #tpu.memory_space<vmem>>, vector<16xi32>,
    %shift_right_logical3A_114 = arith.constant 2 : i32
    %shift_right_logical3A_115 = vector.broadcast %shift_right_logical3A_114 : i32 to vector<16xi32>
    %shift_right_logical3A_116 = arith.shrui %get3A_113, %shift_right_logical3A_115 : vector<16xi32>
    %swap3A_117 = arith.constant 256 : index
    %swap3A_118 = tpu.vector_load %arg12[%swap3A_117] {strides = array<i32>} : memref<512xi32, #tpu.memory_space<vmem>>, vector<16xi32>,
    tpu.vector_store %arg12[%swap3A_117], %shift_right_logical3A_116 {strides = array<i32>} : memref<512xi32, #tpu.memory_space<vmem>>, vector<16xi32>,
    %get3A_119 = arith.constant 272 : index
    %get3A_120 = tpu.vector_load %arg11[%get3A_119] {strides = array<i32>} : memref<512xi32, #tpu.memory_space<vmem>>, vector<16xi32>,
    %shift_right_logical3A_121 = arith.constant 2 : i32
    %shift_right_logical3A_122 = vector.broadcast %shift_right_logical3A_121 : i32 to vector<16xi32>
    %shift_right_logical3A_123 = arith.shrui %get3A_120, %shift_right_logical3A_122 : vector<16xi32>
    %swap3A_124 = arith.constant 272 : index
    %swap3A_125 = tpu.vector_load %arg12[%swap3A_124] {strides = array<i32>} : memref<512xi32, #tpu.memory_space<vmem>>, vector<16xi32>,
    tpu.vector_store %arg12[%swap3A_124], %shift_right_logical3A_123 {strides = array<i32>} : memref<512xi32, #tpu.memory_space<vmem>>, vector<16xi32>,
    %get3A_126 = arith.constant 288 : index
    %get3A_127 = tpu.vector_load %arg11[%get3A_126] {strides = array<i32>} : memref<512xi32, #tpu.memory_space<vmem>>, vector<16xi32>,
    %shift_right_logical3A_128 = arith.constant 2 : i32
    %shift_right_logical3A_129 = vector.broadcast %shift_right_logical3A_128 : i32 to vector<16xi32>
    %shift_right_logical3A_130 = arith.shrui %get3A_127, %shift_right_logical3A_129 : vector<16xi32>
    %swap3A_131 = arith.constant 288 : index
    %swap3A_132 = tpu.vector_load %arg12[%swap3A_131] {strides = array<i32>} : memref<512xi32, #tpu.memory_space<vmem>>, vector<16xi32>,
    tpu.vector_store %arg12[%swap3A_131], %shift_right_logical3A_130 {strides = array<i32>} : memref<512xi32, #tpu.memory_space<vmem>>, vector<16xi32>,
    %get3A_133 = arith.constant 304 : index
    %get3A_134 = tpu.vector_load %arg11[%get3A_133] {strides = array<i32>} : memref<512xi32, #tpu.memory_space<vmem>>, vector<16xi32>,
    %shift_right_logical3A_135 = arith.constant 2 : i32
    %shift_right_logical3A_136 = vector.broadcast %shift_right_logical3A_135 : i32 to vector<16xi32>
    %shift_right_logical3A_137 = arith.shrui %get3A_134, %shift_right_logical3A_136 : vector<16xi32>
    %swap3A_138 = arith.constant 304 : index
    %swap3A_139 = tpu.vector_load %arg12[%swap3A_138] {strides = array<i32>} : memref<512xi32, #tpu.memory_space<vmem>>, vector<16xi32>,
    tpu.vector_store %arg12[%swap3A_138], %shift_right_logical3A_137 {strides = array<i32>} : memref<512xi32, #tpu.memory_space<vmem>>, vector<16xi32>,
    %get3A_140 = arith.constant 320 : index
    %get3A_141 = tpu.vector_load %arg11[%get3A_140] {strides = array<i32>} : memref<512xi32, #tpu.memory_space<vmem>>, vector<16xi32>,
    %shift_right_logical3A_142 = arith.constant 2 : i32
    %shift_right_logical3A_143 = vector.broadcast %shift_right_logical3A_142 : i32 to vector<16xi32>
    %shift_right_logical3A_144 = arith.shrui %get3A_141, %shift_right_logical3A_143 : vector<16xi32>
    %swap3A_145 = arith.constant 320 : index
    %swap3A_146 = tpu.vector_load %arg12[%swap3A_145] {strides = array<i32>} : memref<512xi32, #tpu.memory_space<vmem>>, vector<16xi32>,
    tpu.vector_store %arg12[%swap3A_145], %shift_right_logical3A_144 {strides = array<i32>} : memref<512xi32, #tpu.memory_space<vmem>>, vector<16xi32>,
    %get3A_147 = arith.constant 336 : index
    %get3A_148 = tpu.vector_load %arg11[%get3A_147] {strides = array<i32>} : memref<512xi32, #tpu.memory_space<vmem>>, vector<16xi32>,
    %shift_right_logical3A_149 = arith.constant 2 : i32
    %shift_right_logical3A_150 = vector.broadcast %shift_right_logical3A_149 : i32 to vector<16xi32>
    %shift_right_logical3A_151 = arith.shrui %get3A_148, %shift_right_logical3A_150 : vector<16xi32>
    %swap3A_152 = arith.constant 336 : index
    %swap3A_153 = tpu.vector_load %arg12[%swap3A_152] {strides = array<i32>} : memref<512xi32, #tpu.memory_space<vmem>>, vector<16xi32>,
    tpu.vector_store %arg12[%swap3A_152], %shift_right_logical3A_151 {strides = array<i32>} : memref<512xi32, #tpu.memory_space<vmem>>, vector<16xi32>,
    %get3A_154 = arith.constant 352 : index
    %get3A_155 = tpu.vector_load %arg11[%get3A_154] {strides = array<i32>} : memref<512xi32, #tpu.memory_space<vmem>>, vector<16xi32>,
    %shift_right_logical3A_156 = arith.constant 2 : i32
    %shift_right_logical3A_157 = vector.broadcast %shift_right_logical3A_156 : i32 to vector<16xi32>
    %shift_right_logical3A_158 = arith.shrui %get3A_155, %shift_right_logical3A_157 : vector<16xi32>
    %swap3A_159 = arith.constant 352 : index
    %swap3A_160 = tpu.vector_load %arg12[%swap3A_159] {strides = array<i32>} : memref<512xi32, #tpu.memory_space<vmem>>, vector<16xi32>,
    tpu.vector_store %arg12[%swap3A_159], %shift_right_logical3A_158 {strides = array<i32>} : memref<512xi32, #tpu.memory_space<vmem>>, vector<16xi32>,
    %get3A_161 = arith.constant 368 : index
    %get3A_162 = tpu.vector_load %arg11[%get3A_161] {strides = array<i32>} : memref<512xi32, #tpu.memory_space<vmem>>, vector<16xi32>,
    %shift_right_logical3A_163 = arith.constant 2 : i32
    %shift_right_logical3A_164 = vector.broadcast %shift_right_logical3A_163 : i32 to vector<16xi32>
    %shift_right_logical3A_165 = arith.shrui %get3A_162, %shift_right_logical3A_164 : vector<16xi32>
    %swap3A_166 = arith.constant 368 : index
    %swap3A_167 = tpu.vector_load %arg12[%swap3A_166] {strides = array<i32>} : memref<512xi32, #tpu.memory_space<vmem>>, vector<16xi32>,
    tpu.vector_store %arg12[%swap3A_166], %shift_right_logical3A_165 {strides = array<i32>} : memref<512xi32, #tpu.memory_space<vmem>>, vector<16xi32>,
    %get3A_168 = arith.constant 384 : index
    %get3A_169 = tpu.vector_load %arg11[%get3A_168] {strides = array<i32>} : memref<512xi32, #tpu.memory_space<vmem>>, vector<16xi32>,
    %shift_right_logical3A_170 = arith.constant 2 : i32
    %shift_right_logical3A_171 = vector.broadcast %shift_right_logical3A_170 : i32 to vector<16xi32>
    %shift_right_logical3A_172 = arith.shrui %get3A_169, %shift_right_logical3A_171 : vector<16xi32>
    %swap3A_173 = arith.constant 384 : index
    %swap3A_174 = tpu.vector_load %arg12[%swap3A_173] {strides = array<i32>} : memref<512xi32, #tpu.memory_space<vmem>>, vector<16xi32>,
    tpu.vector_store %arg12[%swap3A_173], %shift_right_logical3A_172 {strides = array<i32>} : memref<512xi32, #tpu.memory_space<vmem>>, vector<16xi32>,
    %get3A_175 = arith.constant 400 : index
    %get3A_176 = tpu.vector_load %arg11[%get3A_175] {strides = array<i32>} : memref<512xi32, #tpu.memory_space<vmem>>, vector<16xi32>,
    %shift_right_logical3A_177 = arith.constant 2 : i32
    %shift_right_logical3A_178 = vector.broadcast %shift_right_logical3A_177 : i32 to vector<16xi32>
    %shift_right_logical3A_179 = arith.shrui %get3A_176, %shift_right_logical3A_178 : vector<16xi32>
    %swap3A_180 = arith.constant 400 : index
    %swap3A_181 = tpu.vector_load %arg12[%swap3A_180] {strides = array<i32>} : memref<512xi32, #tpu.memory_space<vmem>>, vector<16xi32>,
    tpu.vector_store %arg12[%swap3A_180], %shift_right_logical3A_179 {strides = array<i32>} : memref<512xi32, #tpu.memory_space<vmem>>, vector<16xi32>,
    %get3A_182 = arith.constant 416 : index
    %get3A_183 = tpu.vector_load %arg11[%get3A_182] {strides = array<i32>} : memref<512xi32, #tpu.memory_space<vmem>>, vector<16xi32>,
    %shift_right_logical3A_184 = arith.constant 2 : i32
    %shift_right_logical3A_185 = vector.broadcast %shift_right_logical3A_184 : i32 to vector<16xi32>
    %shift_right_logical3A_186 = arith.shrui %get3A_183, %shift_right_logical3A_185 : vector<16xi32>
    %swap3A_187 = arith.constant 416 : index
    %swap3A_188 = tpu.vector_load %arg12[%swap3A_187] {strides = array<i32>} : memref<512xi32, #tpu.memory_space<vmem>>, vector<16xi32>,
    tpu.vector_store %arg12[%swap3A_187], %shift_right_logical3A_186 {strides = array<i32>} : memref<512xi32, #tpu.memory_space<vmem>>, vector<16xi32>,
    %get3A_189 = arith.constant 432 : index
    %get3A_190 = tpu.vector_load %arg11[%get3A_189] {strides = array<i32>} : memref<512xi32, #tpu.memory_space<vmem>>, vector<16xi32>,
    %shift_right_logical3A_191 = arith.constant 2 : i32
    %shift_right_logical3A_192 = vector.broadcast %shift_right_logical3A_191 : i32 to vector<16xi32>
    %shift_right_logical3A_193 = arith.shrui %get3A_190, %shift_right_logical3A_192 : vector<16xi32>
    %swap3A_194 = arith.constant 432 : index
    %swap3A_195 = tpu.vector_load %arg12[%swap3A_194] {strides = array<i32>} : memref<512xi32, #tpu.memory_space<vmem>>, vector<16xi32>,
    tpu.vector_store %arg12[%swap3A_194], %shift_right_logical3A_193 {strides = array<i32>} : memref<512xi32, #tpu.memory_space<vmem>>, vector<16xi32>,
    %get3A_196 = arith.constant 448 : index
    %get3A_197 = tpu.vector_load %arg11[%get3A_196] {strides = array<i32>} : memref<512xi32, #tpu.memory_space<vmem>>, vector<16xi32>,
    %shift_right_logical3A_198 = arith.constant 2 : i32
    %shift_right_logical3A_199 = vector.broadcast %shift_right_logical3A_198 : i32 to vector<16xi32>
    %shift_right_logical3A_200 = arith.shrui %get3A_197, %shift_right_logical3A_199 : vector<16xi32>
    %swap3A_201 = arith.constant 448 : index
    %swap3A_202 = tpu.vector_load %arg12[%swap3A_201] {strides = array<i32>} : memref<512xi32, #tpu.memory_space<vmem>>, vector<16xi32>,
    tpu.vector_store %arg12[%swap3A_201], %shift_right_logical3A_200 {strides = array<i32>} : memref<512xi32, #tpu.memory_space<vmem>>, vector<16xi32>,
    %get3A_203 = arith.constant 464 : index
    %get3A_204 = tpu.vector_load %arg11[%get3A_203] {strides = array<i32>} : memref<512xi32, #tpu.memory_space<vmem>>, vector<16xi32>,
    %shift_right_logical3A_205 = arith.constant 2 : i32
    %shift_right_logical3A_206 = vector.broadcast %shift_right_logical3A_205 : i32 to vector<16xi32>
    %shift_right_logical3A_207 = arith.shrui %get3A_204, %shift_right_logical3A_206 : vector<16xi32>
    %swap3A_208 = arith.constant 464 : index
    %swap3A_209 = tpu.vector_load %arg12[%swap3A_208] {strides = array<i32>} : memref<512xi32, #tpu.memory_space<vmem>>, vector<16xi32>,
    tpu.vector_store %arg12[%swap3A_208], %shift_right_logical3A_207 {strides = array<i32>} : memref<512xi32, #tpu.memory_space<vmem>>, vector<16xi32>,
    %get3A_210 = arith.constant 480 : index
    %get3A_211 = tpu.vector_load %arg11[%get3A_210] {strides = array<i32>} : memref<512xi32, #tpu.memory_space<vmem>>, vector<16xi32>,
    %shift_right_logical3A_212 = arith.constant 2 : i32
    %shift_right_logical3A_213 = vector.broadcast %shift_right_logical3A_212 : i32 to vector<16xi32>
    %shift_right_logical3A_214 = arith.shrui %get3A_211, %shift_right_logical3A_213 : vector<16xi32>
    %swap3A_215 = arith.constant 480 : index
    %swap3A_216 = tpu.vector_load %arg12[%swap3A_215] {strides = array<i32>} : memref<512xi32, #tpu.memory_space<vmem>>, vector<16xi32>,
    tpu.vector_store %arg12[%swap3A_215], %shift_right_logical3A_214 {strides = array<i32>} : memref<512xi32, #tpu.memory_space<vmem>>, vector<16xi32>,
    %get3A_217 = arith.constant 496 : index
    %get3A_218 = tpu.vector_load %arg11[%get3A_217] {strides = array<i32>} : memref<512xi32, #tpu.memory_space<vmem>>, vector<16xi32>,
    %shift_right_logical3A_219 = arith.constant 2 : i32
    %shift_right_logical3A_220 = vector.broadcast %shift_right_logical3A_219 : i32 to vector<16xi32>
    %shift_right_logical3A_221 = arith.shrui %get3A_218, %shift_right_logical3A_220 : vector<16xi32>
    %swap3A_222 = arith.constant 496 : index
    %swap3A_223 = tpu.vector_load %arg12[%swap3A_222] {strides = array<i32>} : memref<512xi32, #tpu.memory_space<vmem>>, vector<16xi32>,
    tpu.vector_store %arg12[%swap3A_222], %shift_right_logical3A_221 {strides = array<i32>} : memref<512xi32, #tpu.memory_space<vmem>>, vector<16xi32>,
    %dma_start3A = arith.constant 0 : i32
    %dma_start3A_224 = arith.constant 0 : i32
    %dma_start3A_225 = tpu.memref_slice %arg4[%dma_start3A, %dma_start3A_224] : memref<25000x128xf32, #tpu.memory_space<hbm>> -> memref<25000x128xf32, #tpu.memory_space<hbm>>
    tpu.enqueue_indirect_dma source(%dma_start3A_225 : memref<25000x128xf32, #tpu.memory_space<hbm>>) target(%arg13 : memref<512x128xf32, #tpu.memory_space<vmem>>) offsets(%arg12 : memref<512xi32, #tpu.memory_space<vmem>>) semaphore(%arg16 : memref<!tpu.dma_semaphore, #tpu.memory_space<semaphore_mem>>)
    %dma_wait3A = arith.constant 0 : i32
    %dma_wait3A_226 = arith.constant 0 : i32
    %dma_wait3A_227 = tpu.memref_slice %arg4[%dma_wait3A, %dma_wait3A_226] : memref<25000x128xf32, #tpu.memory_space<hbm>> -> memref<25000x128xf32, #tpu.memory_space<hbm>>
    tpu.wait_indirect_dma semaphore(%arg16 : memref<!tpu.dma_semaphore, #tpu.memory_space<semaphore_mem>>) src(%dma_wait3A_227 : memref<25000x128xf32, #tpu.memory_space<hbm>>) dst(%arg13 : memref<512x128xf32, #tpu.memory_space<vmem>>)
    %scan3A = arith.constant 0 : i32
    %scan3A_228 = arith.constant 0 : i32
    %scan3A_229 = arith.constant 32 : i32
    %scan3A_230 = arith.addi %scan3A_228, %scan3A_229 : i32
    %scan3A_231 = arith.constant 1 : i32
    scf.for %scan3A_705 = %scan3A_228 to %scan3A_230 step %scan3A_231  : i32 {
      %mul3A_706 = arith.constant 16 : i32
      %mul3A_707 = arith.muli %scan3A_705, %mul3A_706 : i32
      %get3A_708 = arith.index_cast %mul3A_707 : i32 to index
      %get3A_709 = tpu.vector_load %arg11[%get3A_708] {strides = array<i32>} : memref<512xi32, #tpu.memory_space<vmem>>, vector<16xi32>,
      %and3A = arith.constant 3 : i32
      %and3A_710 = vector.broadcast %and3A : i32 to vector<16xi32>
      %and3A_711 = arith.andi %get3A_709, %and3A_710 : vector<16xi32>
      %iota3A = tpu.iota {dimensions = array<i32: 0>} : vector<16xi32>
      %add3A_712 = vector.broadcast %mul3A_707 : i32 to vector<16xi32>
      %add3A_713 = arith.addi %iota3A, %add3A_712 : vector<16xi32>
      %iota3A_714 = tpu.iota {dimensions = array<i32: 0>} : vector<16xi32>
      %add3A_715 = vector.broadcast %mul3A_707 : i32 to vector<16xi32>
      %add3A_716 = arith.addi %iota3A_714, %add3A_715 : vector<16xi32>
      %broadcast_in_dim3A = arith.constant 0 : i32
      %broadcast_in_dim3A_717 = vector.broadcast %broadcast_in_dim3A : i32 to vector<16xi32>
      %mul3A_718 = arith.constant 32 : i32
      %mul3A_719 = vector.broadcast %mul3A_718 : i32 to vector<16xi32>
      %mul3A_720 = arith.muli %and3A_711, %mul3A_719 : vector<16xi32>
      %add3A_721 = arith.constant 0 : i32
      %add3A_722 = vector.broadcast %add3A_721 : i32 to vector<16xi32>
      %add3A_723 = arith.addi %mul3A_720, %add3A_722 : vector<16xi32>
      %gather3A = tpu.vector_load_idx %arg13[%add3A_713, %add3A_723] : memref<512x128xf32, #tpu.memory_space<vmem>>[vector<16xi32>, vector<16xi32>], vector<16xf32>,
      tpu.vector_store_idx %arg14[%broadcast_in_dim3A_717, %add3A_716], %gather3A : memref<32x512xf32, #tpu.memory_space<vmem>>[vector<16xi32>, vector<16xi32>], vector<16xf32>,
      %broadcast_in_dim3A_724 = arith.constant 1 : i32
      %broadcast_in_dim3A_725 = vector.broadcast %broadcast_in_dim3A_724 : i32 to vector<16xi32>
      %mul3A_726 = arith.constant 32 : i32
      %mul3A_727 = vector.broadcast %mul3A_726 : i32 to vector<16xi32>
      %mul3A_728 = arith.muli %and3A_711, %mul3A_727 : vector<16xi32>
      %add3A_729 = arith.constant 1 : i32
      %add3A_730 = vector.broadcast %add3A_729 : i32 to vector<16xi32>
      %add3A_731 = arith.addi %mul3A_728, %add3A_730 : vector<16xi32>
      %gather3A_732 = tpu.vector_load_idx %arg13[%add3A_713, %add3A_731] : memref<512x128xf32, #tpu.memory_space<vmem>>[vector<16xi32>, vector<16xi32>], vector<16xf32>,
      tpu.vector_store_idx %arg14[%broadcast_in_dim3A_725, %add3A_716], %gather3A_732 : memref<32x512xf32, #tpu.memory_space<vmem>>[vector<16xi32>, vector<16xi32>], vector<16xf32>,
      %broadcast_in_dim3A_733 = arith.constant 2 : i32
      %broadcast_in_dim3A_734 = vector.broadcast %broadcast_in_dim3A_733 : i32 to vector<16xi32>
      %mul3A_735 = arith.constant 32 : i32
      %mul3A_736 = vector.broadcast %mul3A_735 : i32 to vector<16xi32>
      %mul3A_737 = arith.muli %and3A_711, %mul3A_736 : vector<16xi32>
      %add3A_738 = arith.constant 2 : i32
      %add3A_739 = vector.broadcast %add3A_738 : i32 to vector<16xi32>
      %add3A_740 = arith.addi %mul3A_737, %add3A_739 : vector<16xi32>
      %gather3A_741 = tpu.vector_load_idx %arg13[%add3A_713, %add3A_740] : memref<512x128xf32, #tpu.memory_space<vmem>>[vector<16xi32>, vector<16xi32>], vector<16xf32>,
      tpu.vector_store_idx %arg14[%broadcast_in_dim3A_734, %add3A_716], %gather3A_741 : memref<32x512xf32, #tpu.memory_space<vmem>>[vector<16xi32>, vector<16xi32>], vector<16xf32>,
      %broadcast_in_dim3A_742 = arith.constant 3 : i32
      %broadcast_in_dim3A_743 = vector.broadcast %broadcast_in_dim3A_742 : i32 to vector<16xi32>
      %mul3A_744 = arith.constant 32 : i32
      %mul3A_745 = vector.broadcast %mul3A_744 : i32 to vector<16xi32>
      %mul3A_746 = arith.muli %and3A_711, %mul3A_745 : vector<16xi32>
      %add3A_747 = arith.constant 3 : i32
      %add3A_748 = vector.broadcast %add3A_747 : i32 to vector<16xi32>
      %add3A_749 = arith.addi %mul3A_746, %add3A_748 : vector<16xi32>
      %gather3A_750 = tpu.vector_load_idx %arg13[%add3A_713, %add3A_749] : memref<512x128xf32, #tpu.memory_space<vmem>>[vector<16xi32>, vector<16xi32>], vector<16xf32>,
      tpu.vector_store_idx %arg14[%broadcast_in_dim3A_743, %add3A_716], %gather3A_750 : memref<32x512xf32, #tpu.memory_space<vmem>>[vector<16xi32>, vector<16xi32>], vector<16xf32>,
      %broadcast_in_dim3A_751 = arith.constant 4 : i32
      %broadcast_in_dim3A_752 = vector.broadcast %broadcast_in_dim3A_751 : i32 to vector<16xi32>
      %mul3A_753 = arith.constant 32 : i32
      %mul3A_754 = vector.broadcast %mul3A_753 : i32 to vector<16xi32>
      %mul3A_755 = arith.muli %and3A_711, %mul3A_754 : vector<16xi32>
      %add3A_756 = arith.constant 4 : i32
      %add3A_757 = vector.broadcast %add3A_756 : i32 to vector<16xi32>
      %add3A_758 = arith.addi %mul3A_755, %add3A_757 : vector<16xi32>
      %gather3A_759 = tpu.vector_load_idx %arg13[%add3A_713, %add3A_758] : memref<512x128xf32, #tpu.memory_space<vmem>>[vector<16xi32>, vector<16xi32>], vector<16xf32>,
      tpu.vector_store_idx %arg14[%broadcast_in_dim3A_752, %add3A_716], %gather3A_759 : memref<32x512xf32, #tpu.memory_space<vmem>>[vector<16xi32>, vector<16xi32>], vector<16xf32>,
      %broadcast_in_dim3A_760 = arith.constant 5 : i32
      %broadcast_in_dim3A_761 = vector.broadcast %broadcast_in_dim3A_760 : i32 to vector<16xi32>
      %mul3A_762 = arith.constant 32 : i32
      %mul3A_763 = vector.broadcast %mul3A_762 : i32 to vector<16xi32>
      %mul3A_764 = arith.muli %and3A_711, %mul3A_763 : vector<16xi32>
      %add3A_765 = arith.constant 5 : i32
      %add3A_766 = vector.broadcast %add3A_765 : i32 to vector<16xi32>
      %add3A_767 = arith.addi %mul3A_764, %add3A_766 : vector<16xi32>
      %gather3A_768 = tpu.vector_load_idx %arg13[%add3A_713, %add3A_767] : memref<512x128xf32, #tpu.memory_space<vmem>>[vector<16xi32>, vector<16xi32>], vector<16xf32>,
      tpu.vector_store_idx %arg14[%broadcast_in_dim3A_761, %add3A_716], %gather3A_768 : memref<32x512xf32, #tpu.memory_space<vmem>>[vector<16xi32>, vector<16xi32>], vector<16xf32>,
      %broadcast_in_dim3A_769 = arith.constant 6 : i32
      %broadcast_in_dim3A_770 = vector.broadcast %broadcast_in_dim3A_769 : i32 to vector<16xi32>
      %mul3A_771 = arith.constant 32 : i32
      %mul3A_772 = vector.broadcast %mul3A_771 : i32 to vector<16xi32>
      %mul3A_773 = arith.muli %and3A_711, %mul3A_772 : vector<16xi32>
      %add3A_774 = arith.constant 6 : i32
      %add3A_775 = vector.broadcast %add3A_774 : i32 to vector<16xi32>
      %add3A_776 = arith.addi %mul3A_773, %add3A_775 : vector<16xi32>
      %gather3A_777 = tpu.vector_load_idx %arg13[%add3A_713, %add3A_776] : memref<512x128xf32, #tpu.memory_space<vmem>>[vector<16xi32>, vector<16xi32>], vector<16xf32>,
      tpu.vector_store_idx %arg14[%broadcast_in_dim3A_770, %add3A_716], %gather3A_777 : memref<32x512xf32, #tpu.memory_space<vmem>>[vector<16xi32>, vector<16xi32>], vector<16xf32>,
      %broadcast_in_dim3A_778 = arith.constant 7 : i32
      %broadcast_in_dim3A_779 = vector.broadcast %broadcast_in_dim3A_778 : i32 to vector<16xi32>
      %mul3A_780 = arith.constant 32 : i32
      %mul3A_781 = vector.broadcast %mul3A_780 : i32 to vector<16xi32>
      %mul3A_782 = arith.muli %and3A_711, %mul3A_781 : vector<16xi32>
      %add3A_783 = arith.constant 7 : i32
      %add3A_784 = vector.broadcast %add3A_783 : i32 to vector<16xi32>
      %add3A_785 = arith.addi %mul3A_782, %add3A_784 : vector<16xi32>
      %gather3A_786 = tpu.vector_load_idx %arg13[%add3A_713, %add3A_785] : memref<512x128xf32, #tpu.memory_space<vmem>>[vector<16xi32>, vector<16xi32>], vector<16xf32>,
      tpu.vector_store_idx %arg14[%broadcast_in_dim3A_779, %add3A_716], %gather3A_786 : memref<32x512xf32, #tpu.memory_space<vmem>>[vector<16xi32>, vector<16xi32>], vector<16xf32>,
      %broadcast_in_dim3A_787 = arith.constant 8 : i32
      %broadcast_in_dim3A_788 = vector.broadcast %broadcast_in_dim3A_787 : i32 to vector<16xi32>
      %mul3A_789 = arith.constant 32 : i32
      %mul3A_790 = vector.broadcast %mul3A_789 : i32 to vector<16xi32>
      %mul3A_791 = arith.muli %and3A_711, %mul3A_790 : vector<16xi32>
      %add3A_792 = arith.constant 8 : i32
      %add3A_793 = vector.broadcast %add3A_792 : i32 to vector<16xi32>
      %add3A_794 = arith.addi %mul3A_791, %add3A_793 : vector<16xi32>
      %gather3A_795 = tpu.vector_load_idx %arg13[%add3A_713, %add3A_794] : memref<512x128xf32, #tpu.memory_space<vmem>>[vector<16xi32>, vector<16xi32>], vector<16xf32>,
      tpu.vector_store_idx %arg14[%broadcast_in_dim3A_788, %add3A_716], %gather3A_795 : memref<32x512xf32, #tpu.memory_space<vmem>>[vector<16xi32>, vector<16xi32>], vector<16xf32>,
      %broadcast_in_dim3A_796 = arith.constant 9 : i32
      %broadcast_in_dim3A_797 = vector.broadcast %broadcast_in_dim3A_796 : i32 to vector<16xi32>
      %mul3A_798 = arith.constant 32 : i32
      %mul3A_799 = vector.broadcast %mul3A_798 : i32 to vector<16xi32>
      %mul3A_800 = arith.muli %and3A_711, %mul3A_799 : vector<16xi32>
      %add3A_801 = arith.constant 9 : i32
      %add3A_802 = vector.broadcast %add3A_801 : i32 to vector<16xi32>
      %add3A_803 = arith.addi %mul3A_800, %add3A_802 : vector<16xi32>
      %gather3A_804 = tpu.vector_load_idx %arg13[%add3A_713, %add3A_803] : memref<512x128xf32, #tpu.memory_space<vmem>>[vector<16xi32>, vector<16xi32>], vector<16xf32>,
      tpu.vector_store_idx %arg14[%broadcast_in_dim3A_797, %add3A_716], %gather3A_804 : memref<32x512xf32, #tpu.memory_space<vmem>>[vector<16xi32>, vector<16xi32>], vector<16xf32>,
      %broadcast_in_dim3A_805 = arith.constant 10 : i32
      %broadcast_in_dim3A_806 = vector.broadcast %broadcast_in_dim3A_805 : i32 to vector<16xi32>
      %mul3A_807 = arith.constant 32 : i32
      %mul3A_808 = vector.broadcast %mul3A_807 : i32 to vector<16xi32>
      %mul3A_809 = arith.muli %and3A_711, %mul3A_808 : vector<16xi32>
      %add3A_810 = arith.constant 10 : i32
      %add3A_811 = vector.broadcast %add3A_810 : i32 to vector<16xi32>
      %add3A_812 = arith.addi %mul3A_809, %add3A_811 : vector<16xi32>
      %gather3A_813 = tpu.vector_load_idx %arg13[%add3A_713, %add3A_812] : memref<512x128xf32, #tpu.memory_space<vmem>>[vector<16xi32>, vector<16xi32>], vector<16xf32>,
      tpu.vector_store_idx %arg14[%broadcast_in_dim3A_806, %add3A_716], %gather3A_813 : memref<32x512xf32, #tpu.memory_space<vmem>>[vector<16xi32>, vector<16xi32>], vector<16xf32>,
      %broadcast_in_dim3A_814 = arith.constant 11 : i32
      %broadcast_in_dim3A_815 = vector.broadcast %broadcast_in_dim3A_814 : i32 to vector<16xi32>
      %mul3A_816 = arith.constant 32 : i32
      %mul3A_817 = vector.broadcast %mul3A_816 : i32 to vector<16xi32>
      %mul3A_818 = arith.muli %and3A_711, %mul3A_817 : vector<16xi32>
      %add3A_819 = arith.constant 11 : i32
      %add3A_820 = vector.broadcast %add3A_819 : i32 to vector<16xi32>
      %add3A_821 = arith.addi %mul3A_818, %add3A_820 : vector<16xi32>
      %gather3A_822 = tpu.vector_load_idx %arg13[%add3A_713, %add3A_821] : memref<512x128xf32, #tpu.memory_space<vmem>>[vector<16xi32>, vector<16xi32>], vector<16xf32>,
      tpu.vector_store_idx %arg14[%broadcast_in_dim3A_815, %add3A_716], %gather3A_822 : memref<32x512xf32, #tpu.memory_space<vmem>>[vector<16xi32>, vector<16xi32>], vector<16xf32>,
      %broadcast_in_dim3A_823 = arith.constant 12 : i32
      %broadcast_in_dim3A_824 = vector.broadcast %broadcast_in_dim3A_823 : i32 to vector<16xi32>
      %mul3A_825 = arith.constant 32 : i32
      %mul3A_826 = vector.broadcast %mul3A_825 : i32 to vector<16xi32>
      %mul3A_827 = arith.muli %and3A_711, %mul3A_826 : vector<16xi32>
      %add3A_828 = arith.constant 12 : i32
      %add3A_829 = vector.broadcast %add3A_828 : i32 to vector<16xi32>
      %add3A_830 = arith.addi %mul3A_827, %add3A_829 : vector<16xi32>
      %gather3A_831 = tpu.vector_load_idx %arg13[%add3A_713, %add3A_830] : memref<512x128xf32, #tpu.memory_space<vmem>>[vector<16xi32>, vector<16xi32>], vector<16xf32>,
      tpu.vector_store_idx %arg14[%broadcast_in_dim3A_824, %add3A_716], %gather3A_831 : memref<32x512xf32, #tpu.memory_space<vmem>>[vector<16xi32>, vector<16xi32>], vector<16xf32>,
      %broadcast_in_dim3A_832 = arith.constant 13 : i32
      %broadcast_in_dim3A_833 = vector.broadcast %broadcast_in_dim3A_832 : i32 to vector<16xi32>
      %mul3A_834 = arith.constant 32 : i32
      %mul3A_835 = vector.broadcast %mul3A_834 : i32 to vector<16xi32>
      %mul3A_836 = arith.muli %and3A_711, %mul3A_835 : vector<16xi32>
      %add3A_837 = arith.constant 13 : i32
      %add3A_838 = vector.broadcast %add3A_837 : i32 to vector<16xi32>
      %add3A_839 = arith.addi %mul3A_836, %add3A_838 : vector<16xi32>
      %gather3A_840 = tpu.vector_load_idx %arg13[%add3A_713, %add3A_839] : memref<512x128xf32, #tpu.memory_space<vmem>>[vector<16xi32>, vector<16xi32>], vector<16xf32>,
      tpu.vector_store_idx %arg14[%broadcast_in_dim3A_833, %add3A_716], %gather3A_840 : memref<32x512xf32, #tpu.memory_space<vmem>>[vector<16xi32>, vector<16xi32>], vector<16xf32>,
      %broadcast_in_dim3A_841 = arith.constant 14 : i32
      %broadcast_in_dim3A_842 = vector.broadcast %broadcast_in_dim3A_841 : i32 to vector<16xi32>
      %mul3A_843 = arith.constant 32 : i32
      %mul3A_844 = vector.broadcast %mul3A_843 : i32 to vector<16xi32>
      %mul3A_845 = arith.muli %and3A_711, %mul3A_844 : vector<16xi32>
      %add3A_846 = arith.constant 14 : i32
      %add3A_847 = vector.broadcast %add3A_846 : i32 to vector<16xi32>
      %add3A_848 = arith.addi %mul3A_845, %add3A_847 : vector<16xi32>
      %gather3A_849 = tpu.vector_load_idx %arg13[%add3A_713, %add3A_848] : memref<512x128xf32, #tpu.memory_space<vmem>>[vector<16xi32>, vector<16xi32>], vector<16xf32>,
      tpu.vector_store_idx %arg14[%broadcast_in_dim3A_842, %add3A_716], %gather3A_849 : memref<32x512xf32, #tpu.memory_space<vmem>>[vector<16xi32>, vector<16xi32>], vector<16xf32>,
      %broadcast_in_dim3A_850 = arith.constant 15 : i32
      %broadcast_in_dim3A_851 = vector.broadcast %broadcast_in_dim3A_850 : i32 to vector<16xi32>
      %mul3A_852 = arith.constant 32 : i32
      %mul3A_853 = vector.broadcast %mul3A_852 : i32 to vector<16xi32>
      %mul3A_854 = arith.muli %and3A_711, %mul3A_853 : vector<16xi32>
      %add3A_855 = arith.constant 15 : i32
      %add3A_856 = vector.broadcast %add3A_855 : i32 to vector<16xi32>
      %add3A_857 = arith.addi %mul3A_854, %add3A_856 : vector<16xi32>
      %gather3A_858 = tpu.vector_load_idx %arg13[%add3A_713, %add3A_857] : memref<512x128xf32, #tpu.memory_space<vmem>>[vector<16xi32>, vector<16xi32>], vector<16xf32>,
      tpu.vector_store_idx %arg14[%broadcast_in_dim3A_851, %add3A_716], %gather3A_858 : memref<32x512xf32, #tpu.memory_space<vmem>>[vector<16xi32>, vector<16xi32>], vector<16xf32>,
      %broadcast_in_dim3A_859 = arith.constant 16 : i32
      %broadcast_in_dim3A_860 = vector.broadcast %broadcast_in_dim3A_859 : i32 to vector<16xi32>
      %mul3A_861 = arith.constant 32 : i32
      %mul3A_862 = vector.broadcast %mul3A_861 : i32 to vector<16xi32>
      %mul3A_863 = arith.muli %and3A_711, %mul3A_862 : vector<16xi32>
      %add3A_864 = arith.constant 16 : i32
      %add3A_865 = vector.broadcast %add3A_864 : i32 to vector<16xi32>
      %add3A_866 = arith.addi %mul3A_863, %add3A_865 : vector<16xi32>
      %gather3A_867 = tpu.vector_load_idx %arg13[%add3A_713, %add3A_866] : memref<512x128xf32, #tpu.memory_space<vmem>>[vector<16xi32>, vector<16xi32>], vector<16xf32>,
      tpu.vector_store_idx %arg14[%broadcast_in_dim3A_860, %add3A_716], %gather3A_867 : memref<32x512xf32, #tpu.memory_space<vmem>>[vector<16xi32>, vector<16xi32>], vector<16xf32>,
      %broadcast_in_dim3A_868 = arith.constant 17 : i32
      %broadcast_in_dim3A_869 = vector.broadcast %broadcast_in_dim3A_868 : i32 to vector<16xi32>
      %mul3A_870 = arith.constant 32 : i32
      %mul3A_871 = vector.broadcast %mul3A_870 : i32 to vector<16xi32>
      %mul3A_872 = arith.muli %and3A_711, %mul3A_871 : vector<16xi32>
      %add3A_873 = arith.constant 17 : i32
      %add3A_874 = vector.broadcast %add3A_873 : i32 to vector<16xi32>
      %add3A_875 = arith.addi %mul3A_872, %add3A_874 : vector<16xi32>
      %gather3A_876 = tpu.vector_load_idx %arg13[%add3A_713, %add3A_875] : memref<512x128xf32, #tpu.memory_space<vmem>>[vector<16xi32>, vector<16xi32>], vector<16xf32>,
      tpu.vector_store_idx %arg14[%broadcast_in_dim3A_869, %add3A_716], %gather3A_876 : memref<32x512xf32, #tpu.memory_space<vmem>>[vector<16xi32>, vector<16xi32>], vector<16xf32>,
      %broadcast_in_dim3A_877 = arith.constant 18 : i32
      %broadcast_in_dim3A_878 = vector.broadcast %broadcast_in_dim3A_877 : i32 to vector<16xi32>
      %mul3A_879 = arith.constant 32 : i32
      %mul3A_880 = vector.broadcast %mul3A_879 : i32 to vector<16xi32>
      %mul3A_881 = arith.muli %and3A_711, %mul3A_880 : vector<16xi32>
      %add3A_882 = arith.constant 18 : i32
      %add3A_883 = vector.broadcast %add3A_882 : i32 to vector<16xi32>
      %add3A_884 = arith.addi %mul3A_881, %add3A_883 : vector<16xi32>
      %gather3A_885 = tpu.vector_load_idx %arg13[%add3A_713, %add3A_884] : memref<512x128xf32, #tpu.memory_space<vmem>>[vector<16xi32>, vector<16xi32>], vector<16xf32>,
      tpu.vector_store_idx %arg14[%broadcast_in_dim3A_878, %add3A_716], %gather3A_885 : memref<32x512xf32, #tpu.memory_space<vmem>>[vector<16xi32>, vector<16xi32>], vector<16xf32>,
      %broadcast_in_dim3A_886 = arith.constant 19 : i32
      %broadcast_in_dim3A_887 = vector.broadcast %broadcast_in_dim3A_886 : i32 to vector<16xi32>
      %mul3A_888 = arith.constant 32 : i32
      %mul3A_889 = vector.broadcast %mul3A_888 : i32 to vector<16xi32>
      %mul3A_890 = arith.muli %and3A_711, %mul3A_889 : vector<16xi32>
      %add3A_891 = arith.constant 19 : i32
      %add3A_892 = vector.broadcast %add3A_891 : i32 to vector<16xi32>
      %add3A_893 = arith.addi %mul3A_890, %add3A_892 : vector<16xi32>
      %gather3A_894 = tpu.vector_load_idx %arg13[%add3A_713, %add3A_893] : memref<512x128xf32, #tpu.memory_space<vmem>>[vector<16xi32>, vector<16xi32>], vector<16xf32>,
      tpu.vector_store_idx %arg14[%broadcast_in_dim3A_887, %add3A_716], %gather3A_894 : memref<32x512xf32, #tpu.memory_space<vmem>>[vector<16xi32>, vector<16xi32>], vector<16xf32>,
      %broadcast_in_dim3A_895 = arith.constant 20 : i32
      %broadcast_in_dim3A_896 = vector.broadcast %broadcast_in_dim3A_895 : i32 to vector<16xi32>
      %mul3A_897 = arith.constant 32 : i32
      %mul3A_898 = vector.broadcast %mul3A_897 : i32 to vector<16xi32>
      %mul3A_899 = arith.muli %and3A_711, %mul3A_898 : vector<16xi32>
      %add3A_900 = arith.constant 20 : i32
      %add3A_901 = vector.broadcast %add3A_900 : i32 to vector<16xi32>
      %add3A_902 = arith.addi %mul3A_899, %add3A_901 : vector<16xi32>
      %gather3A_903 = tpu.vector_load_idx %arg13[%add3A_713, %add3A_902] : memref<512x128xf32, #tpu.memory_space<vmem>>[vector<16xi32>, vector<16xi32>], vector<16xf32>,
      tpu.vector_store_idx %arg14[%broadcast_in_dim3A_896, %add3A_716], %gather3A_903 : memref<32x512xf32, #tpu.memory_space<vmem>>[vector<16xi32>, vector<16xi32>], vector<16xf32>,
      %broadcast_in_dim3A_904 = arith.constant 21 : i32
      %broadcast_in_dim3A_905 = vector.broadcast %broadcast_in_dim3A_904 : i32 to vector<16xi32>
      %mul3A_906 = arith.constant 32 : i32
      %mul3A_907 = vector.broadcast %mul3A_906 : i32 to vector<16xi32>
      %mul3A_908 = arith.muli %and3A_711, %mul3A_907 : vector<16xi32>
      %add3A_909 = arith.constant 21 : i32
      %add3A_910 = vector.broadcast %add3A_909 : i32 to vector<16xi32>
      %add3A_911 = arith.addi %mul3A_908, %add3A_910 : vector<16xi32>
      %gather3A_912 = tpu.vector_load_idx %arg13[%add3A_713, %add3A_911] : memref<512x128xf32, #tpu.memory_space<vmem>>[vector<16xi32>, vector<16xi32>], vector<16xf32>,
      tpu.vector_store_idx %arg14[%broadcast_in_dim3A_905, %add3A_716], %gather3A_912 : memref<32x512xf32, #tpu.memory_space<vmem>>[vector<16xi32>, vector<16xi32>], vector<16xf32>,
      %broadcast_in_dim3A_913 = arith.constant 22 : i32
      %broadcast_in_dim3A_914 = vector.broadcast %broadcast_in_dim3A_913 : i32 to vector<16xi32>
      %mul3A_915 = arith.constant 32 : i32
      %mul3A_916 = vector.broadcast %mul3A_915 : i32 to vector<16xi32>
      %mul3A_917 = arith.muli %and3A_711, %mul3A_916 : vector<16xi32>
      %add3A_918 = arith.constant 22 : i32
      %add3A_919 = vector.broadcast %add3A_918 : i32 to vector<16xi32>
      %add3A_920 = arith.addi %mul3A_917, %add3A_919 : vector<16xi32>
      %gather3A_921 = tpu.vector_load_idx %arg13[%add3A_713, %add3A_920] : memref<512x128xf32, #tpu.memory_space<vmem>>[vector<16xi32>, vector<16xi32>], vector<16xf32>,
      tpu.vector_store_idx %arg14[%broadcast_in_dim3A_914, %add3A_716], %gather3A_921 : memref<32x512xf32, #tpu.memory_space<vmem>>[vector<16xi32>, vector<16xi32>], vector<16xf32>,
      %broadcast_in_dim3A_922 = arith.constant 23 : i32
      %broadcast_in_dim3A_923 = vector.broadcast %broadcast_in_dim3A_922 : i32 to vector<16xi32>
      %mul3A_924 = arith.constant 32 : i32
      %mul3A_925 = vector.broadcast %mul3A_924 : i32 to vector<16xi32>
      %mul3A_926 = arith.muli %and3A_711, %mul3A_925 : vector<16xi32>
      %add3A_927 = arith.constant 23 : i32
      %add3A_928 = vector.broadcast %add3A_927 : i32 to vector<16xi32>
      %add3A_929 = arith.addi %mul3A_926, %add3A_928 : vector<16xi32>
      %gather3A_930 = tpu.vector_load_idx %arg13[%add3A_713, %add3A_929] : memref<512x128xf32, #tpu.memory_space<vmem>>[vector<16xi32>, vector<16xi32>], vector<16xf32>,
      tpu.vector_store_idx %arg14[%broadcast_in_dim3A_923, %add3A_716], %gather3A_930 : memref<32x512xf32, #tpu.memory_space<vmem>>[vector<16xi32>, vector<16xi32>], vector<16xf32>,
      %broadcast_in_dim3A_931 = arith.constant 24 : i32
      %broadcast_in_dim3A_932 = vector.broadcast %broadcast_in_dim3A_931 : i32 to vector<16xi32>
      %mul3A_933 = arith.constant 32 : i32
      %mul3A_934 = vector.broadcast %mul3A_933 : i32 to vector<16xi32>
      %mul3A_935 = arith.muli %and3A_711, %mul3A_934 : vector<16xi32>
      %add3A_936 = arith.constant 24 : i32
      %add3A_937 = vector.broadcast %add3A_936 : i32 to vector<16xi32>
      %add3A_938 = arith.addi %mul3A_935, %add3A_937 : vector<16xi32>
      %gather3A_939 = tpu.vector_load_idx %arg13[%add3A_713, %add3A_938] : memref<512x128xf32, #tpu.memory_space<vmem>>[vector<16xi32>, vector<16xi32>], vector<16xf32>,
      tpu.vector_store_idx %arg14[%broadcast_in_dim3A_932, %add3A_716], %gather3A_939 : memref<32x512xf32, #tpu.memory_space<vmem>>[vector<16xi32>, vector<16xi32>], vector<16xf32>,
      %broadcast_in_dim3A_940 = arith.constant 25 : i32
      %broadcast_in_dim3A_941 = vector.broadcast %broadcast_in_dim3A_940 : i32 to vector<16xi32>
      %mul3A_942 = arith.constant 32 : i32
      %mul3A_943 = vector.broadcast %mul3A_942 : i32 to vector<16xi32>
      %mul3A_944 = arith.muli %and3A_711, %mul3A_943 : vector<16xi32>
      %add3A_945 = arith.constant 25 : i32
      %add3A_946 = vector.broadcast %add3A_945 : i32 to vector<16xi32>
      %add3A_947 = arith.addi %mul3A_944, %add3A_946 : vector<16xi32>
      %gather3A_948 = tpu.vector_load_idx %arg13[%add3A_713, %add3A_947] : memref<512x128xf32, #tpu.memory_space<vmem>>[vector<16xi32>, vector<16xi32>], vector<16xf32>,
      tpu.vector_store_idx %arg14[%broadcast_in_dim3A_941, %add3A_716], %gather3A_948 : memref<32x512xf32, #tpu.memory_space<vmem>>[vector<16xi32>, vector<16xi32>], vector<16xf32>,
      %broadcast_in_dim3A_949 = arith.constant 26 : i32
      %broadcast_in_dim3A_950 = vector.broadcast %broadcast_in_dim3A_949 : i32 to vector<16xi32>
      %mul3A_951 = arith.constant 32 : i32
      %mul3A_952 = vector.broadcast %mul3A_951 : i32 to vector<16xi32>
      %mul3A_953 = arith.muli %and3A_711, %mul3A_952 : vector<16xi32>
      %add3A_954 = arith.constant 26 : i32
      %add3A_955 = vector.broadcast %add3A_954 : i32 to vector<16xi32>
      %add3A_956 = arith.addi %mul3A_953, %add3A_955 : vector<16xi32>
      %gather3A_957 = tpu.vector_load_idx %arg13[%add3A_713, %add3A_956] : memref<512x128xf32, #tpu.memory_space<vmem>>[vector<16xi32>, vector<16xi32>], vector<16xf32>,
      tpu.vector_store_idx %arg14[%broadcast_in_dim3A_950, %add3A_716], %gather3A_957 : memref<32x512xf32, #tpu.memory_space<vmem>>[vector<16xi32>, vector<16xi32>], vector<16xf32>,
      %broadcast_in_dim3A_958 = arith.constant 27 : i32
      %broadcast_in_dim3A_959 = vector.broadcast %broadcast_in_dim3A_958 : i32 to vector<16xi32>
      %mul3A_960 = arith.constant 32 : i32
      %mul3A_961 = vector.broadcast %mul3A_960 : i32 to vector<16xi32>
      %mul3A_962 = arith.muli %and3A_711, %mul3A_961 : vector<16xi32>
      %add3A_963 = arith.constant 27 : i32
      %add3A_964 = vector.broadcast %add3A_963 : i32 to vector<16xi32>
      %add3A_965 = arith.addi %mul3A_962, %add3A_964 : vector<16xi32>
      %gather3A_966 = tpu.vector_load_idx %arg13[%add3A_713, %add3A_965] : memref<512x128xf32, #tpu.memory_space<vmem>>[vector<16xi32>, vector<16xi32>], vector<16xf32>,
      tpu.vector_store_idx %arg14[%broadcast_in_dim3A_959, %add3A_716], %gather3A_966 : memref<32x512xf32, #tpu.memory_space<vmem>>[vector<16xi32>, vector<16xi32>], vector<16xf32>,
      %broadcast_in_dim3A_967 = arith.constant 28 : i32
      %broadcast_in_dim3A_968 = vector.broadcast %broadcast_in_dim3A_967 : i32 to vector<16xi32>
      %mul3A_969 = arith.constant 32 : i32
      %mul3A_970 = vector.broadcast %mul3A_969 : i32 to vector<16xi32>
      %mul3A_971 = arith.muli %and3A_711, %mul3A_970 : vector<16xi32>
      %add3A_972 = arith.constant 28 : i32
      %add3A_973 = vector.broadcast %add3A_972 : i32 to vector<16xi32>
      %add3A_974 = arith.addi %mul3A_971, %add3A_973 : vector<16xi32>
      %gather3A_975 = tpu.vector_load_idx %arg13[%add3A_713, %add3A_974] : memref<512x128xf32, #tpu.memory_space<vmem>>[vector<16xi32>, vector<16xi32>], vector<16xf32>,
      tpu.vector_store_idx %arg14[%broadcast_in_dim3A_968, %add3A_716], %gather3A_975 : memref<32x512xf32, #tpu.memory_space<vmem>>[vector<16xi32>, vector<16xi32>], vector<16xf32>,
      %broadcast_in_dim3A_976 = arith.constant 29 : i32
      %broadcast_in_dim3A_977 = vector.broadcast %broadcast_in_dim3A_976 : i32 to vector<16xi32>
      %mul3A_978 = arith.constant 32 : i32
      %mul3A_979 = vector.broadcast %mul3A_978 : i32 to vector<16xi32>
      %mul3A_980 = arith.muli %and3A_711, %mul3A_979 : vector<16xi32>
      %add3A_981 = arith.constant 29 : i32
      %add3A_982 = vector.broadcast %add3A_981 : i32 to vector<16xi32>
      %add3A_983 = arith.addi %mul3A_980, %add3A_982 : vector<16xi32>
      %gather3A_984 = tpu.vector_load_idx %arg13[%add3A_713, %add3A_983] : memref<512x128xf32, #tpu.memory_space<vmem>>[vector<16xi32>, vector<16xi32>], vector<16xf32>,
      tpu.vector_store_idx %arg14[%broadcast_in_dim3A_977, %add3A_716], %gather3A_984 : memref<32x512xf32, #tpu.memory_space<vmem>>[vector<16xi32>, vector<16xi32>], vector<16xf32>,
      %broadcast_in_dim3A_985 = arith.constant 30 : i32
      %broadcast_in_dim3A_986 = vector.broadcast %broadcast_in_dim3A_985 : i32 to vector<16xi32>
      %mul3A_987 = arith.constant 32 : i32
      %mul3A_988 = vector.broadcast %mul3A_987 : i32 to vector<16xi32>
      %mul3A_989 = arith.muli %and3A_711, %mul3A_988 : vector<16xi32>
      %add3A_990 = arith.constant 30 : i32
      %add3A_991 = vector.broadcast %add3A_990 : i32 to vector<16xi32>
      %add3A_992 = arith.addi %mul3A_989, %add3A_991 : vector<16xi32>
      %gather3A_993 = tpu.vector_load_idx %arg13[%add3A_713, %add3A_992] : memref<512x128xf32, #tpu.memory_space<vmem>>[vector<16xi32>, vector<16xi32>], vector<16xf32>,
      tpu.vector_store_idx %arg14[%broadcast_in_dim3A_986, %add3A_716], %gather3A_993 : memref<32x512xf32, #tpu.memory_space<vmem>>[vector<16xi32>, vector<16xi32>], vector<16xf32>,
      %broadcast_in_dim3A_994 = arith.constant 31 : i32
      %broadcast_in_dim3A_995 = vector.broadcast %broadcast_in_dim3A_994 : i32 to vector<16xi32>
      %mul3A_996 = arith.constant 32 : i32
      %mul3A_997 = vector.broadcast %mul3A_996 : i32 to vector<16xi32>
      %mul3A_998 = arith.muli %and3A_711, %mul3A_997 : vector<16xi32>
      %add3A_999 = arith.constant 31 : i32
      %add3A_1000 = vector.broadcast %add3A_999 : i32 to vector<16xi32>
      %add3A_1001 = arith.addi %mul3A_998, %add3A_1000 : vector<16xi32>
      %gather3A_1002 = tpu.vector_load_idx %arg13[%add3A_713, %add3A_1001] : memref<512x128xf32, #tpu.memory_space<vmem>>[vector<16xi32>, vector<16xi32>], vector<16xf32>,
      tpu.vector_store_idx %arg14[%broadcast_in_dim3A_995, %add3A_716], %gather3A_1002 : memref<32x512xf32, #tpu.memory_space<vmem>>[vector<16xi32>, vector<16xi32>], vector<16xf32>,
    }
    %scan3A_232 = arith.constant 32 : i32
    "tpu.region"() ({
      %run_scoped3A = tpu.sem_alloc : memref<!tpu.dma_semaphore, #tpu.memory_space<semaphore_mem>>
      %dma_start3A_705 = arith.constant 0 : i32
      %dma_start3A_706 = tpu.memref_slice %arg10[%dma_start3A_705, %mul3A_2] : memref<32x16384xf32, #tpu.memory_space<hbm>> -> memref<32x512xf32, #tpu.memory_space<hbm>>
      %dma_start3A_707 = arith.constant 0 : i32
      %dma_start3A_708 = tpu.memref_slice %arg10[%dma_start3A_707, %mul3A_2] : memref<32x16384xf32, #tpu.memory_space<hbm>> -> memref<32x512xf32, #tpu.memory_space<hbm>>
      tpu.enqueue_dma source(%arg14 : memref<32x512xf32, #tpu.memory_space<vmem>>) target(%dma_start3A_708 : memref<32x512xf32, #tpu.memory_space<hbm>>) target_semaphore(%run_scoped3A : memref<!tpu.dma_semaphore, #tpu.memory_space<semaphore_mem>>)
      %dma_wait3A_709 = arith.constant 0 : i32
      %dma_wait3A_710 = tpu.memref_slice %arg10[%dma_wait3A_709, %mul3A_2] : memref<32x16384xf32, #tpu.memory_space<hbm>> -> memref<32x512xf32, #tpu.memory_space<hbm>>
      %dma_wait3A_711 = arith.constant 0 : i32
      %dma_wait3A_712 = tpu.memref_slice %arg10[%dma_wait3A_711, %mul3A_2] : memref<32x16384xf32, #tpu.memory_space<hbm>> -> memref<32x512xf32, #tpu.memory_space<hbm>>
      tpu.wait_dma2 semaphore(%run_scoped3A : memref<!tpu.dma_semaphore, #tpu.memory_space<semaphore_mem>>) src(%arg14 : memref<32x512xf32, #tpu.memory_space<vmem>>) dst(%dma_wait3A_712 : memref<32x512xf32, #tpu.memory_space<hbm>>)
      tpu.yield
    }) : () -> ()
    "tpu.region"() ({
      %run_scoped3A = tpu.sem_alloc : memref<!tpu.dma_semaphore, #tpu.memory_space<semaphore_mem>>
      %dma_start3A_705 = tpu.memref_slice %arg5[%mul3A_2] : memref<16384xi32, #tpu.memory_space<hbm>> -> memref<512xi32, #tpu.memory_space<hbm>>
      %dma_start3A_706 = tpu.memref_slice %arg5[%mul3A_2] : memref<16384xi32, #tpu.memory_space<hbm>> -> memref<512xi32, #tpu.memory_space<hbm>>
      tpu.enqueue_dma source(%dma_start3A_706 : memref<512xi32, #tpu.memory_space<hbm>>) target(%arg11 : memref<512xi32, #tpu.memory_space<vmem>>) target_semaphore(%run_scoped3A : memref<!tpu.dma_semaphore, #tpu.memory_space<semaphore_mem>>)
      %dma_wait3A_707 = tpu.memref_slice %arg5[%mul3A_2] : memref<16384xi32, #tpu.memory_space<hbm>> -> memref<512xi32, #tpu.memory_space<hbm>>
      %dma_wait3A_708 = tpu.memref_slice %arg5[%mul3A_2] : memref<16384xi32, #tpu.memory_space<hbm>> -> memref<512xi32, #tpu.memory_space<hbm>>
      tpu.wait_dma2 semaphore(%run_scoped3A : memref<!tpu.dma_semaphore, #tpu.memory_space<semaphore_mem>>) src(%dma_wait3A_708 : memref<512xi32, #tpu.memory_space<hbm>>) dst(%arg11 : memref<512xi32, #tpu.memory_space<vmem>>)
      tpu.yield
    }) : () -> ()
    %get3A_233 = arith.constant 0 : index
    %get3A_234 = tpu.vector_load %arg11[%get3A_233] {strides = array<i32>} : memref<512xi32, #tpu.memory_space<vmem>>, vector<16xi32>,
    %shift_right_logical3A_235 = arith.constant 3 : i32
    %shift_right_logical3A_236 = vector.broadcast %shift_right_logical3A_235 : i32 to vector<16xi32>
    %shift_right_logical3A_237 = arith.shrui %get3A_234, %shift_right_logical3A_236 : vector<16xi32>
    %swap3A_238 = arith.constant 0 : index
    %swap3A_239 = tpu.vector_load %arg12[%swap3A_238] {strides = array<i32>} : memref<512xi32, #tpu.memory_space<vmem>>, vector<16xi32>,
    tpu.vector_store %arg12[%swap3A_238], %shift_right_logical3A_237 {strides = array<i32>} : memref<512xi32, #tpu.memory_space<vmem>>, vector<16xi32>,
    %get3A_240 = arith.constant 16 : index
    %get3A_241 = tpu.vector_load %arg11[%get3A_240] {strides = array<i32>} : memref<512xi32, #tpu.memory_space<vmem>>, vector<16xi32>,
    %shift_right_logical3A_242 = arith.constant 3 : i32
    %shift_right_logical3A_243 = vector.broadcast %shift_right_logical3A_242 : i32 to vector<16xi32>
    %shift_right_logical3A_244 = arith.shrui %get3A_241, %shift_right_logical3A_243 : vector<16xi32>
    %swap3A_245 = arith.constant 16 : index
    %swap3A_246 = tpu.vector_load %arg12[%swap3A_245] {strides = array<i32>} : memref<512xi32, #tpu.memory_space<vmem>>, vector<16xi32>,
    tpu.vector_store %arg12[%swap3A_245], %shift_right_logical3A_244 {strides = array<i32>} : memref<512xi32, #tpu.memory_space<vmem>>, vector<16xi32>,
    %get3A_247 = arith.constant 32 : index
    %get3A_248 = tpu.vector_load %arg11[%get3A_247] {strides = array<i32>} : memref<512xi32, #tpu.memory_space<vmem>>, vector<16xi32>,
    %shift_right_logical3A_249 = arith.constant 3 : i32
    %shift_right_logical3A_250 = vector.broadcast %shift_right_logical3A_249 : i32 to vector<16xi32>
    %shift_right_logical3A_251 = arith.shrui %get3A_248, %shift_right_logical3A_250 : vector<16xi32>
    %swap3A_252 = arith.constant 32 : index
    %swap3A_253 = tpu.vector_load %arg12[%swap3A_252] {strides = array<i32>} : memref<512xi32, #tpu.memory_space<vmem>>, vector<16xi32>,
    tpu.vector_store %arg12[%swap3A_252], %shift_right_logical3A_251 {strides = array<i32>} : memref<512xi32, #tpu.memory_space<vmem>>, vector<16xi32>,
    %get3A_254 = arith.constant 48 : index
    %get3A_255 = tpu.vector_load %arg11[%get3A_254] {strides = array<i32>} : memref<512xi32, #tpu.memory_space<vmem>>, vector<16xi32>,
    %shift_right_logical3A_256 = arith.constant 3 : i32
    %shift_right_logical3A_257 = vector.broadcast %shift_right_logical3A_256 : i32 to vector<16xi32>
    %shift_right_logical3A_258 = arith.shrui %get3A_255, %shift_right_logical3A_257 : vector<16xi32>
    %swap3A_259 = arith.constant 48 : index
    %swap3A_260 = tpu.vector_load %arg12[%swap3A_259] {strides = array<i32>} : memref<512xi32, #tpu.memory_space<vmem>>, vector<16xi32>,
    tpu.vector_store %arg12[%swap3A_259], %shift_right_logical3A_258 {strides = array<i32>} : memref<512xi32, #tpu.memory_space<vmem>>, vector<16xi32>,
    %get3A_261 = arith.constant 64 : index
    %get3A_262 = tpu.vector_load %arg11[%get3A_261] {strides = array<i32>} : memref<512xi32, #tpu.memory_space<vmem>>, vector<16xi32>,
    %shift_right_logical3A_263 = arith.constant 3 : i32
    %shift_right_logical3A_264 = vector.broadcast %shift_right_logical3A_263 : i32 to vector<16xi32>
    %shift_right_logical3A_265 = arith.shrui %get3A_262, %shift_right_logical3A_264 : vector<16xi32>
    %swap3A_266 = arith.constant 64 : index
    %swap3A_267 = tpu.vector_load %arg12[%swap3A_266] {strides = array<i32>} : memref<512xi32, #tpu.memory_space<vmem>>, vector<16xi32>,
    tpu.vector_store %arg12[%swap3A_266], %shift_right_logical3A_265 {strides = array<i32>} : memref<512xi32, #tpu.memory_space<vmem>>, vector<16xi32>,
    %get3A_268 = arith.constant 80 : index
    %get3A_269 = tpu.vector_load %arg11[%get3A_268] {strides = array<i32>} : memref<512xi32, #tpu.memory_space<vmem>>, vector<16xi32>,
    %shift_right_logical3A_270 = arith.constant 3 : i32
    %shift_right_logical3A_271 = vector.broadcast %shift_right_logical3A_270 : i32 to vector<16xi32>
    %shift_right_logical3A_272 = arith.shrui %get3A_269, %shift_right_logical3A_271 : vector<16xi32>
    %swap3A_273 = arith.constant 80 : index
    %swap3A_274 = tpu.vector_load %arg12[%swap3A_273] {strides = array<i32>} : memref<512xi32, #tpu.memory_space<vmem>>, vector<16xi32>,
    tpu.vector_store %arg12[%swap3A_273], %shift_right_logical3A_272 {strides = array<i32>} : memref<512xi32, #tpu.memory_space<vmem>>, vector<16xi32>,
    %get3A_275 = arith.constant 96 : index
    %get3A_276 = tpu.vector_load %arg11[%get3A_275] {strides = array<i32>} : memref<512xi32, #tpu.memory_space<vmem>>, vector<16xi32>,
    %shift_right_logical3A_277 = arith.constant 3 : i32
    %shift_right_logical3A_278 = vector.broadcast %shift_right_logical3A_277 : i32 to vector<16xi32>
    %shift_right_logical3A_279 = arith.shrui %get3A_276, %shift_right_logical3A_278 : vector<16xi32>
    %swap3A_280 = arith.constant 96 : index
    %swap3A_281 = tpu.vector_load %arg12[%swap3A_280] {strides = array<i32>} : memref<512xi32, #tpu.memory_space<vmem>>, vector<16xi32>,
    tpu.vector_store %arg12[%swap3A_280], %shift_right_logical3A_279 {strides = array<i32>} : memref<512xi32, #tpu.memory_space<vmem>>, vector<16xi32>,
    %get3A_282 = arith.constant 112 : index
    %get3A_283 = tpu.vector_load %arg11[%get3A_282] {strides = array<i32>} : memref<512xi32, #tpu.memory_space<vmem>>, vector<16xi32>,
    %shift_right_logical3A_284 = arith.constant 3 : i32
    %shift_right_logical3A_285 = vector.broadcast %shift_right_logical3A_284 : i32 to vector<16xi32>
    %shift_right_logical3A_286 = arith.shrui %get3A_283, %shift_right_logical3A_285 : vector<16xi32>
    %swap3A_287 = arith.constant 112 : index
    %swap3A_288 = tpu.vector_load %arg12[%swap3A_287] {strides = array<i32>} : memref<512xi32, #tpu.memory_space<vmem>>, vector<16xi32>,
    tpu.vector_store %arg12[%swap3A_287], %shift_right_logical3A_286 {strides = array<i32>} : memref<512xi32, #tpu.memory_space<vmem>>, vector<16xi32>,
    %get3A_289 = arith.constant 128 : index
    %get3A_290 = tpu.vector_load %arg11[%get3A_289] {strides = array<i32>} : memref<512xi32, #tpu.memory_space<vmem>>, vector<16xi32>,
    %shift_right_logical3A_291 = arith.constant 3 : i32
    %shift_right_logical3A_292 = vector.broadcast %shift_right_logical3A_291 : i32 to vector<16xi32>
    %shift_right_logical3A_293 = arith.shrui %get3A_290, %shift_right_logical3A_292 : vector<16xi32>
    %swap3A_294 = arith.constant 128 : index
    %swap3A_295 = tpu.vector_load %arg12[%swap3A_294] {strides = array<i32>} : memref<512xi32, #tpu.memory_space<vmem>>, vector<16xi32>,
    tpu.vector_store %arg12[%swap3A_294], %shift_right_logical3A_293 {strides = array<i32>} : memref<512xi32, #tpu.memory_space<vmem>>, vector<16xi32>,
    %get3A_296 = arith.constant 144 : index
    %get3A_297 = tpu.vector_load %arg11[%get3A_296] {strides = array<i32>} : memref<512xi32, #tpu.memory_space<vmem>>, vector<16xi32>,
    %shift_right_logical3A_298 = arith.constant 3 : i32
    %shift_right_logical3A_299 = vector.broadcast %shift_right_logical3A_298 : i32 to vector<16xi32>
    %shift_right_logical3A_300 = arith.shrui %get3A_297, %shift_right_logical3A_299 : vector<16xi32>
    %swap3A_301 = arith.constant 144 : index
    %swap3A_302 = tpu.vector_load %arg12[%swap3A_301] {strides = array<i32>} : memref<512xi32, #tpu.memory_space<vmem>>, vector<16xi32>,
    tpu.vector_store %arg12[%swap3A_301], %shift_right_logical3A_300 {strides = array<i32>} : memref<512xi32, #tpu.memory_space<vmem>>, vector<16xi32>,
    %get3A_303 = arith.constant 160 : index
    %get3A_304 = tpu.vector_load %arg11[%get3A_303] {strides = array<i32>} : memref<512xi32, #tpu.memory_space<vmem>>, vector<16xi32>,
    %shift_right_logical3A_305 = arith.constant 3 : i32
    %shift_right_logical3A_306 = vector.broadcast %shift_right_logical3A_305 : i32 to vector<16xi32>
    %shift_right_logical3A_307 = arith.shrui %get3A_304, %shift_right_logical3A_306 : vector<16xi32>
    %swap3A_308 = arith.constant 160 : index
    %swap3A_309 = tpu.vector_load %arg12[%swap3A_308] {strides = array<i32>} : memref<512xi32, #tpu.memory_space<vmem>>, vector<16xi32>,
    tpu.vector_store %arg12[%swap3A_308], %shift_right_logical3A_307 {strides = array<i32>} : memref<512xi32, #tpu.memory_space<vmem>>, vector<16xi32>,
    %get3A_310 = arith.constant 176 : index
    %get3A_311 = tpu.vector_load %arg11[%get3A_310] {strides = array<i32>} : memref<512xi32, #tpu.memory_space<vmem>>, vector<16xi32>,
    %shift_right_logical3A_312 = arith.constant 3 : i32
    %shift_right_logical3A_313 = vector.broadcast %shift_right_logical3A_312 : i32 to vector<16xi32>
    %shift_right_logical3A_314 = arith.shrui %get3A_311, %shift_right_logical3A_313 : vector<16xi32>
    %swap3A_315 = arith.constant 176 : index
    %swap3A_316 = tpu.vector_load %arg12[%swap3A_315] {strides = array<i32>} : memref<512xi32, #tpu.memory_space<vmem>>, vector<16xi32>,
    tpu.vector_store %arg12[%swap3A_315], %shift_right_logical3A_314 {strides = array<i32>} : memref<512xi32, #tpu.memory_space<vmem>>, vector<16xi32>,
    %get3A_317 = arith.constant 192 : index
    %get3A_318 = tpu.vector_load %arg11[%get3A_317] {strides = array<i32>} : memref<512xi32, #tpu.memory_space<vmem>>, vector<16xi32>,
    %shift_right_logical3A_319 = arith.constant 3 : i32
    %shift_right_logical3A_320 = vector.broadcast %shift_right_logical3A_319 : i32 to vector<16xi32>
    %shift_right_logical3A_321 = arith.shrui %get3A_318, %shift_right_logical3A_320 : vector<16xi32>
    %swap3A_322 = arith.constant 192 : index
    %swap3A_323 = tpu.vector_load %arg12[%swap3A_322] {strides = array<i32>} : memref<512xi32, #tpu.memory_space<vmem>>, vector<16xi32>,
    tpu.vector_store %arg12[%swap3A_322], %shift_right_logical3A_321 {strides = array<i32>} : memref<512xi32, #tpu.memory_space<vmem>>, vector<16xi32>,
    %get3A_324 = arith.constant 208 : index
    %get3A_325 = tpu.vector_load %arg11[%get3A_324] {strides = array<i32>} : memref<512xi32, #tpu.memory_space<vmem>>, vector<16xi32>,
    %shift_right_logical3A_326 = arith.constant 3 : i32
    %shift_right_logical3A_327 = vector.broadcast %shift_right_logical3A_326 : i32 to vector<16xi32>
    %shift_right_logical3A_328 = arith.shrui %get3A_325, %shift_right_logical3A_327 : vector<16xi32>
    %swap3A_329 = arith.constant 208 : index
    %swap3A_330 = tpu.vector_load %arg12[%swap3A_329] {strides = array<i32>} : memref<512xi32, #tpu.memory_space<vmem>>, vector<16xi32>,
    tpu.vector_store %arg12[%swap3A_329], %shift_right_logical3A_328 {strides = array<i32>} : memref<512xi32, #tpu.memory_space<vmem>>, vector<16xi32>,
    %get3A_331 = arith.constant 224 : index
    %get3A_332 = tpu.vector_load %arg11[%get3A_331] {strides = array<i32>} : memref<512xi32, #tpu.memory_space<vmem>>, vector<16xi32>,
    %shift_right_logical3A_333 = arith.constant 3 : i32
    %shift_right_logical3A_334 = vector.broadcast %shift_right_logical3A_333 : i32 to vector<16xi32>
    %shift_right_logical3A_335 = arith.shrui %get3A_332, %shift_right_logical3A_334 : vector<16xi32>
    %swap3A_336 = arith.constant 224 : index
    %swap3A_337 = tpu.vector_load %arg12[%swap3A_336] {strides = array<i32>} : memref<512xi32, #tpu.memory_space<vmem>>, vector<16xi32>,
    tpu.vector_store %arg12[%swap3A_336], %shift_right_logical3A_335 {strides = array<i32>} : memref<512xi32, #tpu.memory_space<vmem>>, vector<16xi32>,
    %get3A_338 = arith.constant 240 : index
    %get3A_339 = tpu.vector_load %arg11[%get3A_338] {strides = array<i32>} : memref<512xi32, #tpu.memory_space<vmem>>, vector<16xi32>,
    %shift_right_logical3A_340 = arith.constant 3 : i32
    %shift_right_logical3A_341 = vector.broadcast %shift_right_logical3A_340 : i32 to vector<16xi32>
    %shift_right_logical3A_342 = arith.shrui %get3A_339, %shift_right_logical3A_341 : vector<16xi32>
    %swap3A_343 = arith.constant 240 : index
    %swap3A_344 = tpu.vector_load %arg12[%swap3A_343] {strides = array<i32>} : memref<512xi32, #tpu.memory_space<vmem>>, vector<16xi32>,
    tpu.vector_store %arg12[%swap3A_343], %shift_right_logical3A_342 {strides = array<i32>} : memref<512xi32, #tpu.memory_space<vmem>>, vector<16xi32>,
    %get3A_345 = arith.constant 256 : index
    %get3A_346 = tpu.vector_load %arg11[%get3A_345] {strides = array<i32>} : memref<512xi32, #tpu.memory_space<vmem>>, vector<16xi32>,
    %shift_right_logical3A_347 = arith.constant 3 : i32
    %shift_right_logical3A_348 = vector.broadcast %shift_right_logical3A_347 : i32 to vector<16xi32>
    %shift_right_logical3A_349 = arith.shrui %get3A_346, %shift_right_logical3A_348 : vector<16xi32>
    %swap3A_350 = arith.constant 256 : index
    %swap3A_351 = tpu.vector_load %arg12[%swap3A_350] {strides = array<i32>} : memref<512xi32, #tpu.memory_space<vmem>>, vector<16xi32>,
    tpu.vector_store %arg12[%swap3A_350], %shift_right_logical3A_349 {strides = array<i32>} : memref<512xi32, #tpu.memory_space<vmem>>, vector<16xi32>,
    %get3A_352 = arith.constant 272 : index
    %get3A_353 = tpu.vector_load %arg11[%get3A_352] {strides = array<i32>} : memref<512xi32, #tpu.memory_space<vmem>>, vector<16xi32>,
    %shift_right_logical3A_354 = arith.constant 3 : i32
    %shift_right_logical3A_355 = vector.broadcast %shift_right_logical3A_354 : i32 to vector<16xi32>
    %shift_right_logical3A_356 = arith.shrui %get3A_353, %shift_right_logical3A_355 : vector<16xi32>
    %swap3A_357 = arith.constant 272 : index
    %swap3A_358 = tpu.vector_load %arg12[%swap3A_357] {strides = array<i32>} : memref<512xi32, #tpu.memory_space<vmem>>, vector<16xi32>,
    tpu.vector_store %arg12[%swap3A_357], %shift_right_logical3A_356 {strides = array<i32>} : memref<512xi32, #tpu.memory_space<vmem>>, vector<16xi32>,
    %get3A_359 = arith.constant 288 : index
    %get3A_360 = tpu.vector_load %arg11[%get3A_359] {strides = array<i32>} : memref<512xi32, #tpu.memory_space<vmem>>, vector<16xi32>,
    %shift_right_logical3A_361 = arith.constant 3 : i32
    %shift_right_logical3A_362 = vector.broadcast %shift_right_logical3A_361 : i32 to vector<16xi32>
    %shift_right_logical3A_363 = arith.shrui %get3A_360, %shift_right_logical3A_362 : vector<16xi32>
    %swap3A_364 = arith.constant 288 : index
    %swap3A_365 = tpu.vector_load %arg12[%swap3A_364] {strides = array<i32>} : memref<512xi32, #tpu.memory_space<vmem>>, vector<16xi32>,
    tpu.vector_store %arg12[%swap3A_364], %shift_right_logical3A_363 {strides = array<i32>} : memref<512xi32, #tpu.memory_space<vmem>>, vector<16xi32>,
    %get3A_366 = arith.constant 304 : index
    %get3A_367 = tpu.vector_load %arg11[%get3A_366] {strides = array<i32>} : memref<512xi32, #tpu.memory_space<vmem>>, vector<16xi32>,
    %shift_right_logical3A_368 = arith.constant 3 : i32
    %shift_right_logical3A_369 = vector.broadcast %shift_right_logical3A_368 : i32 to vector<16xi32>
    %shift_right_logical3A_370 = arith.shrui %get3A_367, %shift_right_logical3A_369 : vector<16xi32>
    %swap3A_371 = arith.constant 304 : index
    %swap3A_372 = tpu.vector_load %arg12[%swap3A_371] {strides = array<i32>} : memref<512xi32, #tpu.memory_space<vmem>>, vector<16xi32>,
    tpu.vector_store %arg12[%swap3A_371], %shift_right_logical3A_370 {strides = array<i32>} : memref<512xi32, #tpu.memory_space<vmem>>, vector<16xi32>,
    %get3A_373 = arith.constant 320 : index
    %get3A_374 = tpu.vector_load %arg11[%get3A_373] {strides = array<i32>} : memref<512xi32, #tpu.memory_space<vmem>>, vector<16xi32>,
    %shift_right_logical3A_375 = arith.constant 3 : i32
    %shift_right_logical3A_376 = vector.broadcast %shift_right_logical3A_375 : i32 to vector<16xi32>
    %shift_right_logical3A_377 = arith.shrui %get3A_374, %shift_right_logical3A_376 : vector<16xi32>
    %swap3A_378 = arith.constant 320 : index
    %swap3A_379 = tpu.vector_load %arg12[%swap3A_378] {strides = array<i32>} : memref<512xi32, #tpu.memory_space<vmem>>, vector<16xi32>,
    tpu.vector_store %arg12[%swap3A_378], %shift_right_logical3A_377 {strides = array<i32>} : memref<512xi32, #tpu.memory_space<vmem>>, vector<16xi32>,
    %get3A_380 = arith.constant 336 : index
    %get3A_381 = tpu.vector_load %arg11[%get3A_380] {strides = array<i32>} : memref<512xi32, #tpu.memory_space<vmem>>, vector<16xi32>,
    %shift_right_logical3A_382 = arith.constant 3 : i32
    %shift_right_logical3A_383 = vector.broadcast %shift_right_logical3A_382 : i32 to vector<16xi32>
    %shift_right_logical3A_384 = arith.shrui %get3A_381, %shift_right_logical3A_383 : vector<16xi32>
    %swap3A_385 = arith.constant 336 : index
    %swap3A_386 = tpu.vector_load %arg12[%swap3A_385] {strides = array<i32>} : memref<512xi32, #tpu.memory_space<vmem>>, vector<16xi32>,
    tpu.vector_store %arg12[%swap3A_385], %shift_right_logical3A_384 {strides = array<i32>} : memref<512xi32, #tpu.memory_space<vmem>>, vector<16xi32>,
    %get3A_387 = arith.constant 352 : index
    %get3A_388 = tpu.vector_load %arg11[%get3A_387] {strides = array<i32>} : memref<512xi32, #tpu.memory_space<vmem>>, vector<16xi32>,
    %shift_right_logical3A_389 = arith.constant 3 : i32
    %shift_right_logical3A_390 = vector.broadcast %shift_right_logical3A_389 : i32 to vector<16xi32>
    %shift_right_logical3A_391 = arith.shrui %get3A_388, %shift_right_logical3A_390 : vector<16xi32>
    %swap3A_392 = arith.constant 352 : index
    %swap3A_393 = tpu.vector_load %arg12[%swap3A_392] {strides = array<i32>} : memref<512xi32, #tpu.memory_space<vmem>>, vector<16xi32>,
    tpu.vector_store %arg12[%swap3A_392], %shift_right_logical3A_391 {strides = array<i32>} : memref<512xi32, #tpu.memory_space<vmem>>, vector<16xi32>,
    %get3A_394 = arith.constant 368 : index
    %get3A_395 = tpu.vector_load %arg11[%get3A_394] {strides = array<i32>} : memref<512xi32, #tpu.memory_space<vmem>>, vector<16xi32>,
    %shift_right_logical3A_396 = arith.constant 3 : i32
    %shift_right_logical3A_397 = vector.broadcast %shift_right_logical3A_396 : i32 to vector<16xi32>
    %shift_right_logical3A_398 = arith.shrui %get3A_395, %shift_right_logical3A_397 : vector<16xi32>
    %swap3A_399 = arith.constant 368 : index
    %swap3A_400 = tpu.vector_load %arg12[%swap3A_399] {strides = array<i32>} : memref<512xi32, #tpu.memory_space<vmem>>, vector<16xi32>,
    tpu.vector_store %arg12[%swap3A_399], %shift_right_logical3A_398 {strides = array<i32>} : memref<512xi32, #tpu.memory_space<vmem>>, vector<16xi32>,
    %get3A_401 = arith.constant 384 : index
    %get3A_402 = tpu.vector_load %arg11[%get3A_401] {strides = array<i32>} : memref<512xi32, #tpu.memory_space<vmem>>, vector<16xi32>,
    %shift_right_logical3A_403 = arith.constant 3 : i32
    %shift_right_logical3A_404 = vector.broadcast %shift_right_logical3A_403 : i32 to vector<16xi32>
    %shift_right_logical3A_405 = arith.shrui %get3A_402, %shift_right_logical3A_404 : vector<16xi32>
    %swap3A_406 = arith.constant 384 : index
    %swap3A_407 = tpu.vector_load %arg12[%swap3A_406] {strides = array<i32>} : memref<512xi32, #tpu.memory_space<vmem>>, vector<16xi32>,
    tpu.vector_store %arg12[%swap3A_406], %shift_right_logical3A_405 {strides = array<i32>} : memref<512xi32, #tpu.memory_space<vmem>>, vector<16xi32>,
    %get3A_408 = arith.constant 400 : index
    %get3A_409 = tpu.vector_load %arg11[%get3A_408] {strides = array<i32>} : memref<512xi32, #tpu.memory_space<vmem>>, vector<16xi32>,
    %shift_right_logical3A_410 = arith.constant 3 : i32
    %shift_right_logical3A_411 = vector.broadcast %shift_right_logical3A_410 : i32 to vector<16xi32>
    %shift_right_logical3A_412 = arith.shrui %get3A_409, %shift_right_logical3A_411 : vector<16xi32>
    %swap3A_413 = arith.constant 400 : index
    %swap3A_414 = tpu.vector_load %arg12[%swap3A_413] {strides = array<i32>} : memref<512xi32, #tpu.memory_space<vmem>>, vector<16xi32>,
    tpu.vector_store %arg12[%swap3A_413], %shift_right_logical3A_412 {strides = array<i32>} : memref<512xi32, #tpu.memory_space<vmem>>, vector<16xi32>,
    %get3A_415 = arith.constant 416 : index
    %get3A_416 = tpu.vector_load %arg11[%get3A_415] {strides = array<i32>} : memref<512xi32, #tpu.memory_space<vmem>>, vector<16xi32>,
    %shift_right_logical3A_417 = arith.constant 3 : i32
    %shift_right_logical3A_418 = vector.broadcast %shift_right_logical3A_417 : i32 to vector<16xi32>
    %shift_right_logical3A_419 = arith.shrui %get3A_416, %shift_right_logical3A_418 : vector<16xi32>
    %swap3A_420 = arith.constant 416 : index
    %swap3A_421 = tpu.vector_load %arg12[%swap3A_420] {strides = array<i32>} : memref<512xi32, #tpu.memory_space<vmem>>, vector<16xi32>,
    tpu.vector_store %arg12[%swap3A_420], %shift_right_logical3A_419 {strides = array<i32>} : memref<512xi32, #tpu.memory_space<vmem>>, vector<16xi32>,
    %get3A_422 = arith.constant 432 : index
    %get3A_423 = tpu.vector_load %arg11[%get3A_422] {strides = array<i32>} : memref<512xi32, #tpu.memory_space<vmem>>, vector<16xi32>,
    %shift_right_logical3A_424 = arith.constant 3 : i32
    %shift_right_logical3A_425 = vector.broadcast %shift_right_logical3A_424 : i32 to vector<16xi32>
    %shift_right_logical3A_426 = arith.shrui %get3A_423, %shift_right_logical3A_425 : vector<16xi32>
    %swap3A_427 = arith.constant 432 : index
    %swap3A_428 = tpu.vector_load %arg12[%swap3A_427] {strides = array<i32>} : memref<512xi32, #tpu.memory_space<vmem>>, vector<16xi32>,
    tpu.vector_store %arg12[%swap3A_427], %shift_right_logical3A_426 {strides = array<i32>} : memref<512xi32, #tpu.memory_space<vmem>>, vector<16xi32>,
    %get3A_429 = arith.constant 448 : index
    %get3A_430 = tpu.vector_load %arg11[%get3A_429] {strides = array<i32>} : memref<512xi32, #tpu.memory_space<vmem>>, vector<16xi32>,
    %shift_right_logical3A_431 = arith.constant 3 : i32
    %shift_right_logical3A_432 = vector.broadcast %shift_right_logical3A_431 : i32 to vector<16xi32>
    %shift_right_logical3A_433 = arith.shrui %get3A_430, %shift_right_logical3A_432 : vector<16xi32>
    %swap3A_434 = arith.constant 448 : index
    %swap3A_435 = tpu.vector_load %arg12[%swap3A_434] {strides = array<i32>} : memref<512xi32, #tpu.memory_space<vmem>>, vector<16xi32>,
    tpu.vector_store %arg12[%swap3A_434], %shift_right_logical3A_433 {strides = array<i32>} : memref<512xi32, #tpu.memory_space<vmem>>, vector<16xi32>,
    %get3A_436 = arith.constant 464 : index
    %get3A_437 = tpu.vector_load %arg11[%get3A_436] {strides = array<i32>} : memref<512xi32, #tpu.memory_space<vmem>>, vector<16xi32>,
    %shift_right_logical3A_438 = arith.constant 3 : i32
    %shift_right_logical3A_439 = vector.broadcast %shift_right_logical3A_438 : i32 to vector<16xi32>
    %shift_right_logical3A_440 = arith.shrui %get3A_437, %shift_right_logical3A_439 : vector<16xi32>
    %swap3A_441 = arith.constant 464 : index
    %swap3A_442 = tpu.vector_load %arg12[%swap3A_441] {strides = array<i32>} : memref<512xi32, #tpu.memory_space<vmem>>, vector<16xi32>,
    tpu.vector_store %arg12[%swap3A_441], %shift_right_logical3A_440 {strides = array<i32>} : memref<512xi32, #tpu.memory_space<vmem>>, vector<16xi32>,
    %get3A_443 = arith.constant 480 : index
    %get3A_444 = tpu.vector_load %arg11[%get3A_443] {strides = array<i32>} : memref<512xi32, #tpu.memory_space<vmem>>, vector<16xi32>,
    %shift_right_logical3A_445 = arith.constant 3 : i32
    %shift_right_logical3A_446 = vector.broadcast %shift_right_logical3A_445 : i32 to vector<16xi32>
    %shift_right_logical3A_447 = arith.shrui %get3A_444, %shift_right_logical3A_446 : vector<16xi32>
    %swap3A_448 = arith.constant 480 : index
    %swap3A_449 = tpu.vector_load %arg12[%swap3A_448] {strides = array<i32>} : memref<512xi32, #tpu.memory_space<vmem>>, vector<16xi32>,
    tpu.vector_store %arg12[%swap3A_448], %shift_right_logical3A_447 {strides = array<i32>} : memref<512xi32, #tpu.memory_space<vmem>>, vector<16xi32>,
    %get3A_450 = arith.constant 496 : index
    %get3A_451 = tpu.vector_load %arg11[%get3A_450] {strides = array<i32>} : memref<512xi32, #tpu.memory_space<vmem>>, vector<16xi32>,
    %shift_right_logical3A_452 = arith.constant 3 : i32
    %shift_right_logical3A_453 = vector.broadcast %shift_right_logical3A_452 : i32 to vector<16xi32>
    %shift_right_logical3A_454 = arith.shrui %get3A_451, %shift_right_logical3A_453 : vector<16xi32>
    %swap3A_455 = arith.constant 496 : index
    %swap3A_456 = tpu.vector_load %arg12[%swap3A_455] {strides = array<i32>} : memref<512xi32, #tpu.memory_space<vmem>>, vector<16xi32>,
    tpu.vector_store %arg12[%swap3A_455], %shift_right_logical3A_454 {strides = array<i32>} : memref<512xi32, #tpu.memory_space<vmem>>, vector<16xi32>,
    %dma_start3A_457 = arith.constant 0 : i32
    %dma_start3A_458 = arith.constant 0 : i32
    %dma_start3A_459 = tpu.memref_slice %arg2[%dma_start3A_457, %dma_start3A_458] : memref<125x128xf32, #tpu.memory_space<hbm>> -> memref<125x128xf32, #tpu.memory_space<hbm>>
    tpu.enqueue_indirect_dma source(%dma_start3A_459 : memref<125x128xf32, #tpu.memory_space<hbm>>) target(%arg13 : memref<512x128xf32, #tpu.memory_space<vmem>>) offsets(%arg12 : memref<512xi32, #tpu.memory_space<vmem>>) semaphore(%arg16 : memref<!tpu.dma_semaphore, #tpu.memory_space<semaphore_mem>>)
    %dma_wait3A_460 = arith.constant 0 : i32
    %dma_wait3A_461 = arith.constant 0 : i32
    %dma_wait3A_462 = tpu.memref_slice %arg2[%dma_wait3A_460, %dma_wait3A_461] : memref<125x128xf32, #tpu.memory_space<hbm>> -> memref<125x128xf32, #tpu.memory_space<hbm>>
    tpu.wait_indirect_dma semaphore(%arg16 : memref<!tpu.dma_semaphore, #tpu.memory_space<semaphore_mem>>) src(%dma_wait3A_462 : memref<125x128xf32, #tpu.memory_space<hbm>>) dst(%arg13 : memref<512x128xf32, #tpu.memory_space<vmem>>)
    %scan3A_463 = arith.constant 0 : i32
    %scan3A_464 = arith.constant 0 : i32
    %scan3A_465 = arith.constant 32 : i32
    %scan3A_466 = arith.addi %scan3A_464, %scan3A_465 : i32
    %scan3A_467 = arith.constant 1 : i32
    scf.for %scan3A_705 = %scan3A_464 to %scan3A_466 step %scan3A_467  : i32 {
      %mul3A_706 = arith.constant 16 : i32
      %mul3A_707 = arith.muli %scan3A_705, %mul3A_706 : i32
      %get3A_708 = arith.index_cast %mul3A_707 : i32 to index
      %get3A_709 = tpu.vector_load %arg11[%get3A_708] {strides = array<i32>} : memref<512xi32, #tpu.memory_space<vmem>>, vector<16xi32>,
      %and3A = arith.constant 7 : i32
      %and3A_710 = vector.broadcast %and3A : i32 to vector<16xi32>
      %and3A_711 = arith.andi %get3A_709, %and3A_710 : vector<16xi32>
      %iota3A = tpu.iota {dimensions = array<i32: 0>} : vector<16xi32>
      %add3A_712 = vector.broadcast %mul3A_707 : i32 to vector<16xi32>
      %add3A_713 = arith.addi %iota3A, %add3A_712 : vector<16xi32>
      %iota3A_714 = tpu.iota {dimensions = array<i32: 0>} : vector<16xi32>
      %add3A_715 = vector.broadcast %mul3A_707 : i32 to vector<16xi32>
      %add3A_716 = arith.addi %iota3A_714, %add3A_715 : vector<16xi32>
      %broadcast_in_dim3A = arith.constant 0 : i32
      %broadcast_in_dim3A_717 = vector.broadcast %broadcast_in_dim3A : i32 to vector<16xi32>
      %mul3A_718 = arith.constant 16 : i32
      %mul3A_719 = vector.broadcast %mul3A_718 : i32 to vector<16xi32>
      %mul3A_720 = arith.muli %and3A_711, %mul3A_719 : vector<16xi32>
      %add3A_721 = arith.constant 0 : i32
      %add3A_722 = vector.broadcast %add3A_721 : i32 to vector<16xi32>
      %add3A_723 = arith.addi %mul3A_720, %add3A_722 : vector<16xi32>
      %gather3A = tpu.vector_load_idx %arg13[%add3A_713, %add3A_723] : memref<512x128xf32, #tpu.memory_space<vmem>>[vector<16xi32>, vector<16xi32>], vector<16xf32>,
      tpu.vector_store_idx %arg15[%broadcast_in_dim3A_717, %add3A_716], %gather3A : memref<16x512xf32, #tpu.memory_space<vmem>>[vector<16xi32>, vector<16xi32>], vector<16xf32>,
      %broadcast_in_dim3A_724 = arith.constant 1 : i32
      %broadcast_in_dim3A_725 = vector.broadcast %broadcast_in_dim3A_724 : i32 to vector<16xi32>
      %mul3A_726 = arith.constant 16 : i32
      %mul3A_727 = vector.broadcast %mul3A_726 : i32 to vector<16xi32>
      %mul3A_728 = arith.muli %and3A_711, %mul3A_727 : vector<16xi32>
      %add3A_729 = arith.constant 1 : i32
      %add3A_730 = vector.broadcast %add3A_729 : i32 to vector<16xi32>
      %add3A_731 = arith.addi %mul3A_728, %add3A_730 : vector<16xi32>
      %gather3A_732 = tpu.vector_load_idx %arg13[%add3A_713, %add3A_731] : memref<512x128xf32, #tpu.memory_space<vmem>>[vector<16xi32>, vector<16xi32>], vector<16xf32>,
      tpu.vector_store_idx %arg15[%broadcast_in_dim3A_725, %add3A_716], %gather3A_732 : memref<16x512xf32, #tpu.memory_space<vmem>>[vector<16xi32>, vector<16xi32>], vector<16xf32>,
      %broadcast_in_dim3A_733 = arith.constant 2 : i32
      %broadcast_in_dim3A_734 = vector.broadcast %broadcast_in_dim3A_733 : i32 to vector<16xi32>
      %mul3A_735 = arith.constant 16 : i32
      %mul3A_736 = vector.broadcast %mul3A_735 : i32 to vector<16xi32>
      %mul3A_737 = arith.muli %and3A_711, %mul3A_736 : vector<16xi32>
      %add3A_738 = arith.constant 2 : i32
      %add3A_739 = vector.broadcast %add3A_738 : i32 to vector<16xi32>
      %add3A_740 = arith.addi %mul3A_737, %add3A_739 : vector<16xi32>
      %gather3A_741 = tpu.vector_load_idx %arg13[%add3A_713, %add3A_740] : memref<512x128xf32, #tpu.memory_space<vmem>>[vector<16xi32>, vector<16xi32>], vector<16xf32>,
      tpu.vector_store_idx %arg15[%broadcast_in_dim3A_734, %add3A_716], %gather3A_741 : memref<16x512xf32, #tpu.memory_space<vmem>>[vector<16xi32>, vector<16xi32>], vector<16xf32>,
      %broadcast_in_dim3A_742 = arith.constant 3 : i32
      %broadcast_in_dim3A_743 = vector.broadcast %broadcast_in_dim3A_742 : i32 to vector<16xi32>
      %mul3A_744 = arith.constant 16 : i32
      %mul3A_745 = vector.broadcast %mul3A_744 : i32 to vector<16xi32>
      %mul3A_746 = arith.muli %and3A_711, %mul3A_745 : vector<16xi32>
      %add3A_747 = arith.constant 3 : i32
      %add3A_748 = vector.broadcast %add3A_747 : i32 to vector<16xi32>
      %add3A_749 = arith.addi %mul3A_746, %add3A_748 : vector<16xi32>
      %gather3A_750 = tpu.vector_load_idx %arg13[%add3A_713, %add3A_749] : memref<512x128xf32, #tpu.memory_space<vmem>>[vector<16xi32>, vector<16xi32>], vector<16xf32>,
      tpu.vector_store_idx %arg15[%broadcast_in_dim3A_743, %add3A_716], %gather3A_750 : memref<16x512xf32, #tpu.memory_space<vmem>>[vector<16xi32>, vector<16xi32>], vector<16xf32>,
      %broadcast_in_dim3A_751 = arith.constant 4 : i32
      %broadcast_in_dim3A_752 = vector.broadcast %broadcast_in_dim3A_751 : i32 to vector<16xi32>
      %mul3A_753 = arith.constant 16 : i32
      %mul3A_754 = vector.broadcast %mul3A_753 : i32 to vector<16xi32>
      %mul3A_755 = arith.muli %and3A_711, %mul3A_754 : vector<16xi32>
      %add3A_756 = arith.constant 4 : i32
      %add3A_757 = vector.broadcast %add3A_756 : i32 to vector<16xi32>
      %add3A_758 = arith.addi %mul3A_755, %add3A_757 : vector<16xi32>
      %gather3A_759 = tpu.vector_load_idx %arg13[%add3A_713, %add3A_758] : memref<512x128xf32, #tpu.memory_space<vmem>>[vector<16xi32>, vector<16xi32>], vector<16xf32>,
      tpu.vector_store_idx %arg15[%broadcast_in_dim3A_752, %add3A_716], %gather3A_759 : memref<16x512xf32, #tpu.memory_space<vmem>>[vector<16xi32>, vector<16xi32>], vector<16xf32>,
      %broadcast_in_dim3A_760 = arith.constant 5 : i32
      %broadcast_in_dim3A_761 = vector.broadcast %broadcast_in_dim3A_760 : i32 to vector<16xi32>
      %mul3A_762 = arith.constant 16 : i32
      %mul3A_763 = vector.broadcast %mul3A_762 : i32 to vector<16xi32>
      %mul3A_764 = arith.muli %and3A_711, %mul3A_763 : vector<16xi32>
      %add3A_765 = arith.constant 5 : i32
      %add3A_766 = vector.broadcast %add3A_765 : i32 to vector<16xi32>
      %add3A_767 = arith.addi %mul3A_764, %add3A_766 : vector<16xi32>
      %gather3A_768 = tpu.vector_load_idx %arg13[%add3A_713, %add3A_767] : memref<512x128xf32, #tpu.memory_space<vmem>>[vector<16xi32>, vector<16xi32>], vector<16xf32>,
      tpu.vector_store_idx %arg15[%broadcast_in_dim3A_761, %add3A_716], %gather3A_768 : memref<16x512xf32, #tpu.memory_space<vmem>>[vector<16xi32>, vector<16xi32>], vector<16xf32>,
      %broadcast_in_dim3A_769 = arith.constant 6 : i32
      %broadcast_in_dim3A_770 = vector.broadcast %broadcast_in_dim3A_769 : i32 to vector<16xi32>
      %mul3A_771 = arith.constant 16 : i32
      %mul3A_772 = vector.broadcast %mul3A_771 : i32 to vector<16xi32>
      %mul3A_773 = arith.muli %and3A_711, %mul3A_772 : vector<16xi32>
      %add3A_774 = arith.constant 6 : i32
      %add3A_775 = vector.broadcast %add3A_774 : i32 to vector<16xi32>
      %add3A_776 = arith.addi %mul3A_773, %add3A_775 : vector<16xi32>
      %gather3A_777 = tpu.vector_load_idx %arg13[%add3A_713, %add3A_776] : memref<512x128xf32, #tpu.memory_space<vmem>>[vector<16xi32>, vector<16xi32>], vector<16xf32>,
      tpu.vector_store_idx %arg15[%broadcast_in_dim3A_770, %add3A_716], %gather3A_777 : memref<16x512xf32, #tpu.memory_space<vmem>>[vector<16xi32>, vector<16xi32>], vector<16xf32>,
      %broadcast_in_dim3A_778 = arith.constant 7 : i32
      %broadcast_in_dim3A_779 = vector.broadcast %broadcast_in_dim3A_778 : i32 to vector<16xi32>
      %mul3A_780 = arith.constant 16 : i32
      %mul3A_781 = vector.broadcast %mul3A_780 : i32 to vector<16xi32>
      %mul3A_782 = arith.muli %and3A_711, %mul3A_781 : vector<16xi32>
      %add3A_783 = arith.constant 7 : i32
      %add3A_784 = vector.broadcast %add3A_783 : i32 to vector<16xi32>
      %add3A_785 = arith.addi %mul3A_782, %add3A_784 : vector<16xi32>
      %gather3A_786 = tpu.vector_load_idx %arg13[%add3A_713, %add3A_785] : memref<512x128xf32, #tpu.memory_space<vmem>>[vector<16xi32>, vector<16xi32>], vector<16xf32>,
      tpu.vector_store_idx %arg15[%broadcast_in_dim3A_779, %add3A_716], %gather3A_786 : memref<16x512xf32, #tpu.memory_space<vmem>>[vector<16xi32>, vector<16xi32>], vector<16xf32>,
      %broadcast_in_dim3A_787 = arith.constant 8 : i32
      %broadcast_in_dim3A_788 = vector.broadcast %broadcast_in_dim3A_787 : i32 to vector<16xi32>
      %mul3A_789 = arith.constant 16 : i32
      %mul3A_790 = vector.broadcast %mul3A_789 : i32 to vector<16xi32>
      %mul3A_791 = arith.muli %and3A_711, %mul3A_790 : vector<16xi32>
      %add3A_792 = arith.constant 8 : i32
      %add3A_793 = vector.broadcast %add3A_792 : i32 to vector<16xi32>
      %add3A_794 = arith.addi %mul3A_791, %add3A_793 : vector<16xi32>
      %gather3A_795 = tpu.vector_load_idx %arg13[%add3A_713, %add3A_794] : memref<512x128xf32, #tpu.memory_space<vmem>>[vector<16xi32>, vector<16xi32>], vector<16xf32>,
      tpu.vector_store_idx %arg15[%broadcast_in_dim3A_788, %add3A_716], %gather3A_795 : memref<16x512xf32, #tpu.memory_space<vmem>>[vector<16xi32>, vector<16xi32>], vector<16xf32>,
      %broadcast_in_dim3A_796 = arith.constant 9 : i32
      %broadcast_in_dim3A_797 = vector.broadcast %broadcast_in_dim3A_796 : i32 to vector<16xi32>
      %mul3A_798 = arith.constant 16 : i32
      %mul3A_799 = vector.broadcast %mul3A_798 : i32 to vector<16xi32>
      %mul3A_800 = arith.muli %and3A_711, %mul3A_799 : vector<16xi32>
      %add3A_801 = arith.constant 9 : i32
      %add3A_802 = vector.broadcast %add3A_801 : i32 to vector<16xi32>
      %add3A_803 = arith.addi %mul3A_800, %add3A_802 : vector<16xi32>
      %gather3A_804 = tpu.vector_load_idx %arg13[%add3A_713, %add3A_803] : memref<512x128xf32, #tpu.memory_space<vmem>>[vector<16xi32>, vector<16xi32>], vector<16xf32>,
      tpu.vector_store_idx %arg15[%broadcast_in_dim3A_797, %add3A_716], %gather3A_804 : memref<16x512xf32, #tpu.memory_space<vmem>>[vector<16xi32>, vector<16xi32>], vector<16xf32>,
      %broadcast_in_dim3A_805 = arith.constant 10 : i32
      %broadcast_in_dim3A_806 = vector.broadcast %broadcast_in_dim3A_805 : i32 to vector<16xi32>
      %mul3A_807 = arith.constant 16 : i32
      %mul3A_808 = vector.broadcast %mul3A_807 : i32 to vector<16xi32>
      %mul3A_809 = arith.muli %and3A_711, %mul3A_808 : vector<16xi32>
      %add3A_810 = arith.constant 10 : i32
      %add3A_811 = vector.broadcast %add3A_810 : i32 to vector<16xi32>
      %add3A_812 = arith.addi %mul3A_809, %add3A_811 : vector<16xi32>
      %gather3A_813 = tpu.vector_load_idx %arg13[%add3A_713, %add3A_812] : memref<512x128xf32, #tpu.memory_space<vmem>>[vector<16xi32>, vector<16xi32>], vector<16xf32>,
      tpu.vector_store_idx %arg15[%broadcast_in_dim3A_806, %add3A_716], %gather3A_813 : memref<16x512xf32, #tpu.memory_space<vmem>>[vector<16xi32>, vector<16xi32>], vector<16xf32>,
      %broadcast_in_dim3A_814 = arith.constant 11 : i32
      %broadcast_in_dim3A_815 = vector.broadcast %broadcast_in_dim3A_814 : i32 to vector<16xi32>
      %mul3A_816 = arith.constant 16 : i32
      %mul3A_817 = vector.broadcast %mul3A_816 : i32 to vector<16xi32>
      %mul3A_818 = arith.muli %and3A_711, %mul3A_817 : vector<16xi32>
      %add3A_819 = arith.constant 11 : i32
      %add3A_820 = vector.broadcast %add3A_819 : i32 to vector<16xi32>
      %add3A_821 = arith.addi %mul3A_818, %add3A_820 : vector<16xi32>
      %gather3A_822 = tpu.vector_load_idx %arg13[%add3A_713, %add3A_821] : memref<512x128xf32, #tpu.memory_space<vmem>>[vector<16xi32>, vector<16xi32>], vector<16xf32>,
      tpu.vector_store_idx %arg15[%broadcast_in_dim3A_815, %add3A_716], %gather3A_822 : memref<16x512xf32, #tpu.memory_space<vmem>>[vector<16xi32>, vector<16xi32>], vector<16xf32>,
      %broadcast_in_dim3A_823 = arith.constant 12 : i32
      %broadcast_in_dim3A_824 = vector.broadcast %broadcast_in_dim3A_823 : i32 to vector<16xi32>
      %mul3A_825 = arith.constant 16 : i32
      %mul3A_826 = vector.broadcast %mul3A_825 : i32 to vector<16xi32>
      %mul3A_827 = arith.muli %and3A_711, %mul3A_826 : vector<16xi32>
      %add3A_828 = arith.constant 12 : i32
      %add3A_829 = vector.broadcast %add3A_828 : i32 to vector<16xi32>
      %add3A_830 = arith.addi %mul3A_827, %add3A_829 : vector<16xi32>
      %gather3A_831 = tpu.vector_load_idx %arg13[%add3A_713, %add3A_830] : memref<512x128xf32, #tpu.memory_space<vmem>>[vector<16xi32>, vector<16xi32>], vector<16xf32>,
      tpu.vector_store_idx %arg15[%broadcast_in_dim3A_824, %add3A_716], %gather3A_831 : memref<16x512xf32, #tpu.memory_space<vmem>>[vector<16xi32>, vector<16xi32>], vector<16xf32>,
      %broadcast_in_dim3A_832 = arith.constant 13 : i32
      %broadcast_in_dim3A_833 = vector.broadcast %broadcast_in_dim3A_832 : i32 to vector<16xi32>
      %mul3A_834 = arith.constant 16 : i32
      %mul3A_835 = vector.broadcast %mul3A_834 : i32 to vector<16xi32>
      %mul3A_836 = arith.muli %and3A_711, %mul3A_835 : vector<16xi32>
      %add3A_837 = arith.constant 13 : i32
      %add3A_838 = vector.broadcast %add3A_837 : i32 to vector<16xi32>
      %add3A_839 = arith.addi %mul3A_836, %add3A_838 : vector<16xi32>
      %gather3A_840 = tpu.vector_load_idx %arg13[%add3A_713, %add3A_839] : memref<512x128xf32, #tpu.memory_space<vmem>>[vector<16xi32>, vector<16xi32>], vector<16xf32>,
      tpu.vector_store_idx %arg15[%broadcast_in_dim3A_833, %add3A_716], %gather3A_840 : memref<16x512xf32, #tpu.memory_space<vmem>>[vector<16xi32>, vector<16xi32>], vector<16xf32>,
      %broadcast_in_dim3A_841 = arith.constant 14 : i32
      %broadcast_in_dim3A_842 = vector.broadcast %broadcast_in_dim3A_841 : i32 to vector<16xi32>
      %mul3A_843 = arith.constant 16 : i32
      %mul3A_844 = vector.broadcast %mul3A_843 : i32 to vector<16xi32>
      %mul3A_845 = arith.muli %and3A_711, %mul3A_844 : vector<16xi32>
      %add3A_846 = arith.constant 14 : i32
      %add3A_847 = vector.broadcast %add3A_846 : i32 to vector<16xi32>
      %add3A_848 = arith.addi %mul3A_845, %add3A_847 : vector<16xi32>
      %gather3A_849 = tpu.vector_load_idx %arg13[%add3A_713, %add3A_848] : memref<512x128xf32, #tpu.memory_space<vmem>>[vector<16xi32>, vector<16xi32>], vector<16xf32>,
      tpu.vector_store_idx %arg15[%broadcast_in_dim3A_842, %add3A_716], %gather3A_849 : memref<16x512xf32, #tpu.memory_space<vmem>>[vector<16xi32>, vector<16xi32>], vector<16xf32>,
      %broadcast_in_dim3A_850 = arith.constant 15 : i32
      %broadcast_in_dim3A_851 = vector.broadcast %broadcast_in_dim3A_850 : i32 to vector<16xi32>
      %mul3A_852 = arith.constant 16 : i32
      %mul3A_853 = vector.broadcast %mul3A_852 : i32 to vector<16xi32>
      %mul3A_854 = arith.muli %and3A_711, %mul3A_853 : vector<16xi32>
      %add3A_855 = arith.constant 15 : i32
      %add3A_856 = vector.broadcast %add3A_855 : i32 to vector<16xi32>
      %add3A_857 = arith.addi %mul3A_854, %add3A_856 : vector<16xi32>
      %gather3A_858 = tpu.vector_load_idx %arg13[%add3A_713, %add3A_857] : memref<512x128xf32, #tpu.memory_space<vmem>>[vector<16xi32>, vector<16xi32>], vector<16xf32>,
      tpu.vector_store_idx %arg15[%broadcast_in_dim3A_851, %add3A_716], %gather3A_858 : memref<16x512xf32, #tpu.memory_space<vmem>>[vector<16xi32>, vector<16xi32>], vector<16xf32>,
    }
    %scan3A_468 = arith.constant 32 : i32
    "tpu.region"() ({
      %run_scoped3A = tpu.sem_alloc : memref<!tpu.dma_semaphore, #tpu.memory_space<semaphore_mem>>
      %dma_start3A_705 = arith.constant 0 : i32
      %dma_start3A_706 = tpu.memref_slice %arg8[%dma_start3A_705, %mul3A_2] : memref<16x16384xf32, #tpu.memory_space<hbm>> -> memref<16x512xf32, #tpu.memory_space<hbm>>
      %dma_start3A_707 = arith.constant 0 : i32
      %dma_start3A_708 = tpu.memref_slice %arg8[%dma_start3A_707, %mul3A_2] : memref<16x16384xf32, #tpu.memory_space<hbm>> -> memref<16x512xf32, #tpu.memory_space<hbm>>
      tpu.enqueue_dma source(%arg15 : memref<16x512xf32, #tpu.memory_space<vmem>>) target(%dma_start3A_708 : memref<16x512xf32, #tpu.memory_space<hbm>>) target_semaphore(%run_scoped3A : memref<!tpu.dma_semaphore, #tpu.memory_space<semaphore_mem>>)
      %dma_wait3A_709 = arith.constant 0 : i32
      %dma_wait3A_710 = tpu.memref_slice %arg8[%dma_wait3A_709, %mul3A_2] : memref<16x16384xf32, #tpu.memory_space<hbm>> -> memref<16x512xf32, #tpu.memory_space<hbm>>
      %dma_wait3A_711 = arith.constant 0 : i32
      %dma_wait3A_712 = tpu.memref_slice %arg8[%dma_wait3A_711, %mul3A_2] : memref<16x16384xf32, #tpu.memory_space<hbm>> -> memref<16x512xf32, #tpu.memory_space<hbm>>
      tpu.wait_dma2 semaphore(%run_scoped3A : memref<!tpu.dma_semaphore, #tpu.memory_space<semaphore_mem>>) src(%arg15 : memref<16x512xf32, #tpu.memory_space<vmem>>) dst(%dma_wait3A_712 : memref<16x512xf32, #tpu.memory_space<hbm>>)
      tpu.yield
    }) : () -> ()
    "tpu.region"() ({
      %run_scoped3A = tpu.sem_alloc : memref<!tpu.dma_semaphore, #tpu.memory_space<semaphore_mem>>
      %dma_start3A_705 = tpu.memref_slice %arg6[%mul3A_2] : memref<16384xi32, #tpu.memory_space<hbm>> -> memref<512xi32, #tpu.memory_space<hbm>>
      %dma_start3A_706 = tpu.memref_slice %arg6[%mul3A_2] : memref<16384xi32, #tpu.memory_space<hbm>> -> memref<512xi32, #tpu.memory_space<hbm>>
      tpu.enqueue_dma source(%dma_start3A_706 : memref<512xi32, #tpu.memory_space<hbm>>) target(%arg11 : memref<512xi32, #tpu.memory_space<vmem>>) target_semaphore(%run_scoped3A : memref<!tpu.dma_semaphore, #tpu.memory_space<semaphore_mem>>)
      %dma_wait3A_707 = tpu.memref_slice %arg6[%mul3A_2] : memref<16384xi32, #tpu.memory_space<hbm>> -> memref<512xi32, #tpu.memory_space<hbm>>
      %dma_wait3A_708 = tpu.memref_slice %arg6[%mul3A_2] : memref<16384xi32, #tpu.memory_space<hbm>> -> memref<512xi32, #tpu.memory_space<hbm>>
      tpu.wait_dma2 semaphore(%run_scoped3A : memref<!tpu.dma_semaphore, #tpu.memory_space<semaphore_mem>>) src(%dma_wait3A_708 : memref<512xi32, #tpu.memory_space<hbm>>) dst(%arg11 : memref<512xi32, #tpu.memory_space<vmem>>)
      tpu.yield
    }) : () -> ()
    %get3A_469 = arith.constant 0 : index
    %get3A_470 = tpu.vector_load %arg11[%get3A_469] {strides = array<i32>} : memref<512xi32, #tpu.memory_space<vmem>>, vector<16xi32>,
    %shift_right_logical3A_471 = arith.constant 3 : i32
    %shift_right_logical3A_472 = vector.broadcast %shift_right_logical3A_471 : i32 to vector<16xi32>
    %shift_right_logical3A_473 = arith.shrui %get3A_470, %shift_right_logical3A_472 : vector<16xi32>
    %swap3A_474 = arith.constant 0 : index
    %swap3A_475 = tpu.vector_load %arg12[%swap3A_474] {strides = array<i32>} : memref<512xi32, #tpu.memory_space<vmem>>, vector<16xi32>,
    tpu.vector_store %arg12[%swap3A_474], %shift_right_logical3A_473 {strides = array<i32>} : memref<512xi32, #tpu.memory_space<vmem>>, vector<16xi32>,
    %get3A_476 = arith.constant 16 : index
    %get3A_477 = tpu.vector_load %arg11[%get3A_476] {strides = array<i32>} : memref<512xi32, #tpu.memory_space<vmem>>, vector<16xi32>,
    %shift_right_logical3A_478 = arith.constant 3 : i32
    %shift_right_logical3A_479 = vector.broadcast %shift_right_logical3A_478 : i32 to vector<16xi32>
    %shift_right_logical3A_480 = arith.shrui %get3A_477, %shift_right_logical3A_479 : vector<16xi32>
    %swap3A_481 = arith.constant 16 : index
    %swap3A_482 = tpu.vector_load %arg12[%swap3A_481] {strides = array<i32>} : memref<512xi32, #tpu.memory_space<vmem>>, vector<16xi32>,
    tpu.vector_store %arg12[%swap3A_481], %shift_right_logical3A_480 {strides = array<i32>} : memref<512xi32, #tpu.memory_space<vmem>>, vector<16xi32>,
    %get3A_483 = arith.constant 32 : index
    %get3A_484 = tpu.vector_load %arg11[%get3A_483] {strides = array<i32>} : memref<512xi32, #tpu.memory_space<vmem>>, vector<16xi32>,
    %shift_right_logical3A_485 = arith.constant 3 : i32
    %shift_right_logical3A_486 = vector.broadcast %shift_right_logical3A_485 : i32 to vector<16xi32>
    %shift_right_logical3A_487 = arith.shrui %get3A_484, %shift_right_logical3A_486 : vector<16xi32>
    %swap3A_488 = arith.constant 32 : index
    %swap3A_489 = tpu.vector_load %arg12[%swap3A_488] {strides = array<i32>} : memref<512xi32, #tpu.memory_space<vmem>>, vector<16xi32>,
    tpu.vector_store %arg12[%swap3A_488], %shift_right_logical3A_487 {strides = array<i32>} : memref<512xi32, #tpu.memory_space<vmem>>, vector<16xi32>,
    %get3A_490 = arith.constant 48 : index
    %get3A_491 = tpu.vector_load %arg11[%get3A_490] {strides = array<i32>} : memref<512xi32, #tpu.memory_space<vmem>>, vector<16xi32>,
    %shift_right_logical3A_492 = arith.constant 3 : i32
    %shift_right_logical3A_493 = vector.broadcast %shift_right_logical3A_492 : i32 to vector<16xi32>
    %shift_right_logical3A_494 = arith.shrui %get3A_491, %shift_right_logical3A_493 : vector<16xi32>
    %swap3A_495 = arith.constant 48 : index
    %swap3A_496 = tpu.vector_load %arg12[%swap3A_495] {strides = array<i32>} : memref<512xi32, #tpu.memory_space<vmem>>, vector<16xi32>,
    tpu.vector_store %arg12[%swap3A_495], %shift_right_logical3A_494 {strides = array<i32>} : memref<512xi32, #tpu.memory_space<vmem>>, vector<16xi32>,
    %get3A_497 = arith.constant 64 : index
    %get3A_498 = tpu.vector_load %arg11[%get3A_497] {strides = array<i32>} : memref<512xi32, #tpu.memory_space<vmem>>, vector<16xi32>,
    %shift_right_logical3A_499 = arith.constant 3 : i32
    %shift_right_logical3A_500 = vector.broadcast %shift_right_logical3A_499 : i32 to vector<16xi32>
    %shift_right_logical3A_501 = arith.shrui %get3A_498, %shift_right_logical3A_500 : vector<16xi32>
    %swap3A_502 = arith.constant 64 : index
    %swap3A_503 = tpu.vector_load %arg12[%swap3A_502] {strides = array<i32>} : memref<512xi32, #tpu.memory_space<vmem>>, vector<16xi32>,
    tpu.vector_store %arg12[%swap3A_502], %shift_right_logical3A_501 {strides = array<i32>} : memref<512xi32, #tpu.memory_space<vmem>>, vector<16xi32>,
    %get3A_504 = arith.constant 80 : index
    %get3A_505 = tpu.vector_load %arg11[%get3A_504] {strides = array<i32>} : memref<512xi32, #tpu.memory_space<vmem>>, vector<16xi32>,
    %shift_right_logical3A_506 = arith.constant 3 : i32
    %shift_right_logical3A_507 = vector.broadcast %shift_right_logical3A_506 : i32 to vector<16xi32>
    %shift_right_logical3A_508 = arith.shrui %get3A_505, %shift_right_logical3A_507 : vector<16xi32>
    %swap3A_509 = arith.constant 80 : index
    %swap3A_510 = tpu.vector_load %arg12[%swap3A_509] {strides = array<i32>} : memref<512xi32, #tpu.memory_space<vmem>>, vector<16xi32>,
    tpu.vector_store %arg12[%swap3A_509], %shift_right_logical3A_508 {strides = array<i32>} : memref<512xi32, #tpu.memory_space<vmem>>, vector<16xi32>,
    %get3A_511 = arith.constant 96 : index
    %get3A_512 = tpu.vector_load %arg11[%get3A_511] {strides = array<i32>} : memref<512xi32, #tpu.memory_space<vmem>>, vector<16xi32>,
    %shift_right_logical3A_513 = arith.constant 3 : i32
    %shift_right_logical3A_514 = vector.broadcast %shift_right_logical3A_513 : i32 to vector<16xi32>
    %shift_right_logical3A_515 = arith.shrui %get3A_512, %shift_right_logical3A_514 : vector<16xi32>
    %swap3A_516 = arith.constant 96 : index
    %swap3A_517 = tpu.vector_load %arg12[%swap3A_516] {strides = array<i32>} : memref<512xi32, #tpu.memory_space<vmem>>, vector<16xi32>,
    tpu.vector_store %arg12[%swap3A_516], %shift_right_logical3A_515 {strides = array<i32>} : memref<512xi32, #tpu.memory_space<vmem>>, vector<16xi32>,
    %get3A_518 = arith.constant 112 : index
    %get3A_519 = tpu.vector_load %arg11[%get3A_518] {strides = array<i32>} : memref<512xi32, #tpu.memory_space<vmem>>, vector<16xi32>,
    %shift_right_logical3A_520 = arith.constant 3 : i32
    %shift_right_logical3A_521 = vector.broadcast %shift_right_logical3A_520 : i32 to vector<16xi32>
    %shift_right_logical3A_522 = arith.shrui %get3A_519, %shift_right_logical3A_521 : vector<16xi32>
    %swap3A_523 = arith.constant 112 : index
    %swap3A_524 = tpu.vector_load %arg12[%swap3A_523] {strides = array<i32>} : memref<512xi32, #tpu.memory_space<vmem>>, vector<16xi32>,
    tpu.vector_store %arg12[%swap3A_523], %shift_right_logical3A_522 {strides = array<i32>} : memref<512xi32, #tpu.memory_space<vmem>>, vector<16xi32>,
    %get3A_525 = arith.constant 128 : index
    %get3A_526 = tpu.vector_load %arg11[%get3A_525] {strides = array<i32>} : memref<512xi32, #tpu.memory_space<vmem>>, vector<16xi32>,
    %shift_right_logical3A_527 = arith.constant 3 : i32
    %shift_right_logical3A_528 = vector.broadcast %shift_right_logical3A_527 : i32 to vector<16xi32>
    %shift_right_logical3A_529 = arith.shrui %get3A_526, %shift_right_logical3A_528 : vector<16xi32>
    %swap3A_530 = arith.constant 128 : index
    %swap3A_531 = tpu.vector_load %arg12[%swap3A_530] {strides = array<i32>} : memref<512xi32, #tpu.memory_space<vmem>>, vector<16xi32>,
    tpu.vector_store %arg12[%swap3A_530], %shift_right_logical3A_529 {strides = array<i32>} : memref<512xi32, #tpu.memory_space<vmem>>, vector<16xi32>,
    %get3A_532 = arith.constant 144 : index
    %get3A_533 = tpu.vector_load %arg11[%get3A_532] {strides = array<i32>} : memref<512xi32, #tpu.memory_space<vmem>>, vector<16xi32>,
    %shift_right_logical3A_534 = arith.constant 3 : i32
    %shift_right_logical3A_535 = vector.broadcast %shift_right_logical3A_534 : i32 to vector<16xi32>
    %shift_right_logical3A_536 = arith.shrui %get3A_533, %shift_right_logical3A_535 : vector<16xi32>
    %swap3A_537 = arith.constant 144 : index
    %swap3A_538 = tpu.vector_load %arg12[%swap3A_537] {strides = array<i32>} : memref<512xi32, #tpu.memory_space<vmem>>, vector<16xi32>,
    tpu.vector_store %arg12[%swap3A_537], %shift_right_logical3A_536 {strides = array<i32>} : memref<512xi32, #tpu.memory_space<vmem>>, vector<16xi32>,
    %get3A_539 = arith.constant 160 : index
    %get3A_540 = tpu.vector_load %arg11[%get3A_539] {strides = array<i32>} : memref<512xi32, #tpu.memory_space<vmem>>, vector<16xi32>,
    %shift_right_logical3A_541 = arith.constant 3 : i32
    %shift_right_logical3A_542 = vector.broadcast %shift_right_logical3A_541 : i32 to vector<16xi32>
    %shift_right_logical3A_543 = arith.shrui %get3A_540, %shift_right_logical3A_542 : vector<16xi32>
    %swap3A_544 = arith.constant 160 : index
    %swap3A_545 = tpu.vector_load %arg12[%swap3A_544] {strides = array<i32>} : memref<512xi32, #tpu.memory_space<vmem>>, vector<16xi32>,
    tpu.vector_store %arg12[%swap3A_544], %shift_right_logical3A_543 {strides = array<i32>} : memref<512xi32, #tpu.memory_space<vmem>>, vector<16xi32>,
    %get3A_546 = arith.constant 176 : index
    %get3A_547 = tpu.vector_load %arg11[%get3A_546] {strides = array<i32>} : memref<512xi32, #tpu.memory_space<vmem>>, vector<16xi32>,
    %shift_right_logical3A_548 = arith.constant 3 : i32
    %shift_right_logical3A_549 = vector.broadcast %shift_right_logical3A_548 : i32 to vector<16xi32>
    %shift_right_logical3A_550 = arith.shrui %get3A_547, %shift_right_logical3A_549 : vector<16xi32>
    %swap3A_551 = arith.constant 176 : index
    %swap3A_552 = tpu.vector_load %arg12[%swap3A_551] {strides = array<i32>} : memref<512xi32, #tpu.memory_space<vmem>>, vector<16xi32>,
    tpu.vector_store %arg12[%swap3A_551], %shift_right_logical3A_550 {strides = array<i32>} : memref<512xi32, #tpu.memory_space<vmem>>, vector<16xi32>,
    %get3A_553 = arith.constant 192 : index
    %get3A_554 = tpu.vector_load %arg11[%get3A_553] {strides = array<i32>} : memref<512xi32, #tpu.memory_space<vmem>>, vector<16xi32>,
    %shift_right_logical3A_555 = arith.constant 3 : i32
    %shift_right_logical3A_556 = vector.broadcast %shift_right_logical3A_555 : i32 to vector<16xi32>
    %shift_right_logical3A_557 = arith.shrui %get3A_554, %shift_right_logical3A_556 : vector<16xi32>
    %swap3A_558 = arith.constant 192 : index
    %swap3A_559 = tpu.vector_load %arg12[%swap3A_558] {strides = array<i32>} : memref<512xi32, #tpu.memory_space<vmem>>, vector<16xi32>,
    tpu.vector_store %arg12[%swap3A_558], %shift_right_logical3A_557 {strides = array<i32>} : memref<512xi32, #tpu.memory_space<vmem>>, vector<16xi32>,
    %get3A_560 = arith.constant 208 : index
    %get3A_561 = tpu.vector_load %arg11[%get3A_560] {strides = array<i32>} : memref<512xi32, #tpu.memory_space<vmem>>, vector<16xi32>,
    %shift_right_logical3A_562 = arith.constant 3 : i32
    %shift_right_logical3A_563 = vector.broadcast %shift_right_logical3A_562 : i32 to vector<16xi32>
    %shift_right_logical3A_564 = arith.shrui %get3A_561, %shift_right_logical3A_563 : vector<16xi32>
    %swap3A_565 = arith.constant 208 : index
    %swap3A_566 = tpu.vector_load %arg12[%swap3A_565] {strides = array<i32>} : memref<512xi32, #tpu.memory_space<vmem>>, vector<16xi32>,
    tpu.vector_store %arg12[%swap3A_565], %shift_right_logical3A_564 {strides = array<i32>} : memref<512xi32, #tpu.memory_space<vmem>>, vector<16xi32>,
    %get3A_567 = arith.constant 224 : index
    %get3A_568 = tpu.vector_load %arg11[%get3A_567] {strides = array<i32>} : memref<512xi32, #tpu.memory_space<vmem>>, vector<16xi32>,
    %shift_right_logical3A_569 = arith.constant 3 : i32
    %shift_right_logical3A_570 = vector.broadcast %shift_right_logical3A_569 : i32 to vector<16xi32>
    %shift_right_logical3A_571 = arith.shrui %get3A_568, %shift_right_logical3A_570 : vector<16xi32>
    %swap3A_572 = arith.constant 224 : index
    %swap3A_573 = tpu.vector_load %arg12[%swap3A_572] {strides = array<i32>} : memref<512xi32, #tpu.memory_space<vmem>>, vector<16xi32>,
    tpu.vector_store %arg12[%swap3A_572], %shift_right_logical3A_571 {strides = array<i32>} : memref<512xi32, #tpu.memory_space<vmem>>, vector<16xi32>,
    %get3A_574 = arith.constant 240 : index
    %get3A_575 = tpu.vector_load %arg11[%get3A_574] {strides = array<i32>} : memref<512xi32, #tpu.memory_space<vmem>>, vector<16xi32>,
    %shift_right_logical3A_576 = arith.constant 3 : i32
    %shift_right_logical3A_577 = vector.broadcast %shift_right_logical3A_576 : i32 to vector<16xi32>
    %shift_right_logical3A_578 = arith.shrui %get3A_575, %shift_right_logical3A_577 : vector<16xi32>
    %swap3A_579 = arith.constant 240 : index
    %swap3A_580 = tpu.vector_load %arg12[%swap3A_579] {strides = array<i32>} : memref<512xi32, #tpu.memory_space<vmem>>, vector<16xi32>,
    tpu.vector_store %arg12[%swap3A_579], %shift_right_logical3A_578 {strides = array<i32>} : memref<512xi32, #tpu.memory_space<vmem>>, vector<16xi32>,
    %get3A_581 = arith.constant 256 : index
    %get3A_582 = tpu.vector_load %arg11[%get3A_581] {strides = array<i32>} : memref<512xi32, #tpu.memory_space<vmem>>, vector<16xi32>,
    %shift_right_logical3A_583 = arith.constant 3 : i32
    %shift_right_logical3A_584 = vector.broadcast %shift_right_logical3A_583 : i32 to vector<16xi32>
    %shift_right_logical3A_585 = arith.shrui %get3A_582, %shift_right_logical3A_584 : vector<16xi32>
    %swap3A_586 = arith.constant 256 : index
    %swap3A_587 = tpu.vector_load %arg12[%swap3A_586] {strides = array<i32>} : memref<512xi32, #tpu.memory_space<vmem>>, vector<16xi32>,
    tpu.vector_store %arg12[%swap3A_586], %shift_right_logical3A_585 {strides = array<i32>} : memref<512xi32, #tpu.memory_space<vmem>>, vector<16xi32>,
    %get3A_588 = arith.constant 272 : index
    %get3A_589 = tpu.vector_load %arg11[%get3A_588] {strides = array<i32>} : memref<512xi32, #tpu.memory_space<vmem>>, vector<16xi32>,
    %shift_right_logical3A_590 = arith.constant 3 : i32
    %shift_right_logical3A_591 = vector.broadcast %shift_right_logical3A_590 : i32 to vector<16xi32>
    %shift_right_logical3A_592 = arith.shrui %get3A_589, %shift_right_logical3A_591 : vector<16xi32>
    %swap3A_593 = arith.constant 272 : index
    %swap3A_594 = tpu.vector_load %arg12[%swap3A_593] {strides = array<i32>} : memref<512xi32, #tpu.memory_space<vmem>>, vector<16xi32>,
    tpu.vector_store %arg12[%swap3A_593], %shift_right_logical3A_592 {strides = array<i32>} : memref<512xi32, #tpu.memory_space<vmem>>, vector<16xi32>,
    %get3A_595 = arith.constant 288 : index
    %get3A_596 = tpu.vector_load %arg11[%get3A_595] {strides = array<i32>} : memref<512xi32, #tpu.memory_space<vmem>>, vector<16xi32>,
    %shift_right_logical3A_597 = arith.constant 3 : i32
    %shift_right_logical3A_598 = vector.broadcast %shift_right_logical3A_597 : i32 to vector<16xi32>
    %shift_right_logical3A_599 = arith.shrui %get3A_596, %shift_right_logical3A_598 : vector<16xi32>
    %swap3A_600 = arith.constant 288 : index
    %swap3A_601 = tpu.vector_load %arg12[%swap3A_600] {strides = array<i32>} : memref<512xi32, #tpu.memory_space<vmem>>, vector<16xi32>,
    tpu.vector_store %arg12[%swap3A_600], %shift_right_logical3A_599 {strides = array<i32>} : memref<512xi32, #tpu.memory_space<vmem>>, vector<16xi32>,
    %get3A_602 = arith.constant 304 : index
    %get3A_603 = tpu.vector_load %arg11[%get3A_602] {strides = array<i32>} : memref<512xi32, #tpu.memory_space<vmem>>, vector<16xi32>,
    %shift_right_logical3A_604 = arith.constant 3 : i32
    %shift_right_logical3A_605 = vector.broadcast %shift_right_logical3A_604 : i32 to vector<16xi32>
    %shift_right_logical3A_606 = arith.shrui %get3A_603, %shift_right_logical3A_605 : vector<16xi32>
    %swap3A_607 = arith.constant 304 : index
    %swap3A_608 = tpu.vector_load %arg12[%swap3A_607] {strides = array<i32>} : memref<512xi32, #tpu.memory_space<vmem>>, vector<16xi32>,
    tpu.vector_store %arg12[%swap3A_607], %shift_right_logical3A_606 {strides = array<i32>} : memref<512xi32, #tpu.memory_space<vmem>>, vector<16xi32>,
    %get3A_609 = arith.constant 320 : index
    %get3A_610 = tpu.vector_load %arg11[%get3A_609] {strides = array<i32>} : memref<512xi32, #tpu.memory_space<vmem>>, vector<16xi32>,
    %shift_right_logical3A_611 = arith.constant 3 : i32
    %shift_right_logical3A_612 = vector.broadcast %shift_right_logical3A_611 : i32 to vector<16xi32>
    %shift_right_logical3A_613 = arith.shrui %get3A_610, %shift_right_logical3A_612 : vector<16xi32>
    %swap3A_614 = arith.constant 320 : index
    %swap3A_615 = tpu.vector_load %arg12[%swap3A_614] {strides = array<i32>} : memref<512xi32, #tpu.memory_space<vmem>>, vector<16xi32>,
    tpu.vector_store %arg12[%swap3A_614], %shift_right_logical3A_613 {strides = array<i32>} : memref<512xi32, #tpu.memory_space<vmem>>, vector<16xi32>,
    %get3A_616 = arith.constant 336 : index
    %get3A_617 = tpu.vector_load %arg11[%get3A_616] {strides = array<i32>} : memref<512xi32, #tpu.memory_space<vmem>>, vector<16xi32>,
    %shift_right_logical3A_618 = arith.constant 3 : i32
    %shift_right_logical3A_619 = vector.broadcast %shift_right_logical3A_618 : i32 to vector<16xi32>
    %shift_right_logical3A_620 = arith.shrui %get3A_617, %shift_right_logical3A_619 : vector<16xi32>
    %swap3A_621 = arith.constant 336 : index
    %swap3A_622 = tpu.vector_load %arg12[%swap3A_621] {strides = array<i32>} : memref<512xi32, #tpu.memory_space<vmem>>, vector<16xi32>,
    tpu.vector_store %arg12[%swap3A_621], %shift_right_logical3A_620 {strides = array<i32>} : memref<512xi32, #tpu.memory_space<vmem>>, vector<16xi32>,
    %get3A_623 = arith.constant 352 : index
    %get3A_624 = tpu.vector_load %arg11[%get3A_623] {strides = array<i32>} : memref<512xi32, #tpu.memory_space<vmem>>, vector<16xi32>,
    %shift_right_logical3A_625 = arith.constant 3 : i32
    %shift_right_logical3A_626 = vector.broadcast %shift_right_logical3A_625 : i32 to vector<16xi32>
    %shift_right_logical3A_627 = arith.shrui %get3A_624, %shift_right_logical3A_626 : vector<16xi32>
    %swap3A_628 = arith.constant 352 : index
    %swap3A_629 = tpu.vector_load %arg12[%swap3A_628] {strides = array<i32>} : memref<512xi32, #tpu.memory_space<vmem>>, vector<16xi32>,
    tpu.vector_store %arg12[%swap3A_628], %shift_right_logical3A_627 {strides = array<i32>} : memref<512xi32, #tpu.memory_space<vmem>>, vector<16xi32>,
    %get3A_630 = arith.constant 368 : index
    %get3A_631 = tpu.vector_load %arg11[%get3A_630] {strides = array<i32>} : memref<512xi32, #tpu.memory_space<vmem>>, vector<16xi32>,
    %shift_right_logical3A_632 = arith.constant 3 : i32
    %shift_right_logical3A_633 = vector.broadcast %shift_right_logical3A_632 : i32 to vector<16xi32>
    %shift_right_logical3A_634 = arith.shrui %get3A_631, %shift_right_logical3A_633 : vector<16xi32>
    %swap3A_635 = arith.constant 368 : index
    %swap3A_636 = tpu.vector_load %arg12[%swap3A_635] {strides = array<i32>} : memref<512xi32, #tpu.memory_space<vmem>>, vector<16xi32>,
    tpu.vector_store %arg12[%swap3A_635], %shift_right_logical3A_634 {strides = array<i32>} : memref<512xi32, #tpu.memory_space<vmem>>, vector<16xi32>,
    %get3A_637 = arith.constant 384 : index
    %get3A_638 = tpu.vector_load %arg11[%get3A_637] {strides = array<i32>} : memref<512xi32, #tpu.memory_space<vmem>>, vector<16xi32>,
    %shift_right_logical3A_639 = arith.constant 3 : i32
    %shift_right_logical3A_640 = vector.broadcast %shift_right_logical3A_639 : i32 to vector<16xi32>
    %shift_right_logical3A_641 = arith.shrui %get3A_638, %shift_right_logical3A_640 : vector<16xi32>
    %swap3A_642 = arith.constant 384 : index
    %swap3A_643 = tpu.vector_load %arg12[%swap3A_642] {strides = array<i32>} : memref<512xi32, #tpu.memory_space<vmem>>, vector<16xi32>,
    tpu.vector_store %arg12[%swap3A_642], %shift_right_logical3A_641 {strides = array<i32>} : memref<512xi32, #tpu.memory_space<vmem>>, vector<16xi32>,
    %get3A_644 = arith.constant 400 : index
    %get3A_645 = tpu.vector_load %arg11[%get3A_644] {strides = array<i32>} : memref<512xi32, #tpu.memory_space<vmem>>, vector<16xi32>,
    %shift_right_logical3A_646 = arith.constant 3 : i32
    %shift_right_logical3A_647 = vector.broadcast %shift_right_logical3A_646 : i32 to vector<16xi32>
    %shift_right_logical3A_648 = arith.shrui %get3A_645, %shift_right_logical3A_647 : vector<16xi32>
    %swap3A_649 = arith.constant 400 : index
    %swap3A_650 = tpu.vector_load %arg12[%swap3A_649] {strides = array<i32>} : memref<512xi32, #tpu.memory_space<vmem>>, vector<16xi32>,
    tpu.vector_store %arg12[%swap3A_649], %shift_right_logical3A_648 {strides = array<i32>} : memref<512xi32, #tpu.memory_space<vmem>>, vector<16xi32>,
    %get3A_651 = arith.constant 416 : index
    %get3A_652 = tpu.vector_load %arg11[%get3A_651] {strides = array<i32>} : memref<512xi32, #tpu.memory_space<vmem>>, vector<16xi32>,
    %shift_right_logical3A_653 = arith.constant 3 : i32
    %shift_right_logical3A_654 = vector.broadcast %shift_right_logical3A_653 : i32 to vector<16xi32>
    %shift_right_logical3A_655 = arith.shrui %get3A_652, %shift_right_logical3A_654 : vector<16xi32>
    %swap3A_656 = arith.constant 416 : index
    %swap3A_657 = tpu.vector_load %arg12[%swap3A_656] {strides = array<i32>} : memref<512xi32, #tpu.memory_space<vmem>>, vector<16xi32>,
    tpu.vector_store %arg12[%swap3A_656], %shift_right_logical3A_655 {strides = array<i32>} : memref<512xi32, #tpu.memory_space<vmem>>, vector<16xi32>,
    %get3A_658 = arith.constant 432 : index
    %get3A_659 = tpu.vector_load %arg11[%get3A_658] {strides = array<i32>} : memref<512xi32, #tpu.memory_space<vmem>>, vector<16xi32>,
    %shift_right_logical3A_660 = arith.constant 3 : i32
    %shift_right_logical3A_661 = vector.broadcast %shift_right_logical3A_660 : i32 to vector<16xi32>
    %shift_right_logical3A_662 = arith.shrui %get3A_659, %shift_right_logical3A_661 : vector<16xi32>
    %swap3A_663 = arith.constant 432 : index
    %swap3A_664 = tpu.vector_load %arg12[%swap3A_663] {strides = array<i32>} : memref<512xi32, #tpu.memory_space<vmem>>, vector<16xi32>,
    tpu.vector_store %arg12[%swap3A_663], %shift_right_logical3A_662 {strides = array<i32>} : memref<512xi32, #tpu.memory_space<vmem>>, vector<16xi32>,
    %get3A_665 = arith.constant 448 : index
    %get3A_666 = tpu.vector_load %arg11[%get3A_665] {strides = array<i32>} : memref<512xi32, #tpu.memory_space<vmem>>, vector<16xi32>,
    %shift_right_logical3A_667 = arith.constant 3 : i32
    %shift_right_logical3A_668 = vector.broadcast %shift_right_logical3A_667 : i32 to vector<16xi32>
    %shift_right_logical3A_669 = arith.shrui %get3A_666, %shift_right_logical3A_668 : vector<16xi32>
    %swap3A_670 = arith.constant 448 : index
    %swap3A_671 = tpu.vector_load %arg12[%swap3A_670] {strides = array<i32>} : memref<512xi32, #tpu.memory_space<vmem>>, vector<16xi32>,
    tpu.vector_store %arg12[%swap3A_670], %shift_right_logical3A_669 {strides = array<i32>} : memref<512xi32, #tpu.memory_space<vmem>>, vector<16xi32>,
    %get3A_672 = arith.constant 464 : index
    %get3A_673 = tpu.vector_load %arg11[%get3A_672] {strides = array<i32>} : memref<512xi32, #tpu.memory_space<vmem>>, vector<16xi32>,
    %shift_right_logical3A_674 = arith.constant 3 : i32
    %shift_right_logical3A_675 = vector.broadcast %shift_right_logical3A_674 : i32 to vector<16xi32>
    %shift_right_logical3A_676 = arith.shrui %get3A_673, %shift_right_logical3A_675 : vector<16xi32>
    %swap3A_677 = arith.constant 464 : index
    %swap3A_678 = tpu.vector_load %arg12[%swap3A_677] {strides = array<i32>} : memref<512xi32, #tpu.memory_space<vmem>>, vector<16xi32>,
    tpu.vector_store %arg12[%swap3A_677], %shift_right_logical3A_676 {strides = array<i32>} : memref<512xi32, #tpu.memory_space<vmem>>, vector<16xi32>,
    %get3A_679 = arith.constant 480 : index
    %get3A_680 = tpu.vector_load %arg11[%get3A_679] {strides = array<i32>} : memref<512xi32, #tpu.memory_space<vmem>>, vector<16xi32>,
    %shift_right_logical3A_681 = arith.constant 3 : i32
    %shift_right_logical3A_682 = vector.broadcast %shift_right_logical3A_681 : i32 to vector<16xi32>
    %shift_right_logical3A_683 = arith.shrui %get3A_680, %shift_right_logical3A_682 : vector<16xi32>
    %swap3A_684 = arith.constant 480 : index
    %swap3A_685 = tpu.vector_load %arg12[%swap3A_684] {strides = array<i32>} : memref<512xi32, #tpu.memory_space<vmem>>, vector<16xi32>,
    tpu.vector_store %arg12[%swap3A_684], %shift_right_logical3A_683 {strides = array<i32>} : memref<512xi32, #tpu.memory_space<vmem>>, vector<16xi32>,
    %get3A_686 = arith.constant 496 : index
    %get3A_687 = tpu.vector_load %arg11[%get3A_686] {strides = array<i32>} : memref<512xi32, #tpu.memory_space<vmem>>, vector<16xi32>,
    %shift_right_logical3A_688 = arith.constant 3 : i32
    %shift_right_logical3A_689 = vector.broadcast %shift_right_logical3A_688 : i32 to vector<16xi32>
    %shift_right_logical3A_690 = arith.shrui %get3A_687, %shift_right_logical3A_689 : vector<16xi32>
    %swap3A_691 = arith.constant 496 : index
    %swap3A_692 = tpu.vector_load %arg12[%swap3A_691] {strides = array<i32>} : memref<512xi32, #tpu.memory_space<vmem>>, vector<16xi32>,
    tpu.vector_store %arg12[%swap3A_691], %shift_right_logical3A_690 {strides = array<i32>} : memref<512xi32, #tpu.memory_space<vmem>>, vector<16xi32>,
    %dma_start3A_693 = arith.constant 0 : i32
    %dma_start3A_694 = arith.constant 0 : i32
    %dma_start3A_695 = tpu.memref_slice %arg3[%dma_start3A_693, %dma_start3A_694] : memref<125x128xf32, #tpu.memory_space<hbm>> -> memref<125x128xf32, #tpu.memory_space<hbm>>
    tpu.enqueue_indirect_dma source(%dma_start3A_695 : memref<125x128xf32, #tpu.memory_space<hbm>>) target(%arg13 : memref<512x128xf32, #tpu.memory_space<vmem>>) offsets(%arg12 : memref<512xi32, #tpu.memory_space<vmem>>) semaphore(%arg16 : memref<!tpu.dma_semaphore, #tpu.memory_space<semaphore_mem>>)
    %dma_wait3A_696 = arith.constant 0 : i32
    %dma_wait3A_697 = arith.constant 0 : i32
    %dma_wait3A_698 = tpu.memref_slice %arg3[%dma_wait3A_696, %dma_wait3A_697] : memref<125x128xf32, #tpu.memory_space<hbm>> -> memref<125x128xf32, #tpu.memory_space<hbm>>
    tpu.wait_indirect_dma semaphore(%arg16 : memref<!tpu.dma_semaphore, #tpu.memory_space<semaphore_mem>>) src(%dma_wait3A_698 : memref<125x128xf32, #tpu.memory_space<hbm>>) dst(%arg13 : memref<512x128xf32, #tpu.memory_space<vmem>>)
    %scan3A_699 = arith.constant 0 : i32
    %scan3A_700 = arith.constant 0 : i32
    %scan3A_701 = arith.constant 32 : i32
    %scan3A_702 = arith.addi %scan3A_700, %scan3A_701 : i32
    %scan3A_703 = arith.constant 1 : i32
    scf.for %scan3A_705 = %scan3A_700 to %scan3A_702 step %scan3A_703  : i32 {
      %mul3A_706 = arith.constant 16 : i32
      %mul3A_707 = arith.muli %scan3A_705, %mul3A_706 : i32
      %get3A_708 = arith.index_cast %mul3A_707 : i32 to index
      %get3A_709 = tpu.vector_load %arg11[%get3A_708] {strides = array<i32>} : memref<512xi32, #tpu.memory_space<vmem>>, vector<16xi32>,
      %and3A = arith.constant 7 : i32
      %and3A_710 = vector.broadcast %and3A : i32 to vector<16xi32>
      %and3A_711 = arith.andi %get3A_709, %and3A_710 : vector<16xi32>
      %iota3A = tpu.iota {dimensions = array<i32: 0>} : vector<16xi32>
      %add3A_712 = vector.broadcast %mul3A_707 : i32 to vector<16xi32>
      %add3A_713 = arith.addi %iota3A, %add3A_712 : vector<16xi32>
      %iota3A_714 = tpu.iota {dimensions = array<i32: 0>} : vector<16xi32>
      %add3A_715 = vector.broadcast %mul3A_707 : i32 to vector<16xi32>
      %add3A_716 = arith.addi %iota3A_714, %add3A_715 : vector<16xi32>
      %broadcast_in_dim3A = arith.constant 0 : i32
      %broadcast_in_dim3A_717 = vector.broadcast %broadcast_in_dim3A : i32 to vector<16xi32>
      %mul3A_718 = arith.constant 16 : i32
      %mul3A_719 = vector.broadcast %mul3A_718 : i32 to vector<16xi32>
      %mul3A_720 = arith.muli %and3A_711, %mul3A_719 : vector<16xi32>
      %add3A_721 = arith.constant 0 : i32
      %add3A_722 = vector.broadcast %add3A_721 : i32 to vector<16xi32>
      %add3A_723 = arith.addi %mul3A_720, %add3A_722 : vector<16xi32>
      %gather3A = tpu.vector_load_idx %arg13[%add3A_713, %add3A_723] : memref<512x128xf32, #tpu.memory_space<vmem>>[vector<16xi32>, vector<16xi32>], vector<16xf32>,
      tpu.vector_store_idx %arg15[%broadcast_in_dim3A_717, %add3A_716], %gather3A : memref<16x512xf32, #tpu.memory_space<vmem>>[vector<16xi32>, vector<16xi32>], vector<16xf32>,
      %broadcast_in_dim3A_724 = arith.constant 1 : i32
      %broadcast_in_dim3A_725 = vector.broadcast %broadcast_in_dim3A_724 : i32 to vector<16xi32>
      %mul3A_726 = arith.constant 16 : i32
      %mul3A_727 = vector.broadcast %mul3A_726 : i32 to vector<16xi32>
      %mul3A_728 = arith.muli %and3A_711, %mul3A_727 : vector<16xi32>
      %add3A_729 = arith.constant 1 : i32
      %add3A_730 = vector.broadcast %add3A_729 : i32 to vector<16xi32>
      %add3A_731 = arith.addi %mul3A_728, %add3A_730 : vector<16xi32>
      %gather3A_732 = tpu.vector_load_idx %arg13[%add3A_713, %add3A_731] : memref<512x128xf32, #tpu.memory_space<vmem>>[vector<16xi32>, vector<16xi32>], vector<16xf32>,
      tpu.vector_store_idx %arg15[%broadcast_in_dim3A_725, %add3A_716], %gather3A_732 : memref<16x512xf32, #tpu.memory_space<vmem>>[vector<16xi32>, vector<16xi32>], vector<16xf32>,
      %broadcast_in_dim3A_733 = arith.constant 2 : i32
      %broadcast_in_dim3A_734 = vector.broadcast %broadcast_in_dim3A_733 : i32 to vector<16xi32>
      %mul3A_735 = arith.constant 16 : i32
      %mul3A_736 = vector.broadcast %mul3A_735 : i32 to vector<16xi32>
      %mul3A_737 = arith.muli %and3A_711, %mul3A_736 : vector<16xi32>
      %add3A_738 = arith.constant 2 : i32
      %add3A_739 = vector.broadcast %add3A_738 : i32 to vector<16xi32>
      %add3A_740 = arith.addi %mul3A_737, %add3A_739 : vector<16xi32>
      %gather3A_741 = tpu.vector_load_idx %arg13[%add3A_713, %add3A_740] : memref<512x128xf32, #tpu.memory_space<vmem>>[vector<16xi32>, vector<16xi32>], vector<16xf32>,
      tpu.vector_store_idx %arg15[%broadcast_in_dim3A_734, %add3A_716], %gather3A_741 : memref<16x512xf32, #tpu.memory_space<vmem>>[vector<16xi32>, vector<16xi32>], vector<16xf32>,
      %broadcast_in_dim3A_742 = arith.constant 3 : i32
      %broadcast_in_dim3A_743 = vector.broadcast %broadcast_in_dim3A_742 : i32 to vector<16xi32>
      %mul3A_744 = arith.constant 16 : i32
      %mul3A_745 = vector.broadcast %mul3A_744 : i32 to vector<16xi32>
      %mul3A_746 = arith.muli %and3A_711, %mul3A_745 : vector<16xi32>
      %add3A_747 = arith.constant 3 : i32
      %add3A_748 = vector.broadcast %add3A_747 : i32 to vector<16xi32>
      %add3A_749 = arith.addi %mul3A_746, %add3A_748 : vector<16xi32>
      %gather3A_750 = tpu.vector_load_idx %arg13[%add3A_713, %add3A_749] : memref<512x128xf32, #tpu.memory_space<vmem>>[vector<16xi32>, vector<16xi32>], vector<16xf32>,
      tpu.vector_store_idx %arg15[%broadcast_in_dim3A_743, %add3A_716], %gather3A_750 : memref<16x512xf32, #tpu.memory_space<vmem>>[vector<16xi32>, vector<16xi32>], vector<16xf32>,
      %broadcast_in_dim3A_751 = arith.constant 4 : i32
      %broadcast_in_dim3A_752 = vector.broadcast %broadcast_in_dim3A_751 : i32 to vector<16xi32>
      %mul3A_753 = arith.constant 16 : i32
      %mul3A_754 = vector.broadcast %mul3A_753 : i32 to vector<16xi32>
      %mul3A_755 = arith.muli %and3A_711, %mul3A_754 : vector<16xi32>
      %add3A_756 = arith.constant 4 : i32
      %add3A_757 = vector.broadcast %add3A_756 : i32 to vector<16xi32>
      %add3A_758 = arith.addi %mul3A_755, %add3A_757 : vector<16xi32>
      %gather3A_759 = tpu.vector_load_idx %arg13[%add3A_713, %add3A_758] : memref<512x128xf32, #tpu.memory_space<vmem>>[vector<16xi32>, vector<16xi32>], vector<16xf32>,
      tpu.vector_store_idx %arg15[%broadcast_in_dim3A_752, %add3A_716], %gather3A_759 : memref<16x512xf32, #tpu.memory_space<vmem>>[vector<16xi32>, vector<16xi32>], vector<16xf32>,
      %broadcast_in_dim3A_760 = arith.constant 5 : i32
      %broadcast_in_dim3A_761 = vector.broadcast %broadcast_in_dim3A_760 : i32 to vector<16xi32>
      %mul3A_762 = arith.constant 16 : i32
      %mul3A_763 = vector.broadcast %mul3A_762 : i32 to vector<16xi32>
      %mul3A_764 = arith.muli %and3A_711, %mul3A_763 : vector<16xi32>
      %add3A_765 = arith.constant 5 : i32
      %add3A_766 = vector.broadcast %add3A_765 : i32 to vector<16xi32>
      %add3A_767 = arith.addi %mul3A_764, %add3A_766 : vector<16xi32>
      %gather3A_768 = tpu.vector_load_idx %arg13[%add3A_713, %add3A_767] : memref<512x128xf32, #tpu.memory_space<vmem>>[vector<16xi32>, vector<16xi32>], vector<16xf32>,
      tpu.vector_store_idx %arg15[%broadcast_in_dim3A_761, %add3A_716], %gather3A_768 : memref<16x512xf32, #tpu.memory_space<vmem>>[vector<16xi32>, vector<16xi32>], vector<16xf32>,
      %broadcast_in_dim3A_769 = arith.constant 6 : i32
      %broadcast_in_dim3A_770 = vector.broadcast %broadcast_in_dim3A_769 : i32 to vector<16xi32>
      %mul3A_771 = arith.constant 16 : i32
      %mul3A_772 = vector.broadcast %mul3A_771 : i32 to vector<16xi32>
      %mul3A_773 = arith.muli %and3A_711, %mul3A_772 : vector<16xi32>
      %add3A_774 = arith.constant 6 : i32
      %add3A_775 = vector.broadcast %add3A_774 : i32 to vector<16xi32>
      %add3A_776 = arith.addi %mul3A_773, %add3A_775 : vector<16xi32>
      %gather3A_777 = tpu.vector_load_idx %arg13[%add3A_713, %add3A_776] : memref<512x128xf32, #tpu.memory_space<vmem>>[vector<16xi32>, vector<16xi32>], vector<16xf32>,
      tpu.vector_store_idx %arg15[%broadcast_in_dim3A_770, %add3A_716], %gather3A_777 : memref<16x512xf32, #tpu.memory_space<vmem>>[vector<16xi32>, vector<16xi32>], vector<16xf32>,
      %broadcast_in_dim3A_778 = arith.constant 7 : i32
      %broadcast_in_dim3A_779 = vector.broadcast %broadcast_in_dim3A_778 : i32 to vector<16xi32>
      %mul3A_780 = arith.constant 16 : i32
      %mul3A_781 = vector.broadcast %mul3A_780 : i32 to vector<16xi32>
      %mul3A_782 = arith.muli %and3A_711, %mul3A_781 : vector<16xi32>
      %add3A_783 = arith.constant 7 : i32
      %add3A_784 = vector.broadcast %add3A_783 : i32 to vector<16xi32>
      %add3A_785 = arith.addi %mul3A_782, %add3A_784 : vector<16xi32>
      %gather3A_786 = tpu.vector_load_idx %arg13[%add3A_713, %add3A_785] : memref<512x128xf32, #tpu.memory_space<vmem>>[vector<16xi32>, vector<16xi32>], vector<16xf32>,
      tpu.vector_store_idx %arg15[%broadcast_in_dim3A_779, %add3A_716], %gather3A_786 : memref<16x512xf32, #tpu.memory_space<vmem>>[vector<16xi32>, vector<16xi32>], vector<16xf32>,
      %broadcast_in_dim3A_787 = arith.constant 8 : i32
      %broadcast_in_dim3A_788 = vector.broadcast %broadcast_in_dim3A_787 : i32 to vector<16xi32>
      %mul3A_789 = arith.constant 16 : i32
      %mul3A_790 = vector.broadcast %mul3A_789 : i32 to vector<16xi32>
      %mul3A_791 = arith.muli %and3A_711, %mul3A_790 : vector<16xi32>
      %add3A_792 = arith.constant 8 : i32
      %add3A_793 = vector.broadcast %add3A_792 : i32 to vector<16xi32>
      %add3A_794 = arith.addi %mul3A_791, %add3A_793 : vector<16xi32>
      %gather3A_795 = tpu.vector_load_idx %arg13[%add3A_713, %add3A_794] : memref<512x128xf32, #tpu.memory_space<vmem>>[vector<16xi32>, vector<16xi32>], vector<16xf32>,
      tpu.vector_store_idx %arg15[%broadcast_in_dim3A_788, %add3A_716], %gather3A_795 : memref<16x512xf32, #tpu.memory_space<vmem>>[vector<16xi32>, vector<16xi32>], vector<16xf32>,
      %broadcast_in_dim3A_796 = arith.constant 9 : i32
      %broadcast_in_dim3A_797 = vector.broadcast %broadcast_in_dim3A_796 : i32 to vector<16xi32>
      %mul3A_798 = arith.constant 16 : i32
      %mul3A_799 = vector.broadcast %mul3A_798 : i32 to vector<16xi32>
      %mul3A_800 = arith.muli %and3A_711, %mul3A_799 : vector<16xi32>
      %add3A_801 = arith.constant 9 : i32
      %add3A_802 = vector.broadcast %add3A_801 : i32 to vector<16xi32>
      %add3A_803 = arith.addi %mul3A_800, %add3A_802 : vector<16xi32>
      %gather3A_804 = tpu.vector_load_idx %arg13[%add3A_713, %add3A_803] : memref<512x128xf32, #tpu.memory_space<vmem>>[vector<16xi32>, vector<16xi32>], vector<16xf32>,
      tpu.vector_store_idx %arg15[%broadcast_in_dim3A_797, %add3A_716], %gather3A_804 : memref<16x512xf32, #tpu.memory_space<vmem>>[vector<16xi32>, vector<16xi32>], vector<16xf32>,
      %broadcast_in_dim3A_805 = arith.constant 10 : i32
      %broadcast_in_dim3A_806 = vector.broadcast %broadcast_in_dim3A_805 : i32 to vector<16xi32>
      %mul3A_807 = arith.constant 16 : i32
      %mul3A_808 = vector.broadcast %mul3A_807 : i32 to vector<16xi32>
      %mul3A_809 = arith.muli %and3A_711, %mul3A_808 : vector<16xi32>
      %add3A_810 = arith.constant 10 : i32
      %add3A_811 = vector.broadcast %add3A_810 : i32 to vector<16xi32>
      %add3A_812 = arith.addi %mul3A_809, %add3A_811 : vector<16xi32>
      %gather3A_813 = tpu.vector_load_idx %arg13[%add3A_713, %add3A_812] : memref<512x128xf32, #tpu.memory_space<vmem>>[vector<16xi32>, vector<16xi32>], vector<16xf32>,
      tpu.vector_store_idx %arg15[%broadcast_in_dim3A_806, %add3A_716], %gather3A_813 : memref<16x512xf32, #tpu.memory_space<vmem>>[vector<16xi32>, vector<16xi32>], vector<16xf32>,
      %broadcast_in_dim3A_814 = arith.constant 11 : i32
      %broadcast_in_dim3A_815 = vector.broadcast %broadcast_in_dim3A_814 : i32 to vector<16xi32>
      %mul3A_816 = arith.constant 16 : i32
      %mul3A_817 = vector.broadcast %mul3A_816 : i32 to vector<16xi32>
      %mul3A_818 = arith.muli %and3A_711, %mul3A_817 : vector<16xi32>
      %add3A_819 = arith.constant 11 : i32
      %add3A_820 = vector.broadcast %add3A_819 : i32 to vector<16xi32>
      %add3A_821 = arith.addi %mul3A_818, %add3A_820 : vector<16xi32>
      %gather3A_822 = tpu.vector_load_idx %arg13[%add3A_713, %add3A_821] : memref<512x128xf32, #tpu.memory_space<vmem>>[vector<16xi32>, vector<16xi32>], vector<16xf32>,
      tpu.vector_store_idx %arg15[%broadcast_in_dim3A_815, %add3A_716], %gather3A_822 : memref<16x512xf32, #tpu.memory_space<vmem>>[vector<16xi32>, vector<16xi32>], vector<16xf32>,
      %broadcast_in_dim3A_823 = arith.constant 12 : i32
      %broadcast_in_dim3A_824 = vector.broadcast %broadcast_in_dim3A_823 : i32 to vector<16xi32>
      %mul3A_825 = arith.constant 16 : i32
      %mul3A_826 = vector.broadcast %mul3A_825 : i32 to vector<16xi32>
      %mul3A_827 = arith.muli %and3A_711, %mul3A_826 : vector<16xi32>
      %add3A_828 = arith.constant 12 : i32
      %add3A_829 = vector.broadcast %add3A_828 : i32 to vector<16xi32>
      %add3A_830 = arith.addi %mul3A_827, %add3A_829 : vector<16xi32>
      %gather3A_831 = tpu.vector_load_idx %arg13[%add3A_713, %add3A_830] : memref<512x128xf32, #tpu.memory_space<vmem>>[vector<16xi32>, vector<16xi32>], vector<16xf32>,
      tpu.vector_store_idx %arg15[%broadcast_in_dim3A_824, %add3A_716], %gather3A_831 : memref<16x512xf32, #tpu.memory_space<vmem>>[vector<16xi32>, vector<16xi32>], vector<16xf32>,
      %broadcast_in_dim3A_832 = arith.constant 13 : i32
      %broadcast_in_dim3A_833 = vector.broadcast %broadcast_in_dim3A_832 : i32 to vector<16xi32>
      %mul3A_834 = arith.constant 16 : i32
      %mul3A_835 = vector.broadcast %mul3A_834 : i32 to vector<16xi32>
      %mul3A_836 = arith.muli %and3A_711, %mul3A_835 : vector<16xi32>
      %add3A_837 = arith.constant 13 : i32
      %add3A_838 = vector.broadcast %add3A_837 : i32 to vector<16xi32>
      %add3A_839 = arith.addi %mul3A_836, %add3A_838 : vector<16xi32>
      %gather3A_840 = tpu.vector_load_idx %arg13[%add3A_713, %add3A_839] : memref<512x128xf32, #tpu.memory_space<vmem>>[vector<16xi32>, vector<16xi32>], vector<16xf32>,
      tpu.vector_store_idx %arg15[%broadcast_in_dim3A_833, %add3A_716], %gather3A_840 : memref<16x512xf32, #tpu.memory_space<vmem>>[vector<16xi32>, vector<16xi32>], vector<16xf32>,
      %broadcast_in_dim3A_841 = arith.constant 14 : i32
      %broadcast_in_dim3A_842 = vector.broadcast %broadcast_in_dim3A_841 : i32 to vector<16xi32>
      %mul3A_843 = arith.constant 16 : i32
      %mul3A_844 = vector.broadcast %mul3A_843 : i32 to vector<16xi32>
      %mul3A_845 = arith.muli %and3A_711, %mul3A_844 : vector<16xi32>
      %add3A_846 = arith.constant 14 : i32
      %add3A_847 = vector.broadcast %add3A_846 : i32 to vector<16xi32>
      %add3A_848 = arith.addi %mul3A_845, %add3A_847 : vector<16xi32>
      %gather3A_849 = tpu.vector_load_idx %arg13[%add3A_713, %add3A_848] : memref<512x128xf32, #tpu.memory_space<vmem>>[vector<16xi32>, vector<16xi32>], vector<16xf32>,
      tpu.vector_store_idx %arg15[%broadcast_in_dim3A_842, %add3A_716], %gather3A_849 : memref<16x512xf32, #tpu.memory_space<vmem>>[vector<16xi32>, vector<16xi32>], vector<16xf32>,
      %broadcast_in_dim3A_850 = arith.constant 15 : i32
      %broadcast_in_dim3A_851 = vector.broadcast %broadcast_in_dim3A_850 : i32 to vector<16xi32>
      %mul3A_852 = arith.constant 16 : i32
      %mul3A_853 = vector.broadcast %mul3A_852 : i32 to vector<16xi32>
      %mul3A_854 = arith.muli %and3A_711, %mul3A_853 : vector<16xi32>
      %add3A_855 = arith.constant 15 : i32
      %add3A_856 = vector.broadcast %add3A_855 : i32 to vector<16xi32>
      %add3A_857 = arith.addi %mul3A_854, %add3A_856 : vector<16xi32>
      %gather3A_858 = tpu.vector_load_idx %arg13[%add3A_713, %add3A_857] : memref<512x128xf32, #tpu.memory_space<vmem>>[vector<16xi32>, vector<16xi32>], vector<16xf32>,
      tpu.vector_store_idx %arg15[%broadcast_in_dim3A_851, %add3A_716], %gather3A_858 : memref<16x512xf32, #tpu.memory_space<vmem>>[vector<16xi32>, vector<16xi32>], vector<16xf32>,
    }
    %scan3A_704 = arith.constant 32 : i32
    "tpu.region"() ({
      %run_scoped3A = tpu.sem_alloc : memref<!tpu.dma_semaphore, #tpu.memory_space<semaphore_mem>>
      %dma_start3A_705 = arith.constant 0 : i32
      %dma_start3A_706 = tpu.memref_slice %arg9[%dma_start3A_705, %mul3A_2] : memref<16x16384xf32, #tpu.memory_space<hbm>> -> memref<16x512xf32, #tpu.memory_space<hbm>>
      %dma_start3A_707 = arith.constant 0 : i32
      %dma_start3A_708 = tpu.memref_slice %arg9[%dma_start3A_707, %mul3A_2] : memref<16x16384xf32, #tpu.memory_space<hbm>> -> memref<16x512xf32, #tpu.memory_space<hbm>>
      tpu.enqueue_dma source(%arg15 : memref<16x512xf32, #tpu.memory_space<vmem>>) target(%dma_start3A_708 : memref<16x512xf32, #tpu.memory_space<hbm>>) target_semaphore(%run_scoped3A : memref<!tpu.dma_semaphore, #tpu.memory_space<semaphore_mem>>)
      %dma_wait3A_709 = arith.constant 0 : i32
      %dma_wait3A_710 = tpu.memref_slice %arg9[%dma_wait3A_709, %mul3A_2] : memref<16x16384xf32, #tpu.memory_space<hbm>> -> memref<16x512xf32, #tpu.memory_space<hbm>>
      %dma_wait3A_711 = arith.constant 0 : i32
      %dma_wait3A_712 = tpu.memref_slice %arg9[%dma_wait3A_711, %mul3A_2] : memref<16x16384xf32, #tpu.memory_space<hbm>> -> memref<16x512xf32, #tpu.memory_space<hbm>>
      tpu.wait_dma2 semaphore(%run_scoped3A : memref<!tpu.dma_semaphore, #tpu.memory_space<semaphore_mem>>) src(%arg15 : memref<16x512xf32, #tpu.memory_space<vmem>>) dst(%dma_wait3A_712 : memref<16x512xf32, #tpu.memory_space<hbm>>)
      tpu.yield
    }) : () -> ()
    return
  }
}

module attributes {stable_mosaic.version = 14 : i64} {
  func.func @_mlp_body(%arg0: i32, %arg1: i32, %arg2: memref<32x2048xf32, #tpu.memory_space<vmem>>, %arg3: memref<16x2048xf32, #tpu.memory_space<vmem>>, %arg4: memref<16x2048xf32, #tpu.memory_space<vmem>>, %arg5: memref<32x2048xf32, #tpu.memory_space<vmem>>, %arg6: memref<16x2048xf32, #tpu.memory_space<vmem>>, %arg7: memref<112x256xf32, #tpu.memory_space<vmem>>, %arg8: memref<1x256xf32, #tpu.memory_space<vmem>>, %arg9: memref<1x256xf32, #tpu.memory_space<vmem>>, %arg10: memref<1x256xf32, #tpu.memory_space<vmem>>, %arg11: memref<256x128xf32, #tpu.memory_space<vmem>>, %arg12: memref<1x128xf32, #tpu.memory_space<vmem>>, %arg13: memref<1x128xf32, #tpu.memory_space<vmem>>, %arg14: memref<1x128xf32, #tpu.memory_space<vmem>>, %arg15: memref<128x64xf32, #tpu.memory_space<vmem>>, %arg16: memref<64x1xf32, #tpu.memory_space<vmem>>, %arg17: memref<64x2048xf32, #tpu.memory_space<vmem>>, %arg18: memref<16384x256xf32, #tpu.memory_space<vmem>>, %arg19: memref<16384x128xf32, #tpu.memory_space<vmem>>, %arg20: memref<1x256xf32, #tpu.memory_space<vmem>>, %arg21: memref<1x256xf32, #tpu.memory_space<vmem>>, %arg22: memref<1x128xf32, #tpu.memory_space<vmem>>, %arg23: memref<1x128xf32, #tpu.memory_space<vmem>>) attributes {dimension_semantics = [#tpu.dimension_semantics<arbitrary>, #tpu.dimension_semantics<arbitrary>], iteration_bounds = array<i64: 3, 8>, scalar_prefetch = 0 : i64, scratch_operands = 6 : i64, tpu.core_type = #tpu.core_type<tc>, window_params = [{transform_indices = @transform_0, window_bounds = array<i64: 32, 2048>}, {transform_indices = @transform_1, window_bounds = array<i64: 16, 2048>}, {transform_indices = @transform_2, window_bounds = array<i64: 16, 2048>}, {transform_indices = @transform_3, window_bounds = array<i64: 32, 2048>}, {transform_indices = @transform_4, window_bounds = array<i64: 16, 2048>}, {pipeline_mode = #tpu.pipeline_mode<synchronous>, transform_indices = @transform_5, window_bounds = array<i64: 112, 256>}, {pipeline_mode = #tpu.pipeline_mode<synchronous>, transform_indices = @transform_6, window_bounds = array<i64: 1, 256>}, {pipeline_mode = #tpu.pipeline_mode<synchronous>, transform_indices = @transform_7, window_bounds = array<i64: 1, 256>}, {pipeline_mode = #tpu.pipeline_mode<synchronous>, transform_indices = @transform_8, window_bounds = array<i64: 1, 256>}, {pipeline_mode = #tpu.pipeline_mode<synchronous>, transform_indices = @transform_9, window_bounds = array<i64: 256, 128>}, {pipeline_mode = #tpu.pipeline_mode<synchronous>, transform_indices = @transform_10, window_bounds = array<i64: 1, 128>}, {pipeline_mode = #tpu.pipeline_mode<synchronous>, transform_indices = @transform_11, window_bounds = array<i64: 1, 128>}, {pipeline_mode = #tpu.pipeline_mode<synchronous>, transform_indices = @transform_12, window_bounds = array<i64: 1, 128>}, {pipeline_mode = #tpu.pipeline_mode<synchronous>, transform_indices = @transform_13, window_bounds = array<i64: 128, 64>}, {pipeline_mode = #tpu.pipeline_mode<synchronous>, transform_indices = @transform_14, window_bounds = array<i64: 64, 1>}, {transform_indices = @transform_15, window_bounds = array<i64: 64, 2048>}]} {
    %mul3A = arith.constant 2048 : i32
    %mul3A_0 = arith.muli %arg1, %mul3A : i32
    %eq3A = arith.constant 0 : i32
    %eq3A_1 = arith.cmpi eq, %arg0, %eq3A : i32
    %convert_element_type3A = arith.extui %eq3A_1 : i1 to i32
    %cond3A = arith.constant 0 : i32
    %cond3A_2 = arith.cmpi ne, %convert_element_type3A, %cond3A : i32
    scf.if %cond3A_2 {
      %get3A = arith.constant 0 : index
      %get3A_13 = arith.constant 0 : index
      %get3A_14 = vector.load %arg2[%get3A, %get3A_13] : memref<32x2048xf32, #tpu.memory_space<vmem>>, vector<32x2048xf32>
      %get3A_15 = arith.constant 0 : index
      %get3A_16 = arith.constant 0 : index
      %get3A_17 = vector.load %arg7[%get3A_15, %get3A_16] : memref<112x256xf32, #tpu.memory_space<vmem>>, vector<32x256xf32>
      %dot_general3A = arith.constant dense<0.000000e+00> : vector<2048x256xf32>
      %dot_general3A_18 = tpu.matmul %get3A_14, %get3A_17, %dot_general3A {dimension_numbers = #tpu.dot_dimension_numbers<[0], [0], [1], [1], [0, 1, 1, 1], [], []>, transpose_lhs_hint = false} : vector<32x2048xf32>, vector<32x256xf32>, vector<2048x256xf32> -> vector<2048x256xf32>
      %get3A_19 = arith.constant 0 : index
      %get3A_20 = arith.constant 0 : index
      %get3A_21 = vector.load %arg3[%get3A_19, %get3A_20] : memref<16x2048xf32, #tpu.memory_space<vmem>>, vector<16x2048xf32>
      %get3A_22 = arith.constant 32 : index
      %get3A_23 = arith.constant 0 : index
      %get3A_24 = vector.load %arg7[%get3A_22, %get3A_23] : memref<112x256xf32, #tpu.memory_space<vmem>>, vector<16x256xf32>
      %dot_general3A_25 = arith.constant dense<0.000000e+00> : vector<2048x256xf32>
      %dot_general3A_26 = tpu.matmul %get3A_21, %get3A_24, %dot_general3A_25 {dimension_numbers = #tpu.dot_dimension_numbers<[0], [0], [1], [1], [0, 1, 1, 1], [], []>, transpose_lhs_hint = false} : vector<16x2048xf32>, vector<16x256xf32>, vector<2048x256xf32> -> vector<2048x256xf32>
      %add3A = arith.addf %dot_general3A_18, %dot_general3A_26 : vector<2048x256xf32>
      %get3A_27 = arith.constant 0 : index
      %get3A_28 = arith.constant 0 : index
      %get3A_29 = vector.load %arg4[%get3A_27, %get3A_28] : memref<16x2048xf32, #tpu.memory_space<vmem>>, vector<16x2048xf32>
      %get3A_30 = arith.constant 48 : index
      %get3A_31 = arith.constant 0 : index
      %get3A_32 = vector.load %arg7[%get3A_30, %get3A_31] : memref<112x256xf32, #tpu.memory_space<vmem>>, vector<16x256xf32>
      %dot_general3A_33 = arith.constant dense<0.000000e+00> : vector<2048x256xf32>
      %dot_general3A_34 = tpu.matmul %get3A_29, %get3A_32, %dot_general3A_33 {dimension_numbers = #tpu.dot_dimension_numbers<[0], [0], [1], [1], [0, 1, 1, 1], [], []>, transpose_lhs_hint = false} : vector<16x2048xf32>, vector<16x256xf32>, vector<2048x256xf32> -> vector<2048x256xf32>
      %add3A_35 = arith.addf %add3A, %dot_general3A_34 : vector<2048x256xf32>
      %get3A_36 = arith.constant 0 : index
      %get3A_37 = arith.constant 0 : index
      %get3A_38 = vector.load %arg5[%get3A_36, %get3A_37] : memref<32x2048xf32, #tpu.memory_space<vmem>>, vector<32x2048xf32>
      %get3A_39 = arith.constant 64 : index
      %get3A_40 = arith.constant 0 : index
      %get3A_41 = vector.load %arg7[%get3A_39, %get3A_40] : memref<112x256xf32, #tpu.memory_space<vmem>>, vector<32x256xf32>
      %dot_general3A_42 = arith.constant dense<0.000000e+00> : vector<2048x256xf32>
      %dot_general3A_43 = tpu.matmul %get3A_38, %get3A_41, %dot_general3A_42 {dimension_numbers = #tpu.dot_dimension_numbers<[0], [0], [1], [1], [0, 1, 1, 1], [], []>, transpose_lhs_hint = false} : vector<32x2048xf32>, vector<32x256xf32>, vector<2048x256xf32> -> vector<2048x256xf32>
      %add3A_44 = arith.addf %add3A_35, %dot_general3A_43 : vector<2048x256xf32>
      %get3A_45 = arith.constant 0 : index
      %get3A_46 = arith.constant 0 : index
      %get3A_47 = vector.load %arg6[%get3A_45, %get3A_46] : memref<16x2048xf32, #tpu.memory_space<vmem>>, vector<16x2048xf32>
      %get3A_48 = arith.constant 96 : index
      %get3A_49 = arith.constant 0 : index
      %get3A_50 = vector.load %arg7[%get3A_48, %get3A_49] : memref<112x256xf32, #tpu.memory_space<vmem>>, vector<16x256xf32>
      %dot_general3A_51 = arith.constant dense<0.000000e+00> : vector<2048x256xf32>
      %dot_general3A_52 = tpu.matmul %get3A_47, %get3A_50, %dot_general3A_51 {dimension_numbers = #tpu.dot_dimension_numbers<[0], [0], [1], [1], [0, 1, 1, 1], [], []>, transpose_lhs_hint = false} : vector<16x2048xf32>, vector<16x256xf32>, vector<2048x256xf32> -> vector<2048x256xf32>
      %add3A_53 = arith.addf %add3A_44, %dot_general3A_52 : vector<2048x256xf32>
      %get3A_54 = arith.constant 0 : index
      %get3A_55 = arith.constant 0 : index
      %get3A_56 = vector.load %arg8[%get3A_54, %get3A_55] : memref<1x256xf32, #tpu.memory_space<vmem>>, vector<1x256xf32>
      %add3A_57 = vector.broadcast %get3A_56 : vector<1x256xf32> to vector<2048x256xf32>
      %add3A_58 = arith.addf %add3A_53, %add3A_57 : vector<2048x256xf32>
      %max3A = arith.constant 0.000000e+00 : f32
      %max3A_59 = vector.broadcast %max3A : f32 to vector<2048x256xf32>
      %max3A_60 = arith.maximumf %add3A_58, %max3A_59 : vector<2048x256xf32>
      %swap3A = arith.index_cast %mul3A_0 : i32 to index
      %swap3A_61 = arith.constant 0 : index
      %swap3A_62 = vector.load %arg18[%swap3A, %swap3A_61] : memref<16384x256xf32, #tpu.memory_space<vmem>>, vector<2048x256xf32>
      tpu.vector_store %arg18[%swap3A, %swap3A_61], %max3A_60 {strides = array<i32>} : memref<16384x256xf32, #tpu.memory_space<vmem>>, vector<2048x256xf32>,
      %reduce_sum3A = arith.constant dense<0.000000e+00> : vector<256xf32>
      %reduce_sum3A_63 = vector.multi_reduction <add>, %max3A_60, %reduce_sum3A [0] : vector<2048x256xf32> to vector<256xf32>
      %broadcast_in_dim3A = vector.shape_cast %reduce_sum3A_63 : vector<256xf32> to vector<1x256xf32>
      %mul3A_64 = arith.mulf %max3A_60, %max3A_60 : vector<2048x256xf32>
      %reduce_sum3A_65 = arith.constant dense<0.000000e+00> : vector<256xf32>
      %reduce_sum3A_66 = vector.multi_reduction <add>, %mul3A_64, %reduce_sum3A_65 [0] : vector<2048x256xf32> to vector<256xf32>
      %broadcast_in_dim3A_67 = vector.shape_cast %reduce_sum3A_66 : vector<256xf32> to vector<1x256xf32>
      %eq3A_68 = arith.constant 0 : i32
      %eq3A_69 = arith.cmpi eq, %arg1, %eq3A_68 : i32
      %convert_element_type3A_70 = arith.extui %eq3A_69 : i1 to i32
      %cond3A_71 = arith.constant 0 : i32
      %cond3A_72 = arith.cmpi ne, %convert_element_type3A_70, %cond3A_71 : i32
      scf.if %cond3A_72 {
        %swap3A_77 = arith.constant 0 : index
        %swap3A_78 = arith.constant 0 : index
        %swap3A_79 = vector.load %arg20[%swap3A_77, %swap3A_78] : memref<1x256xf32, #tpu.memory_space<vmem>>, vector<1x256xf32>
        tpu.vector_store %arg20[%swap3A_77, %swap3A_78], %broadcast_in_dim3A {strides = array<i32>} : memref<1x256xf32, #tpu.memory_space<vmem>>, vector<1x256xf32>,
        %swap3A_80 = arith.constant 0 : index
        %swap3A_81 = arith.constant 0 : index
        %swap3A_82 = vector.load %arg21[%swap3A_80, %swap3A_81] : memref<1x256xf32, #tpu.memory_space<vmem>>, vector<1x256xf32>
        tpu.vector_store %arg21[%swap3A_80, %swap3A_81], %broadcast_in_dim3A_67 {strides = array<i32>} : memref<1x256xf32, #tpu.memory_space<vmem>>, vector<1x256xf32>,
      } else {
      }
      %ne3A = arith.constant 0 : i32
      %ne3A_73 = arith.cmpi ne, %arg1, %ne3A : i32
      %convert_element_type3A_74 = arith.extui %ne3A_73 : i1 to i32
      %cond3A_75 = arith.constant 0 : i32
      %cond3A_76 = arith.cmpi ne, %convert_element_type3A_74, %cond3A_75 : i32
      scf.if %cond3A_76 {
        %get3A_77 = arith.constant 0 : index
        %get3A_78 = arith.constant 0 : index
        %get3A_79 = vector.load %arg20[%get3A_77, %get3A_78] : memref<1x256xf32, #tpu.memory_space<vmem>>, vector<1x256xf32>
        %add3A_80 = arith.addf %get3A_79, %broadcast_in_dim3A : vector<1x256xf32>
        %swap3A_81 = arith.constant 0 : index
        %swap3A_82 = arith.constant 0 : index
        %swap3A_83 = vector.load %arg20[%swap3A_81, %swap3A_82] : memref<1x256xf32, #tpu.memory_space<vmem>>, vector<1x256xf32>
        tpu.vector_store %arg20[%swap3A_81, %swap3A_82], %add3A_80 {strides = array<i32>} : memref<1x256xf32, #tpu.memory_space<vmem>>, vector<1x256xf32>,
        %get3A_84 = arith.constant 0 : index
        %get3A_85 = arith.constant 0 : index
        %get3A_86 = vector.load %arg21[%get3A_84, %get3A_85] : memref<1x256xf32, #tpu.memory_space<vmem>>, vector<1x256xf32>
        %add3A_87 = arith.addf %get3A_86, %broadcast_in_dim3A_67 : vector<1x256xf32>
        %swap3A_88 = arith.constant 0 : index
        %swap3A_89 = arith.constant 0 : index
        %swap3A_90 = vector.load %arg21[%swap3A_88, %swap3A_89] : memref<1x256xf32, #tpu.memory_space<vmem>>, vector<1x256xf32>
        tpu.vector_store %arg21[%swap3A_88, %swap3A_89], %add3A_87 {strides = array<i32>} : memref<1x256xf32, #tpu.memory_space<vmem>>, vector<1x256xf32>,
      } else {
      }
    } else {
    }
    %eq3A_3 = arith.constant 1 : i32
    %eq3A_4 = arith.cmpi eq, %arg0, %eq3A_3 : i32
    %convert_element_type3A_5 = arith.extui %eq3A_4 : i1 to i32
    %cond3A_6 = arith.constant 0 : i32
    %cond3A_7 = arith.cmpi ne, %convert_element_type3A_5, %cond3A_6 : i32
    scf.if %cond3A_7 {
      %get3A = arith.constant 0 : index
      %get3A_13 = arith.constant 0 : index
      %get3A_14 = vector.load %arg20[%get3A, %get3A_13] : memref<1x256xf32, #tpu.memory_space<vmem>>, vector<1x256xf32>
      %mul3A_15 = arith.constant 6.10351563E-5 : f32
      %mul3A_16 = vector.broadcast %mul3A_15 : f32 to vector<1x256xf32>
      %mul3A_17 = arith.mulf %get3A_14, %mul3A_16 : vector<1x256xf32>
      %get3A_18 = arith.constant 0 : index
      %get3A_19 = arith.constant 0 : index
      %get3A_20 = vector.load %arg21[%get3A_18, %get3A_19] : memref<1x256xf32, #tpu.memory_space<vmem>>, vector<1x256xf32>
      %mul3A_21 = arith.constant 6.10351563E-5 : f32
      %mul3A_22 = vector.broadcast %mul3A_21 : f32 to vector<1x256xf32>
      %mul3A_23 = arith.mulf %get3A_20, %mul3A_22 : vector<1x256xf32>
      %mul3A_24 = arith.mulf %mul3A_17, %mul3A_17 : vector<1x256xf32>
      %sub3A = arith.subf %mul3A_23, %mul3A_24 : vector<1x256xf32>
      %max3A = arith.constant 0.000000e+00 : f32
      %max3A_25 = vector.broadcast %max3A : f32 to vector<1x256xf32>
      %max3A_26 = arith.maximumf %sub3A, %max3A_25 : vector<1x256xf32>
      %add3A = arith.constant 9.99999974E-6 : f32
      %add3A_27 = vector.broadcast %add3A : f32 to vector<1x256xf32>
      %add3A_28 = arith.addf %max3A_26, %add3A_27 : vector<1x256xf32>
      %rsqrt3A = math.rsqrt %add3A_28 : vector<1x256xf32>
      %get3A_29 = arith.constant 0 : index
      %get3A_30 = arith.constant 0 : index
      %get3A_31 = vector.load %arg9[%get3A_29, %get3A_30] : memref<1x256xf32, #tpu.memory_space<vmem>>, vector<1x256xf32>
      %mul3A_32 = arith.mulf %rsqrt3A, %get3A_31 : vector<1x256xf32>
      %get3A_33 = arith.constant 0 : index
      %get3A_34 = arith.constant 0 : index
      %get3A_35 = vector.load %arg10[%get3A_33, %get3A_34] : memref<1x256xf32, #tpu.memory_space<vmem>>, vector<1x256xf32>
      %mul3A_36 = arith.mulf %mul3A_17, %mul3A_32 : vector<1x256xf32>
      %sub3A_37 = arith.subf %get3A_35, %mul3A_36 : vector<1x256xf32>
      %get3A_38 = arith.index_cast %mul3A_0 : i32 to index
      %get3A_39 = arith.constant 0 : index
      %get3A_40 = vector.load %arg18[%get3A_38, %get3A_39] : memref<16384x256xf32, #tpu.memory_space<vmem>>, vector<2048x256xf32>
      %mul3A_41 = vector.broadcast %mul3A_32 : vector<1x256xf32> to vector<2048x256xf32>
      %mul3A_42 = arith.mulf %get3A_40, %mul3A_41 : vector<2048x256xf32>
      %add3A_43 = vector.broadcast %sub3A_37 : vector<1x256xf32> to vector<2048x256xf32>
      %add3A_44 = arith.addf %mul3A_42, %add3A_43 : vector<2048x256xf32>
      %get3A_45 = arith.constant 0 : index
      %get3A_46 = arith.constant 0 : index
      %get3A_47 = vector.load %arg11[%get3A_45, %get3A_46] : memref<256x128xf32, #tpu.memory_space<vmem>>, vector<256x128xf32>
      %dot_general3A = arith.constant dense<0.000000e+00> : vector<2048x128xf32>
      %dot_general3A_48 = tpu.matmul %add3A_44, %get3A_47, %dot_general3A {dimension_numbers = #tpu.dot_dimension_numbers<[1], [0], [0], [1], [0, 0, 1, 1], [], []>, transpose_lhs_hint = false} : vector<2048x256xf32>, vector<256x128xf32>, vector<2048x128xf32> -> vector<2048x128xf32>
      %get3A_49 = arith.constant 0 : index
      %get3A_50 = arith.constant 0 : index
      %get3A_51 = vector.load %arg12[%get3A_49, %get3A_50] : memref<1x128xf32, #tpu.memory_space<vmem>>, vector<1x128xf32>
      %add3A_52 = vector.broadcast %get3A_51 : vector<1x128xf32> to vector<2048x128xf32>
      %add3A_53 = arith.addf %dot_general3A_48, %add3A_52 : vector<2048x128xf32>
      %max3A_54 = arith.constant 0.000000e+00 : f32
      %max3A_55 = vector.broadcast %max3A_54 : f32 to vector<2048x128xf32>
      %max3A_56 = arith.maximumf %add3A_53, %max3A_55 : vector<2048x128xf32>
      %swap3A = arith.index_cast %mul3A_0 : i32 to index
      %swap3A_57 = arith.constant 0 : index
      %swap3A_58 = vector.load %arg19[%swap3A, %swap3A_57] : memref<16384x128xf32, #tpu.memory_space<vmem>>, vector<2048x128xf32>
      tpu.vector_store %arg19[%swap3A, %swap3A_57], %max3A_56 {strides = array<i32>} : memref<16384x128xf32, #tpu.memory_space<vmem>>, vector<2048x128xf32>,
      %reduce_sum3A = arith.constant dense<0.000000e+00> : vector<128xf32>
      %reduce_sum3A_59 = vector.multi_reduction <add>, %max3A_56, %reduce_sum3A [0] : vector<2048x128xf32> to vector<128xf32>
      %broadcast_in_dim3A = vector.shape_cast %reduce_sum3A_59 : vector<128xf32> to vector<1x128xf32>
      %mul3A_60 = arith.mulf %max3A_56, %max3A_56 : vector<2048x128xf32>
      %reduce_sum3A_61 = arith.constant dense<0.000000e+00> : vector<128xf32>
      %reduce_sum3A_62 = vector.multi_reduction <add>, %mul3A_60, %reduce_sum3A_61 [0] : vector<2048x128xf32> to vector<128xf32>
      %broadcast_in_dim3A_63 = vector.shape_cast %reduce_sum3A_62 : vector<128xf32> to vector<1x128xf32>
      %eq3A_64 = arith.constant 0 : i32
      %eq3A_65 = arith.cmpi eq, %arg1, %eq3A_64 : i32
      %convert_element_type3A_66 = arith.extui %eq3A_65 : i1 to i32
      %cond3A_67 = arith.constant 0 : i32
      %cond3A_68 = arith.cmpi ne, %convert_element_type3A_66, %cond3A_67 : i32
      scf.if %cond3A_68 {
        %swap3A_73 = arith.constant 0 : index
        %swap3A_74 = arith.constant 0 : index
        %swap3A_75 = vector.load %arg22[%swap3A_73, %swap3A_74] : memref<1x128xf32, #tpu.memory_space<vmem>>, vector<1x128xf32>
        tpu.vector_store %arg22[%swap3A_73, %swap3A_74], %broadcast_in_dim3A {strides = array<i32>} : memref<1x128xf32, #tpu.memory_space<vmem>>, vector<1x128xf32>,
        %swap3A_76 = arith.constant 0 : index
        %swap3A_77 = arith.constant 0 : index
        %swap3A_78 = vector.load %arg23[%swap3A_76, %swap3A_77] : memref<1x128xf32, #tpu.memory_space<vmem>>, vector<1x128xf32>
        tpu.vector_store %arg23[%swap3A_76, %swap3A_77], %broadcast_in_dim3A_63 {strides = array<i32>} : memref<1x128xf32, #tpu.memory_space<vmem>>, vector<1x128xf32>,
      } else {
      }
      %ne3A = arith.constant 0 : i32
      %ne3A_69 = arith.cmpi ne, %arg1, %ne3A : i32
      %convert_element_type3A_70 = arith.extui %ne3A_69 : i1 to i32
      %cond3A_71 = arith.constant 0 : i32
      %cond3A_72 = arith.cmpi ne, %convert_element_type3A_70, %cond3A_71 : i32
      scf.if %cond3A_72 {
        %get3A_73 = arith.constant 0 : index
        %get3A_74 = arith.constant 0 : index
        %get3A_75 = vector.load %arg22[%get3A_73, %get3A_74] : memref<1x128xf32, #tpu.memory_space<vmem>>, vector<1x128xf32>
        %add3A_76 = arith.addf %get3A_75, %broadcast_in_dim3A : vector<1x128xf32>
        %swap3A_77 = arith.constant 0 : index
        %swap3A_78 = arith.constant 0 : index
        %swap3A_79 = vector.load %arg22[%swap3A_77, %swap3A_78] : memref<1x128xf32, #tpu.memory_space<vmem>>, vector<1x128xf32>
        tpu.vector_store %arg22[%swap3A_77, %swap3A_78], %add3A_76 {strides = array<i32>} : memref<1x128xf32, #tpu.memory_space<vmem>>, vector<1x128xf32>,
        %get3A_80 = arith.constant 0 : index
        %get3A_81 = arith.constant 0 : index
        %get3A_82 = vector.load %arg23[%get3A_80, %get3A_81] : memref<1x128xf32, #tpu.memory_space<vmem>>, vector<1x128xf32>
        %add3A_83 = arith.addf %get3A_82, %broadcast_in_dim3A_63 : vector<1x128xf32>
        %swap3A_84 = arith.constant 0 : index
        %swap3A_85 = arith.constant 0 : index
        %swap3A_86 = vector.load %arg23[%swap3A_84, %swap3A_85] : memref<1x128xf32, #tpu.memory_space<vmem>>, vector<1x128xf32>
        tpu.vector_store %arg23[%swap3A_84, %swap3A_85], %add3A_83 {strides = array<i32>} : memref<1x128xf32, #tpu.memory_space<vmem>>, vector<1x128xf32>,
      } else {
      }
    } else {
    }
    %eq3A_8 = arith.constant 2 : i32
    %eq3A_9 = arith.cmpi eq, %arg0, %eq3A_8 : i32
    %convert_element_type3A_10 = arith.extui %eq3A_9 : i1 to i32
    %cond3A_11 = arith.constant 0 : i32
    %cond3A_12 = arith.cmpi ne, %convert_element_type3A_10, %cond3A_11 : i32
    scf.if %cond3A_12 {
      %get3A = arith.constant 0 : index
      %get3A_13 = arith.constant 0 : index
      %get3A_14 = vector.load %arg22[%get3A, %get3A_13] : memref<1x128xf32, #tpu.memory_space<vmem>>, vector<1x128xf32>
      %mul3A_15 = arith.constant 6.10351563E-5 : f32
      %mul3A_16 = vector.broadcast %mul3A_15 : f32 to vector<1x128xf32>
      %mul3A_17 = arith.mulf %get3A_14, %mul3A_16 : vector<1x128xf32>
      %get3A_18 = arith.constant 0 : index
      %get3A_19 = arith.constant 0 : index
      %get3A_20 = vector.load %arg23[%get3A_18, %get3A_19] : memref<1x128xf32, #tpu.memory_space<vmem>>, vector<1x128xf32>
      %mul3A_21 = arith.constant 6.10351563E-5 : f32
      %mul3A_22 = vector.broadcast %mul3A_21 : f32 to vector<1x128xf32>
      %mul3A_23 = arith.mulf %get3A_20, %mul3A_22 : vector<1x128xf32>
      %mul3A_24 = arith.mulf %mul3A_17, %mul3A_17 : vector<1x128xf32>
      %sub3A = arith.subf %mul3A_23, %mul3A_24 : vector<1x128xf32>
      %max3A = arith.constant 0.000000e+00 : f32
      %max3A_25 = vector.broadcast %max3A : f32 to vector<1x128xf32>
      %max3A_26 = arith.maximumf %sub3A, %max3A_25 : vector<1x128xf32>
      %add3A = arith.constant 9.99999974E-6 : f32
      %add3A_27 = vector.broadcast %add3A : f32 to vector<1x128xf32>
      %add3A_28 = arith.addf %max3A_26, %add3A_27 : vector<1x128xf32>
      %rsqrt3A = math.rsqrt %add3A_28 : vector<1x128xf32>
      %get3A_29 = arith.constant 0 : index
      %get3A_30 = arith.constant 0 : index
      %get3A_31 = vector.load %arg13[%get3A_29, %get3A_30] : memref<1x128xf32, #tpu.memory_space<vmem>>, vector<1x128xf32>
      %mul3A_32 = arith.mulf %rsqrt3A, %get3A_31 : vector<1x128xf32>
      %get3A_33 = arith.constant 0 : index
      %get3A_34 = arith.constant 0 : index
      %get3A_35 = vector.load %arg14[%get3A_33, %get3A_34] : memref<1x128xf32, #tpu.memory_space<vmem>>, vector<1x128xf32>
      %mul3A_36 = arith.mulf %mul3A_17, %mul3A_32 : vector<1x128xf32>
      %sub3A_37 = arith.subf %get3A_35, %mul3A_36 : vector<1x128xf32>
      %get3A_38 = arith.index_cast %mul3A_0 : i32 to index
      %get3A_39 = arith.constant 0 : index
      %get3A_40 = vector.load %arg19[%get3A_38, %get3A_39] : memref<16384x128xf32, #tpu.memory_space<vmem>>, vector<2048x128xf32>
      %mul3A_41 = vector.broadcast %mul3A_32 : vector<1x128xf32> to vector<2048x128xf32>
      %mul3A_42 = arith.mulf %get3A_40, %mul3A_41 : vector<2048x128xf32>
      %add3A_43 = vector.broadcast %sub3A_37 : vector<1x128xf32> to vector<2048x128xf32>
      %add3A_44 = arith.addf %mul3A_42, %add3A_43 : vector<2048x128xf32>
      %get3A_45 = arith.constant 0 : index
      %get3A_46 = arith.constant 0 : index
      %get3A_47 = vector.load %arg15[%get3A_45, %get3A_46] : memref<128x64xf32, #tpu.memory_space<vmem>>, vector<128x64xf32>
      %dot_general3A = arith.constant dense<0.000000e+00> : vector<64x2048xf32>
      %dot_general3A_48 = tpu.matmul %get3A_47, %add3A_44, %dot_general3A {dimension_numbers = #tpu.dot_dimension_numbers<[0], [1], [1], [0], [0, 1, 1, 0], [], []>, transpose_lhs_hint = false} : vector<128x64xf32>, vector<2048x128xf32>, vector<64x2048xf32> -> vector<64x2048xf32>
      %get3A_49 = arith.constant 0 : index
      %get3A_50 = arith.constant 0 : index
      %get3A_51 = vector.load %arg16[%get3A_49, %get3A_50] : memref<64x1xf32, #tpu.memory_space<vmem>>, vector<64x1xf32>
      %add3A_52 = vector.broadcast %get3A_51 : vector<64x1xf32> to vector<64x2048xf32>
      %add3A_53 = arith.addf %dot_general3A_48, %add3A_52 : vector<64x2048xf32>
      %swap3A = arith.constant 0 : index
      %swap3A_54 = arith.constant 0 : index
      %swap3A_55 = vector.load %arg17[%swap3A, %swap3A_54] : memref<64x2048xf32, #tpu.memory_space<vmem>>, vector<64x2048xf32>
      tpu.vector_store %arg17[%swap3A, %swap3A_54], %add3A_53 {strides = array<i32>} : memref<64x2048xf32, #tpu.memory_space<vmem>>, vector<64x2048xf32>,
    } else {
    }
    return
  }
  func.func @transform_0(%arg0: i32, %arg1: i32) -> (i32, i32) {
    %eq3A = arith.constant 0 : i32
    %eq3A_0 = arith.cmpi eq, %arg0, %eq3A : i32
    %jit3A = arith.constant 0 : i32
    %select_n3A = arith.select %eq3A_0, %arg1, %jit3A : i32
    %c0_i32 = arith.constant 0 : i32
    %c0_i32_1 = arith.constant 0 : i32
    return %c0_i32, %select_n3A : i32, i32
  }
  func.func @transform_1(%arg0: i32, %arg1: i32) -> (i32, i32) {
    %eq3A = arith.constant 0 : i32
    %eq3A_0 = arith.cmpi eq, %arg0, %eq3A : i32
    %jit3A = arith.constant 0 : i32
    %select_n3A = arith.select %eq3A_0, %arg1, %jit3A : i32
    %c0_i32 = arith.constant 0 : i32
    %c0_i32_1 = arith.constant 0 : i32
    return %c0_i32, %select_n3A : i32, i32
  }
  func.func @transform_2(%arg0: i32, %arg1: i32) -> (i32, i32) {
    %eq3A = arith.constant 0 : i32
    %eq3A_0 = arith.cmpi eq, %arg0, %eq3A : i32
    %jit3A = arith.constant 0 : i32
    %select_n3A = arith.select %eq3A_0, %arg1, %jit3A : i32
    %c0_i32 = arith.constant 0 : i32
    %c0_i32_1 = arith.constant 0 : i32
    return %c0_i32, %select_n3A : i32, i32
  }
  func.func @transform_3(%arg0: i32, %arg1: i32) -> (i32, i32) {
    %eq3A = arith.constant 0 : i32
    %eq3A_0 = arith.cmpi eq, %arg0, %eq3A : i32
    %jit3A = arith.constant 0 : i32
    %select_n3A = arith.select %eq3A_0, %arg1, %jit3A : i32
    %c0_i32 = arith.constant 0 : i32
    %c0_i32_1 = arith.constant 0 : i32
    return %c0_i32, %select_n3A : i32, i32
  }
  func.func @transform_4(%arg0: i32, %arg1: i32) -> (i32, i32) {
    %eq3A = arith.constant 0 : i32
    %eq3A_0 = arith.cmpi eq, %arg0, %eq3A : i32
    %jit3A = arith.constant 0 : i32
    %select_n3A = arith.select %eq3A_0, %arg1, %jit3A : i32
    %c0_i32 = arith.constant 0 : i32
    %c0_i32_1 = arith.constant 0 : i32
    return %c0_i32, %select_n3A : i32, i32
  }
  func.func @transform_5(%arg0: i32, %arg1: i32) -> (i32, i32) {
    %c0_i32 = arith.constant 0 : i32
    %c0_i32_0 = arith.constant 0 : i32
    %c0_i32_1 = arith.constant 0 : i32
    return %c0_i32, %c0_i32_0 : i32, i32
  }
  func.func @transform_6(%arg0: i32, %arg1: i32) -> (i32, i32) {
    %c0_i32 = arith.constant 0 : i32
    %c0_i32_0 = arith.constant 0 : i32
    %c0_i32_1 = arith.constant 0 : i32
    return %c0_i32, %c0_i32_0 : i32, i32
  }
  func.func @transform_7(%arg0: i32, %arg1: i32) -> (i32, i32) {
    %c0_i32 = arith.constant 0 : i32
    %c0_i32_0 = arith.constant 0 : i32
    %c0_i32_1 = arith.constant 0 : i32
    return %c0_i32, %c0_i32_0 : i32, i32
  }
  func.func @transform_8(%arg0: i32, %arg1: i32) -> (i32, i32) {
    %c0_i32 = arith.constant 0 : i32
    %c0_i32_0 = arith.constant 0 : i32
    %c0_i32_1 = arith.constant 0 : i32
    return %c0_i32, %c0_i32_0 : i32, i32
  }
  func.func @transform_9(%arg0: i32, %arg1: i32) -> (i32, i32) {
    %c0_i32 = arith.constant 0 : i32
    %c0_i32_0 = arith.constant 0 : i32
    %c0_i32_1 = arith.constant 0 : i32
    return %c0_i32, %c0_i32_0 : i32, i32
  }
  func.func @transform_10(%arg0: i32, %arg1: i32) -> (i32, i32) {
    %c0_i32 = arith.constant 0 : i32
    %c0_i32_0 = arith.constant 0 : i32
    %c0_i32_1 = arith.constant 0 : i32
    return %c0_i32, %c0_i32_0 : i32, i32
  }
  func.func @transform_11(%arg0: i32, %arg1: i32) -> (i32, i32) {
    %c0_i32 = arith.constant 0 : i32
    %c0_i32_0 = arith.constant 0 : i32
    %c0_i32_1 = arith.constant 0 : i32
    return %c0_i32, %c0_i32_0 : i32, i32
  }
  func.func @transform_12(%arg0: i32, %arg1: i32) -> (i32, i32) {
    %c0_i32 = arith.constant 0 : i32
    %c0_i32_0 = arith.constant 0 : i32
    %c0_i32_1 = arith.constant 0 : i32
    return %c0_i32, %c0_i32_0 : i32, i32
  }
  func.func @transform_13(%arg0: i32, %arg1: i32) -> (i32, i32) {
    %c0_i32 = arith.constant 0 : i32
    %c0_i32_0 = arith.constant 0 : i32
    %c0_i32_1 = arith.constant 0 : i32
    return %c0_i32, %c0_i32_0 : i32, i32
  }
  func.func @transform_14(%arg0: i32, %arg1: i32) -> (i32, i32) {
    %c0_i32 = arith.constant 0 : i32
    %c0_i32_0 = arith.constant 0 : i32
    %c0_i32_1 = arith.constant 0 : i32
    return %c0_i32, %c0_i32_0 : i32, i32
  }
  func.func @transform_15(%arg0: i32, %arg1: i32) -> (i32, i32) {
    %eq3A = arith.constant 2 : i32
    %eq3A_0 = arith.cmpi eq, %arg0, %eq3A : i32
    %jit3A = arith.constant 0 : i32
    %select_n3A = arith.select %eq3A_0, %arg1, %jit3A : i32
    %c0_i32 = arith.constant 0 : i32
    %c0_i32_1 = arith.constant 0 : i32
    return %c0_i32, %select_n3A : i32, i32
  }
}

</mosaic_0001>

<sc_bundles>
// kernel: kernel.5.cloned.1.call-start
scs
__scs_entry_jumppad:
0x0: {  	(pc) =	sbr.rel $0x88, $3  }
0x1: {  	(tag) =	ssettag $0x0;
	lr =	simm.s32 $0x1  }
0x2: {  	[smem:$0x3F8E] =	sst lr;
	_ =	strace $0xD0000000  }
0x3: {  	_ = 	snop  }
0x4: {  	_ = 	snop  }
0x5: {  	_ = 	snop  }
0x6: {  	_ = 	snop  }
0x7: {  	_ = 	snop  }
__scs_overlays_trampoline_lowered:
0x8: {  	[smem:$0x3F9D] =	sst s0  }
0x9: {  	[smem:$0x3F9E] =	sst s1  }
0xa: {  	[smem:$0x3F9F] =	sst s2  }
0xb: {  	[smem:$0x3FA0] =	sst s3  }
0xc: {  	[smem:$0x3FA1] =	sst s4  }
0xd: {  	[smem:$0x3FA2] =	sst s5  }
0xe: {  	[smem:$0x3FA3] =	sst s6  }
0xf: {  	[smem:$0x3FA4] =	sst s7  }
0x10: {  	[smem:$0x3FA5] =	sst s8  }
0x11: {  	[smem:$0x3FA6] =	sst s9;
	s0 =	simm.s32 @!p0 $0x0  }
0x12: {  	s1 =	sld [smem:$0x3F8C];
	s0 =	simm.s32 @p0 $0x1  }
0x13: {  	[smem:$0x3FA7] =	sst s0;
	s0 =	simm.s32 @!p1 $0x0  }
0x14: {  	s2 =	sld [smem:$0x3F8B];
	s0 =	simm.s32 @p1 $0x1  }
0x15: {  	[smem:$0x3FA8] =	sst s0;
	s0 =	simm.s32 @!p2 $0x0  }
0x16: {  	s3 =	sld [smem:$0x3FDB];
	s0 =	simm.s32 @p2 $0x1  }
0x17: {  	s4 =	simm.s32 $0x1BF5;
	[smem:$0x3FAA] =	sst s0  }
0x18: {  	s0 =	sld [smem:$0x3F8D];
	_ =	swait.ge [sflag:s4], $0x0  }
0x19: {  	s7 =	sld [smem:$0x3F8E]  }
0x1a: {  	s8 =	sadd.s32 $0xFFFFE003, lr  }
0x1b: {  	s9 =	sadd.s32 $0xFFFFFEF7, lr;
	s5 =	simm.s32 $0xFFFFFFFF;
	p2 =	slt.u32 s8, $0xFFFFF086  }
0x1c: {  	p1 =	slt.u32 s9, $0xF7A;
	s5 =	simm.s32 @!p2 $0x0  }
0x1d: {  	s5 =	simm.s32 @p1 $0x1;
	p0 =	seq.s32 s7, s2  }
0x1e: {  	s7 =	smul.u32 @!p0 $0xF7A, s2;
	p2 =	seq.s32 @!p0 s5, $0x0  }
0x1f: {  	s9 =	smul.u32 $0xF7A, s1;
	s8 =	simm.s32 @!p0 $0x1BF5;
	p2 =	por !p2, p0  }
0x20: {  	[sflag:s8] =	ssyncset.s32 @!p0 $0xFFFFF086;
	s6 =	sadd.s32 @!p0 s3, s7;
	s7 =	simm.s32 @!p0 $0x108  }
0x21: {  	s3 =	sadd.s32 s3, s9;
	s6 =	sadd.s32 @!p0 $0x88, s6;
	s7 =	simm.s32 @p2 $0x1082  }
0x22: {  	[simem:s7], [sflag:s8] =	dma.local @!p0 [hbm:s6], $0xF7A  }
0x23: {  	s9 =	sor.u32 $0xD0000000, s2;
	s6 =	simm.s32 $0x108;
	_ =	swait.ge @!p0 [sflag:s8], $0x0  }
0x24: {  	s3 =	sadd.s32 $0x88, s3;
	s6 =	simm.s32 @!p1 $0x1082;
	[sflag:s4] =	ssyncset.s32 $0xFFFFF086  }
0x25: {  	[simem:s6], [sflag:s4] =	dma.local [hbm:s3], $0xF7A  }
0x26: {  	[smem:$0x3F8E] =	sst s1;
	(tag) =	ssettag s2;
	_ =	strace s9  }
0x27: {  	s1 =	sld [smem:$0x3F9E]  }
0x28: {  	s2 =	sld [smem:$0x3F9F]  }
0x29: {  	s4 =	sld [smem:$0x3FA1]  }
0x2a: {  	p0 =	seq.s32 s5, $0x0;
	s5 =	sld [smem:$0x3FA2]  }
0x2b: {  	s6 =	sld [smem:$0x3FA3]  }
0x2c: {  	s7 =	sld [smem:$0x3FA4]  }
0x2d: {  	s3 =	simm.s32 $0x108;
	s8 =	sld [smem:$0x3FA5]  }
0x2e: {  	s3 =	simm.s32 @!p0 $0x1082;
	s9 =	sld [smem:$0x3FA6]  }
0x2f: {  	lr =	sadd.s32 s0, s3;
	s0 =	sld [smem:$0x3F9D]  }
0x30: {  	s3 =	sld [smem:$0x3FA0]  }
0x31: {  	[smem:$0x3FA9] =	sst s10  }
0x32: {  	s10 =	sld [smem:$0x3FA7];
	_ =	sdelay $0x3  }
0x33: {  	p0 =	seq.s32 s10, $0x1;
	s10 =	sld [smem:$0x3FA9];
	_ =	sdelay $0x3  }
0x34: {  	[smem:$0x3FA9] =	sst s10  }
0x35: {  	s10 =	sld [smem:$0x3FA8];
	_ =	sdelay $0x3  }
0x36: {  	p1 =	seq.s32 s10, $0x1;
	s10 =	sld [smem:$0x3FA9];
	_ =	sdelay $0x3  }
0x37: {  	[smem:$0x3FA9] =	sst s10  }
0x38: {  	s10 =	sld [smem:$0x3FAA]  }
0x39: {  	_ = 	snop;
	(pc) =	sbr.ind lr, $3  }
0x3a: {  	_ = 	snop  }
0x3b: {  	_ = 	snop  }
0x3c: {  	p2 =	seq.s32 s10, $0x1;
	s10 =	sld [smem:$0x3FA9]  }
0x3d: {  	_ =	shalt  }
0x3e: {  	_ =	shalt  }
0x3f: {  	_ =	shalt  }
0x40: {  	_ =	shalt  }
0x41: {  	_ =	shalt  }
0x42: {  	_ =	shalt  }
0x43: {  	_ =	shalt  }
0x44: {  	_ =	shalt  }
0x45: {  	_ =	shalt  }
0x46: {  	_ =	shalt  }
0x47: {  	_ =	shalt  }
0x48: {  	_ =	shalt  }
0x49: {  	_ =	shalt  }
0x4a: {  	_ =	shalt  }
0x4b: {  	_ =	shalt  }
0x4c: {  	_ =	shalt  }
0x4d: {  	_ =	shalt  }
0x4e: {  	_ =	shalt  }
0x4f: {  	_ =	shalt  }
0x50: {  	_ =	shalt  }
0x51: {  	_ =	shalt  }
0x52: {  	_ =	shalt  }
0x53: {  	_ =	shalt  }
0x54: {  	_ =	shalt  }
0x55: {  	_ =	shalt  }
0x56: {  	_ =	shalt  }
0x57: {  	_ =	shalt  }
0x58: {  	_ =	shalt  }
0x59: {  	_ =	shalt  }
0x5a: {  	_ =	shalt  }
0x5b: {  	_ =	shalt  }
0x5c: {  	_ =	shalt  }
0x5d: {  	_ =	shalt  }
0x5e: {  	_ =	shalt  }
0x5f: {  	_ =	shalt  }
0x60: {  	_ =	shalt  }
0x61: {  	_ =	shalt  }
0x62: {  	_ =	shalt  }
0x63: {  	_ =	shalt  }
0x64: {  	_ =	shalt  }
0x65: {  	_ =	shalt  }
0x66: {  	_ =	shalt  }
0x67: {  	_ =	shalt  }
0x68: {  	_ =	shalt  }
0x69: {  	_ =	shalt  }
0x6a: {  	_ =	shalt  }
0x6b: {  	_ =	shalt  }
0x6c: {  	_ =	shalt  }
0x6d: {  	_ =	shalt  }
0x6e: {  	_ =	shalt  }
0x6f: {  	_ =	shalt  }
0x70: {  	_ =	shalt  }
0x71: {  	_ =	shalt  }
0x72: {  	_ =	shalt  }
0x73: {  	_ =	shalt  }
0x74: {  	_ =	shalt  }
0x75: {  	_ =	shalt  }
0x76: {  	_ =	shalt  }
0x77: {  	_ =	shalt  }
0x78: {  	_ =	shalt  }
0x79: {  	_ =	shalt  }
0x7a: {  	_ =	shalt  }
0x7b: {  	_ =	shalt  }
0x7c: {  	_ =	shalt  }
0x7d: {  	_ =	shalt  }
0x7e: {  	_ =	shalt  }
0x7f: {  	_ =	shalt  }
0x80: {  	_ =	shalt  }
0x81: {  	_ =	shalt  }
0x82: {  	_ =	shalt  }
0x83: {  	_ =	shalt  }
0x84: {  	_ =	shalt  }
0x85: {  	_ =	shalt  }
0x86: {  	_ =	shalt  }
0x87: {  	_ =	shalt  }
.Lfunc_end0:
.L_simem_size_0:
called_computation_lowered:
.L_overlay_start_0:
0x88: {  	s2 =	sld [smem:$0x3FD9]  }
0x89: {  	s3 =	sld [smem:$0x3FFE];
	_ =	sdelay $0x1  }
0x8a: {  	s1 =	srdreg.scid  }
0x8b: {  	s0 =	sand.u32 $0x1, s1  }
0x8c: {  	s18 =	sshll.u32 s0, $0xA;
	s2 =	sadd.s32 s3, s2  }
0x8d: {  	s2 =	sadd.s32 s2, s18  }
0x8e: {  	[smem:$0x3FB5] =	sst s2  }
0x8f: {  	_ = 	snop  }
0x90: {  	s19 =	sld [smem:$0x3FC9]  }
0x91: {  	s5 =	sld [smem:$0x3FC4]  }
0x92: {  	s4 =	sld [smem:$0x3FD0];
	(tm) =	ssettm $0x1  }
0x93: {  	s20 =	sld [smem:$0x3FFB];
	_ =	sdelay $0x3  }
0x94: {  	_ =	strace s20  }
0x95: {  	s2 =	sld [smem:$0x3FFC];
	_ =	sdelay $0x3  }
0x96: {  	_ =	strace s2  }
0x97: {  	s2 =	sld [smem:$0x3FFD];
	_ =	sdelay $0x3  }
0x98: {  	_ =	strace s2  }
0x99: {  	_ =	strace $0x8FFFFFFF  }
0x9a: {  	s21 =	sld [smem:$0x3FDB];
	_ =	sdelay $0x1  }
0x9b: {  	s6 =	simm.s32 $_scs_section_size  }
0x9c: {  	s7 =	simm.s32 $_size__tile_overlayer_lowered;
	s8 =	simm.s32 $_tile_overlayer_lowered  }
0x9d: {  	s9 =	simm.s32 $0x1BFF;
	s22 =	sshll.u32 s8, $0x1;
	s6 =	sadd.s32 s6, s21  }
0x9e: {  	s23 =	simm.s32 $0x0;
	s7 =	sshll.u32 s7, $0x1;
	s8 =	sadd.s32 s22, s6  }
0x9f: {  	[timem:s23], [sflag:s9] =	dma.local [hbm:s8], s7  }
0xa0: {  	_ =	swait.ge [sflag:s9], s7  }
0xa1: {  	s7 =	ssub.s32 $0x0, s7;
	[sflag:s9] =	ssyncset.done $0x0  }
0xa2: {  	[sflag:s9] =	ssyncadd.s32 s7;
	_ =	sdelay $0x1  }
0xa3: {  	s24 =	simm.s32 $0x1B8B  }
0xa4: {  	_ =	swait.ge [sflag:s24], $0x1  }
0xa5: {  	[sflag:s24] =	ssyncset.done $0x0  }
0xa6: {  	[sflag:s24] =	ssyncadd.s32 $0xFFFFFFFF  }
0xa7: {  	s7 =	sld [smem:$0x0]  }
0xa8: {  	s8 =	sand.u32 $0xFFFFFFFE, s1  }
0xa9: {  	p0 =	sne.s32 s1, s8  }
0xaa: {  	s8 =	sshll.u32 @p0 s8, $0xE  }
0xab: {  	s8 =	sadd.s32 @p0 $0x11B8D, s8;
	s9 =	sshll.u32 @p0 s7, $0x11  }
0xac: {  	s8 =	sor.u32 @p0 s9, s8  }
0xad: {  	[sflag:s8] =	ssyncadd.remote.s32 @p0 $0x1;
	_ =	sdelay $0x1  }
0xae: {  	s8 =	simm.s32 @p0 $0x1B8D  }
0xaf: {  	_ =	swait.eq @p0 [sflag:s8], $0x1  }
0xb0: {  	[sflag:s8] =	ssyncadd.s32 @p0 $0xFFFFFFFF  }
0xb1: {  	s9 =	sshll.u32 @!p0 s1, $0xE  }
0xb2: {  	s9 =	sor.u32 @!p0 $0x4000, s9;
	s8 =	simm.s32 @!p0 $0x1B8D  }
0xb3: {  	s7 =	sshll.u32 @!p0 s7, $0x11;
	s9 =	sadd.s32 @!p0 $0x11B8D, s9;
	_ =	swait.eq @!p0 [sflag:s8], $0x1  }
0xb4: {  	s7 =	sor.u32 @!p0 s7, s9;
	[sflag:s8] =	ssyncadd.s32 @!p0 $0xFFFFFFFF  }
0xb5: {  	s25 =	simm.s32 $0x1B8E;
	[sflag:s7] =	ssyncadd.remote.s32 @!p0 $0x1  }
0xb6: {  	s26 =	simm.s32 $execute0_lowered;
	[smem:$0x3FD2] =	sst s25  }
0xb7: {  	s7 =	sshll.u32 s26, $0x1;
	_ =	strace $0x80000049;
	[dreg:$0x1] =	wrdreg $0xFFFFFFFF  }
0xb8: {  	s28 =	simm.s32 $_size_execute0_lowered;
	s6 =	sadd.s32 s6, s7;
	[dreg:$0x0] =	wrdreg $0x0  }
0xb9: {  	s7 =	sshll.u32 s28, $0x1;
	[dreg:$0x2] =	wrdreg s6  }
0xba: {  	[dreg:$0x3] =	wrdreg s7  }
0xbb: {  	[dreg:$0x4] =	wrdreg $0xC0  }
0xbc: {  	_ =	task [dreg:s23], $0x5FFFF  }
0xbd: {  	[dreg:$0x1] =	wrdreg $0xFFFFFFFF  }
0xbe: {  	[dreg:$0x0] =	wrdreg $0x60  }
0xbf: {  	[dreg:$0x2] =	wrdreg s5  }
0xc0: {  	[dreg:$0x3] =	wrdreg s19  }
0xc1: {  	[dreg:$0x4] =	wrdreg s4  }
0xc2: {  	[dreg:$0x5] =	wrdreg $0x9  }
0xc3: {  	_ =	task.clear_ibuf [dreg:s23], $0x6FFFF;
	_ =	strace $0x90000049  }
0xc4: {  	s29 =	simm.s32 $0x9;
	_ =	strace $0x8000004B  }
0xc5: {  	_ =	swait.ge [sflag:s29], $0x1  }
0xc6: {  	[sflag:s29] =	ssyncadd.s32 $0xFFFFFFFF  }
0xc7: {  	_ =	strace $0x9000004B  }
0xc8: {  	_ =	sfence  }
0xc9: {  	s30 =	sld [smem:$0x0];
	_ =	sdelay $0x2  }
0xca: {  	s31 =	sshll.u32 s1, $0xD;
	s1 =	sshrl.u32 s1, $0x2  }
0xcb: {  	s4 =	sand.u32 $0x4000, s31;
	s1 =	sadd.s32 s1, s30  }
0xcc: {  	s0 =	sor.u32 s4, s0;
	s1 =	sshll.u32 s1, $0x11  }
0xcd: {  	s0 =	sor.u32 s1, s0  }
0xce: {  	s0 =	sadd.s32 $0x8F2B, s0  }
0xcf: {  	[sflag:s0] =	ssyncadd.remote.s32 $0x1  }
0xd0: {  	_ =	sfence.sel $0xFFFF  }
0xd1: {  	[dreg:$0x0] =	wrdreg $0xFFFFFFFF;
	(pc) =	sbr.abs _section_cstart, $3  }
0xd2: {  	[dreg:$0x1] =	wrdreg $0xFFFFFFFF  }
0xd3: {  	_ =	task.clear_ibuf [dreg:s23], $0x2FFFF;
	_ =	strace $0x9FFFFFFF  }
0xd4: {  	(tm) =	ssettm $0x7FFFFFFF  }
0xd5: {  	_ =	shalt  }
tec
execute0_lowered:
.L_overlay_start_1:
0x0: {  	(tag) =	ssettag $0x1  }
0x1: {  	s0 =	rddreg [dreg:$0x0]  }
0x2: {  	s3 =	rddreg [dreg:$0x1]  }
0x3: {  	s4 =	rddreg [dreg:$0x2]  }
0x4: {  	[dreg:$0x4] =	wrdreg s0  }
0x5: {  	s1 =	simm.s32 $0x0;
	s0 =	rddreg [dreg:$0x3]  }
0x6: {  	s2 =	simm.s32 $0x4200;
	[smem:$0x7FF] =	sst s1  }
0x7: {  	s21 =	simm.s32 $0x8200;
	_ =	strace $0x8000004A;
	[dreg:$0x5] =	wrdreg s2  }
0x8: {  	s22 =	simm.s32 $0xC200;
	[dreg:$0x6] =	wrdreg s21  }
0x9: {  	s23 =	simm.s32 $0x600;
	[dreg:$0x7] =	wrdreg s22  }
0xa: {  	s24 =	simm.s32 $0x4600;
	[dreg:$0x8] =	wrdreg s23  }
0xb: {  	s25 =	simm.s32 $0x8600;
	[dreg:$0x9] =	wrdreg s24  }
0xc: {  	s26 =	simm.s32 $0xC600;
	[dreg:$0xa] =	wrdreg s25  }
0xd: {  	s28 =	simm.s32 $0xA00;
	[dreg:$0xb] =	wrdreg s26  }
0xe: {  	s29 =	simm.s32 $0x4A00;
	[dreg:$0xc] =	wrdreg s28  }
0xf: {  	s30 =	simm.s32 $0x8A00;
	[dreg:$0xd] =	wrdreg s29  }
0x10: {  	s31 =	simm.s32 $0xCA00;
	[dreg:$0xe] =	wrdreg s30  }
0x11: {  	s5 =	simm.s32 $0xE00;
	[dreg:$0xf] =	wrdreg s31  }
0x12: {  	s6 =	simm.s32 $0x4E00;
	[dreg:$0x10] =	wrdreg s5  }
0x13: {  	s7 =	simm.s32 $0x8E00;
	[dreg:$0x11] =	wrdreg s6  }
0x14: {  	s8 =	simm.s32 $0xCE00;
	[dreg:$0x12] =	wrdreg s7  }
0x15: {  	s9 =	simm.s32 $0x1200;
	[dreg:$0x13] =	wrdreg s8  }
0x16: {  	s10 =	simm.s32 $0x5200;
	[dreg:$0x14] =	wrdreg s9  }
0x17: {  	s11 =	simm.s32 $0x9200;
	[dreg:$0x15] =	wrdreg s10  }
0x18: {  	s12 =	simm.s32 $0xD200;
	[dreg:$0x16] =	wrdreg s11  }
0x19: {  	s13 =	simm.s32 $0x1600;
	[dreg:$0x17] =	wrdreg s12  }
0x1a: {  	s14 =	simm.s32 $0x5600;
	[dreg:$0x18] =	wrdreg s13  }
0x1b: {  	s15 =	simm.s32 $0x9600;
	[dreg:$0x19] =	wrdreg s14  }
0x1c: {  	s16 =	simm.s32 $0xD600;
	[dreg:$0x1a] =	wrdreg s15  }
0x1d: {  	s17 =	simm.s32 $0x1A00;
	[dreg:$0x1b] =	wrdreg s16  }
0x1e: {  	s18 =	simm.s32 $0x5A00;
	[dreg:$0x1c] =	wrdreg s17  }
0x1f: {  	s19 =	simm.s32 $0x9A00;
	[dreg:$0x1d] =	wrdreg s18  }
0x20: {  	s20 =	simm.s32 $0xDA00;
	[dreg:$0x1e] =	wrdreg s19  }
0x21: {  	[dreg:$0x1f] =	wrdreg s20;
	s21 =	simm.s32 $0x1E00  }
0x22: {  	s22 =	simm.s32 $0x5E00;
	[smem:$0x7DA] =	sst s21  }
0x23: {  	s23 =	simm.s32 $0x9E00;
	[smem:$0x7DB] =	sst s22  }
0x24: {  	s24 =	simm.s32 $0xDE00;
	[smem:$0x7DC] =	sst s23  }
0x25: {  	s25 =	simm.s32 $0x2200;
	[smem:$0x7DD] =	sst s24  }
0x26: {  	s26 =	simm.s32 $0x6200;
	[smem:$0x7DE] =	sst s25  }
0x27: {  	s28 =	simm.s32 $0xA200;
	[smem:$0x7DF] =	sst s26  }
0x28: {  	s29 =	simm.s32 $0xE200;
	[smem:$0x7E0] =	sst s28  }
0x29: {  	s30 =	simm.s32 $0x2600;
	[smem:$0x7E1] =	sst s29  }
0x2a: {  	s31 =	simm.s32 $0x6600;
	[smem:$0x7E2] =	sst s30  }
0x2b: {  	s5 =	simm.s32 $0xA600;
	[smem:$0x7E3] =	sst s31  }
0x2c: {  	s6 =	simm.s32 $0xE600;
	[smem:$0x7E4] =	sst s5  }
0x2d: {  	s7 =	simm.s32 $0x2A00;
	[smem:$0x7E5] =	sst s6  }
0x2e: {  	s8 =	simm.s32 $0x6A00;
	[smem:$0x7E6] =	sst s7  }
0x2f: {  	s9 =	simm.s32 $0xAA00;
	[smem:$0x7E7] =	sst s8  }
0x30: {  	s10 =	simm.s32 $0xEA00;
	[smem:$0x7E8] =	sst s9  }
0x31: {  	s11 =	simm.s32 $0x2E00;
	[smem:$0x7E9] =	sst s10  }
0x32: {  	s12 =	simm.s32 $0x6E00;
	[smem:$0x7EA] =	sst s11  }
0x33: {  	s13 =	simm.s32 $0xAE00;
	[smem:$0x7EB] =	sst s12  }
0x34: {  	s14 =	simm.s32 $0xEE00;
	[smem:$0x7EC] =	sst s13  }
0x35: {  	s15 =	simm.s32 $0x3200;
	[smem:$0x7ED] =	sst s14  }
0x36: {  	s16 =	simm.s32 $0xB200;
	[smem:$0x7EE] =	sst s15  }
0x37: {  	s17 =	simm.s32 $0xF200;
	[smem:$0x7F0] =	sst s16  }
0x38: {  	s18 =	simm.s32 $0x3600;
	[smem:$0x7F1] =	sst s17  }
0x39: {  	s2 =	stileid.u32;
	s19 =	simm.s32 $0x7600;
	[smem:$0x7F2] =	sst s18  }
0x3a: {  	v0 =	vlaneseq.u32;
	s20 =	simm.s32 $0xB600;
	s5 =	srdreg.scid;
	[smem:$0x7F3] =	sst s19  }
0x3b: {  	v1 =	vmul.u32 $0x400, v0;
	s6 =	simm.s32 $0x7200;
	s21 =	sshll.u32 s2, $0xA;
	[smem:$0x7F4] =	sst s20  }
0x3c: {  	s22 =	simm.s32 $0xF600;
	s23 =	simm.s32 $0x3A00;
	[smem:$0x7EF] =	sst s6  }
0x3d: {  	v2 =	vor.u32 $0x80, v1;
	s24 =	simm.s32 $0x7A00;
	s25 =	simm.s32 $0xBA00;
	[smem:$0x7F5] =	sst s22  }
0x3e: {  	v3 =	vor.u32 $0x100, v1;
	v4 =	vor.u32 $0x180, v1;
	v5 =	vor.u32 $0x200, v1;
	s26 =	simm.s32 $0xFA00;
	s28 =	simm.s32 $0x3E00;
	[smem:$0x7F6] =	sst s23  }
0x3f: {  	v6 =	vor.u32 $0x280, v1;
	v7 =	vor.u32 $0x300, v1;
	v8 =	vor.u32 $0x380, v1;
	s29 =	simm.s32 $0x7E00;
	s30 =	simm.s32 $0xBE00;
	[smem:$0x7F7] =	sst s24  }
0x40: {  	v9 =	vor.u32 $0x4000, v1;
	v10 =	vor.u32 $0x4080, v1;
	v11 =	vor.u32 $0x4100, v1;
	s31 =	simm.s32 $0xFE00;
	s9 =	simm.s32 $0x10200;
	[smem:$0x7F8] =	sst s25  }
0x41: {  	v12 =	vor.u32 $0x4180, v1;
	v13 =	vor.u32 $0x4200, v1;
	v14 =	vor.u32 $0x4280, v1;
	s10 =	simm.s32 $0x1000;
	s11 =	simm.s32 $0x20000;
	[smem:$0x7F9] =	sst s26  }
0x42: {  	v15 =	vor.u32 $0x4300, v1;
	v16 =	vor.u32 $0x4380, v1;
	v17 =	vor.u32 $0x8000, v1;
	s12 =	simm.s32 $0x0;
	s5 =	sand.u32 $0x1, s5;
	[smem:$0x7FA] =	sst s28  }
0x43: {  	v18 =	vor.u32 $0x8080, v1;
	v19 =	vor.u32 $0x8100, v1;
	v20 =	vor.u32 $0x8180, v1;
	s6 =	simm.s32 $0x2;
	s7 =	ssub.s32 $0x2, s5;
	s5 =	sshll.u32 s5, $0x9  }
0x44: {  	v21 =	vor.u32 $0x8200, v1;
	v22 =	vor.u32 $0x8280, v1;
	v23 =	vor.u32 $0x8300, v1;
	[smem:$0x7FB] =	sst s29;
	s8 =	sshrl.u32 s7, $0x1;
	s5 =	sor.u32 s5, s21  }
0x45: {  	v24 =	vor.u32 $0x8380, v1;
	v25 =	vor.u32 $0xC000, v1;
	v26 =	vor.u32 $0xC080, v1;
	[smem:$0x7FC] =	sst s30;
	s7 =	ssub.s32 s7, s8;
	s8 =	sshrl.u32 s5, $0x3  }
0x46: {  	v27 =	vor.u32 $0xC100, v1;
	v28 =	vor.u32 $0xC180, v1;
	v29 =	vor.u32 $0xC200, v1;
	[smem:$0x7FD] =	sst s31;
	s4 =	sadd.s32 s4, s5;
	s3 =	sadd.s32 s3, s8  }
0x47: {  	v30 =	vor.u32 $0xC280, v1;
	v31 =	vor.u32 $0xC300, v1;
	v32 =	vor.u32 $0xC380, v1;
	s5 =	smax.u32 s7, $0x1;
	s7 =	simm.s32 $0x200;
	s8 =	simm.s32 $0x1  }
.LBB2_1:
0x48: {  	[tilespmem:s1], [sflag:$0x2] =	stream.linear.gather [hbm4b:s3+s1], $0x200, $0x38;
	[tilespmem:$0x14200] =	vst v63  }
0x49: {  	_ =	swait.ge [sflag:s6], $0x200  }
0x4a: {  	[sflag:s6] =	ssyncset.done $0x0  }
0x4b: {  	s13 =	simm.s32 $0x0;
	s14 =	simm.s32 $0x0;
	[sflag:s6] =	ssyncadd.s32 $0xFFFFFE00  }
.LBB2_2:
0x4c: {  	v33 =	vld [tilespmem:s13+$0x0];
	_ =	sdelay $0x4  }
0x4d: {  	s15 =	rddreg [dreg:$0x4];
	v34 =	vand.u32 $0xFFFFFF80, v33  }
0x4e: {  	v34 =	vadd.s32 s15, v34  }
0x4f: {  	(v2sf) =	vpush v34, $0x0;
	_ =	sdelay $0x7  }
0x50: {  	(v2sf) =	vpush v34, $0x1;
	_ =	sdelay $0x6  }
0x51: {  	s16 =	rddreg [dreg:$0x5];
	s21 =	spop (v2sf)  }
0x52: {  	(v2sf) =	vpush v34, $0x2;
	[tilespmem:s7], [sflag:$0x1] =	stream.linear.gather [hbm4b:s21+s1], $0x400, $0x38;
	[tilespmem:$0x14200] =	vst v63  }
0x53: {  	s18 =	rddreg [dreg:$0x6];
	s17 =	sadd.s32 $0xF4280, s21  }
0x54: {  	[tilespmem:s16], [sflag:$0x1] =	stream.linear.gather [hbm4b:s17+s1], $0x400, $0x38;
	[tilespmem:$0x14200] =	vst v63  }
0x55: {  	s23 =	rddreg [dreg:$0x7];
	s22 =	sadd.s32 $0x1E8500, s21  }
0x56: {  	[tilespmem:s18], [sflag:$0x1] =	stream.linear.gather [hbm4b:s22+s1], $0x400, $0x38;
	[tilespmem:$0x14200] =	vst v63  }
0x57: {  	s24 =	rddreg [dreg:$0x8];
	s15 =	sadd.s32 $0x2DC780, s21  }
0x58: {  	[tilespmem:s23], [sflag:$0x1] =	stream.linear.gather [hbm4b:s15+s1], $0x400, $0x38;
	[tilespmem:$0x14200] =	vst v63  }
0x59: {  	s26 =	rddreg [dreg:$0x9];
	s25 =	spop (v2sf)  }
0x5a: {  	(v2sf) =	vpush v34, $0x3;
	[tilespmem:s24], [sflag:$0x1] =	stream.linear.gather [hbm4b:s25+s1], $0x400, $0x38;
	[tilespmem:$0x14200] =	vst v63  }
0x5b: {  	s29 =	rddreg [dreg:$0xa];
	s28 =	sadd.s32 $0xF4280, s25  }
0x5c: {  	[tilespmem:s26], [sflag:$0x1] =	stream.linear.gather [hbm4b:s28+s1], $0x400, $0x38;
	[tilespmem:$0x14200] =	vst v63  }
0x5d: {  	s31 =	rddreg [dreg:$0xb];
	s30 =	sadd.s32 $0x1E8500, s25  }
0x5e: {  	[tilespmem:s29], [sflag:$0x1] =	stream.linear.gather [hbm4b:s30+s1], $0x400, $0x38;
	[tilespmem:$0x14200] =	vst v63  }
0x5f: {  	s19 =	rddreg [dreg:$0xc];
	s15 =	sadd.s32 $0x2DC780, s25  }
0x60: {  	[tilespmem:s31], [sflag:$0x1] =	stream.linear.gather [hbm4b:s15+s1], $0x400, $0x38;
	[tilespmem:$0x14200] =	vst v63  }
0x61: {  	s21 =	rddreg [dreg:$0xd];
	s20 =	spop (v2sf)  }
0x62: {  	(v2sf) =	vpush v34, $0x4;
	[tilespmem:s19], [sflag:$0x1] =	stream.linear.gather [hbm4b:s20+s1], $0x400, $0x38;
	[tilespmem:$0x14200] =	vst v63  }
0x63: {  	s23 =	rddreg [dreg:$0xe];
	s22 =	sadd.s32 $0xF4280, s20  }
0x64: {  	[tilespmem:s21], [sflag:$0x1] =	stream.linear.gather [hbm4b:s22+s1], $0x400, $0x38;
	[tilespmem:$0x14200] =	vst v63  }
0x65: {  	s25 =	rddreg [dreg:$0xf];
	s24 =	sadd.s32 $0x1E8500, s20  }
0x66: {  	[tilespmem:s23], [sflag:$0x1] =	stream.linear.gather [hbm4b:s24+s1], $0x400, $0x38;
	[tilespmem:$0x14200] =	vst v63  }
0x67: {  	s26 =	rddreg [dreg:$0x10];
	s15 =	sadd.s32 $0x2DC780, s20  }
0x68: {  	[tilespmem:s25], [sflag:$0x1] =	stream.linear.gather [hbm4b:s15+s1], $0x400, $0x38;
	[tilespmem:$0x14200] =	vst v63  }
0x69: {  	s29 =	rddreg [dreg:$0x11];
	s28 =	spop (v2sf)  }
0x6a: {  	(v2sf) =	vpush v34, $0x5;
	[tilespmem:s26], [sflag:$0x1] =	stream.linear.gather [hbm4b:s28+s1], $0x400, $0x38;
	[tilespmem:$0x14200] =	vst v63  }
0x6b: {  	s31 =	rddreg [dreg:$0x12];
	s30 =	sadd.s32 $0xF4280, s28  }
0x6c: {  	[tilespmem:s29], [sflag:$0x1] =	stream.linear.gather [hbm4b:s30+s1], $0x400, $0x38;
	[tilespmem:$0x14200] =	vst v63  }
0x6d: {  	s19 =	sadd.s32 $0x1E8500, s28;
	s20 =	rddreg [dreg:$0x13]  }
0x6e: {  	[tilespmem:s31], [sflag:$0x1] =	stream.linear.gather [hbm4b:s19+s1], $0x400, $0x38;
	[tilespmem:$0x14200] =	vst v63  }
0x6f: {  	s21 =	rddreg [dreg:$0x14];
	s15 =	sadd.s32 $0x2DC780, s28  }
0x70: {  	[tilespmem:s20], [sflag:$0x1] =	stream.linear.gather [hbm4b:s15+s1], $0x400, $0x38;
	[tilespmem:$0x14200] =	vst v63  }
0x71: {  	s23 =	rddreg [dreg:$0x15];
	s22 =	spop (v2sf)  }
0x72: {  	(v2sf) =	vpush v34, $0x6;
	[tilespmem:s21], [sflag:$0x1] =	stream.linear.gather [hbm4b:s22+s1], $0x400, $0x38;
	[tilespmem:$0x14200] =	vst v63  }
0x73: {  	s25 =	rddreg [dreg:$0x16];
	s24 =	sadd.s32 $0xF4280, s22  }
0x74: {  	[tilespmem:s23], [sflag:$0x1] =	stream.linear.gather [hbm4b:s24+s1], $0x400, $0x38;
	[tilespmem:$0x14200] =	vst v63  }
0x75: {  	s28 =	rddreg [dreg:$0x17];
	s26 =	sadd.s32 $0x1E8500, s22  }
0x76: {  	[tilespmem:s25], [sflag:$0x1] =	stream.linear.gather [hbm4b:s26+s1], $0x400, $0x38;
	[tilespmem:$0x14200] =	vst v63  }
0x77: {  	s29 =	rddreg [dreg:$0x18];
	s15 =	sadd.s32 $0x2DC780, s22  }
0x78: {  	[tilespmem:s28], [sflag:$0x1] =	stream.linear.gather [hbm4b:s15+s1], $0x400, $0x38;
	[tilespmem:$0x14200] =	vst v63  }
0x79: {  	s31 =	rddreg [dreg:$0x19];
	s30 =	spop (v2sf)  }
0x7a: {  	(v2sf) =	vpush v34, $0x7;
	[tilespmem:s29], [sflag:$0x1] =	stream.linear.gather [hbm4b:s30+s1], $0x400, $0x38;
	[tilespmem:$0x14200] =	vst v63  }
0x7b: {  	s19 =	rddreg [dreg:$0x1a];
	s18 =	sadd.s32 $0xF4280, s30  }
0x7c: {  	[tilespmem:s31], [sflag:$0x1] =	stream.linear.gather [hbm4b:s18+s1], $0x400, $0x38;
	[tilespmem:$0x14200] =	vst v63  }
0x7d: {  	s20 =	sadd.s32 $0x1E8500, s30;
	s21 =	rddreg [dreg:$0x1b]  }
0x7e: {  	[tilespmem:s19], [sflag:$0x1] =	stream.linear.gather [hbm4b:s20+s1], $0x400, $0x38;
	[tilespmem:$0x14200] =	vst v63  }
0x7f: {  	s22 =	rddreg [dreg:$0x1c];
	s15 =	sadd.s32 $0x2DC780, s30  }
0x80: {  	[tilespmem:s21], [sflag:$0x1] =	stream.linear.gather [hbm4b:s15+s1], $0x400, $0x38;
	[tilespmem:$0x14200] =	vst v63  }
0x81: {  	s24 =	rddreg [dreg:$0x1d];
	s23 =	spop (v2sf)  }
0x82: {  	(v2sf) =	vpush v34, $0x8;
	[tilespmem:s22], [sflag:$0x1] =	stream.linear.gather [hbm4b:s23+s1], $0x400, $0x38;
	[tilespmem:$0x14200] =	vst v63  }
0x83: {  	s26 =	rddreg [dreg:$0x1e];
	s25 =	sadd.s32 $0xF4280, s23  }
0x84: {  	[tilespmem:s24], [sflag:$0x1] =	stream.linear.gather [hbm4b:s25+s1], $0x400, $0x38;
	[tilespmem:$0x14200] =	vst v63  }
0x85: {  	s29 =	rddreg [dreg:$0x1f];
	s28 =	sadd.s32 $0x1E8500, s23  }
0x86: {  	[tilespmem:s26], [sflag:$0x1] =	stream.linear.gather [hbm4b:s28+s1], $0x400, $0x38;
	[tilespmem:$0x14200] =	vst v63  }
0x87: {  	s30 =	sld [smem:$0x7DA];
	s15 =	sadd.s32 $0x2DC780, s23  }
0x88: {  	[tilespmem:s29], [sflag:$0x1] =	stream.linear.gather [hbm4b:s15+s1], $0x400, $0x38;
	[tilespmem:$0x14200] =	vst v63  }
0x89: {  	s19 =	sld [smem:$0x7DB];
	s31 =	spop (v2sf)  }
0x8a: {  	(v2sf) =	vpush v34, $0x9;
	[tilespmem:s30], [sflag:$0x1] =	stream.linear.gather [hbm4b:s31+s1], $0x400, $0x38;
	[tilespmem:$0x14200] =	vst v63  }
0x8b: {  	s20 =	sadd.s32 $0xF4280, s31;
	s21 =	sld [smem:$0x7DC]  }
0x8c: {  	[tilespmem:s19], [sflag:$0x1] =	stream.linear.gather [hbm4b:s20+s1], $0x400, $0x38;
	[tilespmem:$0x14200] =	vst v63  }
0x8d: {  	s22 =	sadd.s32 $0x1E8500, s31;
	s23 =	sld [smem:$0x7DD]  }
0x8e: {  	[tilespmem:s21], [sflag:$0x1] =	stream.linear.gather [hbm4b:s22+s1], $0x400, $0x38;
	[tilespmem:$0x14200] =	vst v63  }
0x8f: {  	s24 =	sld [smem:$0x7DE];
	s15 =	sadd.s32 $0x2DC780, s31  }
0x90: {  	[tilespmem:s23], [sflag:$0x1] =	stream.linear.gather [hbm4b:s15+s1], $0x400, $0x38;
	[tilespmem:$0x14200] =	vst v63  }
0x91: {  	s26 =	sld [smem:$0x7DF];
	s25 =	spop (v2sf)  }
0x92: {  	(v2sf) =	vpush v34, $0xA;
	[tilespmem:s24], [sflag:$0x1] =	stream.linear.gather [hbm4b:s25+s1], $0x400, $0x38;
	[tilespmem:$0x14200] =	vst v63  }
0x93: {  	s29 =	sld [smem:$0x7E0];
	s28 =	sadd.s32 $0xF4280, s25  }
0x94: {  	[tilespmem:s26], [sflag:$0x1] =	stream.linear.gather [hbm4b:s28+s1], $0x400, $0x38;
	[tilespmem:$0x14200] =	vst v63  }
0x95: {  	s31 =	sld [smem:$0x7E1];
	s30 =	sadd.s32 $0x1E8500, s25  }
0x96: {  	[tilespmem:s29], [sflag:$0x1] =	stream.linear.gather [hbm4b:s30+s1], $0x400, $0x38;
	[tilespmem:$0x14200] =	vst v63  }
0x97: {  	s19 =	sld [smem:$0x7E2];
	s15 =	sadd.s32 $0x2DC780, s25  }
0x98: {  	[tilespmem:s31], [sflag:$0x1] =	stream.linear.gather [hbm4b:s15+s1], $0x400, $0x38;
	[tilespmem:$0x14200] =	vst v63  }
0x99: {  	s20 =	spop (v2sf);
	s21 =	sld [smem:$0x7E3]  }
0x9a: {  	(v2sf) =	vpush v34, $0xB;
	[tilespmem:s19], [sflag:$0x1] =	stream.linear.gather [hbm4b:s20+s1], $0x400, $0x38;
	[tilespmem:$0x14200] =	vst v63  }
0x9b: {  	s22 =	sadd.s32 $0xF4280, s20;
	s23 =	sld [smem:$0x7E4]  }
0x9c: {  	[tilespmem:s21], [sflag:$0x1] =	stream.linear.gather [hbm4b:s22+s1], $0x400, $0x38;
	[tilespmem:$0x14200] =	vst v63  }
0x9d: {  	s24 =	sadd.s32 $0x1E8500, s20;
	s25 =	sld [smem:$0x7E5]  }
0x9e: {  	[tilespmem:s23], [sflag:$0x1] =	stream.linear.gather [hbm4b:s24+s1], $0x400, $0x38;
	[tilespmem:$0x14200] =	vst v63  }
0x9f: {  	s26 =	sld [smem:$0x7E6];
	s15 =	sadd.s32 $0x2DC780, s20  }
0xa0: {  	[tilespmem:s25], [sflag:$0x1] =	stream.linear.gather [hbm4b:s15+s1], $0x400, $0x38;
	[tilespmem:$0x14200] =	vst v63  }
0xa1: {  	s29 =	sld [smem:$0x7E7];
	s28 =	spop (v2sf)  }
0xa2: {  	(v2sf) =	vpush v34, $0xC;
	[tilespmem:s26], [sflag:$0x1] =	stream.linear.gather [hbm4b:s28+s1], $0x400, $0x38;
	[tilespmem:$0x14200] =	vst v63  }
0xa3: {  	s31 =	sld [smem:$0x7E8];
	s30 =	sadd.s32 $0xF4280, s28  }
0xa4: {  	[tilespmem:s29], [sflag:$0x1] =	stream.linear.gather [hbm4b:s30+s1], $0x400, $0x38;
	[tilespmem:$0x14200] =	vst v63  }
0xa5: {  	s20 =	sld [smem:$0x7E9];
	s19 =	sadd.s32 $0x1E8500, s28  }
0xa6: {  	[tilespmem:s31], [sflag:$0x1] =	stream.linear.gather [hbm4b:s19+s1], $0x400, $0x38;
	[tilespmem:$0x14200] =	vst v63  }
0xa7: {  	s21 =	sld [smem:$0x7EA];
	s15 =	sadd.s32 $0x2DC780, s28  }
0xa8: {  	[tilespmem:s20], [sflag:$0x1] =	stream.linear.gather [hbm4b:s15+s1], $0x400, $0x38;
	[tilespmem:$0x14200] =	vst v63  }
0xa9: {  	s22 =	spop (v2sf);
	s23 =	sld [smem:$0x7EB]  }
0xaa: {  	(v2sf) =	vpush v34, $0xD;
	[tilespmem:s21], [sflag:$0x1] =	stream.linear.gather [hbm4b:s22+s1], $0x400, $0x38;
	[tilespmem:$0x14200] =	vst v63  }
0xab: {  	s24 =	sadd.s32 $0xF4280, s22;
	s25 =	sld [smem:$0x7EC]  }
0xac: {  	[tilespmem:s23], [sflag:$0x1] =	stream.linear.gather [hbm4b:s24+s1], $0x400, $0x38;
	[tilespmem:$0x14200] =	vst v63  }
0xad: {  	s26 =	sadd.s32 $0x1E8500, s22;
	s28 =	sld [smem:$0x7ED]  }
0xae: {  	[tilespmem:s25], [sflag:$0x1] =	stream.linear.gather [hbm4b:s26+s1], $0x400, $0x38;
	[tilespmem:$0x14200] =	vst v63  }
0xaf: {  	s29 =	sld [smem:$0x7EE];
	s15 =	sadd.s32 $0x2DC780, s22  }
0xb0: {  	[tilespmem:s28], [sflag:$0x1] =	stream.linear.gather [hbm4b:s15+s1], $0x400, $0x38;
	[tilespmem:$0x14200] =	vst v63  }
0xb1: {  	s31 =	sld [smem:$0x7EF];
	s30 =	spop (v2sf)  }
0xb2: {  	(v2sf) =	vpush v34, $0xE;
	[tilespmem:s29], [sflag:$0x1] =	stream.linear.gather [hbm4b:s30+s1], $0x400, $0x38;
	[tilespmem:$0x14200] =	vst v63  }
0xb3: {  	s19 =	sld [smem:$0x7F0];
	s18 =	sadd.s32 $0xF4280, s30  }
0xb4: {  	[tilespmem:s31], [sflag:$0x1] =	stream.linear.gather [hbm4b:s18+s1], $0x400, $0x38;
	[tilespmem:$0x14200] =	vst v63  }
0xb5: {  	s21 =	sld [smem:$0x7F1];
	s20 =	sadd.s32 $0x1E8500, s30  }
0xb6: {  	[tilespmem:s19], [sflag:$0x1] =	stream.linear.gather [hbm4b:s20+s1], $0x400, $0x38;
	[tilespmem:$0x14200] =	vst v63  }
0xb7: {  	s22 =	sld [smem:$0x7F2];
	s15 =	sadd.s32 $0x2DC780, s30  }
0xb8: {  	[tilespmem:s21], [sflag:$0x1] =	stream.linear.gather [hbm4b:s15+s1], $0x400, $0x38;
	[tilespmem:$0x14200] =	vst v63  }
0xb9: {  	s23 =	spop (v2sf);
	s24 =	sld [smem:$0x7F3]  }
0xba: {  	(v2sf) =	vpush v34, $0xF;
	[tilespmem:s22], [sflag:$0x1] =	stream.linear.gather [hbm4b:s23+s1], $0x400, $0x38;
	[tilespmem:$0x14200] =	vst v63  }
0xbb: {  	s25 =	sadd.s32 $0xF4280, s23;
	s26 =	sld [smem:$0x7F4]  }
0xbc: {  	[tilespmem:s24], [sflag:$0x1] =	stream.linear.gather [hbm4b:s25+s1], $0x400, $0x38;
	[tilespmem:$0x14200] =	vst v63  }
0xbd: {  	s28 =	sadd.s32 $0x1E8500, s23;
	s29 =	sld [smem:$0x7F5]  }
0xbe: {  	[tilespmem:s26], [sflag:$0x1] =	stream.linear.gather [hbm4b:s28+s1], $0x400, $0x38;
	[tilespmem:$0x14200] =	vst v63  }
0xbf: {  	s30 =	sld [smem:$0x7F6];
	s15 =	sadd.s32 $0x2DC780, s23  }
0xc0: {  	[tilespmem:s29], [sflag:$0x1] =	stream.linear.gather [hbm4b:s15+s1], $0x400, $0x38;
	[tilespmem:$0x14200] =	vst v63  }
0xc1: {  	s19 =	sld [smem:$0x7F7];
	s31 =	spop (v2sf)  }
0xc2: {  	[tilespmem:s30], [sflag:$0x1] =	stream.linear.gather [hbm4b:s31+s1], $0x400, $0x38;
	[tilespmem:$0x14200] =	vst v63  }
0xc3: {  	s21 =	sld [smem:$0x7F8];
	s20 =	sadd.s32 $0xF4280, s31  }
0xc4: {  	[tilespmem:s19], [sflag:$0x1] =	stream.linear.gather [hbm4b:s20+s1], $0x400, $0x38;
	[tilespmem:$0x14200] =	vst v63  }
0xc5: {  	s23 =	sld [smem:$0x7F9];
	s22 =	sadd.s32 $0x1E8500, s31  }
0xc6: {  	[tilespmem:s21], [sflag:$0x1] =	stream.linear.gather [hbm4b:s22+s1], $0x400, $0x38;
	[tilespmem:$0x14200] =	vst v63  }
0xc7: {  	s24 =	sld [smem:$0x7FA];
	s15 =	sadd.s32 $0x2DC780, s31  }
0xc8: {  	[tilespmem:s23], [sflag:$0x1] =	stream.linear.gather [hbm4b:s15+s1], $0x400, $0x38;
	[tilespmem:$0x14200] =	vst v63  }
0xc9: {  	s25 =	spop (v2sf);
	s26 =	sld [smem:$0x7FB]  }
0xca: {  	[tilespmem:s24], [sflag:$0x1] =	stream.linear.gather [hbm4b:s25+s1], $0x400, $0x38;
	[tilespmem:$0x14200] =	vst v63  }
0xcb: {  	s28 =	sadd.s32 $0xF4280, s25;
	s29 =	sld [smem:$0x7FC]  }
0xcc: {  	[tilespmem:s26], [sflag:$0x1] =	stream.linear.gather [hbm4b:s28+s1], $0x400, $0x38;
	[tilespmem:$0x14200] =	vst v63  }
0xcd: {  	s30 =	sadd.s32 $0x1E8500, s25;
	s31 =	sld [smem:$0x7FD]  }
0xce: {  	[tilespmem:s29], [sflag:$0x1] =	stream.linear.gather [hbm4b:s30+s1], $0x400, $0x38;
	[tilespmem:$0x14200] =	vst v63  }
0xcf: {  	s15 =	sadd.s32 $0x2DC780, s25  }
0xd0: {  	[tilespmem:s31], [sflag:$0x1] =	stream.linear.gather [hbm4b:s15+s1], $0x400, $0x38;
	[tilespmem:$0x14200] =	vst v63  }
0xd1: {  	_ =	swait.ge [sflag:s8], $0x1000  }
0xd2: {  	[sflag:s8] =	ssyncset.done $0x0  }
0xd3: {  	[sflag:s8] =	ssyncadd.s32 $0xFFFFF000  }
0xd4: {  	_ =	swait.ge [sflag:s8], $0x1000  }
0xd5: {  	[sflag:s8] =	ssyncset.done $0x0  }
0xd6: {  	[sflag:s8] =	ssyncadd.s32 $0xFFFFF000  }
0xd7: {  	_ =	swait.ge [sflag:s8], $0x1000  }
0xd8: {  	[sflag:s8] =	ssyncset.done $0x0  }
0xd9: {  	[sflag:s8] =	ssyncadd.s32 $0xFFFFF000  }
0xda: {  	_ =	swait.ge [sflag:s8], $0x1000  }
0xdb: {  	[sflag:s8] =	ssyncset.done $0x0  }
0xdc: {  	[sflag:s8] =	ssyncadd.s32 $0xFFFFF000  }
0xdd: {  	_ =	swait.ge [sflag:s8], $0x1000  }
0xde: {  	[sflag:s8] =	ssyncset.done $0x0  }
0xdf: {  	[sflag:s8] =	ssyncadd.s32 $0xFFFFF000  }
0xe0: {  	_ =	swait.ge [sflag:s8], $0x1000  }
0xe1: {  	[sflag:s8] =	ssyncset.done $0x0  }
0xe2: {  	[sflag:s8] =	ssyncadd.s32 $0xFFFFF000  }
0xe3: {  	_ =	swait.ge [sflag:s8], $0x1000  }
0xe4: {  	[sflag:s8] =	ssyncset.done $0x0  }
0xe5: {  	[sflag:s8] =	ssyncadd.s32 $0xFFFFF000  }
0xe6: {  	_ =	swait.ge [sflag:s8], $0x1000  }
0xe7: {  	[sflag:s8] =	ssyncset.done $0x0  }
0xe8: {  	[sflag:s8] =	ssyncadd.s32 $0xFFFFF000  }
0xe9: {  	_ =	swait.ge [sflag:s8], $0x1000  }
0xea: {  	[sflag:s8] =	ssyncset.done $0x0  }
0xeb: {  	[sflag:s8] =	ssyncadd.s32 $0xFFFFF000  }
0xec: {  	_ =	swait.ge [sflag:s8], $0x1000  }
0xed: {  	[sflag:s8] =	ssyncset.done $0x0  }
0xee: {  	[sflag:s8] =	ssyncadd.s32 $0xFFFFF000  }
0xef: {  	_ =	swait.ge [sflag:s8], $0x1000  }
0xf0: {  	[sflag:s8] =	ssyncset.done $0x0  }
0xf1: {  	[sflag:s8] =	ssyncadd.s32 $0xFFFFF000  }
0xf2: {  	_ =	swait.ge [sflag:s8], $0x1000  }
0xf3: {  	[sflag:s8] =	ssyncset.done $0x0  }
0xf4: {  	[sflag:s8] =	ssyncadd.s32 $0xFFFFF000  }
0xf5: {  	_ =	swait.ge [sflag:s8], $0x1000  }
0xf6: {  	[sflag:s8] =	ssyncset.done $0x0  }
0xf7: {  	[sflag:s8] =	ssyncadd.s32 $0xFFFFF000  }
0xf8: {  	_ =	swait.ge [sflag:s8], $0x1000  }
0xf9: {  	[sflag:s8] =	ssyncset.done $0x0  }
0xfa: {  	[sflag:s8] =	ssyncadd.s32 $0xFFFFF000  }
0xfb: {  	v33 =	vand.u32 $0x7F, v33;
	_ =	swait.ge [sflag:s8], $0x1000  }
0xfc: {  	v52 =	vor.u32 v1, v33;
	[sflag:s8] =	ssyncset.done $0x0  }
0xfd: {  	[sflag:s8] =	ssyncadd.s32 $0xFFFFF000  }
0xfe: {  	v35 =	vmov s14;
	_ =	swait.ge [sflag:s8], $0x1000  }
0xff: {  	v36 =	vor.u32 s14, v0;
	v35 =	vshll.u32 v35, $0x3;
	[sflag:s8] =	ssyncset.done $0x0  }
0x100: {  	v36 =	vand.u32 $0x7F, v36;
	v37 =	vand.u32 $0xC00, v35;
	[sflag:s8] =	ssyncadd.s32 $0xFFFFF000  }
0x101: {  	v37 =	vor.u32 v36, v37;
	v34 =	vld.idx.msk [tilespmem:v52+s7+$0x0], $0xffff  }
0x102: {  	v38 =	vor.u32 v2, v33;
	_ =	sdelay $0x3  }
0x103: {  	[tilespmem:v37+s9+$0x0] =	vst.idx.msk $0xffff, v34  }
0x104: {  	v53 =	vor.u32 $0x80, v37;
	v34 =	vld.idx.msk [tilespmem:v38+s7+$0x0], $0xffff  }
0x105: {  	v39 =	vor.u32 v3, v33;
	_ =	sdelay $0x3  }
0x106: {  	[tilespmem:v53+s9+$0x0] =	vst.idx.msk $0xffff, v34  }
0x107: {  	v54 =	vor.u32 $0x100, v37;
	v34 =	vld.idx.msk [tilespmem:v39+s7+$0x0], $0xffff  }
0x108: {  	v55 =	vor.u32 v4, v33;
	_ =	sdelay $0x3  }
0x109: {  	[tilespmem:v54+s9+$0x0] =	vst.idx.msk $0xffff, v34  }
0x10a: {  	v56 =	vor.u32 $0x180, v37;
	v34 =	vld.idx.msk [tilespmem:v55+s7+$0x0], $0xffff  }
0x10b: {  	v57 =	vor.u32 v5, v33;
	_ =	sdelay $0x3  }
0x10c: {  	[tilespmem:v56+s9+$0x0] =	vst.idx.msk $0xffff, v34  }
0x10d: {  	v58 =	vor.u32 $0x200, v37;
	v34 =	vld.idx.msk [tilespmem:v57+s7+$0x0], $0xffff  }
0x10e: {  	v59 =	vor.u32 v6, v33;
	_ =	sdelay $0x3  }
0x10f: {  	[tilespmem:v58+s9+$0x0] =	vst.idx.msk $0xffff, v34  }
0x110: {  	v60 =	vor.u32 $0x280, v37;
	v34 =	vld.idx.msk [tilespmem:v59+s7+$0x0], $0xffff  }
0x111: {  	v61 =	vor.u32 v7, v33;
	_ =	sdelay $0x3  }
0x112: {  	[tilespmem:v60+s9+$0x0] =	vst.idx.msk $0xffff, v34  }
0x113: {  	v62 =	vor.u32 $0x300, v37;
	v34 =	vld.idx.msk [tilespmem:v61+s7+$0x0], $0xffff  }
0x114: {  	v63 =	vor.u32 v8, v33;
	_ =	sdelay $0x3  }
0x115: {  	[tilespmem:v62+s9+$0x0] =	vst.idx.msk $0xffff, v34;
	v34 =	vor.u32 v35, v36  }
0x116: {  	v41 =	vld.idx.msk [tilespmem:v63+s7+$0x0], $0xffff;
	v36 =	vor.u32 $0x380, v34  }
0x117: {  	v42 =	vor.u32 v9, v33;
	_ =	sdelay $0x3  }
0x118: {  	[tilespmem:v36+s9+$0x0] =	vst.idx.msk $0xffff, v41  }
0x119: {  	v43 =	vor.u32 $0x1000, v37;
	v35 =	vld.idx.msk [tilespmem:v42+s7+$0x0], $0xffff  }
0x11a: {  	v44 =	vor.u32 v10, v33;
	_ =	sdelay $0x3  }
0x11b: {  	[tilespmem:v43+s9+$0x0] =	vst.idx.msk $0xffff, v35  }
0x11c: {  	v45 =	vor.u32 $0x1080, v37;
	v35 =	vld.idx.msk [tilespmem:v44+s7+$0x0], $0xffff  }
0x11d: {  	v46 =	vor.u32 v11, v33;
	_ =	sdelay $0x3  }
0x11e: {  	[tilespmem:v45+s9+$0x0] =	vst.idx.msk $0xffff, v35  }
0x11f: {  	v47 =	vor.u32 $0x1100, v37;
	v35 =	vld.idx.msk [tilespmem:v46+s7+$0x0], $0xffff  }
0x120: {  	v48 =	vor.u32 v12, v33;
	_ =	sdelay $0x3  }
0x121: {  	[tilespmem:v47+s9+$0x0] =	vst.idx.msk $0xffff, v35  }
0x122: {  	v49 =	vor.u32 $0x1180, v37;
	v35 =	vld.idx.msk [tilespmem:v48+s7+$0x0], $0xffff  }
0x123: {  	v50 =	vor.u32 v13, v33;
	_ =	sdelay $0x3  }
0x124: {  	[tilespmem:v49+s9+$0x0] =	vst.idx.msk $0xffff, v35  }
0x125: {  	v51 =	vor.u32 $0x1200, v37;
	v35 =	vld.idx.msk [tilespmem:v50+s7+$0x0], $0xffff  }
0x126: {  	v52 =	vor.u32 v14, v33;
	_ =	sdelay $0x3  }
0x127: {  	[tilespmem:v51+s9+$0x0] =	vst.idx.msk $0xffff, v35  }
0x128: {  	v53 =	vor.u32 $0x1280, v37;
	v35 =	vld.idx.msk [tilespmem:v52+s7+$0x0], $0xffff  }
0x129: {  	v54 =	vor.u32 v15, v33;
	_ =	sdelay $0x3  }
0x12a: {  	[tilespmem:v53+s9+$0x0] =	vst.idx.msk $0xffff, v35  }
0x12b: {  	v55 =	vor.u32 $0x1300, v37;
	v35 =	vld.idx.msk [tilespmem:v54+s7+$0x0], $0xffff  }
0x12c: {  	v56 =	vor.u32 v16, v33;
	_ =	sdelay $0x3  }
0x12d: {  	[tilespmem:v55+s9+$0x0] =	vst.idx.msk $0xffff, v35  }
0x12e: {  	v57 =	vor.u32 $0x1380, v34;
	v35 =	vld.idx.msk [tilespmem:v56+s7+$0x0], $0xffff  }
0x12f: {  	v58 =	vor.u32 v17, v33;
	_ =	sdelay $0x3  }
0x130: {  	[tilespmem:v57+s9+$0x0] =	vst.idx.msk $0xffff, v35  }
0x131: {  	v59 =	vor.u32 $0x2000, v37;
	v35 =	vld.idx.msk [tilespmem:v58+s7+$0x0], $0xffff  }
0x132: {  	v60 =	vor.u32 v18, v33;
	_ =	sdelay $0x3  }
0x133: {  	[tilespmem:v59+s9+$0x0] =	vst.idx.msk $0xffff, v35  }
0x134: {  	v61 =	vor.u32 $0x2080, v37;
	v35 =	vld.idx.msk [tilespmem:v60+s7+$0x0], $0xffff  }
0x135: {  	v62 =	vor.u32 v19, v33;
	_ =	sdelay $0x3  }
0x136: {  	[tilespmem:v61+s9+$0x0] =	vst.idx.msk $0xffff, v35  }
0x137: {  	v63 =	vor.u32 $0x2100, v37;
	v35 =	vld.idx.msk [tilespmem:v62+s7+$0x0], $0xffff  }
0x138: {  	v40 =	vor.u32 v20, v33;
	_ =	sdelay $0x3  }
0x139: {  	[tilespmem:v63+s9+$0x0] =	vst.idx.msk $0xffff, v35  }
0x13a: {  	v41 =	vor.u32 $0x2180, v37;
	v35 =	vld.idx.msk [tilespmem:v40+s7+$0x0], $0xffff  }
0x13b: {  	v42 =	vor.u32 v21, v33;
	_ =	sdelay $0x3  }
0x13c: {  	[tilespmem:v41+s9+$0x0] =	vst.idx.msk $0xffff, v35  }
0x13d: {  	v43 =	vor.u32 $0x2200, v37;
	v35 =	vld.idx.msk [tilespmem:v42+s7+$0x0], $0xffff  }
0x13e: {  	v44 =	vor.u32 v22, v33;
	_ =	sdelay $0x3  }
0x13f: {  	[tilespmem:v43+s9+$0x0] =	vst.idx.msk $0xffff, v35  }
0x140: {  	v45 =	vor.u32 $0x2280, v37;
	v35 =	vld.idx.msk [tilespmem:v44+s7+$0x0], $0xffff  }
0x141: {  	v46 =	vor.u32 v23, v33;
	_ =	sdelay $0x3  }
0x142: {  	[tilespmem:v45+s9+$0x0] =	vst.idx.msk $0xffff, v35  }
0x143: {  	v47 =	vor.u32 $0x2300, v37;
	v35 =	vld.idx.msk [tilespmem:v46+s7+$0x0], $0xffff  }
0x144: {  	v48 =	vor.u32 v24, v33;
	_ =	sdelay $0x3  }
0x145: {  	[tilespmem:v47+s9+$0x0] =	vst.idx.msk $0xffff, v35  }
0x146: {  	v49 =	vor.u32 $0x2380, v34;
	v35 =	vld.idx.msk [tilespmem:v48+s7+$0x0], $0xffff  }
0x147: {  	v50 =	vor.u32 v25, v33;
	_ =	sdelay $0x3  }
0x148: {  	[tilespmem:v49+s9+$0x0] =	vst.idx.msk $0xffff, v35  }
0x149: {  	v51 =	vor.u32 $0x3000, v37;
	v35 =	vld.idx.msk [tilespmem:v50+s7+$0x0], $0xffff  }
0x14a: {  	v52 =	vor.u32 v26, v33;
	_ =	sdelay $0x3  }
0x14b: {  	[tilespmem:v51+s9+$0x0] =	vst.idx.msk $0xffff, v35  }
0x14c: {  	v53 =	vor.u32 $0x3080, v37;
	v35 =	vld.idx.msk [tilespmem:v52+s7+$0x0], $0xffff  }
0x14d: {  	v54 =	vor.u32 v27, v33;
	_ =	sdelay $0x3  }
0x14e: {  	[tilespmem:v53+s9+$0x0] =	vst.idx.msk $0xffff, v35  }
0x14f: {  	v55 =	vor.u32 $0x3100, v37;
	v35 =	vld.idx.msk [tilespmem:v54+s7+$0x0], $0xffff  }
0x150: {  	v56 =	vor.u32 v28, v33;
	_ =	sdelay $0x3  }
0x151: {  	[tilespmem:v55+s9+$0x0] =	vst.idx.msk $0xffff, v35  }
0x152: {  	v57 =	vor.u32 $0x3180, v37;
	v35 =	vld.idx.msk [tilespmem:v56+s7+$0x0], $0xffff  }
0x153: {  	v58 =	vor.u32 v29, v33;
	_ =	sdelay $0x3  }
0x154: {  	[tilespmem:v57+s9+$0x0] =	vst.idx.msk $0xffff, v35  }
0x155: {  	v59 =	vor.u32 $0x3200, v37;
	v35 =	vld.idx.msk [tilespmem:v58+s7+$0x0], $0xffff  }
0x156: {  	v60 =	vor.u32 v30, v33;
	_ =	sdelay $0x3  }
0x157: {  	[tilespmem:v59+s9+$0x0] =	vst.idx.msk $0xffff, v35  }
0x158: {  	v61 =	vor.u32 $0x3280, v37;
	v35 =	vld.idx.msk [tilespmem:v60+s7+$0x0], $0xffff  }
0x159: {  	v62 =	vor.u32 v31, v33;
	_ =	sdelay $0x3  }
0x15a: {  	[tilespmem:v61+s9+$0x0] =	vst.idx.msk $0xffff, v35  }
0x15b: {  	v63 =	vor.u32 $0x3300, v37;
	v35 =	vld.idx.msk [tilespmem:v62+s7+$0x0], $0xffff  }
0x15c: {  	v33 =	vor.u32 v32, v33;
	_ =	sdelay $0x3  }
0x15d: {  	[tilespmem:v63+s9+$0x0] =	vst.idx.msk $0xffff, v35  }
0x15e: {  	p0 =	sne.s32 s14, $0x1F0;
	v34 =	vor.u32 $0x3380, v34;
	v33 =	vld.idx.msk [tilespmem:v33+s7+$0x0], $0xffff  }
.Ltmp0:
0x15f: {  	_ = 	snop;
	(pc) =	sbr.rel @p0 .LBB2_2-.Ltmp0, $2  }
0x160: {  	_ =	sdelay $0x2  }
0x161: {  	s13 =	sadd.s32 $0x10, s13;
	s14 =	sadd.s32 $0x10, s14;
	[tilespmem:v34+s9+$0x0] =	vst.idx.msk $0xffff, v33  }
0x162: {  	s12 =	sadd.s32 $0x1, s12  }
0x163: {  	p0 =	sne.s32 s12, s5  }
.Ltmp1:
0x164: {  	_ = 	snop;
	(pc) =	sbr.rel @p0 .LBB2_1-.Ltmp1, $4  }
0x165: {  	[hbm4b:s4+s10] =	stream.strided.scatter [tilespmem:s9], [sflag:$0x2], $0x4000, s11, s10, $0x38;
	[tilespmem:$0x14200] =	vst v63  }
0x166: {  	_ =	swait.ge [sflag:s6], $0x4000  }
0x167: {  	[sflag:s6] =	ssyncset.done $0x0  }
0x168: {  	[sflag:s6] =	ssyncadd.s32 $0xFFFFC000  }
0x169: {  	_ =	sfence.sel $0x180000  }
0x16a: {  	[bflag:$0x0] =	sbarrier.arrive $0xFFFF  }
0x16b: {  	p0 =	sne.s32 s2, $0x0;
	_ =	strace $0x9000004A  }
0x16c: {  	s0 =	sadd.s32 @!p0 $0x100000, s0;
	[bflag:$0x2] =	sbarrier.arrive $0xFFFF  }
0x16d: {  	[sflag:s0] =	ssyncadd.tile.s32 @!p0 $0x1;
	_ =	shalt  }
.Lfunc_end2:
_tile_overlayer_lowered:
.L_overlay_start_2:
0x16e: {  	(tag) =	ssettag $0x2  }
0x16f: {  	s0 =	rddreg [dreg:$0x0];
	s2 =	stileid.u32  }
0x170: {  	s1 =	rddreg [dreg:$0x1];
	p0 =	sne.s32 s2, $0x0  }
0x171: {  	s3 =	rddreg [dreg:$0x2];
	[bflag:$0x3] =	sbarrier.arrive $0xFFFF;
	s2 =	simm.s32 @!p0 $0x1C02  }
0x172: {  	[timem:s3], [sflag:s2] =	dma.local @!p0 [hbm:s0], s1  }
0x173: {  	s0 =	simm.s32 @!p0 $0x2  }
0x174: {  	_ =	swait.ge @!p0 [sflag:s0], s1  }
0x175: {  	s1 =	ssub.s32 @!p0 $0x0, s1;
	[sflag:s0] =	ssyncset.done @!p0 $0x0  }
0x176: {  	[sflag:s0] =	ssyncadd.s32 @!p0 s1  }
0x177: {  	[bflag:$0x3] =	sbarrier.arrive $0xFFFF  }
0x178: {  	_ =	shalt  }

// kernel: kernel.8.cloned.1.call-start
scs
__scs_entry_jumppad:
0x0: {  	(pc) =	sbr.rel $0x88, $3  }
0x1: {  	(tag) =	ssettag $0x0;
	lr =	simm.s32 $0x1  }
0x2: {  	[smem:$0x3F8E] =	sst lr;
	_ =	strace $0xD0000000  }
0x3: {  	_ = 	snop  }
0x4: {  	_ = 	snop  }
0x5: {  	_ = 	snop  }
0x6: {  	_ = 	snop  }
0x7: {  	_ = 	snop  }
__scs_overlays_trampoline_lowered:
0x8: {  	[smem:$0x3F9D] =	sst s0  }
0x9: {  	[smem:$0x3F9E] =	sst s1  }
0xa: {  	[smem:$0x3F9F] =	sst s2  }
0xb: {  	[smem:$0x3FA0] =	sst s3  }
0xc: {  	[smem:$0x3FA1] =	sst s4  }
0xd: {  	[smem:$0x3FA2] =	sst s5  }
0xe: {  	[smem:$0x3FA3] =	sst s6  }
0xf: {  	[smem:$0x3FA4] =	sst s7  }
0x10: {  	[smem:$0x3FA5] =	sst s8  }
0x11: {  	[smem:$0x3FA6] =	sst s9;
	s0 =	simm.s32 @!p0 $0x0  }
0x12: {  	s1 =	sld [smem:$0x3F8C];
	s0 =	simm.s32 @p0 $0x1  }
0x13: {  	[smem:$0x3FA7] =	sst s0;
	s0 =	simm.s32 @!p1 $0x0  }
0x14: {  	s2 =	sld [smem:$0x3F8B];
	s0 =	simm.s32 @p1 $0x1  }
0x15: {  	[smem:$0x3FA8] =	sst s0;
	s0 =	simm.s32 @!p2 $0x0  }
0x16: {  	s3 =	sld [smem:$0x3FDB];
	s0 =	simm.s32 @p2 $0x1  }
0x17: {  	s4 =	simm.s32 $0x1BF5;
	[smem:$0x3FAA] =	sst s0  }
0x18: {  	s0 =	sld [smem:$0x3F8D];
	_ =	swait.ge [sflag:s4], $0x0  }
0x19: {  	s7 =	sld [smem:$0x3F8E]  }
0x1a: {  	s8 =	sadd.s32 $0xFFFFE003, lr  }
0x1b: {  	s9 =	sadd.s32 $0xFFFFFEF7, lr;
	s5 =	simm.s32 $0xFFFFFFFF;
	p2 =	slt.u32 s8, $0xFFFFF086  }
0x1c: {  	p1 =	slt.u32 s9, $0xF7A;
	s5 =	simm.s32 @!p2 $0x0  }
0x1d: {  	s5 =	simm.s32 @p1 $0x1;
	p0 =	seq.s32 s7, s2  }
0x1e: {  	s7 =	smul.u32 @!p0 $0xF7A, s2;
	p2 =	seq.s32 @!p0 s5, $0x0  }
0x1f: {  	s9 =	smul.u32 $0xF7A, s1;
	s8 =	simm.s32 @!p0 $0x1BF5;
	p2 =	por !p2, p0  }
0x20: {  	[sflag:s8] =	ssyncset.s32 @!p0 $0xFFFFF086;
	s6 =	sadd.s32 @!p0 s3, s7;
	s7 =	simm.s32 @!p0 $0x108  }
0x21: {  	s3 =	sadd.s32 s3, s9;
	s6 =	sadd.s32 @!p0 $0x88, s6;
	s7 =	simm.s32 @p2 $0x1082  }
0x22: {  	[simem:s7], [sflag:s8] =	dma.local @!p0 [hbm:s6], $0xF7A  }
0x23: {  	s9 =	sor.u32 $0xD0000000, s2;
	s6 =	simm.s32 $0x108;
	_ =	swait.ge @!p0 [sflag:s8], $0x0  }
0x24: {  	s3 =	sadd.s32 $0x88, s3;
	s6 =	simm.s32 @!p1 $0x1082;
	[sflag:s4] =	ssyncset.s32 $0xFFFFF086  }
0x25: {  	[simem:s6], [sflag:s4] =	dma.local [hbm:s3], $0xF7A  }
0x26: {  	[smem:$0x3F8E] =	sst s1;
	(tag) =	ssettag s2;
	_ =	strace s9  }
0x27: {  	s1 =	sld [smem:$0x3F9E]  }
0x28: {  	s2 =	sld [smem:$0x3F9F]  }
0x29: {  	s4 =	sld [smem:$0x3FA1]  }
0x2a: {  	p0 =	seq.s32 s5, $0x0;
	s5 =	sld [smem:$0x3FA2]  }
0x2b: {  	s6 =	sld [smem:$0x3FA3]  }
0x2c: {  	s7 =	sld [smem:$0x3FA4]  }
0x2d: {  	s3 =	simm.s32 $0x108;
	s8 =	sld [smem:$0x3FA5]  }
0x2e: {  	s3 =	simm.s32 @!p0 $0x1082;
	s9 =	sld [smem:$0x3FA6]  }
0x2f: {  	lr =	sadd.s32 s0, s3;
	s0 =	sld [smem:$0x3F9D]  }
0x30: {  	s3 =	sld [smem:$0x3FA0]  }
0x31: {  	[smem:$0x3FA9] =	sst s10  }
0x32: {  	s10 =	sld [smem:$0x3FA7];
	_ =	sdelay $0x3  }
0x33: {  	p0 =	seq.s32 s10, $0x1;
	s10 =	sld [smem:$0x3FA9];
	_ =	sdelay $0x3  }
0x34: {  	[smem:$0x3FA9] =	sst s10  }
0x35: {  	s10 =	sld [smem:$0x3FA8];
	_ =	sdelay $0x3  }
0x36: {  	p1 =	seq.s32 s10, $0x1;
	s10 =	sld [smem:$0x3FA9];
	_ =	sdelay $0x3  }
0x37: {  	[smem:$0x3FA9] =	sst s10  }
0x38: {  	s10 =	sld [smem:$0x3FAA]  }
0x39: {  	_ = 	snop;
	(pc) =	sbr.ind lr, $3  }
0x3a: {  	_ = 	snop  }
0x3b: {  	_ = 	snop  }
0x3c: {  	p2 =	seq.s32 s10, $0x1;
	s10 =	sld [smem:$0x3FA9]  }
0x3d: {  	_ =	shalt  }
0x3e: {  	_ =	shalt  }
0x3f: {  	_ =	shalt  }
0x40: {  	_ =	shalt  }
0x41: {  	_ =	shalt  }
0x42: {  	_ =	shalt  }
0x43: {  	_ =	shalt  }
0x44: {  	_ =	shalt  }
0x45: {  	_ =	shalt  }
0x46: {  	_ =	shalt  }
0x47: {  	_ =	shalt  }
0x48: {  	_ =	shalt  }
0x49: {  	_ =	shalt  }
0x4a: {  	_ =	shalt  }
0x4b: {  	_ =	shalt  }
0x4c: {  	_ =	shalt  }
0x4d: {  	_ =	shalt  }
0x4e: {  	_ =	shalt  }
0x4f: {  	_ =	shalt  }
0x50: {  	_ =	shalt  }
0x51: {  	_ =	shalt  }
0x52: {  	_ =	shalt  }
0x53: {  	_ =	shalt  }
0x54: {  	_ =	shalt  }
0x55: {  	_ =	shalt  }
0x56: {  	_ =	shalt  }
0x57: {  	_ =	shalt  }
0x58: {  	_ =	shalt  }
0x59: {  	_ =	shalt  }
0x5a: {  	_ =	shalt  }
0x5b: {  	_ =	shalt  }
0x5c: {  	_ =	shalt  }
0x5d: {  	_ =	shalt  }
0x5e: {  	_ =	shalt  }
0x5f: {  	_ =	shalt  }
0x60: {  	_ =	shalt  }
0x61: {  	_ =	shalt  }
0x62: {  	_ =	shalt  }
0x63: {  	_ =	shalt  }
0x64: {  	_ =	shalt  }
0x65: {  	_ =	shalt  }
0x66: {  	_ =	shalt  }
0x67: {  	_ =	shalt  }
0x68: {  	_ =	shalt  }
0x69: {  	_ =	shalt  }
0x6a: {  	_ =	shalt  }
0x6b: {  	_ =	shalt  }
0x6c: {  	_ =	shalt  }
0x6d: {  	_ =	shalt  }
0x6e: {  	_ =	shalt  }
0x6f: {  	_ =	shalt  }
0x70: {  	_ =	shalt  }
0x71: {  	_ =	shalt  }
0x72: {  	_ =	shalt  }
0x73: {  	_ =	shalt  }
0x74: {  	_ =	shalt  }
0x75: {  	_ =	shalt  }
0x76: {  	_ =	shalt  }
0x77: {  	_ =	shalt  }
0x78: {  	_ =	shalt  }
0x79: {  	_ =	shalt  }
0x7a: {  	_ =	shalt  }
0x7b: {  	_ =	shalt  }
0x7c: {  	_ =	shalt  }
0x7d: {  	_ =	shalt  }
0x7e: {  	_ =	shalt  }
0x7f: {  	_ =	shalt  }
0x80: {  	_ =	shalt  }
0x81: {  	_ =	shalt  }
0x82: {  	_ =	shalt  }
0x83: {  	_ =	shalt  }
0x84: {  	_ =	shalt  }
0x85: {  	_ =	shalt  }
0x86: {  	_ =	shalt  }
0x87: {  	_ =	shalt  }
.Lfunc_end0:
.L_simem_size_0:
called_computation.1_lowered:
.L_overlay_start_0:
0x88: {  	s2 =	sld [smem:$0x3FD9]  }
0x89: {  	s3 =	sld [smem:$0x3FFE];
	_ =	sdelay $0x1  }
0x8a: {  	s1 =	srdreg.scid  }
0x8b: {  	s0 =	sand.u32 $0x1, s1  }
0x8c: {  	s17 =	sshll.u32 s0, $0xA;
	s2 =	sadd.s32 s3, s2  }
0x8d: {  	s2 =	sadd.s32 s2, s17  }
0x8e: {  	[smem:$0x3FB5] =	sst s2  }
0x8f: {  	_ = 	snop  }
0x90: {  	s2 =	sld [smem:$0x3FC8]  }
0x91: {  	s18 =	sld [smem:$0x3FC7]  }
0x92: {  	s4 =	sld [smem:$0x3FC6];
	(tm) =	ssettm $0x1  }
0x93: {  	s5 =	sld [smem:$0x3FFB];
	_ =	sdelay $0x3  }
0x94: {  	_ =	strace s5  }
0x95: {  	s5 =	sld [smem:$0x3FFC];
	_ =	sdelay $0x3  }
0x96: {  	_ =	strace s5  }
0x97: {  	s5 =	sld [smem:$0x3FFD];
	_ =	sdelay $0x3  }
0x98: {  	_ =	strace s5  }
0x99: {  	_ =	strace $0x8FFFFFFF  }
0x9a: {  	s19 =	sld [smem:$0x3FDB];
	_ =	sdelay $0x1  }
0x9b: {  	s6 =	simm.s32 $_scs_section_size  }
0x9c: {  	s7 =	simm.s32 $_size__tile_overlayer_lowered;
	s8 =	simm.s32 $_tile_overlayer_lowered  }
0x9d: {  	s22 =	simm.s32 $0x1BFF;
	s21 =	sshll.u32 s8, $0x1;
	s5 =	sadd.s32 s6, s19  }
0x9e: {  	s9 =	simm.s32 $0x0;
	s20 =	sshll.u32 s7, $0x1;
	s7 =	sadd.s32 s21, s5  }
0x9f: {  	[timem:s9], [sflag:s22] =	dma.local [hbm:s7], s20  }
0xa0: {  	_ =	swait.ge [sflag:s22], s20  }
0xa1: {  	s6 =	ssub.s32 $0x0, s20;
	[sflag:s22] =	ssyncset.done $0x0  }
0xa2: {  	[sflag:s22] =	ssyncadd.s32 s6;
	_ =	sdelay $0x1  }
0xa3: {  	s23 =	simm.s32 $0x1B8B  }
0xa4: {  	_ =	swait.ge [sflag:s23], $0x1  }
0xa5: {  	[sflag:s23] =	ssyncset.done $0x0  }
0xa6: {  	s25 =	simm.s32 $0x1B8E;
	s24 =	sld [smem:$0x3FFE];
	[sflag:s23] =	ssyncadd.s32 $0xFFFFFFFF  }
0xa7: {  	s26 =	simm.s32 $execute0_lowered;
	[smem:$0x3FD2] =	sst s25  }
0xa8: {  	s7 =	sshll.u32 s26, $0x1;
	_ =	strace $0x80000046;
	[dreg:$0x1] =	wrdreg $0xFFFFFFFF  }
0xa9: {  	s28 =	simm.s32 $_size_execute0_lowered;
	s5 =	sadd.s32 s5, s7;
	[dreg:$0x0] =	wrdreg $0x0  }
0xaa: {  	s7 =	sshll.u32 s28, $0x1;
	[dreg:$0x2] =	wrdreg s5  }
0xab: {  	[dreg:$0x3] =	wrdreg s7  }
0xac: {  	[dreg:$0x4] =	wrdreg $0xC0  }
0xad: {  	_ =	task [dreg:s9], $0x5FFFF  }
0xae: {  	[dreg:$0x1] =	wrdreg $0xFFFFFFFF  }
0xaf: {  	[dreg:$0x0] =	wrdreg $0x60  }
0xb0: {  	[dreg:$0x2] =	wrdreg s24  }
0xb1: {  	[dreg:$0x3] =	wrdreg s2  }
0xb2: {  	[dreg:$0x4] =	wrdreg s18  }
0xb3: {  	[dreg:$0x5] =	wrdreg s4  }
0xb4: {  	[dreg:$0x6] =	wrdreg $0xA  }
0xb5: {  	_ =	task.clear_ibuf [dreg:s9], $0x7FFFF;
	_ =	strace $0x90000046  }
0xb6: {  	s29 =	simm.s32 $0xA;
	_ =	strace $0x80000048  }
0xb7: {  	_ =	swait.ge [sflag:s29], $0x1  }
0xb8: {  	[sflag:s29] =	ssyncadd.s32 $0xFFFFFFFF  }
0xb9: {  	_ =	strace $0x90000048  }
0xba: {  	_ =	sfence  }
0xbb: {  	s30 =	sld [smem:$0x0];
	_ =	sdelay $0x2  }
0xbc: {  	s31 =	sshll.u32 s1, $0xD;
	s1 =	sshrl.u32 s1, $0x2  }
0xbd: {  	s3 =	sand.u32 $0x4000, s31;
	s1 =	sadd.s32 s1, s30  }
0xbe: {  	s0 =	sor.u32 s3, s0;
	s1 =	sshll.u32 s1, $0x11  }
0xbf: {  	s0 =	sor.u32 s1, s0  }
0xc0: {  	s0 =	sadd.s32 $0x8F2B, s0  }
0xc1: {  	[sflag:s0] =	ssyncadd.remote.s32 $0x1  }
0xc2: {  	_ =	sfence.sel $0xFFFF  }
0xc3: {  	[dreg:$0x0] =	wrdreg $0xFFFFFFFF;
	(pc) =	sbr.abs _section_cstart, $3  }
0xc4: {  	[dreg:$0x1] =	wrdreg $0xFFFFFFFF  }
0xc5: {  	_ =	task.clear_ibuf [dreg:s9], $0x2FFFF;
	_ =	strace $0x9FFFFFFF  }
0xc6: {  	(tm) =	ssettm $0x7FFFFFFF  }
0xc7: {  	_ =	shalt  }
tec
execute0_lowered:
.L_overlay_start_1:
0x0: {  	(tag) =	ssettag $0x1  }
0x1: {  	s6 =	rddreg [dreg:$0x0]  }
0x2: {  	s8 =	rddreg [dreg:$0x1]  }
0x3: {  	s10 =	rddreg [dreg:$0x2]  }
0x4: {  	s7 =	rddreg [dreg:$0x3]  }
0x5: {  	s0 =	rddreg [dreg:$0x4]  }
0x6: {  	s2 =	simm.s32 $0x0;
	s3 =	srdreg.scid;
	s1 =	stileid.u32  }
0x7: {  	s15 =	simm.s32 $0x400;
	s16 =	simm.s32 $0x1;
	s17 =	simm.s32 $0x10400  }
0x8: {  	s18 =	simm.s32 $0x1000;
	s19 =	simm.s32 $0x20000;
	s20 =	simm.s32 $0x14400  }
0x9: {  	s21 =	simm.s32 $0x0;
	[smem:$0x7FF] =	sst s2;
	s5 =	sand.u32 $0x1, s3  }
0xa: {  	s3 =	sadd.s32 $0x2E00, s6;
	s9 =	sshll.u32 s1, $0xA;
	s4 =	sadd.s32 $0x3600, s6  }
0xb: {  	_ =	strace $0x80000047;
	s11 =	sshll.u32 s5, $0x9;
	s31 =	ssub.s32 $0x2, s5  }
0xc: {  	s5 =	sadd.s32 $0x189800, s6;
	s9 =	sor.u32 s11, s9;
	s12 =	sshrl.u32 s31, $0x1  }
0xd: {  	s13 =	sshrl.u32 s9, $0x3;
	s14 =	sadd.s32 s9, s6;
	s12 =	ssub.s32 s31, s12  }
0xe: {  	s6 =	sadd.s32 s7, s13;
	s7 =	sadd.s32 $0x3E00, s14;
	s8 =	sadd.s32 s8, s13  }
0xf: {  	s9 =	sadd.s32 $0x13E00, s14;
	s10 =	sadd.s32 s10, s13;
	s11 =	sadd.s32 $0x1BE00, s14  }
0x10: {  	v0 =	vlaneseq.u32;
	s12 =	smax.u32 s12, $0x1;
	s13 =	simm.s32 $0x2;
	s14 =	simm.s32 $0x200  }
.LBB2_1:
0x11: {  	[tilespmem:s2], [sflag:$0x2] =	stream.linear.gather [hbm4b:s6+s2], $0x200, $0x38;
	[tilespmem:$0x16400] =	vst v63  }
0x12: {  	_ =	swait.ge [sflag:s13], $0x200  }
0x13: {  	[sflag:s13] =	ssyncset.done $0x0  }
0x14: {  	[sflag:s13] =	ssyncadd.s32 $0xFFFFFE00  }
0x15: {  	v1 =	vld [tilespmem:$0x0]  }
0x16: {  	v2 =	vld [tilespmem:$0x10]  }
0x17: {  	v3 =	vld [tilespmem:$0x20]  }
0x18: {  	v4 =	vld [tilespmem:$0x30]  }
0x19: {  	v5 =	vld [tilespmem:$0x40]  }
0x1a: {  	v6 =	vld [tilespmem:$0x50];
	v1 =	vshrl.u32 v1, $0x2  }
0x1b: {  	[tilespmem:$0x200] =	vst v1;
	v1 =	vshrl.u32 v2, $0x2;
	v2 =	vld [tilespmem:$0x60]  }
0x1c: {  	[tilespmem:$0x210] =	vst v1;
	v1 =	vshrl.u32 v3, $0x2;
	v3 =	vld [tilespmem:$0x70]  }
0x1d: {  	v44 =	vld [tilespmem:$0x80];
	[tilespmem:$0x220] =	vst v1;
	v1 =	vshrl.u32 v4, $0x2  }
0x1e: {  	v45 =	vld [tilespmem:$0x90];
	[tilespmem:$0x230] =	vst v1;
	v1 =	vshrl.u32 v5, $0x2  }
0x1f: {  	v46 =	vld [tilespmem:$0xA0];
	[tilespmem:$0x240] =	vst v1;
	v1 =	vshrl.u32 v6, $0x2  }
0x20: {  	[tilespmem:$0x250] =	vst v1;
	v1 =	vshrl.u32 v2, $0x2;
	v2 =	vld [tilespmem:$0xB0]  }
0x21: {  	[tilespmem:$0x260] =	vst v1;
	v1 =	vshrl.u32 v3, $0x2;
	v3 =	vld [tilespmem:$0xC0]  }
0x22: {  	v47 =	vld [tilespmem:$0xD0];
	[tilespmem:$0x270] =	vst v1;
	v1 =	vshrl.u32 v44, $0x2  }
0x23: {  	v48 =	vld [tilespmem:$0xE0];
	[tilespmem:$0x280] =	vst v1;
	v1 =	vshrl.u32 v45, $0x2  }
0x24: {  	v49 =	vld [tilespmem:$0xF0];
	[tilespmem:$0x290] =	vst v1;
	v1 =	vshrl.u32 v46, $0x2  }
0x25: {  	[tilespmem:$0x2A0] =	vst v1;
	v1 =	vshrl.u32 v2, $0x2;
	v2 =	vld [tilespmem:$0x100]  }
0x26: {  	[tilespmem:$0x2B0] =	vst v1;
	v1 =	vshrl.u32 v3, $0x2;
	v3 =	vld [tilespmem:$0x110]  }
0x27: {  	v50 =	vld [tilespmem:$0x120];
	[tilespmem:$0x2C0] =	vst v1;
	v1 =	vshrl.u32 v47, $0x2  }
0x28: {  	v51 =	vld [tilespmem:$0x130];
	[tilespmem:$0x2D0] =	vst v1;
	v1 =	vshrl.u32 v48, $0x2  }
0x29: {  	v52 =	vld [tilespmem:$0x140];
	[tilespmem:$0x2E0] =	vst v1;
	v1 =	vshrl.u32 v49, $0x2  }
0x2a: {  	[tilespmem:$0x2F0] =	vst v1;
	v1 =	vshrl.u32 v2, $0x2;
	v2 =	vld [tilespmem:$0x150]  }
0x2b: {  	[tilespmem:$0x300] =	vst v1;
	v1 =	vshrl.u32 v3, $0x2;
	v3 =	vld [tilespmem:$0x160]  }
0x2c: {  	v53 =	vld [tilespmem:$0x170];
	[tilespmem:$0x310] =	vst v1;
	v1 =	vshrl.u32 v50, $0x2  }
0x2d: {  	v54 =	vld [tilespmem:$0x180];
	[tilespmem:$0x320] =	vst v1;
	v1 =	vshrl.u32 v51, $0x2  }
0x2e: {  	v55 =	vld [tilespmem:$0x190];
	[tilespmem:$0x330] =	vst v1;
	v1 =	vshrl.u32 v52, $0x2  }
0x2f: {  	[tilespmem:$0x340] =	vst v1;
	v1 =	vshrl.u32 v2, $0x2;
	v2 =	vld [tilespmem:$0x1A0]  }
0x30: {  	[tilespmem:$0x350] =	vst v1;
	v1 =	vshrl.u32 v3, $0x2;
	v3 =	vld [tilespmem:$0x1B0]  }
0x31: {  	v56 =	vld [tilespmem:$0x1C0];
	[tilespmem:$0x360] =	vst v1;
	v1 =	vshrl.u32 v53, $0x2  }
0x32: {  	v57 =	vld [tilespmem:$0x1D0];
	[tilespmem:$0x370] =	vst v1;
	v1 =	vshrl.u32 v54, $0x2  }
0x33: {  	v58 =	vld [tilespmem:$0x1E0];
	[tilespmem:$0x380] =	vst v1;
	v1 =	vshrl.u32 v55, $0x2  }
0x34: {  	[tilespmem:$0x390] =	vst v1;
	v1 =	vshrl.u32 v2, $0x2;
	v2 =	vld [tilespmem:$0x1F0]  }
0x35: {  	[tilespmem:$0x3A0] =	vst v1;
	v1 =	vshrl.u32 v3, $0x2  }
0x36: {  	[tilespmem:$0x3B0] =	vst v1;
	v1 =	vshrl.u32 v56, $0x2  }
0x37: {  	[tilespmem:$0x3C0] =	vst v1;
	v1 =	vshrl.u32 v57, $0x2  }
0x38: {  	[tilespmem:$0x3D0] =	vst v1;
	v1 =	vshrl.u32 v58, $0x2  }
0x39: {  	[tilespmem:$0x3E0] =	vst v1;
	v1 =	vshrl.u32 v2, $0x2  }
0x3a: {  	[tilespmem:$0x3F0] =	vst v1  }
0x3b: {  	[tilespmem:s15], [sflag:$0x1] =	stream.indirect.gather [hbm4b:s5+s14], $0x80, s14, s14, $0xb8;
	[tilespmem:$0x16400] =	vst v63  }
0x3c: {  	_ =	swait.ge [sflag:s16], $0x10000  }
0x3d: {  	[sflag:s16] =	ssyncset.done $0x0  }
0x3e: {  	[sflag:s16] =	ssyncadd.s32 $0xFFFF0000  }
0x3f: {  	v1 =	vld [tilespmem:s2+$0x0];
	_ =	sdelay $0x4  }
0x40: {  	v2 =	vor.u32 s2, v0;
	v1 =	vshll.u32 v1, $0x5  }
0x41: {  	v3 =	vshll.u32 v2, $0x7;
	v1 =	vand.u32 $0x60, v1  }
0x42: {  	v1 =	vor.u32 v3, v1;
	_ =	sdelay $0x1  }
0x43: {  	v3 =	vmov s2  }
0x44: {  	v3 =	vshll.u32 v3, $0x3  }
0x45: {  	v2 =	vand.u32 $0x7F, v2;
	v59 =	vand.u32 $0xC00, v3  }
0x46: {  	v4 =	vor.u32 v2, v59;
	v60 =	vld.idx.msk [tilespmem:v1+s15+$0x0], $0xffff  }
0x47: {  	v61 =	vor.u32 $0x1, v1;
	_ =	sdelay $0x3  }
0x48: {  	[tilespmem:v4+s17+$0x0] =	vst.idx.msk $0xffff, v60  }
0x49: {  	v62 =	vor.u32 $0x80, v4;
	v5 =	vld.idx.msk [tilespmem:v61+s15+$0x0], $0xffff  }
0x4a: {  	v7 =	vor.u32 $0x2, v1;
	_ =	sdelay $0x3  }
0x4b: {  	[tilespmem:v62+s17+$0x0] =	vst.idx.msk $0xffff, v5  }
0x4c: {  	v63 =	vor.u32 $0x100, v4;
	v5 =	vld.idx.msk [tilespmem:v7+s15+$0x0], $0xffff  }
0x4d: {  	v9 =	vor.u32 $0x3, v1;
	_ =	sdelay $0x3  }
0x4e: {  	[tilespmem:v63+s17+$0x0] =	vst.idx.msk $0xffff, v5  }
0x4f: {  	v10 =	vor.u32 $0x180, v4;
	v5 =	vld.idx.msk [tilespmem:v9+s15+$0x0], $0xffff  }
0x50: {  	v11 =	vor.u32 $0x4, v1;
	_ =	sdelay $0x3  }
0x51: {  	[tilespmem:v10+s17+$0x0] =	vst.idx.msk $0xffff, v5  }
0x52: {  	v12 =	vor.u32 $0x200, v4;
	v5 =	vld.idx.msk [tilespmem:v11+s15+$0x0], $0xffff  }
0x53: {  	v13 =	vor.u32 $0x5, v1;
	_ =	sdelay $0x3  }
0x54: {  	[tilespmem:v12+s17+$0x0] =	vst.idx.msk $0xffff, v5  }
0x55: {  	v14 =	vor.u32 $0x280, v4;
	v5 =	vld.idx.msk [tilespmem:v13+s15+$0x0], $0xffff  }
0x56: {  	v15 =	vor.u32 $0x6, v1;
	_ =	sdelay $0x3  }
0x57: {  	[tilespmem:v14+s17+$0x0] =	vst.idx.msk $0xffff, v5  }
0x58: {  	v16 =	vor.u32 $0x300, v4;
	v5 =	vld.idx.msk [tilespmem:v15+s15+$0x0], $0xffff  }
0x59: {  	v17 =	vor.u32 $0x7, v1;
	_ =	sdelay $0x3  }
0x5a: {  	v2 =	vor.u32 v3, v2;
	[tilespmem:v16+s17+$0x0] =	vst.idx.msk $0xffff, v5  }
0x5b: {  	v18 =	vor.u32 $0x380, v2;
	v3 =	vld.idx.msk [tilespmem:v17+s15+$0x0], $0xffff  }
0x5c: {  	v19 =	vor.u32 $0x8, v1;
	_ =	sdelay $0x3  }
0x5d: {  	[tilespmem:v18+s17+$0x0] =	vst.idx.msk $0xffff, v3  }
0x5e: {  	v20 =	vor.u32 $0x1000, v4;
	v3 =	vld.idx.msk [tilespmem:v19+s15+$0x0], $0xffff  }
0x5f: {  	v21 =	vor.u32 $0x9, v1;
	_ =	sdelay $0x3  }
0x60: {  	[tilespmem:v20+s17+$0x0] =	vst.idx.msk $0xffff, v3  }
0x61: {  	v22 =	vor.u32 $0x1080, v4;
	v3 =	vld.idx.msk [tilespmem:v21+s15+$0x0], $0xffff  }
0x62: {  	v23 =	vor.u32 $0xA, v1;
	_ =	sdelay $0x3  }
0x63: {  	[tilespmem:v22+s17+$0x0] =	vst.idx.msk $0xffff, v3  }
0x64: {  	v24 =	vor.u32 $0x1100, v4;
	v3 =	vld.idx.msk [tilespmem:v23+s15+$0x0], $0xffff  }
0x65: {  	v25 =	vor.u32 $0xB, v1;
	_ =	sdelay $0x3  }
0x66: {  	[tilespmem:v24+s17+$0x0] =	vst.idx.msk $0xffff, v3  }
0x67: {  	v26 =	vor.u32 $0x1180, v4;
	v3 =	vld.idx.msk [tilespmem:v25+s15+$0x0], $0xffff  }
0x68: {  	v27 =	vor.u32 $0xC, v1;
	_ =	sdelay $0x3  }
0x69: {  	[tilespmem:v26+s17+$0x0] =	vst.idx.msk $0xffff, v3  }
0x6a: {  	v28 =	vor.u32 $0x1200, v4;
	v3 =	vld.idx.msk [tilespmem:v27+s15+$0x0], $0xffff  }
0x6b: {  	v29 =	vor.u32 $0xD, v1;
	_ =	sdelay $0x3  }
0x6c: {  	[tilespmem:v28+s17+$0x0] =	vst.idx.msk $0xffff, v3  }
0x6d: {  	v30 =	vor.u32 $0x1280, v4;
	v3 =	vld.idx.msk [tilespmem:v29+s15+$0x0], $0xffff  }
0x6e: {  	v31 =	vor.u32 $0xE, v1;
	_ =	sdelay $0x3  }
0x6f: {  	[tilespmem:v30+s17+$0x0] =	vst.idx.msk $0xffff, v3  }
0x70: {  	v32 =	vor.u32 $0x1300, v4;
	v3 =	vld.idx.msk [tilespmem:v31+s15+$0x0], $0xffff  }
0x71: {  	v33 =	vor.u32 $0xF, v1;
	_ =	sdelay $0x3  }
0x72: {  	[tilespmem:v32+s17+$0x0] =	vst.idx.msk $0xffff, v3  }
0x73: {  	v34 =	vor.u32 $0x1380, v2;
	v3 =	vld.idx.msk [tilespmem:v33+s15+$0x0], $0xffff  }
0x74: {  	v35 =	vor.u32 $0x10, v1;
	_ =	sdelay $0x3  }
0x75: {  	[tilespmem:v34+s17+$0x0] =	vst.idx.msk $0xffff, v3  }
0x76: {  	v36 =	vor.u32 $0x2000, v4;
	v3 =	vld.idx.msk [tilespmem:v35+s15+$0x0], $0xffff  }
0x77: {  	v37 =	vor.u32 $0x11, v1;
	_ =	sdelay $0x3  }
0x78: {  	[tilespmem:v36+s17+$0x0] =	vst.idx.msk $0xffff, v3  }
0x79: {  	v38 =	vor.u32 $0x2080, v4;
	v3 =	vld.idx.msk [tilespmem:v37+s15+$0x0], $0xffff  }
0x7a: {  	v39 =	vor.u32 $0x12, v1;
	_ =	sdelay $0x3  }
0x7b: {  	[tilespmem:v38+s17+$0x0] =	vst.idx.msk $0xffff, v3  }
0x7c: {  	v40 =	vor.u32 $0x2100, v4;
	v3 =	vld.idx.msk [tilespmem:v39+s15+$0x0], $0xffff  }
0x7d: {  	v41 =	vor.u32 $0x13, v1;
	_ =	sdelay $0x3  }
0x7e: {  	[tilespmem:v40+s17+$0x0] =	vst.idx.msk $0xffff, v3  }
0x7f: {  	v42 =	vor.u32 $0x2180, v4;
	v3 =	vld.idx.msk [tilespmem:v41+s15+$0x0], $0xffff  }
0x80: {  	v43 =	vor.u32 $0x14, v1;
	_ =	sdelay $0x3  }
0x81: {  	[tilespmem:v42+s17+$0x0] =	vst.idx.msk $0xffff, v3  }
0x82: {  	v44 =	vor.u32 $0x2200, v4;
	v3 =	vld.idx.msk [tilespmem:v43+s15+$0x0], $0xffff  }
0x83: {  	v45 =	vor.u32 $0x15, v1;
	_ =	sdelay $0x3  }
0x84: {  	[tilespmem:v44+s17+$0x0] =	vst.idx.msk $0xffff, v3  }
0x85: {  	v46 =	vor.u32 $0x2280, v4;
	v3 =	vld.idx.msk [tilespmem:v45+s15+$0x0], $0xffff  }
0x86: {  	v47 =	vor.u32 $0x16, v1;
	_ =	sdelay $0x3  }
0x87: {  	[tilespmem:v46+s17+$0x0] =	vst.idx.msk $0xffff, v3  }
0x88: {  	v48 =	vor.u32 $0x2300, v4;
	v3 =	vld.idx.msk [tilespmem:v47+s15+$0x0], $0xffff  }
0x89: {  	v49 =	vor.u32 $0x17, v1;
	_ =	sdelay $0x3  }
0x8a: {  	[tilespmem:v48+s17+$0x0] =	vst.idx.msk $0xffff, v3  }
0x8b: {  	v50 =	vor.u32 $0x2380, v2;
	v3 =	vld.idx.msk [tilespmem:v49+s15+$0x0], $0xffff  }
0x8c: {  	v51 =	vor.u32 $0x18, v1;
	_ =	sdelay $0x3  }
0x8d: {  	[tilespmem:v50+s17+$0x0] =	vst.idx.msk $0xffff, v3  }
0x8e: {  	v52 =	vor.u32 $0x3000, v4;
	v3 =	vld.idx.msk [tilespmem:v51+s15+$0x0], $0xffff  }
0x8f: {  	v53 =	vor.u32 $0x19, v1;
	_ =	sdelay $0x3  }
0x90: {  	[tilespmem:v52+s17+$0x0] =	vst.idx.msk $0xffff, v3  }
0x91: {  	v54 =	vor.u32 $0x3080, v4;
	v3 =	vld.idx.msk [tilespmem:v53+s15+$0x0], $0xffff  }
0x92: {  	v55 =	vor.u32 $0x1A, v1;
	_ =	sdelay $0x3  }
0x93: {  	[tilespmem:v54+s17+$0x0] =	vst.idx.msk $0xffff, v3  }
0x94: {  	v56 =	vor.u32 $0x3100, v4;
	v3 =	vld.idx.msk [tilespmem:v55+s15+$0x0], $0xffff  }
0x95: {  	v57 =	vor.u32 $0x1B, v1;
	_ =	sdelay $0x3  }
0x96: {  	[tilespmem:v56+s17+$0x0] =	vst.idx.msk $0xffff, v3  }
0x97: {  	v58 =	vor.u32 $0x3180, v4;
	v3 =	vld.idx.msk [tilespmem:v57+s15+$0x0], $0xffff  }
0x98: {  	v59 =	vor.u32 $0x1C, v1;
	_ =	sdelay $0x3  }
0x99: {  	[tilespmem:v58+s17+$0x0] =	vst.idx.msk $0xffff, v3  }
0x9a: {  	v60 =	vor.u32 $0x3200, v4;
	v3 =	vld.idx.msk [tilespmem:v59+s15+$0x0], $0xffff  }
0x9b: {  	v61 =	vor.u32 $0x1D, v1;
	_ =	sdelay $0x3  }
0x9c: {  	[tilespmem:v60+s17+$0x0] =	vst.idx.msk $0xffff, v3  }
0x9d: {  	v62 =	vor.u32 $0x3280, v4;
	v3 =	vld.idx.msk [tilespmem:v61+s15+$0x0], $0xffff  }
0x9e: {  	v63 =	vor.u32 $0x1E, v1;
	_ =	sdelay $0x3  }
0x9f: {  	[tilespmem:v62+s17+$0x0] =	vst.idx.msk $0xffff, v3  }
0xa0: {  	v4 =	vor.u32 $0x3300, v4;
	v3 =	vld.idx.msk [tilespmem:v63+s15+$0x0], $0xffff  }
0xa1: {  	v1 =	vor.u32 $0x1F, v1;
	_ =	sdelay $0x3  }
0xa2: {  	[tilespmem:v4+s17+$0x0] =	vst.idx.msk $0xffff, v3  }
0xa3: {  	s22 =	simm.s32 $0x10;
	s23 =	simm.s32 $0x0;
	v2 =	vor.u32 $0x3380, v2;
	v1 =	vld.idx.msk [tilespmem:v1+s15+$0x0], $0xffff  }
.LBB2_2:
0xa4: {  	_ =	sdelay $0x2  }
0xa5: {  	p0 =	sne.s32 s22, $0x1F0  }
0xa6: {  	s23 =	sadd.s32 $0x10, s23;
	s24 =	smov.u32 s22;
	s22 =	sadd.s32 $0x10, s22;
	[tilespmem:v2+s17+$0x0] =	vst.idx.msk $0xffff, v1  }
0xa7: {  	v1 =	vld [tilespmem:s23+$0x0];
	_ =	sdelay $0x4  }
0xa8: {  	v2 =	vor.u32 s24, v0;
	v1 =	vshll.u32 v1, $0x5  }
0xa9: {  	v3 =	vshll.u32 v2, $0x7;
	v1 =	vand.u32 $0x60, v1  }
0xaa: {  	v1 =	vor.u32 v3, v1;
	_ =	sdelay $0x2  }
0xab: {  	v3 =	vmov s24  }
0xac: {  	v4 =	vshll.u32 v3, $0x3  }
0xad: {  	v2 =	vand.u32 $0x7F, v2;
	v3 =	vand.u32 $0xC00, v4;
	v5 =	vld.idx.msk [tilespmem:v1+s15+$0x0], $0xffff  }
0xae: {  	v3 =	vor.u32 v2, v3;
	v2 =	vor.u32 v4, v2  }
0xaf: {  	v4 =	vor.u32 $0x1, v1;
	_ =	sdelay $0x3  }
0xb0: {  	[tilespmem:v3+s17+$0x0] =	vst.idx.msk $0xffff, v5  }
0xb1: {  	v4 =	vld.idx.msk [tilespmem:v4+s15+$0x0], $0xffff  }
0xb2: {  	v5 =	vor.u32 $0x80, v3  }
0xb3: {  	v6 =	vor.u32 $0x2, v1;
	_ =	sdelay $0x3  }
0xb4: {  	[tilespmem:v5+s17+$0x0] =	vst.idx.msk $0xffff, v4  }
0xb5: {  	v4 =	vld.idx.msk [tilespmem:v6+s15+$0x0], $0xffff  }
0xb6: {  	v5 =	vor.u32 $0x100, v3  }
0xb7: {  	v6 =	vor.u32 $0x3, v1;
	_ =	sdelay $0x3  }
0xb8: {  	[tilespmem:v5+s17+$0x0] =	vst.idx.msk $0xffff, v4  }
0xb9: {  	v4 =	vld.idx.msk [tilespmem:v6+s15+$0x0], $0xffff  }
0xba: {  	v5 =	vor.u32 $0x180, v3  }
0xbb: {  	v6 =	vor.u32 $0x4, v1;
	_ =	sdelay $0x3  }
0xbc: {  	[tilespmem:v5+s17+$0x0] =	vst.idx.msk $0xffff, v4  }
0xbd: {  	v4 =	vld.idx.msk [tilespmem:v6+s15+$0x0], $0xffff  }
0xbe: {  	v5 =	vor.u32 $0x200, v3  }
0xbf: {  	v6 =	vor.u32 $0x5, v1;
	_ =	sdelay $0x3  }
0xc0: {  	[tilespmem:v5+s17+$0x0] =	vst.idx.msk $0xffff, v4  }
0xc1: {  	v4 =	vld.idx.msk [tilespmem:v6+s15+$0x0], $0xffff  }
0xc2: {  	v5 =	vor.u32 $0x280, v3  }
0xc3: {  	v6 =	vor.u32 $0x6, v1;
	_ =	sdelay $0x3  }
0xc4: {  	[tilespmem:v5+s17+$0x0] =	vst.idx.msk $0xffff, v4  }
0xc5: {  	v4 =	vld.idx.msk [tilespmem:v6+s15+$0x0], $0xffff  }
0xc6: {  	v5 =	vor.u32 $0x300, v3  }
0xc7: {  	v6 =	vor.u32 $0x7, v1;
	_ =	sdelay $0x3  }
0xc8: {  	[tilespmem:v5+s17+$0x0] =	vst.idx.msk $0xffff, v4  }
0xc9: {  	v4 =	vld.idx.msk [tilespmem:v6+s15+$0x0], $0xffff  }
0xca: {  	v5 =	vor.u32 $0x380, v2  }
0xcb: {  	v6 =	vor.u32 $0x8, v1;
	_ =	sdelay $0x3  }
0xcc: {  	[tilespmem:v5+s17+$0x0] =	vst.idx.msk $0xffff, v4  }
0xcd: {  	v4 =	vld.idx.msk [tilespmem:v6+s15+$0x0], $0xffff  }
0xce: {  	v5 =	vor.u32 $0x1000, v3  }
0xcf: {  	v6 =	vor.u32 $0x9, v1;
	_ =	sdelay $0x3  }
0xd0: {  	[tilespmem:v5+s17+$0x0] =	vst.idx.msk $0xffff, v4  }
0xd1: {  	v4 =	vld.idx.msk [tilespmem:v6+s15+$0x0], $0xffff  }
0xd2: {  	v5 =	vor.u32 $0x1080, v3  }
0xd3: {  	v6 =	vor.u32 $0xA, v1;
	_ =	sdelay $0x3  }
0xd4: {  	[tilespmem:v5+s17+$0x0] =	vst.idx.msk $0xffff, v4  }
0xd5: {  	v4 =	vld.idx.msk [tilespmem:v6+s15+$0x0], $0xffff  }
0xd6: {  	v5 =	vor.u32 $0x1100, v3  }
0xd7: {  	v6 =	vor.u32 $0xB, v1;
	_ =	sdelay $0x3  }
0xd8: {  	[tilespmem:v5+s17+$0x0] =	vst.idx.msk $0xffff, v4  }
0xd9: {  	v4 =	vld.idx.msk [tilespmem:v6+s15+$0x0], $0xffff  }
0xda: {  	v5 =	vor.u32 $0x1180, v3  }
0xdb: {  	v6 =	vor.u32 $0xC, v1;
	_ =	sdelay $0x3  }
0xdc: {  	[tilespmem:v5+s17+$0x0] =	vst.idx.msk $0xffff, v4  }
0xdd: {  	v4 =	vld.idx.msk [tilespmem:v6+s15+$0x0], $0xffff  }
0xde: {  	v5 =	vor.u32 $0x1200, v3  }
0xdf: {  	v6 =	vor.u32 $0xD, v1;
	_ =	sdelay $0x3  }
0xe0: {  	[tilespmem:v5+s17+$0x0] =	vst.idx.msk $0xffff, v4  }
0xe1: {  	v4 =	vld.idx.msk [tilespmem:v6+s15+$0x0], $0xffff  }
0xe2: {  	v5 =	vor.u32 $0x1280, v3  }
0xe3: {  	v6 =	vor.u32 $0xE, v1;
	_ =	sdelay $0x3  }
0xe4: {  	[tilespmem:v5+s17+$0x0] =	vst.idx.msk $0xffff, v4  }
0xe5: {  	v4 =	vld.idx.msk [tilespmem:v6+s15+$0x0], $0xffff  }
0xe6: {  	v5 =	vor.u32 $0x1300, v3  }
0xe7: {  	v6 =	vor.u32 $0xF, v1;
	_ =	sdelay $0x3  }
0xe8: {  	[tilespmem:v5+s17+$0x0] =	vst.idx.msk $0xffff, v4  }
0xe9: {  	v4 =	vld.idx.msk [tilespmem:v6+s15+$0x0], $0xffff  }
0xea: {  	v5 =	vor.u32 $0x1380, v2  }
0xeb: {  	v6 =	vor.u32 $0x10, v1;
	_ =	sdelay $0x3  }
0xec: {  	[tilespmem:v5+s17+$0x0] =	vst.idx.msk $0xffff, v4  }
0xed: {  	v4 =	vld.idx.msk [tilespmem:v6+s15+$0x0], $0xffff  }
0xee: {  	v5 =	vor.u32 $0x2000, v3  }
0xef: {  	v6 =	vor.u32 $0x11, v1;
	_ =	sdelay $0x3  }
0xf0: {  	[tilespmem:v5+s17+$0x0] =	vst.idx.msk $0xffff, v4  }
0xf1: {  	v4 =	vld.idx.msk [tilespmem:v6+s15+$0x0], $0xffff  }
0xf2: {  	v5 =	vor.u32 $0x2080, v3  }
0xf3: {  	v6 =	vor.u32 $0x12, v1;
	_ =	sdelay $0x3  }
0xf4: {  	[tilespmem:v5+s17+$0x0] =	vst.idx.msk $0xffff, v4  }
0xf5: {  	v4 =	vld.idx.msk [tilespmem:v6+s15+$0x0], $0xffff  }
0xf6: {  	v5 =	vor.u32 $0x2100, v3  }
0xf7: {  	v6 =	vor.u32 $0x13, v1;
	_ =	sdelay $0x3  }
0xf8: {  	[tilespmem:v5+s17+$0x0] =	vst.idx.msk $0xffff, v4  }
0xf9: {  	v4 =	vld.idx.msk [tilespmem:v6+s15+$0x0], $0xffff  }
0xfa: {  	v5 =	vor.u32 $0x2180, v3  }
0xfb: {  	v6 =	vor.u32 $0x14, v1;
	_ =	sdelay $0x3  }
0xfc: {  	[tilespmem:v5+s17+$0x0] =	vst.idx.msk $0xffff, v4  }
0xfd: {  	v4 =	vld.idx.msk [tilespmem:v6+s15+$0x0], $0xffff  }
0xfe: {  	v5 =	vor.u32 $0x2200, v3  }
0xff: {  	v6 =	vor.u32 $0x15, v1;
	_ =	sdelay $0x3  }
0x100: {  	[tilespmem:v5+s17+$0x0] =	vst.idx.msk $0xffff, v4  }
0x101: {  	v4 =	vld.idx.msk [tilespmem:v6+s15+$0x0], $0xffff  }
0x102: {  	v5 =	vor.u32 $0x2280, v3  }
0x103: {  	v6 =	vor.u32 $0x16, v1;
	_ =	sdelay $0x3  }
0x104: {  	[tilespmem:v5+s17+$0x0] =	vst.idx.msk $0xffff, v4  }
0x105: {  	v4 =	vld.idx.msk [tilespmem:v6+s15+$0x0], $0xffff  }
0x106: {  	v5 =	vor.u32 $0x2300, v3  }
0x107: {  	v6 =	vor.u32 $0x17, v1;
	_ =	sdelay $0x3  }
0x108: {  	[tilespmem:v5+s17+$0x0] =	vst.idx.msk $0xffff, v4  }
0x109: {  	v4 =	vld.idx.msk [tilespmem:v6+s15+$0x0], $0xffff  }
0x10a: {  	v5 =	vor.u32 $0x2380, v2  }
0x10b: {  	v6 =	vor.u32 $0x18, v1;
	_ =	sdelay $0x3  }
0x10c: {  	[tilespmem:v5+s17+$0x0] =	vst.idx.msk $0xffff, v4  }
0x10d: {  	v4 =	vld.idx.msk [tilespmem:v6+s15+$0x0], $0xffff  }
0x10e: {  	v5 =	vor.u32 $0x3000, v3  }
0x10f: {  	v6 =	vor.u32 $0x19, v1;
	_ =	sdelay $0x3  }
0x110: {  	[tilespmem:v5+s17+$0x0] =	vst.idx.msk $0xffff, v4  }
0x111: {  	v4 =	vld.idx.msk [tilespmem:v6+s15+$0x0], $0xffff  }
0x112: {  	v5 =	vor.u32 $0x3080, v3  }
0x113: {  	v6 =	vor.u32 $0x1A, v1;
	_ =	sdelay $0x3  }
0x114: {  	[tilespmem:v5+s17+$0x0] =	vst.idx.msk $0xffff, v4  }
0x115: {  	v4 =	vld.idx.msk [tilespmem:v6+s15+$0x0], $0xffff  }
0x116: {  	v5 =	vor.u32 $0x3100, v3  }
0x117: {  	v6 =	vor.u32 $0x1B, v1;
	_ =	sdelay $0x3  }
0x118: {  	[tilespmem:v5+s17+$0x0] =	vst.idx.msk $0xffff, v4  }
0x119: {  	v4 =	vld.idx.msk [tilespmem:v6+s15+$0x0], $0xffff  }
0x11a: {  	v5 =	vor.u32 $0x3180, v3  }
0x11b: {  	v6 =	vor.u32 $0x1C, v1;
	_ =	sdelay $0x3  }
0x11c: {  	[tilespmem:v5+s17+$0x0] =	vst.idx.msk $0xffff, v4  }
0x11d: {  	v4 =	vld.idx.msk [tilespmem:v6+s15+$0x0], $0xffff  }
0x11e: {  	v5 =	vor.u32 $0x3200, v3  }
0x11f: {  	v6 =	vor.u32 $0x1D, v1;
	_ =	sdelay $0x3  }
0x120: {  	[tilespmem:v5+s17+$0x0] =	vst.idx.msk $0xffff, v4  }
0x121: {  	v4 =	vld.idx.msk [tilespmem:v6+s15+$0x0], $0xffff  }
0x122: {  	v5 =	vor.u32 $0x3280, v3  }
0x123: {  	v6 =	vor.u32 $0x1E, v1;
	_ =	sdelay $0x3  }
0x124: {  	[tilespmem:v5+s17+$0x0] =	vst.idx.msk $0xffff, v4  }
0x125: {  	v4 =	vld.idx.msk [tilespmem:v6+s15+$0x0], $0xffff  }
0x126: {  	v3 =	vor.u32 $0x3300, v3  }
0x127: {  	v1 =	vor.u32 $0x1F, v1;
	_ =	sdelay $0x1  }
.Ltmp0:
0x128: {  	(pc) =	sbr.rel @p0 .LBB2_2-.Ltmp0, $4  }
0x129: {  	_ = 	snop  }
0x12a: {  	[tilespmem:v3+s17+$0x0] =	vst.idx.msk $0xffff, v4  }
0x12b: {  	v1 =	vld.idx.msk [tilespmem:v1+s15+$0x0], $0xffff  }
0x12c: {  	v2 =	vor.u32 $0x3380, v2  }
0x12d: {  	_ =	sdelay $0x3  }
0x12e: {  	[tilespmem:v2+s17+$0x0] =	vst.idx.msk $0xffff, v1  }
0x12f: {  	[hbm4b:s7+s18] =	stream.strided.scatter [tilespmem:s17], [sflag:$0x2], $0x4000, s19, s18, $0x38;
	[tilespmem:$0x16400] =	vst v63  }
0x130: {  	_ =	swait.ge [sflag:s13], $0x4000  }
0x131: {  	[sflag:s13] =	ssyncset.done $0x0  }
0x132: {  	s22 =	simm.s32 $0x0;
	[sflag:s13] =	ssyncadd.s32 $0xFFFFC000  }
0x133: {  	[tilespmem:s22], [sflag:$0x2] =	stream.linear.gather [hbm4b:s8+s22], $0x200, $0x38;
	[tilespmem:$0x16400] =	vst v63  }
0x134: {  	_ =	swait.ge [sflag:s13], $0x200  }
0x135: {  	[sflag:s13] =	ssyncset.done $0x0  }
0x136: {  	[sflag:s13] =	ssyncadd.s32 $0xFFFFFE00  }
0x137: {  	v1 =	vld [tilespmem:$0x0]  }
0x138: {  	v2 =	vld [tilespmem:$0x10]  }
0x139: {  	v3 =	vld [tilespmem:$0x20]  }
0x13a: {  	v4 =	vld [tilespmem:$0x30]  }
0x13b: {  	v5 =	vld [tilespmem:$0x40]  }
0x13c: {  	v6 =	vld [tilespmem:$0x50];
	v1 =	vshrl.u32 v1, $0x3  }
0x13d: {  	[tilespmem:$0x200] =	vst v1;
	v1 =	vshrl.u32 v2, $0x3;
	v2 =	vld [tilespmem:$0x60]  }
0x13e: {  	[tilespmem:$0x210] =	vst v1;
	v1 =	vshrl.u32 v3, $0x3;
	v3 =	vld [tilespmem:$0x70]  }
0x13f: {  	v21 =	vld [tilespmem:$0x80];
	[tilespmem:$0x220] =	vst v1;
	v1 =	vshrl.u32 v4, $0x3  }
0x140: {  	v22 =	vld [tilespmem:$0x90];
	[tilespmem:$0x230] =	vst v1;
	v1 =	vshrl.u32 v5, $0x3  }
0x141: {  	v23 =	vld [tilespmem:$0xA0];
	[tilespmem:$0x240] =	vst v1;
	v1 =	vshrl.u32 v6, $0x3  }
0x142: {  	[tilespmem:$0x250] =	vst v1;
	v1 =	vshrl.u32 v2, $0x3;
	v2 =	vld [tilespmem:$0xB0]  }
0x143: {  	[tilespmem:$0x260] =	vst v1;
	v1 =	vshrl.u32 v3, $0x3;
	v3 =	vld [tilespmem:$0xC0]  }
0x144: {  	v24 =	vld [tilespmem:$0xD0];
	[tilespmem:$0x270] =	vst v1;
	v1 =	vshrl.u32 v21, $0x3  }
0x145: {  	v25 =	vld [tilespmem:$0xE0];
	[tilespmem:$0x280] =	vst v1;
	v1 =	vshrl.u32 v22, $0x3  }
0x146: {  	v26 =	vld [tilespmem:$0xF0];
	[tilespmem:$0x290] =	vst v1;
	v1 =	vshrl.u32 v23, $0x3  }
0x147: {  	[tilespmem:$0x2A0] =	vst v1;
	v1 =	vshrl.u32 v2, $0x3;
	v2 =	vld [tilespmem:$0x100]  }
0x148: {  	[tilespmem:$0x2B0] =	vst v1;
	v1 =	vshrl.u32 v3, $0x3;
	v3 =	vld [tilespmem:$0x110]  }
0x149: {  	v27 =	vld [tilespmem:$0x120];
	[tilespmem:$0x2C0] =	vst v1;
	v1 =	vshrl.u32 v24, $0x3  }
0x14a: {  	v28 =	vld [tilespmem:$0x130];
	[tilespmem:$0x2D0] =	vst v1;
	v1 =	vshrl.u32 v25, $0x3  }
0x14b: {  	v29 =	vld [tilespmem:$0x140];
	[tilespmem:$0x2E0] =	vst v1;
	v1 =	vshrl.u32 v26, $0x3  }
0x14c: {  	[tilespmem:$0x2F0] =	vst v1;
	v1 =	vshrl.u32 v2, $0x3;
	v2 =	vld [tilespmem:$0x150]  }
0x14d: {  	[tilespmem:$0x300] =	vst v1;
	v1 =	vshrl.u32 v3, $0x3;
	v3 =	vld [tilespmem:$0x160]  }
0x14e: {  	v30 =	vld [tilespmem:$0x170];
	[tilespmem:$0x310] =	vst v1;
	v1 =	vshrl.u32 v27, $0x3  }
0x14f: {  	v31 =	vld [tilespmem:$0x180];
	[tilespmem:$0x320] =	vst v1;
	v1 =	vshrl.u32 v28, $0x3  }
0x150: {  	v32 =	vld [tilespmem:$0x190];
	[tilespmem:$0x330] =	vst v1;
	v1 =	vshrl.u32 v29, $0x3  }
0x151: {  	[tilespmem:$0x340] =	vst v1;
	v1 =	vshrl.u32 v2, $0x3;
	v2 =	vld [tilespmem:$0x1A0]  }
0x152: {  	[tilespmem:$0x350] =	vst v1;
	v1 =	vshrl.u32 v3, $0x3;
	v3 =	vld [tilespmem:$0x1B0]  }
0x153: {  	v33 =	vld [tilespmem:$0x1C0];
	[tilespmem:$0x360] =	vst v1;
	v1 =	vshrl.u32 v30, $0x3  }
0x154: {  	v34 =	vld [tilespmem:$0x1D0];
	[tilespmem:$0x370] =	vst v1;
	v1 =	vshrl.u32 v31, $0x3  }
0x155: {  	v35 =	vld [tilespmem:$0x1E0];
	[tilespmem:$0x380] =	vst v1;
	v1 =	vshrl.u32 v32, $0x3  }
0x156: {  	[tilespmem:$0x390] =	vst v1;
	v1 =	vshrl.u32 v2, $0x3;
	v2 =	vld [tilespmem:$0x1F0]  }
0x157: {  	[tilespmem:$0x3A0] =	vst v1;
	v1 =	vshrl.u32 v3, $0x3  }
0x158: {  	[tilespmem:$0x3B0] =	vst v1;
	v1 =	vshrl.u32 v33, $0x3  }
0x159: {  	[tilespmem:$0x3C0] =	vst v1;
	v1 =	vshrl.u32 v34, $0x3  }
0x15a: {  	[tilespmem:$0x3D0] =	vst v1;
	v1 =	vshrl.u32 v35, $0x3  }
0x15b: {  	[tilespmem:$0x3E0] =	vst v1;
	v1 =	vshrl.u32 v2, $0x3  }
0x15c: {  	[tilespmem:$0x3F0] =	vst v1  }
0x15d: {  	[tilespmem:s15], [sflag:$0x1] =	stream.indirect.gather [hbm4b:s3+s14], $0x80, s14, s14, $0xb8;
	[tilespmem:$0x16400] =	vst v63  }
0x15e: {  	_ =	swait.ge [sflag:s16], $0x10000  }
0x15f: {  	[sflag:s16] =	ssyncset.done $0x0  }
0x160: {  	[sflag:s16] =	ssyncadd.s32 $0xFFFF0000  }
0x161: {  	v1 =	vld [tilespmem:s22+$0x0];
	_ =	sdelay $0x4  }
0x162: {  	v2 =	vor.u32 s22, v0;
	v1 =	vshll.u32 v1, $0x4  }
0x163: {  	v3 =	vshll.u32 v2, $0x7;
	v1 =	vand.u32 $0x70, v1  }
0x164: {  	v1 =	vor.u32 v3, v1;
	_ =	sdelay $0x1  }
0x165: {  	v3 =	vmov s22  }
0x166: {  	v3 =	vshll.u32 v3, $0x3  }
0x167: {  	v2 =	vand.u32 $0x7F, v2;
	v36 =	vand.u32 $0xC00, v3  }
0x168: {  	v4 =	vor.u32 v2, v36;
	v37 =	vld.idx.msk [tilespmem:v1+s15+$0x0], $0xffff  }
0x169: {  	v38 =	vor.u32 $0x1, v1;
	_ =	sdelay $0x3  }
0x16a: {  	[tilespmem:v4+s20+$0x0] =	vst.idx.msk $0xffff, v37  }
0x16b: {  	v39 =	vor.u32 $0x80, v4;
	v5 =	vld.idx.msk [tilespmem:v38+s15+$0x0], $0xffff  }
0x16c: {  	v7 =	vor.u32 $0x2, v1;
	_ =	sdelay $0x3  }
0x16d: {  	[tilespmem:v39+s20+$0x0] =	vst.idx.msk $0xffff, v5  }
0x16e: {  	v40 =	vor.u32 $0x100, v4;
	v5 =	vld.idx.msk [tilespmem:v7+s15+$0x0], $0xffff  }
0x16f: {  	v41 =	vor.u32 $0x3, v1;
	_ =	sdelay $0x3  }
0x170: {  	[tilespmem:v40+s20+$0x0] =	vst.idx.msk $0xffff, v5  }
0x171: {  	v42 =	vor.u32 $0x180, v4;
	v5 =	vld.idx.msk [tilespmem:v41+s15+$0x0], $0xffff  }
0x172: {  	v43 =	vor.u32 $0x4, v1;
	_ =	sdelay $0x3  }
0x173: {  	[tilespmem:v42+s20+$0x0] =	vst.idx.msk $0xffff, v5  }
0x174: {  	v44 =	vor.u32 $0x200, v4;
	v5 =	vld.idx.msk [tilespmem:v43+s15+$0x0], $0xffff  }
0x175: {  	v45 =	vor.u32 $0x5, v1;
	_ =	sdelay $0x3  }
0x176: {  	[tilespmem:v44+s20+$0x0] =	vst.idx.msk $0xffff, v5  }
0x177: {  	v46 =	vor.u32 $0x280, v4;
	v5 =	vld.idx.msk [tilespmem:v45+s15+$0x0], $0xffff  }
0x178: {  	v47 =	vor.u32 $0x6, v1;
	_ =	sdelay $0x3  }
0x179: {  	[tilespmem:v46+s20+$0x0] =	vst.idx.msk $0xffff, v5  }
0x17a: {  	v48 =	vor.u32 $0x300, v4;
	v5 =	vld.idx.msk [tilespmem:v47+s15+$0x0], $0xffff  }
0x17b: {  	v49 =	vor.u32 $0x7, v1;
	_ =	sdelay $0x3  }
0x17c: {  	v2 =	vor.u32 v3, v2;
	[tilespmem:v48+s20+$0x0] =	vst.idx.msk $0xffff, v5  }
0x17d: {  	v50 =	vor.u32 $0x380, v2;
	v3 =	vld.idx.msk [tilespmem:v49+s15+$0x0], $0xffff  }
0x17e: {  	v51 =	vor.u32 $0x8, v1;
	_ =	sdelay $0x3  }
0x17f: {  	[tilespmem:v50+s20+$0x0] =	vst.idx.msk $0xffff, v3  }
0x180: {  	v52 =	vor.u32 $0x1000, v4;
	v3 =	vld.idx.msk [tilespmem:v51+s15+$0x0], $0xffff  }
0x181: {  	v53 =	vor.u32 $0x9, v1;
	_ =	sdelay $0x3  }
0x182: {  	[tilespmem:v52+s20+$0x0] =	vst.idx.msk $0xffff, v3  }
0x183: {  	v54 =	vor.u32 $0x1080, v4;
	v3 =	vld.idx.msk [tilespmem:v53+s15+$0x0], $0xffff  }
0x184: {  	v55 =	vor.u32 $0xA, v1;
	_ =	sdelay $0x3  }
0x185: {  	[tilespmem:v54+s20+$0x0] =	vst.idx.msk $0xffff, v3  }
0x186: {  	v56 =	vor.u32 $0x1100, v4;
	v3 =	vld.idx.msk [tilespmem:v55+s15+$0x0], $0xffff  }
0x187: {  	v57 =	vor.u32 $0xB, v1;
	_ =	sdelay $0x3  }
0x188: {  	[tilespmem:v56+s20+$0x0] =	vst.idx.msk $0xffff, v3  }
0x189: {  	v58 =	vor.u32 $0x1180, v4;
	v3 =	vld.idx.msk [tilespmem:v57+s15+$0x0], $0xffff  }
0x18a: {  	v59 =	vor.u32 $0xC, v1;
	_ =	sdelay $0x3  }
0x18b: {  	[tilespmem:v58+s20+$0x0] =	vst.idx.msk $0xffff, v3  }
0x18c: {  	v60 =	vor.u32 $0x1200, v4;
	v3 =	vld.idx.msk [tilespmem:v59+s15+$0x0], $0xffff  }
0x18d: {  	v61 =	vor.u32 $0xD, v1;
	_ =	sdelay $0x3  }
0x18e: {  	[tilespmem:v60+s20+$0x0] =	vst.idx.msk $0xffff, v3  }
0x18f: {  	v62 =	vor.u32 $0x1280, v4;
	v3 =	vld.idx.msk [tilespmem:v61+s15+$0x0], $0xffff  }
0x190: {  	v63 =	vor.u32 $0xE, v1;
	_ =	sdelay $0x3  }
0x191: {  	[tilespmem:v62+s20+$0x0] =	vst.idx.msk $0xffff, v3  }
0x192: {  	v4 =	vor.u32 $0x1300, v4;
	v3 =	vld.idx.msk [tilespmem:v63+s15+$0x0], $0xffff  }
0x193: {  	v1 =	vor.u32 $0xF, v1;
	_ =	sdelay $0x3  }
0x194: {  	[tilespmem:v4+s20+$0x0] =	vst.idx.msk $0xffff, v3  }
0x195: {  	s23 =	simm.s32 $0x10;
	v2 =	vor.u32 $0x1380, v2;
	v1 =	vld.idx.msk [tilespmem:v1+s15+$0x0], $0xffff  }
.LBB2_4:
0x196: {  	_ =	sdelay $0x2  }
0x197: {  	p0 =	sne.s32 s23, $0x1F0  }
0x198: {  	s22 =	sadd.s32 $0x10, s22;
	s24 =	smov.u32 s23;
	s23 =	sadd.s32 $0x10, s23;
	[tilespmem:v2+s20+$0x0] =	vst.idx.msk $0xffff, v1  }
0x199: {  	v1 =	vld [tilespmem:s22+$0x0];
	_ =	sdelay $0x4  }
0x19a: {  	v2 =	vor.u32 s24, v0;
	v1 =	vshll.u32 v1, $0x4  }
0x19b: {  	v3 =	vshll.u32 v2, $0x7;
	v1 =	vand.u32 $0x70, v1  }
0x19c: {  	v1 =	vor.u32 v3, v1;
	_ =	sdelay $0x2  }
0x19d: {  	v3 =	vmov s24  }
0x19e: {  	v4 =	vshll.u32 v3, $0x3  }
0x19f: {  	v2 =	vand.u32 $0x7F, v2;
	v3 =	vand.u32 $0xC00, v4;
	v5 =	vld.idx.msk [tilespmem:v1+s15+$0x0], $0xffff  }
0x1a0: {  	v3 =	vor.u32 v2, v3;
	v2 =	vor.u32 v4, v2  }
0x1a1: {  	v4 =	vor.u32 $0x1, v1;
	_ =	sdelay $0x3  }
0x1a2: {  	[tilespmem:v3+s20+$0x0] =	vst.idx.msk $0xffff, v5  }
0x1a3: {  	v4 =	vld.idx.msk [tilespmem:v4+s15+$0x0], $0xffff  }
0x1a4: {  	v5 =	vor.u32 $0x80, v3  }
0x1a5: {  	v6 =	vor.u32 $0x2, v1;
	_ =	sdelay $0x3  }
0x1a6: {  	[tilespmem:v5+s20+$0x0] =	vst.idx.msk $0xffff, v4  }
0x1a7: {  	v4 =	vld.idx.msk [tilespmem:v6+s15+$0x0], $0xffff  }
0x1a8: {  	v5 =	vor.u32 $0x100, v3  }
0x1a9: {  	v6 =	vor.u32 $0x3, v1;
	_ =	sdelay $0x3  }
0x1aa: {  	[tilespmem:v5+s20+$0x0] =	vst.idx.msk $0xffff, v4  }
0x1ab: {  	v4 =	vld.idx.msk [tilespmem:v6+s15+$0x0], $0xffff  }
0x1ac: {  	v5 =	vor.u32 $0x180, v3  }
0x1ad: {  	v6 =	vor.u32 $0x4, v1;
	_ =	sdelay $0x3  }
0x1ae: {  	[tilespmem:v5+s20+$0x0] =	vst.idx.msk $0xffff, v4  }
0x1af: {  	v4 =	vld.idx.msk [tilespmem:v6+s15+$0x0], $0xffff  }
0x1b0: {  	v5 =	vor.u32 $0x200, v3  }
0x1b1: {  	v6 =	vor.u32 $0x5, v1;
	_ =	sdelay $0x3  }
0x1b2: {  	[tilespmem:v5+s20+$0x0] =	vst.idx.msk $0xffff, v4  }
0x1b3: {  	v4 =	vld.idx.msk [tilespmem:v6+s15+$0x0], $0xffff  }
0x1b4: {  	v5 =	vor.u32 $0x280, v3  }
0x1b5: {  	v6 =	vor.u32 $0x6, v1;
	_ =	sdelay $0x3  }
0x1b6: {  	[tilespmem:v5+s20+$0x0] =	vst.idx.msk $0xffff, v4  }
0x1b7: {  	v4 =	vld.idx.msk [tilespmem:v6+s15+$0x0], $0xffff  }
0x1b8: {  	v5 =	vor.u32 $0x300, v3  }
0x1b9: {  	v6 =	vor.u32 $0x7, v1;
	_ =	sdelay $0x3  }
0x1ba: {  	[tilespmem:v5+s20+$0x0] =	vst.idx.msk $0xffff, v4  }
0x1bb: {  	v4 =	vld.idx.msk [tilespmem:v6+s15+$0x0], $0xffff  }
0x1bc: {  	v5 =	vor.u32 $0x380, v2  }
0x1bd: {  	v6 =	vor.u32 $0x8, v1;
	_ =	sdelay $0x3  }
0x1be: {  	[tilespmem:v5+s20+$0x0] =	vst.idx.msk $0xffff, v4  }
0x1bf: {  	v4 =	vld.idx.msk [tilespmem:v6+s15+$0x0], $0xffff  }
0x1c0: {  	v5 =	vor.u32 $0x1000, v3  }
0x1c1: {  	v6 =	vor.u32 $0x9, v1;
	_ =	sdelay $0x3  }
0x1c2: {  	[tilespmem:v5+s20+$0x0] =	vst.idx.msk $0xffff, v4  }
0x1c3: {  	v4 =	vld.idx.msk [tilespmem:v6+s15+$0x0], $0xffff  }
0x1c4: {  	v5 =	vor.u32 $0x1080, v3  }
0x1c5: {  	v6 =	vor.u32 $0xA, v1;
	_ =	sdelay $0x3  }
0x1c6: {  	[tilespmem:v5+s20+$0x0] =	vst.idx.msk $0xffff, v4  }
0x1c7: {  	v4 =	vld.idx.msk [tilespmem:v6+s15+$0x0], $0xffff  }
0x1c8: {  	v5 =	vor.u32 $0x1100, v3  }
0x1c9: {  	v6 =	vor.u32 $0xB, v1;
	_ =	sdelay $0x3  }
0x1ca: {  	[tilespmem:v5+s20+$0x0] =	vst.idx.msk $0xffff, v4  }
0x1cb: {  	v4 =	vld.idx.msk [tilespmem:v6+s15+$0x0], $0xffff  }
0x1cc: {  	v5 =	vor.u32 $0x1180, v3  }
0x1cd: {  	v6 =	vor.u32 $0xC, v1;
	_ =	sdelay $0x3  }
0x1ce: {  	[tilespmem:v5+s20+$0x0] =	vst.idx.msk $0xffff, v4  }
0x1cf: {  	v4 =	vld.idx.msk [tilespmem:v6+s15+$0x0], $0xffff  }
0x1d0: {  	v5 =	vor.u32 $0x1200, v3  }
0x1d1: {  	v6 =	vor.u32 $0xD, v1;
	_ =	sdelay $0x3  }
0x1d2: {  	[tilespmem:v5+s20+$0x0] =	vst.idx.msk $0xffff, v4  }
0x1d3: {  	v4 =	vld.idx.msk [tilespmem:v6+s15+$0x0], $0xffff  }
0x1d4: {  	v5 =	vor.u32 $0x1280, v3  }
0x1d5: {  	v6 =	vor.u32 $0xE, v1;
	_ =	sdelay $0x3  }
0x1d6: {  	[tilespmem:v5+s20+$0x0] =	vst.idx.msk $0xffff, v4  }
0x1d7: {  	v4 =	vld.idx.msk [tilespmem:v6+s15+$0x0], $0xffff  }
0x1d8: {  	v3 =	vor.u32 $0x1300, v3  }
0x1d9: {  	v1 =	vor.u32 $0xF, v1;
	_ =	sdelay $0x1  }
.Ltmp1:
0x1da: {  	(pc) =	sbr.rel @p0 .LBB2_4-.Ltmp1, $4  }
0x1db: {  	_ = 	snop  }
0x1dc: {  	[tilespmem:v3+s20+$0x0] =	vst.idx.msk $0xffff, v4  }
0x1dd: {  	v1 =	vld.idx.msk [tilespmem:v1+s15+$0x0], $0xffff  }
0x1de: {  	v2 =	vor.u32 $0x1380, v2  }
0x1df: {  	_ =	sdelay $0x3  }
0x1e0: {  	[tilespmem:v2+s20+$0x0] =	vst.idx.msk $0xffff, v1  }
0x1e1: {  	[hbm4b:s9+s18] =	stream.strided.scatter [tilespmem:s20], [sflag:$0x2], $0x2000, s19, s18, $0x38;
	[tilespmem:$0x16400] =	vst v63  }
0x1e2: {  	_ =	swait.ge [sflag:s13], $0x2000  }
0x1e3: {  	[sflag:s13] =	ssyncset.done $0x0  }
0x1e4: {  	s22 =	simm.s32 $0x0;
	[sflag:s13] =	ssyncadd.s32 $0xFFFFE000  }
0x1e5: {  	[tilespmem:s22], [sflag:$0x2] =	stream.linear.gather [hbm4b:s10+s22], $0x200, $0x38;
	[tilespmem:$0x16400] =	vst v63  }
0x1e6: {  	_ =	swait.ge [sflag:s13], $0x200  }
0x1e7: {  	[sflag:s13] =	ssyncset.done $0x0  }
0x1e8: {  	[sflag:s13] =	ssyncadd.s32 $0xFFFFFE00  }
0x1e9: {  	v1 =	vld [tilespmem:$0x0]  }
0x1ea: {  	v2 =	vld [tilespmem:$0x10]  }
0x1eb: {  	v3 =	vld [tilespmem:$0x20]  }
0x1ec: {  	v4 =	vld [tilespmem:$0x30]  }
0x1ed: {  	v5 =	vld [tilespmem:$0x40]  }
0x1ee: {  	v6 =	vld [tilespmem:$0x50];
	v1 =	vshrl.u32 v1, $0x3  }
0x1ef: {  	[tilespmem:$0x200] =	vst v1;
	v1 =	vshrl.u32 v2, $0x3;
	v2 =	vld [tilespmem:$0x60]  }
0x1f0: {  	[tilespmem:$0x210] =	vst v1;
	v1 =	vshrl.u32 v3, $0x3;
	v3 =	vld [tilespmem:$0x70]  }
0x1f1: {  	v21 =	vld [tilespmem:$0x80];
	[tilespmem:$0x220] =	vst v1;
	v1 =	vshrl.u32 v4, $0x3  }
0x1f2: {  	v22 =	vld [tilespmem:$0x90];
	[tilespmem:$0x230] =	vst v1;
	v1 =	vshrl.u32 v5, $0x3  }
0x1f3: {  	v23 =	vld [tilespmem:$0xA0];
	[tilespmem:$0x240] =	vst v1;
	v1 =	vshrl.u32 v6, $0x3  }
0x1f4: {  	[tilespmem:$0x250] =	vst v1;
	v1 =	vshrl.u32 v2, $0x3;
	v2 =	vld [tilespmem:$0xB0]  }
0x1f5: {  	[tilespmem:$0x260] =	vst v1;
	v1 =	vshrl.u32 v3, $0x3;
	v3 =	vld [tilespmem:$0xC0]  }
0x1f6: {  	v24 =	vld [tilespmem:$0xD0];
	[tilespmem:$0x270] =	vst v1;
	v1 =	vshrl.u32 v21, $0x3  }
0x1f7: {  	v25 =	vld [tilespmem:$0xE0];
	[tilespmem:$0x280] =	vst v1;
	v1 =	vshrl.u32 v22, $0x3  }
0x1f8: {  	v26 =	vld [tilespmem:$0xF0];
	[tilespmem:$0x290] =	vst v1;
	v1 =	vshrl.u32 v23, $0x3  }
0x1f9: {  	[tilespmem:$0x2A0] =	vst v1;
	v1 =	vshrl.u32 v2, $0x3;
	v2 =	vld [tilespmem:$0x100]  }
0x1fa: {  	[tilespmem:$0x2B0] =	vst v1;
	v1 =	vshrl.u32 v3, $0x3;
	v3 =	vld [tilespmem:$0x110]  }
0x1fb: {  	v27 =	vld [tilespmem:$0x120];
	[tilespmem:$0x2C0] =	vst v1;
	v1 =	vshrl.u32 v24, $0x3  }
0x1fc: {  	v28 =	vld [tilespmem:$0x130];
	[tilespmem:$0x2D0] =	vst v1;
	v1 =	vshrl.u32 v25, $0x3  }
0x1fd: {  	v29 =	vld [tilespmem:$0x140];
	[tilespmem:$0x2E0] =	vst v1;
	v1 =	vshrl.u32 v26, $0x3  }
0x1fe: {  	[tilespmem:$0x2F0] =	vst v1;
	v1 =	vshrl.u32 v2, $0x3;
	v2 =	vld [tilespmem:$0x150]  }
0x1ff: {  	[tilespmem:$0x300] =	vst v1;
	v1 =	vshrl.u32 v3, $0x3;
	v3 =	vld [tilespmem:$0x160]  }
0x200: {  	v30 =	vld [tilespmem:$0x170];
	[tilespmem:$0x310] =	vst v1;
	v1 =	vshrl.u32 v27, $0x3  }
0x201: {  	v31 =	vld [tilespmem:$0x180];
	[tilespmem:$0x320] =	vst v1;
	v1 =	vshrl.u32 v28, $0x3  }
0x202: {  	v32 =	vld [tilespmem:$0x190];
	[tilespmem:$0x330] =	vst v1;
	v1 =	vshrl.u32 v29, $0x3  }
0x203: {  	[tilespmem:$0x340] =	vst v1;
	v1 =	vshrl.u32 v2, $0x3;
	v2 =	vld [tilespmem:$0x1A0]  }
0x204: {  	[tilespmem:$0x350] =	vst v1;
	v1 =	vshrl.u32 v3, $0x3;
	v3 =	vld [tilespmem:$0x1B0]  }
0x205: {  	v33 =	vld [tilespmem:$0x1C0];
	[tilespmem:$0x360] =	vst v1;
	v1 =	vshrl.u32 v30, $0x3  }
0x206: {  	v34 =	vld [tilespmem:$0x1D0];
	[tilespmem:$0x370] =	vst v1;
	v1 =	vshrl.u32 v31, $0x3  }
0x207: {  	v35 =	vld [tilespmem:$0x1E0];
	[tilespmem:$0x380] =	vst v1;
	v1 =	vshrl.u32 v32, $0x3  }
0x208: {  	[tilespmem:$0x390] =	vst v1;
	v1 =	vshrl.u32 v2, $0x3;
	v2 =	vld [tilespmem:$0x1F0]  }
0x209: {  	[tilespmem:$0x3A0] =	vst v1;
	v1 =	vshrl.u32 v3, $0x3  }
0x20a: {  	[tilespmem:$0x3B0] =	vst v1;
	v1 =	vshrl.u32 v33, $0x3  }
0x20b: {  	[tilespmem:$0x3C0] =	vst v1;
	v1 =	vshrl.u32 v34, $0x3  }
0x20c: {  	[tilespmem:$0x3D0] =	vst v1;
	v1 =	vshrl.u32 v35, $0x3  }
0x20d: {  	[tilespmem:$0x3E0] =	vst v1;
	v1 =	vshrl.u32 v2, $0x3  }
0x20e: {  	[tilespmem:$0x3F0] =	vst v1  }
0x20f: {  	[tilespmem:s15], [sflag:$0x1] =	stream.indirect.gather [hbm4b:s4+s14], $0x80, s14, s14, $0xb8;
	[tilespmem:$0x16400] =	vst v63  }
0x210: {  	_ =	swait.ge [sflag:s16], $0x10000  }
0x211: {  	[sflag:s16] =	ssyncset.done $0x0  }
0x212: {  	[sflag:s16] =	ssyncadd.s32 $0xFFFF0000  }
0x213: {  	v1 =	vld [tilespmem:s22+$0x0];
	_ =	sdelay $0x4  }
0x214: {  	v2 =	vor.u32 s22, v0;
	v1 =	vshll.u32 v1, $0x4  }
0x215: {  	v3 =	vshll.u32 v2, $0x7;
	v1 =	vand.u32 $0x70, v1  }
0x216: {  	v1 =	vor.u32 v3, v1;
	_ =	sdelay $0x1  }
0x217: {  	v3 =	vmov s22  }
0x218: {  	v3 =	vshll.u32 v3, $0x3  }
0x219: {  	v2 =	vand.u32 $0x7F, v2;
	v36 =	vand.u32 $0xC00, v3  }
0x21a: {  	v4 =	vor.u32 v2, v36;
	v37 =	vld.idx.msk [tilespmem:v1+s15+$0x0], $0xffff  }
0x21b: {  	v38 =	vor.u32 $0x1, v1;
	_ =	sdelay $0x3  }
0x21c: {  	[tilespmem:v4+s20+$0x0] =	vst.idx.msk $0xffff, v37  }
0x21d: {  	v39 =	vor.u32 $0x80, v4;
	v5 =	vld.idx.msk [tilespmem:v38+s15+$0x0], $0xffff  }
0x21e: {  	v7 =	vor.u32 $0x2, v1;
	_ =	sdelay $0x3  }
0x21f: {  	[tilespmem:v39+s20+$0x0] =	vst.idx.msk $0xffff, v5  }
0x220: {  	v40 =	vor.u32 $0x100, v4;
	v5 =	vld.idx.msk [tilespmem:v7+s15+$0x0], $0xffff  }
0x221: {  	v41 =	vor.u32 $0x3, v1;
	_ =	sdelay $0x3  }
0x222: {  	[tilespmem:v40+s20+$0x0] =	vst.idx.msk $0xffff, v5  }
0x223: {  	v42 =	vor.u32 $0x180, v4;
	v5 =	vld.idx.msk [tilespmem:v41+s15+$0x0], $0xffff  }
0x224: {  	v43 =	vor.u32 $0x4, v1;
	_ =	sdelay $0x3  }
0x225: {  	[tilespmem:v42+s20+$0x0] =	vst.idx.msk $0xffff, v5  }
0x226: {  	v44 =	vor.u32 $0x200, v4;
	v5 =	vld.idx.msk [tilespmem:v43+s15+$0x0], $0xffff  }
0x227: {  	v45 =	vor.u32 $0x5, v1;
	_ =	sdelay $0x3  }
0x228: {  	[tilespmem:v44+s20+$0x0] =	vst.idx.msk $0xffff, v5  }
0x229: {  	v46 =	vor.u32 $0x280, v4;
	v5 =	vld.idx.msk [tilespmem:v45+s15+$0x0], $0xffff  }
0x22a: {  	v47 =	vor.u32 $0x6, v1;
	_ =	sdelay $0x3  }
0x22b: {  	[tilespmem:v46+s20+$0x0] =	vst.idx.msk $0xffff, v5  }
0x22c: {  	v48 =	vor.u32 $0x300, v4;
	v5 =	vld.idx.msk [tilespmem:v47+s15+$0x0], $0xffff  }
0x22d: {  	v49 =	vor.u32 $0x7, v1;
	_ =	sdelay $0x3  }
0x22e: {  	v2 =	vor.u32 v3, v2;
	[tilespmem:v48+s20+$0x0] =	vst.idx.msk $0xffff, v5  }
0x22f: {  	v50 =	vor.u32 $0x380, v2;
	v3 =	vld.idx.msk [tilespmem:v49+s15+$0x0], $0xffff  }
0x230: {  	v51 =	vor.u32 $0x8, v1;
	_ =	sdelay $0x3  }
0x231: {  	[tilespmem:v50+s20+$0x0] =	vst.idx.msk $0xffff, v3  }
0x232: {  	v52 =	vor.u32 $0x1000, v4;
	v3 =	vld.idx.msk [tilespmem:v51+s15+$0x0], $0xffff  }
0x233: {  	v53 =	vor.u32 $0x9, v1;
	_ =	sdelay $0x3  }
0x234: {  	[tilespmem:v52+s20+$0x0] =	vst.idx.msk $0xffff, v3  }
0x235: {  	v54 =	vor.u32 $0x1080, v4;
	v3 =	vld.idx.msk [tilespmem:v53+s15+$0x0], $0xffff  }
0x236: {  	v55 =	vor.u32 $0xA, v1;
	_ =	sdelay $0x3  }
0x237: {  	[tilespmem:v54+s20+$0x0] =	vst.idx.msk $0xffff, v3  }
0x238: {  	v56 =	vor.u32 $0x1100, v4;
	v3 =	vld.idx.msk [tilespmem:v55+s15+$0x0], $0xffff  }
0x239: {  	v57 =	vor.u32 $0xB, v1;
	_ =	sdelay $0x3  }
0x23a: {  	[tilespmem:v56+s20+$0x0] =	vst.idx.msk $0xffff, v3  }
0x23b: {  	v58 =	vor.u32 $0x1180, v4;
	v3 =	vld.idx.msk [tilespmem:v57+s15+$0x0], $0xffff  }
0x23c: {  	v59 =	vor.u32 $0xC, v1;
	_ =	sdelay $0x3  }
0x23d: {  	[tilespmem:v58+s20+$0x0] =	vst.idx.msk $0xffff, v3  }
0x23e: {  	v60 =	vor.u32 $0x1200, v4;
	v3 =	vld.idx.msk [tilespmem:v59+s15+$0x0], $0xffff  }
0x23f: {  	v61 =	vor.u32 $0xD, v1;
	_ =	sdelay $0x3  }
0x240: {  	[tilespmem:v60+s20+$0x0] =	vst.idx.msk $0xffff, v3  }
0x241: {  	v62 =	vor.u32 $0x1280, v4;
	v3 =	vld.idx.msk [tilespmem:v61+s15+$0x0], $0xffff  }
0x242: {  	v63 =	vor.u32 $0xE, v1;
	_ =	sdelay $0x3  }
0x243: {  	[tilespmem:v62+s20+$0x0] =	vst.idx.msk $0xffff, v3  }
0x244: {  	v4 =	vor.u32 $0x1300, v4;
	v3 =	vld.idx.msk [tilespmem:v63+s15+$0x0], $0xffff  }
0x245: {  	v1 =	vor.u32 $0xF, v1;
	_ =	sdelay $0x3  }
0x246: {  	[tilespmem:v4+s20+$0x0] =	vst.idx.msk $0xffff, v3  }
0x247: {  	s23 =	simm.s32 $0x10;
	v2 =	vor.u32 $0x1380, v2;
	v1 =	vld.idx.msk [tilespmem:v1+s15+$0x0], $0xffff  }
.LBB2_6:
0x248: {  	_ =	sdelay $0x2  }
0x249: {  	p0 =	sne.s32 s23, $0x1F0  }
0x24a: {  	s22 =	sadd.s32 $0x10, s22;
	s24 =	smov.u32 s23;
	s23 =	sadd.s32 $0x10, s23;
	[tilespmem:v2+s20+$0x0] =	vst.idx.msk $0xffff, v1  }
0x24b: {  	v1 =	vld [tilespmem:s22+$0x0];
	_ =	sdelay $0x4  }
0x24c: {  	v2 =	vor.u32 s24, v0;
	v1 =	vshll.u32 v1, $0x4  }
0x24d: {  	v3 =	vshll.u32 v2, $0x7;
	v1 =	vand.u32 $0x70, v1  }
0x24e: {  	v1 =	vor.u32 v3, v1;
	_ =	sdelay $0x2  }
0x24f: {  	v3 =	vmov s24  }
0x250: {  	v4 =	vshll.u32 v3, $0x3  }
0x251: {  	v2 =	vand.u32 $0x7F, v2;
	v3 =	vand.u32 $0xC00, v4;
	v5 =	vld.idx.msk [tilespmem:v1+s15+$0x0], $0xffff  }
0x252: {  	v3 =	vor.u32 v2, v3;
	v2 =	vor.u32 v4, v2  }
0x253: {  	v4 =	vor.u32 $0x1, v1;
	_ =	sdelay $0x3  }
0x254: {  	[tilespmem:v3+s20+$0x0] =	vst.idx.msk $0xffff, v5  }
0x255: {  	v4 =	vld.idx.msk [tilespmem:v4+s15+$0x0], $0xffff  }
0x256: {  	v5 =	vor.u32 $0x80, v3  }
0x257: {  	v6 =	vor.u32 $0x2, v1;
	_ =	sdelay $0x3  }
0x258: {  	[tilespmem:v5+s20+$0x0] =	vst.idx.msk $0xffff, v4  }
0x259: {  	v4 =	vld.idx.msk [tilespmem:v6+s15+$0x0], $0xffff  }
0x25a: {  	v5 =	vor.u32 $0x100, v3  }
0x25b: {  	v6 =	vor.u32 $0x3, v1;
	_ =	sdelay $0x3  }
0x25c: {  	[tilespmem:v5+s20+$0x0] =	vst.idx.msk $0xffff, v4  }
0x25d: {  	v4 =	vld.idx.msk [tilespmem:v6+s15+$0x0], $0xffff  }
0x25e: {  	v5 =	vor.u32 $0x180, v3  }
0x25f: {  	v6 =	vor.u32 $0x4, v1;
	_ =	sdelay $0x3  }
0x260: {  	[tilespmem:v5+s20+$0x0] =	vst.idx.msk $0xffff, v4  }
0x261: {  	v4 =	vld.idx.msk [tilespmem:v6+s15+$0x0], $0xffff  }
0x262: {  	v5 =	vor.u32 $0x200, v3  }
0x263: {  	v6 =	vor.u32 $0x5, v1;
	_ =	sdelay $0x3  }
0x264: {  	[tilespmem:v5+s20+$0x0] =	vst.idx.msk $0xffff, v4  }
0x265: {  	v4 =	vld.idx.msk [tilespmem:v6+s15+$0x0], $0xffff  }
0x266: {  	v5 =	vor.u32 $0x280, v3  }
0x267: {  	v6 =	vor.u32 $0x6, v1;
	_ =	sdelay $0x3  }
0x268: {  	[tilespmem:v5+s20+$0x0] =	vst.idx.msk $0xffff, v4  }
0x269: {  	v4 =	vld.idx.msk [tilespmem:v6+s15+$0x0], $0xffff  }
0x26a: {  	v5 =	vor.u32 $0x300, v3  }
0x26b: {  	v6 =	vor.u32 $0x7, v1;
	_ =	sdelay $0x3  }
0x26c: {  	[tilespmem:v5+s20+$0x0] =	vst.idx.msk $0xffff, v4  }
0x26d: {  	v4 =	vld.idx.msk [tilespmem:v6+s15+$0x0], $0xffff  }
0x26e: {  	v5 =	vor.u32 $0x380, v2  }
0x26f: {  	v6 =	vor.u32 $0x8, v1;
	_ =	sdelay $0x3  }
0x270: {  	[tilespmem:v5+s20+$0x0] =	vst.idx.msk $0xffff, v4  }
0x271: {  	v4 =	vld.idx.msk [tilespmem:v6+s15+$0x0], $0xffff  }
0x272: {  	v5 =	vor.u32 $0x1000, v3  }
0x273: {  	v6 =	vor.u32 $0x9, v1;
	_ =	sdelay $0x3  }
0x274: {  	[tilespmem:v5+s20+$0x0] =	vst.idx.msk $0xffff, v4  }
0x275: {  	v4 =	vld.idx.msk [tilespmem:v6+s15+$0x0], $0xffff  }
0x276: {  	v5 =	vor.u32 $0x1080, v3  }
0x277: {  	v6 =	vor.u32 $0xA, v1;
	_ =	sdelay $0x3  }
0x278: {  	[tilespmem:v5+s20+$0x0] =	vst.idx.msk $0xffff, v4  }
0x279: {  	v4 =	vld.idx.msk [tilespmem:v6+s15+$0x0], $0xffff  }
0x27a: {  	v5 =	vor.u32 $0x1100, v3  }
0x27b: {  	v6 =	vor.u32 $0xB, v1;
	_ =	sdelay $0x3  }
0x27c: {  	[tilespmem:v5+s20+$0x0] =	vst.idx.msk $0xffff, v4  }
0x27d: {  	v4 =	vld.idx.msk [tilespmem:v6+s15+$0x0], $0xffff  }
0x27e: {  	v5 =	vor.u32 $0x1180, v3  }
0x27f: {  	v6 =	vor.u32 $0xC, v1;
	_ =	sdelay $0x3  }
0x280: {  	[tilespmem:v5+s20+$0x0] =	vst.idx.msk $0xffff, v4  }
0x281: {  	v4 =	vld.idx.msk [tilespmem:v6+s15+$0x0], $0xffff  }
0x282: {  	v5 =	vor.u32 $0x1200, v3  }
0x283: {  	v6 =	vor.u32 $0xD, v1;
	_ =	sdelay $0x3  }
0x284: {  	[tilespmem:v5+s20+$0x0] =	vst.idx.msk $0xffff, v4  }
0x285: {  	v4 =	vld.idx.msk [tilespmem:v6+s15+$0x0], $0xffff  }
0x286: {  	v5 =	vor.u32 $0x1280, v3  }
0x287: {  	v6 =	vor.u32 $0xE, v1;
	_ =	sdelay $0x3  }
0x288: {  	[tilespmem:v5+s20+$0x0] =	vst.idx.msk $0xffff, v4  }
0x289: {  	v4 =	vld.idx.msk [tilespmem:v6+s15+$0x0], $0xffff  }
0x28a: {  	v3 =	vor.u32 $0x1300, v3  }
0x28b: {  	v1 =	vor.u32 $0xF, v1;
	_ =	sdelay $0x1  }
.Ltmp2:
0x28c: {  	(pc) =	sbr.rel @p0 .LBB2_6-.Ltmp2, $4  }
0x28d: {  	_ = 	snop  }
0x28e: {  	[tilespmem:v3+s20+$0x0] =	vst.idx.msk $0xffff, v4  }
0x28f: {  	v1 =	vld.idx.msk [tilespmem:v1+s15+$0x0], $0xffff  }
0x290: {  	v2 =	vor.u32 $0x1380, v2  }
0x291: {  	_ =	sdelay $0x1  }
0x292: {  	s21 =	sadd.s32 $0x1, s21  }
0x293: {  	p0 =	sne.s32 s21, s12  }
.Ltmp3:
0x294: {  	[tilespmem:v2+s20+$0x0] =	vst.idx.msk $0xffff, v1;
	(pc) =	sbr.rel @p0 .LBB2_1-.Ltmp3, $4  }
0x295: {  	[hbm4b:s11+s18] =	stream.strided.scatter [tilespmem:s20], [sflag:$0x2], $0x2000, s19, s18, $0x38;
	[tilespmem:$0x16400] =	vst v63  }
0x296: {  	_ =	swait.ge [sflag:s13], $0x2000  }
0x297: {  	[sflag:s13] =	ssyncset.done $0x0  }
0x298: {  	[sflag:s13] =	ssyncadd.s32 $0xFFFFE000  }
0x299: {  	_ =	sfence.sel $0x180000  }
0x29a: {  	[bflag:$0x0] =	sbarrier.arrive $0xFFFF  }
0x29b: {  	p0 =	sne.s32 s1, $0x0;
	_ =	strace $0x90000047  }
0x29c: {  	s0 =	sadd.s32 @!p0 $0x100000, s0;
	[bflag:$0x2] =	sbarrier.arrive $0xFFFF  }
0x29d: {  	[sflag:s0] =	ssyncadd.tile.s32 @!p0 $0x1;
	_ =	shalt  }
.Lfunc_end2:
_tile_overlayer_lowered:
.L_overlay_start_2:
0x29e: {  	(tag) =	ssettag $0x2  }
0x29f: {  	s0 =	rddreg [dreg:$0x0];
	s2 =	stileid.u32  }
0x2a0: {  	s1 =	rddreg [dreg:$0x1];
	p0 =	sne.s32 s2, $0x0  }
0x2a1: {  	s3 =	rddreg [dreg:$0x2];
	[bflag:$0x3] =	sbarrier.arrive $0xFFFF;
	s2 =	simm.s32 @!p0 $0x1C02  }
0x2a2: {  	[timem:s3], [sflag:s2] =	dma.local @!p0 [hbm:s0], s1  }
0x2a3: {  	s0 =	simm.s32 @!p0 $0x2  }
0x2a4: {  	_ =	swait.ge @!p0 [sflag:s0], s1  }
0x2a5: {  	s1 =	ssub.s32 @!p0 $0x0, s1;
	[sflag:s0] =	ssyncset.done @!p0 $0x0  }
0x2a6: {  	[sflag:s0] =	ssyncadd.s32 @!p0 s1  }
0x2a7: {  	[bflag:$0x3] =	sbarrier.arrive $0xFFFF  }
0x2a8: {  	_ =	shalt  }

</sc_bundles>
